<compile_context>
chip_gen: v7x
topology: tpu7x:2x2x1
jax: 0.10.2.dev20260603
libtpu: 0.0.44.dev20260713+nightly
codegen_flags: <defaults>
</compile_context>

<pallas_src>
import jax
import jax.numpy as jnp
from jax.experimental import pallas as pl
from jax.experimental.pallas import tpu as pltpu
from jax.experimental.pallas import tpu_sc as plsc
from jax import lax

N_NODES = 50
N_EDGES = 800
EMB = 5
F32 = jnp.float32


def _lrelu(x):
    return jnp.where(x >= 0, x, 0.01 * x)


def _sigmoid(x):
    return 1.0 / (1.0 + jnp.exp(-x))


def _dot(a, b):
    return jax.lax.dot_general(a, b, (((1,), (0,)), ((), ())),
                               preferred_element_type=F32)


def _adj_body(ei_hbm, out_hbm, ei_v, flat_v, tab_v):
    cid = lax.axis_index("c")
    sid = lax.axis_index("s")

    @pl.when(jnp.logical_and(cid == 0, sid == 0))
    def _():
        pltpu.sync_copy(ei_hbm, ei_v)
        zeros = jnp.zeros((16,), F32)
        for k in range(N_NODES * 4):
            flat_v[pl.ds(k * 16, 16)] = zeros
        ones = jnp.ones((16,), F32)
        for k in range(N_EDGES // 16):
            srcs = ei_v[0, pl.ds(k * 16, 16)]
            dsts = ei_v[1, pl.ds(k * 16, 16)]
            plsc.addupdate_scatter(flat_v, [dsts * 64 + srcs], ones)
        for r in range(N_NODES):
            for c in range(4):
                tab_v[r, pl.ds(c * 16, 16)] = flat_v[pl.ds(r * 64 + c * 16, 16)]
        pltpu.sync_copy(tab_v, out_hbm)


def _fused(adj_ref, data_ref, dflat_ref,
           W0_ref, U0_ref, G0_ref, W1_ref, U1_ref, G1_ref, W2_ref, U2_ref,
           G2_ref, fW1p_ref, fb1_ref, fW2_ref, fb2_ref, fW3_ref, fb3_ref,
           fW4_ref, fb4_ref, out_ref):
    A = adj_ref[:, 0:N_NODES]

    x0 = data_ref[...]
    ax0 = _dot(A, x0)
    t0 = ax0 * W0_ref[...]
    h = _lrelu(x0 * U0_ref[...] + t0)
    g = _sigmoid(x0 * G0_ref[...] + t0)
    x = jnp.concatenate([h, g * h], axis=1)

    for W_ref, U_ref, G_ref in ((W1_ref, U1_ref, G1_ref),
                                (W2_ref, U2_ref, G2_ref)):
        ax = _dot(A, x)
        t = _dot(ax, W_ref[...])
        h = _lrelu(_dot(x, U_ref[...]) + t)
        g = _sigmoid(_dot(x, G_ref[...]) + t)
        x = jnp.concatenate([h, g * h], axis=1)

    xt = jnp.transpose(x)
    vecx = jnp.concatenate([xt[j:j + 1, :] for j in range(2 * EMB)], axis=1)
    full = jnp.concatenate([vecx, dflat_ref[...]], axis=1)

    h1 = _lrelu(_dot(full, fW1p_ref[...]) + fb1_ref[...])
    h2 = _lrelu(_dot(h1, fW2_ref[...]) + fb2_ref[...])
    h3 = _lrelu(_dot(h2, fW3_ref[...]) + fb3_ref[...])
    y = _sigmoid(_dot(h3, fW4_ref[...]) + fb4_ref[...])
    out_ref[...] = 0.5 * (y[0, 0] + y[0, 1])


def kernel(data, d, edge_index, W0, U0, G0, W1, U1, G1, W2, U2, G2,
           fW1, fb1, fW2, fb2, fW3, fb3, fW4, fb4):
    dflat = d.reshape(1, -1)
    fW1x = fW1[:N_NODES * 2 * EMB].reshape(N_NODES, 2 * EMB, -1)
    fW1p = jnp.concatenate(
        [fW1x.transpose(1, 0, 2).reshape(N_NODES * 2 * EMB, -1),
         fW1[N_NODES * 2 * EMB:]], axis=0)
    adj = pl.kernel(
        _adj_body,
        out_type=jax.ShapeDtypeStruct((N_NODES, 64), F32),
        mesh=plsc.VectorSubcoreMesh(core_axis_name="c", subcore_axis_name="s"),
        scratch_types=[pltpu.VMEM((2, N_EDGES), jnp.int32),
                       pltpu.VMEM((N_NODES * 64,), F32),
                       pltpu.VMEM((N_NODES, 64), F32)],
        compiler_params=pltpu.CompilerParams(needs_layout_passes=False),
    )(edge_index)
    out = pl.pallas_call(
        _fused,
        out_shape=jax.ShapeDtypeStruct((), F32),
        out_specs=pl.BlockSpec(memory_space=pltpu.SMEM),
    )(adj, data, dflat, W0, U0, G0, W1, U1, G1, W2, U2, G2,
      fW1p, fb1.reshape(1, -1), fW2, fb2.reshape(1, -1),
      fW3, fb3.reshape(1, -1), fW4, fb4.reshape(1, -1))
    return out

# --- scband reference (transcript-rebuilt; emitter-appended) ---
"""Pipeline reference for scband-energy-latency-gnn-50-41446434406429 (READ-ONLY COPY).

The authoritative reference and input builder live on the scoring server;
editing this copy changes nothing except your own understanding.
"""

import jax, jax.numpy as jnp
import numpy as np

N_NODES = 50
N_EDGES = 800
EMB = 5
COEFF_ENERGY = 0.5
COEFF_LATENCY = 0.5


def _lrelu(x):
    return jax.nn.leaky_relu(x, negative_slope=0.01)


def _gated_rgcn_layer(x, src, dst, W, U, G):
    # message: gather source features, transform
    msg = x[src] @ W
    # aggregate: scatter-add onto destination nodes
    agg = jax.ops.segment_sum(msg, dst, num_segments=N_NODES)
    h = _lrelu(x @ U + agg)
    g = jax.nn.sigmoid(x @ G + agg)
    # gated output: concat(h, gate*h) -> 2*out_feats (matches 50*2*emb in find input)
    return jnp.concatenate([h, g * h], axis=1)


def setup_inputs(seed: int = 0) -> dict:
    key = jax.random.key(seed)
    ks = jax.random.split(key, 24)
    inp = {}
    inp['data'] = jax.random.normal(ks[0], (N_NODES, 1), dtype=jnp.float32)
    inp['d'] = jax.random.normal(ks[1], (N_NODES, 52), dtype=jnp.float32)
    inp['edge_index'] = jax.random.randint(ks[2], (2, N_EDGES), 0, N_NODES, dtype=jnp.int32)
    # GatedRGCN layer params: layer0 in=1, layers 1/2 consume 2*EMB=10 (gated concat output)
    dims = [1, 2 * EMB, 2 * EMB]
    for i, di in enumerate(dims):
        inp[f'W{i}'] = 0.1 * jax.random.normal(ks[3 + 3 * i], (di, EMB), dtype=jnp.float32)
        inp[f'U{i}'] = 0.1 * jax.random.normal(ks[4 + 3 * i], (di, EMB), dtype=jnp.float32)
        inp[f'G{i}'] = 0.1 * jax.random.normal(ks[5 + 3 * i], (di, EMB), dtype=jnp.float32)
    # find MLP: 3100 -> 128 -> 128 -> 64 -> 2
    find_dims = [(N_NODES * 2 * EMB + N_NODES * 52, 128), (128, 128), (128, 64), (64, 2)]
    for i, (fi, fo) in enumerate(find_dims):
        inp[f'fW{i + 1}'] = (0.1 / np.sqrt(fi)) * jax.random.normal(ks[12 + 2 * i], (fi, fo), dtype=jnp.float32)
        inp[f'fb{i + 1}'] = jnp.zeros((fo,), dtype=jnp.float32)
    return inp


def reference(data, d, edge_index, W0, U0, G0, W1, U1, G1, W2, U2, G2,
              fW1, fb1, fW2, fb2, fW3, fb3, fW4, fb4):
    src = edge_index[0]
    dst = edge_index[1]
    x = data
    x = _gated_rgcn_layer(x, src, dst, W0, U0, G0)
    x = _gated_rgcn_layer(x, src, dst, W1, U1, G1)
    x = _gated_rgcn_layer(x, src, dst, W2, U2, G2)
    x = x.reshape(-1)
    x = jnp.concatenate([x, d.reshape(-1)])
    x = _lrelu(x @ fW1 + fb1)
    x = _lrelu(x @ fW2 + fb2)
    x = _lrelu(x @ fW3 + fb3)
    x = jax.nn.sigmoid(x @ fW4 + fb4)
    out = COEFF_ENERGY * x[0] + COEFF_LATENCY * x[1]
    return out

if __name__ == "__main__":
    import jax
    _d = setup_inputs()
    print(jax.jit(kernel)(*tuple(_d.values())))

</pallas_src>

<mosaic_0001>
#map = affine_map<(d0, d1) -> (0, 0)>
module attributes {stable_mosaic.version = 14 : i64} {
  func.func @_adj_body(%arg0: i32, %arg1: i32, %arg2: memref<2x800xi32, #tpu.memory_space<hbm>>, %arg3: memref<50x64xf32, #tpu.memory_space<hbm>>, %arg4: memref<2x800xi32, #tpu.memory_space<vmem>>, %arg5: memref<3200xf32, #tpu.memory_space<vmem>>, %arg6: memref<50x64xf32, #tpu.memory_space<vmem>>) attributes {dimension_semantics = [#tpu.dimension_semantics<core_parallel>, #tpu.dimension_semantics<subcore_parallel>], iteration_bounds = array<i64: 2, 16>, scalar_prefetch = 0 : i64, scratch_operands = 3 : i64, tpu.core_type = #tpu.core_type<sc_vector_subcore>, window_params = [{transform_indices = #map}, {transform_indices = #map}]} {
    %eq3A = arith.constant 0 : i32
    %eq3A_0 = arith.cmpi eq, %arg0, %eq3A : i32
    %eq3A_1 = arith.constant 0 : i32
    %eq3A_2 = arith.cmpi eq, %arg1, %eq3A_1 : i32
    %and3A = arith.andi %eq3A_0, %eq3A_2 : i1
    %convert_element_type3A = arith.extui %and3A : i1 to i32
    %cond3A = arith.constant 0 : i32
    %cond3A_3 = arith.cmpi ne, %convert_element_type3A, %cond3A : i32
    scf.if %cond3A_3 {
      "tpu.region"() ({
        %run_scoped3A = tpu.sem_alloc : memref<!tpu.dma_semaphore, #tpu.memory_space<semaphore_mem>>
        tpu.enqueue_dma source(%arg2 : memref<2x800xi32, #tpu.memory_space<hbm>>) target(%arg4 : memref<2x800xi32, #tpu.memory_space<vmem>>) target_semaphore(%run_scoped3A : memref<!tpu.dma_semaphore, #tpu.memory_space<semaphore_mem>>)
        tpu.wait_dma2 semaphore(%run_scoped3A : memref<!tpu.dma_semaphore, #tpu.memory_space<semaphore_mem>>) src(%arg2 : memref<2x800xi32, #tpu.memory_space<hbm>>) dst(%arg4 : memref<2x800xi32, #tpu.memory_space<vmem>>)
        tpu.yield
      }) : () -> ()
      %broadcast_in_dim3A = arith.constant 0.000000e+00 : f32
      %broadcast_in_dim3A_4 = vector.broadcast %broadcast_in_dim3A : f32 to vector<16xf32>
      %swap3A = arith.constant 0 : index
      %swap3A_5 = tpu.vector_load %arg5[%swap3A] {strides = array<i32>} : memref<3200xf32, #tpu.memory_space<vmem>>, vector<16xf32>,
      tpu.vector_store %arg5[%swap3A], %broadcast_in_dim3A_4 {strides = array<i32>} : memref<3200xf32, #tpu.memory_space<vmem>>, vector<16xf32>,
      %swap3A_6 = arith.constant 16 : index
      %swap3A_7 = tpu.vector_load %arg5[%swap3A_6] {strides = array<i32>} : memref<3200xf32, #tpu.memory_space<vmem>>, vector<16xf32>,
      tpu.vector_store %arg5[%swap3A_6], %broadcast_in_dim3A_4 {strides = array<i32>} : memref<3200xf32, #tpu.memory_space<vmem>>, vector<16xf32>,
      %swap3A_8 = arith.constant 32 : index
      %swap3A_9 = tpu.vector_load %arg5[%swap3A_8] {strides = array<i32>} : memref<3200xf32, #tpu.memory_space<vmem>>, vector<16xf32>,
      tpu.vector_store %arg5[%swap3A_8], %broadcast_in_dim3A_4 {strides = array<i32>} : memref<3200xf32, #tpu.memory_space<vmem>>, vector<16xf32>,
      %swap3A_10 = arith.constant 48 : index
      %swap3A_11 = tpu.vector_load %arg5[%swap3A_10] {strides = array<i32>} : memref<3200xf32, #tpu.memory_space<vmem>>, vector<16xf32>,
      tpu.vector_store %arg5[%swap3A_10], %broadcast_in_dim3A_4 {strides = array<i32>} : memref<3200xf32, #tpu.memory_space<vmem>>, vector<16xf32>,
      %swap3A_12 = arith.constant 64 : index
      %swap3A_13 = tpu.vector_load %arg5[%swap3A_12] {strides = array<i32>} : memref<3200xf32, #tpu.memory_space<vmem>>, vector<16xf32>,
      tpu.vector_store %arg5[%swap3A_12], %broadcast_in_dim3A_4 {strides = array<i32>} : memref<3200xf32, #tpu.memory_space<vmem>>, vector<16xf32>,
      %swap3A_14 = arith.constant 80 : index
      %swap3A_15 = tpu.vector_load %arg5[%swap3A_14] {strides = array<i32>} : memref<3200xf32, #tpu.memory_space<vmem>>, vector<16xf32>,
      tpu.vector_store %arg5[%swap3A_14], %broadcast_in_dim3A_4 {strides = array<i32>} : memref<3200xf32, #tpu.memory_space<vmem>>, vector<16xf32>,
      %swap3A_16 = arith.constant 96 : index
      %swap3A_17 = tpu.vector_load %arg5[%swap3A_16] {strides = array<i32>} : memref<3200xf32, #tpu.memory_space<vmem>>, vector<16xf32>,
      tpu.vector_store %arg5[%swap3A_16], %broadcast_in_dim3A_4 {strides = array<i32>} : memref<3200xf32, #tpu.memory_space<vmem>>, vector<16xf32>,
      %swap3A_18 = arith.constant 112 : index
      %swap3A_19 = tpu.vector_load %arg5[%swap3A_18] {strides = array<i32>} : memref<3200xf32, #tpu.memory_space<vmem>>, vector<16xf32>,
      tpu.vector_store %arg5[%swap3A_18], %broadcast_in_dim3A_4 {strides = array<i32>} : memref<3200xf32, #tpu.memory_space<vmem>>, vector<16xf32>,
      %swap3A_20 = arith.constant 128 : index
      %swap3A_21 = tpu.vector_load %arg5[%swap3A_20] {strides = array<i32>} : memref<3200xf32, #tpu.memory_space<vmem>>, vector<16xf32>,
      tpu.vector_store %arg5[%swap3A_20], %broadcast_in_dim3A_4 {strides = array<i32>} : memref<3200xf32, #tpu.memory_space<vmem>>, vector<16xf32>,
      %swap3A_22 = arith.constant 144 : index
      %swap3A_23 = tpu.vector_load %arg5[%swap3A_22] {strides = array<i32>} : memref<3200xf32, #tpu.memory_space<vmem>>, vector<16xf32>,
      tpu.vector_store %arg5[%swap3A_22], %broadcast_in_dim3A_4 {strides = array<i32>} : memref<3200xf32, #tpu.memory_space<vmem>>, vector<16xf32>,
      %swap3A_24 = arith.constant 160 : index
      %swap3A_25 = tpu.vector_load %arg5[%swap3A_24] {strides = array<i32>} : memref<3200xf32, #tpu.memory_space<vmem>>, vector<16xf32>,
      tpu.vector_store %arg5[%swap3A_24], %broadcast_in_dim3A_4 {strides = array<i32>} : memref<3200xf32, #tpu.memory_space<vmem>>, vector<16xf32>,
      %swap3A_26 = arith.constant 176 : index
      %swap3A_27 = tpu.vector_load %arg5[%swap3A_26] {strides = array<i32>} : memref<3200xf32, #tpu.memory_space<vmem>>, vector<16xf32>,
      tpu.vector_store %arg5[%swap3A_26], %broadcast_in_dim3A_4 {strides = array<i32>} : memref<3200xf32, #tpu.memory_space<vmem>>, vector<16xf32>,
      %swap3A_28 = arith.constant 192 : index
      %swap3A_29 = tpu.vector_load %arg5[%swap3A_28] {strides = array<i32>} : memref<3200xf32, #tpu.memory_space<vmem>>, vector<16xf32>,
      tpu.vector_store %arg5[%swap3A_28], %broadcast_in_dim3A_4 {strides = array<i32>} : memref<3200xf32, #tpu.memory_space<vmem>>, vector<16xf32>,
      %swap3A_30 = arith.constant 208 : index
      %swap3A_31 = tpu.vector_load %arg5[%swap3A_30] {strides = array<i32>} : memref<3200xf32, #tpu.memory_space<vmem>>, vector<16xf32>,
      tpu.vector_store %arg5[%swap3A_30], %broadcast_in_dim3A_4 {strides = array<i32>} : memref<3200xf32, #tpu.memory_space<vmem>>, vector<16xf32>,
      %swap3A_32 = arith.constant 224 : index
      %swap3A_33 = tpu.vector_load %arg5[%swap3A_32] {strides = array<i32>} : memref<3200xf32, #tpu.memory_space<vmem>>, vector<16xf32>,
      tpu.vector_store %arg5[%swap3A_32], %broadcast_in_dim3A_4 {strides = array<i32>} : memref<3200xf32, #tpu.memory_space<vmem>>, vector<16xf32>,
      %swap3A_34 = arith.constant 240 : index
      %swap3A_35 = tpu.vector_load %arg5[%swap3A_34] {strides = array<i32>} : memref<3200xf32, #tpu.memory_space<vmem>>, vector<16xf32>,
      tpu.vector_store %arg5[%swap3A_34], %broadcast_in_dim3A_4 {strides = array<i32>} : memref<3200xf32, #tpu.memory_space<vmem>>, vector<16xf32>,
      %swap3A_36 = arith.constant 256 : index
      %swap3A_37 = tpu.vector_load %arg5[%swap3A_36] {strides = array<i32>} : memref<3200xf32, #tpu.memory_space<vmem>>, vector<16xf32>,
      tpu.vector_store %arg5[%swap3A_36], %broadcast_in_dim3A_4 {strides = array<i32>} : memref<3200xf32, #tpu.memory_space<vmem>>, vector<16xf32>,
      %swap3A_38 = arith.constant 272 : index
      %swap3A_39 = tpu.vector_load %arg5[%swap3A_38] {strides = array<i32>} : memref<3200xf32, #tpu.memory_space<vmem>>, vector<16xf32>,
      tpu.vector_store %arg5[%swap3A_38], %broadcast_in_dim3A_4 {strides = array<i32>} : memref<3200xf32, #tpu.memory_space<vmem>>, vector<16xf32>,
      %swap3A_40 = arith.constant 288 : index
      %swap3A_41 = tpu.vector_load %arg5[%swap3A_40] {strides = array<i32>} : memref<3200xf32, #tpu.memory_space<vmem>>, vector<16xf32>,
      tpu.vector_store %arg5[%swap3A_40], %broadcast_in_dim3A_4 {strides = array<i32>} : memref<3200xf32, #tpu.memory_space<vmem>>, vector<16xf32>,
      %swap3A_42 = arith.constant 304 : index
      %swap3A_43 = tpu.vector_load %arg5[%swap3A_42] {strides = array<i32>} : memref<3200xf32, #tpu.memory_space<vmem>>, vector<16xf32>,
      tpu.vector_store %arg5[%swap3A_42], %broadcast_in_dim3A_4 {strides = array<i32>} : memref<3200xf32, #tpu.memory_space<vmem>>, vector<16xf32>,
      %swap3A_44 = arith.constant 320 : index
      %swap3A_45 = tpu.vector_load %arg5[%swap3A_44] {strides = array<i32>} : memref<3200xf32, #tpu.memory_space<vmem>>, vector<16xf32>,
      tpu.vector_store %arg5[%swap3A_44], %broadcast_in_dim3A_4 {strides = array<i32>} : memref<3200xf32, #tpu.memory_space<vmem>>, vector<16xf32>,
      %swap3A_46 = arith.constant 336 : index
      %swap3A_47 = tpu.vector_load %arg5[%swap3A_46] {strides = array<i32>} : memref<3200xf32, #tpu.memory_space<vmem>>, vector<16xf32>,
      tpu.vector_store %arg5[%swap3A_46], %broadcast_in_dim3A_4 {strides = array<i32>} : memref<3200xf32, #tpu.memory_space<vmem>>, vector<16xf32>,
      %swap3A_48 = arith.constant 352 : index
      %swap3A_49 = tpu.vector_load %arg5[%swap3A_48] {strides = array<i32>} : memref<3200xf32, #tpu.memory_space<vmem>>, vector<16xf32>,
      tpu.vector_store %arg5[%swap3A_48], %broadcast_in_dim3A_4 {strides = array<i32>} : memref<3200xf32, #tpu.memory_space<vmem>>, vector<16xf32>,
      %swap3A_50 = arith.constant 368 : index
      %swap3A_51 = tpu.vector_load %arg5[%swap3A_50] {strides = array<i32>} : memref<3200xf32, #tpu.memory_space<vmem>>, vector<16xf32>,
      tpu.vector_store %arg5[%swap3A_50], %broadcast_in_dim3A_4 {strides = array<i32>} : memref<3200xf32, #tpu.memory_space<vmem>>, vector<16xf32>,
      %swap3A_52 = arith.constant 384 : index
      %swap3A_53 = tpu.vector_load %arg5[%swap3A_52] {strides = array<i32>} : memref<3200xf32, #tpu.memory_space<vmem>>, vector<16xf32>,
      tpu.vector_store %arg5[%swap3A_52], %broadcast_in_dim3A_4 {strides = array<i32>} : memref<3200xf32, #tpu.memory_space<vmem>>, vector<16xf32>,
      %swap3A_54 = arith.constant 400 : index
      %swap3A_55 = tpu.vector_load %arg5[%swap3A_54] {strides = array<i32>} : memref<3200xf32, #tpu.memory_space<vmem>>, vector<16xf32>,
      tpu.vector_store %arg5[%swap3A_54], %broadcast_in_dim3A_4 {strides = array<i32>} : memref<3200xf32, #tpu.memory_space<vmem>>, vector<16xf32>,
      %swap3A_56 = arith.constant 416 : index
      %swap3A_57 = tpu.vector_load %arg5[%swap3A_56] {strides = array<i32>} : memref<3200xf32, #tpu.memory_space<vmem>>, vector<16xf32>,
      tpu.vector_store %arg5[%swap3A_56], %broadcast_in_dim3A_4 {strides = array<i32>} : memref<3200xf32, #tpu.memory_space<vmem>>, vector<16xf32>,
      %swap3A_58 = arith.constant 432 : index
      %swap3A_59 = tpu.vector_load %arg5[%swap3A_58] {strides = array<i32>} : memref<3200xf32, #tpu.memory_space<vmem>>, vector<16xf32>,
      tpu.vector_store %arg5[%swap3A_58], %broadcast_in_dim3A_4 {strides = array<i32>} : memref<3200xf32, #tpu.memory_space<vmem>>, vector<16xf32>,
      %swap3A_60 = arith.constant 448 : index
      %swap3A_61 = tpu.vector_load %arg5[%swap3A_60] {strides = array<i32>} : memref<3200xf32, #tpu.memory_space<vmem>>, vector<16xf32>,
      tpu.vector_store %arg5[%swap3A_60], %broadcast_in_dim3A_4 {strides = array<i32>} : memref<3200xf32, #tpu.memory_space<vmem>>, vector<16xf32>,
      %swap3A_62 = arith.constant 464 : index
      %swap3A_63 = tpu.vector_load %arg5[%swap3A_62] {strides = array<i32>} : memref<3200xf32, #tpu.memory_space<vmem>>, vector<16xf32>,
      tpu.vector_store %arg5[%swap3A_62], %broadcast_in_dim3A_4 {strides = array<i32>} : memref<3200xf32, #tpu.memory_space<vmem>>, vector<16xf32>,
      %swap3A_64 = arith.constant 480 : index
      %swap3A_65 = tpu.vector_load %arg5[%swap3A_64] {strides = array<i32>} : memref<3200xf32, #tpu.memory_space<vmem>>, vector<16xf32>,
      tpu.vector_store %arg5[%swap3A_64], %broadcast_in_dim3A_4 {strides = array<i32>} : memref<3200xf32, #tpu.memory_space<vmem>>, vector<16xf32>,
      %swap3A_66 = arith.constant 496 : index
      %swap3A_67 = tpu.vector_load %arg5[%swap3A_66] {strides = array<i32>} : memref<3200xf32, #tpu.memory_space<vmem>>, vector<16xf32>,
      tpu.vector_store %arg5[%swap3A_66], %broadcast_in_dim3A_4 {strides = array<i32>} : memref<3200xf32, #tpu.memory_space<vmem>>, vector<16xf32>,
      %swap3A_68 = arith.constant 512 : index
      %swap3A_69 = tpu.vector_load %arg5[%swap3A_68] {strides = array<i32>} : memref<3200xf32, #tpu.memory_space<vmem>>, vector<16xf32>,
      tpu.vector_store %arg5[%swap3A_68], %broadcast_in_dim3A_4 {strides = array<i32>} : memref<3200xf32, #tpu.memory_space<vmem>>, vector<16xf32>,
      %swap3A_70 = arith.constant 528 : index
      %swap3A_71 = tpu.vector_load %arg5[%swap3A_70] {strides = array<i32>} : memref<3200xf32, #tpu.memory_space<vmem>>, vector<16xf32>,
      tpu.vector_store %arg5[%swap3A_70], %broadcast_in_dim3A_4 {strides = array<i32>} : memref<3200xf32, #tpu.memory_space<vmem>>, vector<16xf32>,
      %swap3A_72 = arith.constant 544 : index
      %swap3A_73 = tpu.vector_load %arg5[%swap3A_72] {strides = array<i32>} : memref<3200xf32, #tpu.memory_space<vmem>>, vector<16xf32>,
      tpu.vector_store %arg5[%swap3A_72], %broadcast_in_dim3A_4 {strides = array<i32>} : memref<3200xf32, #tpu.memory_space<vmem>>, vector<16xf32>,
      %swap3A_74 = arith.constant 560 : index
      %swap3A_75 = tpu.vector_load %arg5[%swap3A_74] {strides = array<i32>} : memref<3200xf32, #tpu.memory_space<vmem>>, vector<16xf32>,
      tpu.vector_store %arg5[%swap3A_74], %broadcast_in_dim3A_4 {strides = array<i32>} : memref<3200xf32, #tpu.memory_space<vmem>>, vector<16xf32>,
      %swap3A_76 = arith.constant 576 : index
      %swap3A_77 = tpu.vector_load %arg5[%swap3A_76] {strides = array<i32>} : memref<3200xf32, #tpu.memory_space<vmem>>, vector<16xf32>,
      tpu.vector_store %arg5[%swap3A_76], %broadcast_in_dim3A_4 {strides = array<i32>} : memref<3200xf32, #tpu.memory_space<vmem>>, vector<16xf32>,
      %swap3A_78 = arith.constant 592 : index
      %swap3A_79 = tpu.vector_load %arg5[%swap3A_78] {strides = array<i32>} : memref<3200xf32, #tpu.memory_space<vmem>>, vector<16xf32>,
      tpu.vector_store %arg5[%swap3A_78], %broadcast_in_dim3A_4 {strides = array<i32>} : memref<3200xf32, #tpu.memory_space<vmem>>, vector<16xf32>,
      %swap3A_80 = arith.constant 608 : index
      %swap3A_81 = tpu.vector_load %arg5[%swap3A_80] {strides = array<i32>} : memref<3200xf32, #tpu.memory_space<vmem>>, vector<16xf32>,
      tpu.vector_store %arg5[%swap3A_80], %broadcast_in_dim3A_4 {strides = array<i32>} : memref<3200xf32, #tpu.memory_space<vmem>>, vector<16xf32>,
      %swap3A_82 = arith.constant 624 : index
      %swap3A_83 = tpu.vector_load %arg5[%swap3A_82] {strides = array<i32>} : memref<3200xf32, #tpu.memory_space<vmem>>, vector<16xf32>,
      tpu.vector_store %arg5[%swap3A_82], %broadcast_in_dim3A_4 {strides = array<i32>} : memref<3200xf32, #tpu.memory_space<vmem>>, vector<16xf32>,
      %swap3A_84 = arith.constant 640 : index
      %swap3A_85 = tpu.vector_load %arg5[%swap3A_84] {strides = array<i32>} : memref<3200xf32, #tpu.memory_space<vmem>>, vector<16xf32>,
      tpu.vector_store %arg5[%swap3A_84], %broadcast_in_dim3A_4 {strides = array<i32>} : memref<3200xf32, #tpu.memory_space<vmem>>, vector<16xf32>,
      %swap3A_86 = arith.constant 656 : index
      %swap3A_87 = tpu.vector_load %arg5[%swap3A_86] {strides = array<i32>} : memref<3200xf32, #tpu.memory_space<vmem>>, vector<16xf32>,
      tpu.vector_store %arg5[%swap3A_86], %broadcast_in_dim3A_4 {strides = array<i32>} : memref<3200xf32, #tpu.memory_space<vmem>>, vector<16xf32>,
      %swap3A_88 = arith.constant 672 : index
      %swap3A_89 = tpu.vector_load %arg5[%swap3A_88] {strides = array<i32>} : memref<3200xf32, #tpu.memory_space<vmem>>, vector<16xf32>,
      tpu.vector_store %arg5[%swap3A_88], %broadcast_in_dim3A_4 {strides = array<i32>} : memref<3200xf32, #tpu.memory_space<vmem>>, vector<16xf32>,
      %swap3A_90 = arith.constant 688 : index
      %swap3A_91 = tpu.vector_load %arg5[%swap3A_90] {strides = array<i32>} : memref<3200xf32, #tpu.memory_space<vmem>>, vector<16xf32>,
      tpu.vector_store %arg5[%swap3A_90], %broadcast_in_dim3A_4 {strides = array<i32>} : memref<3200xf32, #tpu.memory_space<vmem>>, vector<16xf32>,
      %swap3A_92 = arith.constant 704 : index
      %swap3A_93 = tpu.vector_load %arg5[%swap3A_92] {strides = array<i32>} : memref<3200xf32, #tpu.memory_space<vmem>>, vector<16xf32>,
      tpu.vector_store %arg5[%swap3A_92], %broadcast_in_dim3A_4 {strides = array<i32>} : memref<3200xf32, #tpu.memory_space<vmem>>, vector<16xf32>,
      %swap3A_94 = arith.constant 720 : index
      %swap3A_95 = tpu.vector_load %arg5[%swap3A_94] {strides = array<i32>} : memref<3200xf32, #tpu.memory_space<vmem>>, vector<16xf32>,
      tpu.vector_store %arg5[%swap3A_94], %broadcast_in_dim3A_4 {strides = array<i32>} : memref<3200xf32, #tpu.memory_space<vmem>>, vector<16xf32>,
      %swap3A_96 = arith.constant 736 : index
      %swap3A_97 = tpu.vector_load %arg5[%swap3A_96] {strides = array<i32>} : memref<3200xf32, #tpu.memory_space<vmem>>, vector<16xf32>,
      tpu.vector_store %arg5[%swap3A_96], %broadcast_in_dim3A_4 {strides = array<i32>} : memref<3200xf32, #tpu.memory_space<vmem>>, vector<16xf32>,
      %swap3A_98 = arith.constant 752 : index
      %swap3A_99 = tpu.vector_load %arg5[%swap3A_98] {strides = array<i32>} : memref<3200xf32, #tpu.memory_space<vmem>>, vector<16xf32>,
      tpu.vector_store %arg5[%swap3A_98], %broadcast_in_dim3A_4 {strides = array<i32>} : memref<3200xf32, #tpu.memory_space<vmem>>, vector<16xf32>,
      %swap3A_100 = arith.constant 768 : index
      %swap3A_101 = tpu.vector_load %arg5[%swap3A_100] {strides = array<i32>} : memref<3200xf32, #tpu.memory_space<vmem>>, vector<16xf32>,
      tpu.vector_store %arg5[%swap3A_100], %broadcast_in_dim3A_4 {strides = array<i32>} : memref<3200xf32, #tpu.memory_space<vmem>>, vector<16xf32>,
      %swap3A_102 = arith.constant 784 : index
      %swap3A_103 = tpu.vector_load %arg5[%swap3A_102] {strides = array<i32>} : memref<3200xf32, #tpu.memory_space<vmem>>, vector<16xf32>,
      tpu.vector_store %arg5[%swap3A_102], %broadcast_in_dim3A_4 {strides = array<i32>} : memref<3200xf32, #tpu.memory_space<vmem>>, vector<16xf32>,
      %swap3A_104 = arith.constant 800 : index
      %swap3A_105 = tpu.vector_load %arg5[%swap3A_104] {strides = array<i32>} : memref<3200xf32, #tpu.memory_space<vmem>>, vector<16xf32>,
      tpu.vector_store %arg5[%swap3A_104], %broadcast_in_dim3A_4 {strides = array<i32>} : memref<3200xf32, #tpu.memory_space<vmem>>, vector<16xf32>,
      %swap3A_106 = arith.constant 816 : index
      %swap3A_107 = tpu.vector_load %arg5[%swap3A_106] {strides = array<i32>} : memref<3200xf32, #tpu.memory_space<vmem>>, vector<16xf32>,
      tpu.vector_store %arg5[%swap3A_106], %broadcast_in_dim3A_4 {strides = array<i32>} : memref<3200xf32, #tpu.memory_space<vmem>>, vector<16xf32>,
      %swap3A_108 = arith.constant 832 : index
      %swap3A_109 = tpu.vector_load %arg5[%swap3A_108] {strides = array<i32>} : memref<3200xf32, #tpu.memory_space<vmem>>, vector<16xf32>,
      tpu.vector_store %arg5[%swap3A_108], %broadcast_in_dim3A_4 {strides = array<i32>} : memref<3200xf32, #tpu.memory_space<vmem>>, vector<16xf32>,
      %swap3A_110 = arith.constant 848 : index
      %swap3A_111 = tpu.vector_load %arg5[%swap3A_110] {strides = array<i32>} : memref<3200xf32, #tpu.memory_space<vmem>>, vector<16xf32>,
      tpu.vector_store %arg5[%swap3A_110], %broadcast_in_dim3A_4 {strides = array<i32>} : memref<3200xf32, #tpu.memory_space<vmem>>, vector<16xf32>,
      %swap3A_112 = arith.constant 864 : index
      %swap3A_113 = tpu.vector_load %arg5[%swap3A_112] {strides = array<i32>} : memref<3200xf32, #tpu.memory_space<vmem>>, vector<16xf32>,
      tpu.vector_store %arg5[%swap3A_112], %broadcast_in_dim3A_4 {strides = array<i32>} : memref<3200xf32, #tpu.memory_space<vmem>>, vector<16xf32>,
      %swap3A_114 = arith.constant 880 : index
      %swap3A_115 = tpu.vector_load %arg5[%swap3A_114] {strides = array<i32>} : memref<3200xf32, #tpu.memory_space<vmem>>, vector<16xf32>,
      tpu.vector_store %arg5[%swap3A_114], %broadcast_in_dim3A_4 {strides = array<i32>} : memref<3200xf32, #tpu.memory_space<vmem>>, vector<16xf32>,
      %swap3A_116 = arith.constant 896 : index
      %swap3A_117 = tpu.vector_load %arg5[%swap3A_116] {strides = array<i32>} : memref<3200xf32, #tpu.memory_space<vmem>>, vector<16xf32>,
      tpu.vector_store %arg5[%swap3A_116], %broadcast_in_dim3A_4 {strides = array<i32>} : memref<3200xf32, #tpu.memory_space<vmem>>, vector<16xf32>,
      %swap3A_118 = arith.constant 912 : index
      %swap3A_119 = tpu.vector_load %arg5[%swap3A_118] {strides = array<i32>} : memref<3200xf32, #tpu.memory_space<vmem>>, vector<16xf32>,
      tpu.vector_store %arg5[%swap3A_118], %broadcast_in_dim3A_4 {strides = array<i32>} : memref<3200xf32, #tpu.memory_space<vmem>>, vector<16xf32>,
      %swap3A_120 = arith.constant 928 : index
      %swap3A_121 = tpu.vector_load %arg5[%swap3A_120] {strides = array<i32>} : memref<3200xf32, #tpu.memory_space<vmem>>, vector<16xf32>,
      tpu.vector_store %arg5[%swap3A_120], %broadcast_in_dim3A_4 {strides = array<i32>} : memref<3200xf32, #tpu.memory_space<vmem>>, vector<16xf32>,
      %swap3A_122 = arith.constant 944 : index
      %swap3A_123 = tpu.vector_load %arg5[%swap3A_122] {strides = array<i32>} : memref<3200xf32, #tpu.memory_space<vmem>>, vector<16xf32>,
      tpu.vector_store %arg5[%swap3A_122], %broadcast_in_dim3A_4 {strides = array<i32>} : memref<3200xf32, #tpu.memory_space<vmem>>, vector<16xf32>,
      %swap3A_124 = arith.constant 960 : index
      %swap3A_125 = tpu.vector_load %arg5[%swap3A_124] {strides = array<i32>} : memref<3200xf32, #tpu.memory_space<vmem>>, vector<16xf32>,
      tpu.vector_store %arg5[%swap3A_124], %broadcast_in_dim3A_4 {strides = array<i32>} : memref<3200xf32, #tpu.memory_space<vmem>>, vector<16xf32>,
      %swap3A_126 = arith.constant 976 : index
      %swap3A_127 = tpu.vector_load %arg5[%swap3A_126] {strides = array<i32>} : memref<3200xf32, #tpu.memory_space<vmem>>, vector<16xf32>,
      tpu.vector_store %arg5[%swap3A_126], %broadcast_in_dim3A_4 {strides = array<i32>} : memref<3200xf32, #tpu.memory_space<vmem>>, vector<16xf32>,
      %swap3A_128 = arith.constant 992 : index
      %swap3A_129 = tpu.vector_load %arg5[%swap3A_128] {strides = array<i32>} : memref<3200xf32, #tpu.memory_space<vmem>>, vector<16xf32>,
      tpu.vector_store %arg5[%swap3A_128], %broadcast_in_dim3A_4 {strides = array<i32>} : memref<3200xf32, #tpu.memory_space<vmem>>, vector<16xf32>,
      %swap3A_130 = arith.constant 1008 : index
      %swap3A_131 = tpu.vector_load %arg5[%swap3A_130] {strides = array<i32>} : memref<3200xf32, #tpu.memory_space<vmem>>, vector<16xf32>,
      tpu.vector_store %arg5[%swap3A_130], %broadcast_in_dim3A_4 {strides = array<i32>} : memref<3200xf32, #tpu.memory_space<vmem>>, vector<16xf32>,
      %swap3A_132 = arith.constant 1024 : index
      %swap3A_133 = tpu.vector_load %arg5[%swap3A_132] {strides = array<i32>} : memref<3200xf32, #tpu.memory_space<vmem>>, vector<16xf32>,
      tpu.vector_store %arg5[%swap3A_132], %broadcast_in_dim3A_4 {strides = array<i32>} : memref<3200xf32, #tpu.memory_space<vmem>>, vector<16xf32>,
      %swap3A_134 = arith.constant 1040 : index
      %swap3A_135 = tpu.vector_load %arg5[%swap3A_134] {strides = array<i32>} : memref<3200xf32, #tpu.memory_space<vmem>>, vector<16xf32>,
      tpu.vector_store %arg5[%swap3A_134], %broadcast_in_dim3A_4 {strides = array<i32>} : memref<3200xf32, #tpu.memory_space<vmem>>, vector<16xf32>,
      %swap3A_136 = arith.constant 1056 : index
      %swap3A_137 = tpu.vector_load %arg5[%swap3A_136] {strides = array<i32>} : memref<3200xf32, #tpu.memory_space<vmem>>, vector<16xf32>,
      tpu.vector_store %arg5[%swap3A_136], %broadcast_in_dim3A_4 {strides = array<i32>} : memref<3200xf32, #tpu.memory_space<vmem>>, vector<16xf32>,
      %swap3A_138 = arith.constant 1072 : index
      %swap3A_139 = tpu.vector_load %arg5[%swap3A_138] {strides = array<i32>} : memref<3200xf32, #tpu.memory_space<vmem>>, vector<16xf32>,
      tpu.vector_store %arg5[%swap3A_138], %broadcast_in_dim3A_4 {strides = array<i32>} : memref<3200xf32, #tpu.memory_space<vmem>>, vector<16xf32>,
      %swap3A_140 = arith.constant 1088 : index
      %swap3A_141 = tpu.vector_load %arg5[%swap3A_140] {strides = array<i32>} : memref<3200xf32, #tpu.memory_space<vmem>>, vector<16xf32>,
      tpu.vector_store %arg5[%swap3A_140], %broadcast_in_dim3A_4 {strides = array<i32>} : memref<3200xf32, #tpu.memory_space<vmem>>, vector<16xf32>,
      %swap3A_142 = arith.constant 1104 : index
      %swap3A_143 = tpu.vector_load %arg5[%swap3A_142] {strides = array<i32>} : memref<3200xf32, #tpu.memory_space<vmem>>, vector<16xf32>,
      tpu.vector_store %arg5[%swap3A_142], %broadcast_in_dim3A_4 {strides = array<i32>} : memref<3200xf32, #tpu.memory_space<vmem>>, vector<16xf32>,
      %swap3A_144 = arith.constant 1120 : index
      %swap3A_145 = tpu.vector_load %arg5[%swap3A_144] {strides = array<i32>} : memref<3200xf32, #tpu.memory_space<vmem>>, vector<16xf32>,
      tpu.vector_store %arg5[%swap3A_144], %broadcast_in_dim3A_4 {strides = array<i32>} : memref<3200xf32, #tpu.memory_space<vmem>>, vector<16xf32>,
      %swap3A_146 = arith.constant 1136 : index
      %swap3A_147 = tpu.vector_load %arg5[%swap3A_146] {strides = array<i32>} : memref<3200xf32, #tpu.memory_space<vmem>>, vector<16xf32>,
      tpu.vector_store %arg5[%swap3A_146], %broadcast_in_dim3A_4 {strides = array<i32>} : memref<3200xf32, #tpu.memory_space<vmem>>, vector<16xf32>,
      %swap3A_148 = arith.constant 1152 : index
      %swap3A_149 = tpu.vector_load %arg5[%swap3A_148] {strides = array<i32>} : memref<3200xf32, #tpu.memory_space<vmem>>, vector<16xf32>,
      tpu.vector_store %arg5[%swap3A_148], %broadcast_in_dim3A_4 {strides = array<i32>} : memref<3200xf32, #tpu.memory_space<vmem>>, vector<16xf32>,
      %swap3A_150 = arith.constant 1168 : index
      %swap3A_151 = tpu.vector_load %arg5[%swap3A_150] {strides = array<i32>} : memref<3200xf32, #tpu.memory_space<vmem>>, vector<16xf32>,
      tpu.vector_store %arg5[%swap3A_150], %broadcast_in_dim3A_4 {strides = array<i32>} : memref<3200xf32, #tpu.memory_space<vmem>>, vector<16xf32>,
      %swap3A_152 = arith.constant 1184 : index
      %swap3A_153 = tpu.vector_load %arg5[%swap3A_152] {strides = array<i32>} : memref<3200xf32, #tpu.memory_space<vmem>>, vector<16xf32>,
      tpu.vector_store %arg5[%swap3A_152], %broadcast_in_dim3A_4 {strides = array<i32>} : memref<3200xf32, #tpu.memory_space<vmem>>, vector<16xf32>,
      %swap3A_154 = arith.constant 1200 : index
      %swap3A_155 = tpu.vector_load %arg5[%swap3A_154] {strides = array<i32>} : memref<3200xf32, #tpu.memory_space<vmem>>, vector<16xf32>,
      tpu.vector_store %arg5[%swap3A_154], %broadcast_in_dim3A_4 {strides = array<i32>} : memref<3200xf32, #tpu.memory_space<vmem>>, vector<16xf32>,
      %swap3A_156 = arith.constant 1216 : index
      %swap3A_157 = tpu.vector_load %arg5[%swap3A_156] {strides = array<i32>} : memref<3200xf32, #tpu.memory_space<vmem>>, vector<16xf32>,
      tpu.vector_store %arg5[%swap3A_156], %broadcast_in_dim3A_4 {strides = array<i32>} : memref<3200xf32, #tpu.memory_space<vmem>>, vector<16xf32>,
      %swap3A_158 = arith.constant 1232 : index
      %swap3A_159 = tpu.vector_load %arg5[%swap3A_158] {strides = array<i32>} : memref<3200xf32, #tpu.memory_space<vmem>>, vector<16xf32>,
      tpu.vector_store %arg5[%swap3A_158], %broadcast_in_dim3A_4 {strides = array<i32>} : memref<3200xf32, #tpu.memory_space<vmem>>, vector<16xf32>,
      %swap3A_160 = arith.constant 1248 : index
      %swap3A_161 = tpu.vector_load %arg5[%swap3A_160] {strides = array<i32>} : memref<3200xf32, #tpu.memory_space<vmem>>, vector<16xf32>,
      tpu.vector_store %arg5[%swap3A_160], %broadcast_in_dim3A_4 {strides = array<i32>} : memref<3200xf32, #tpu.memory_space<vmem>>, vector<16xf32>,
      %swap3A_162 = arith.constant 1264 : index
      %swap3A_163 = tpu.vector_load %arg5[%swap3A_162] {strides = array<i32>} : memref<3200xf32, #tpu.memory_space<vmem>>, vector<16xf32>,
      tpu.vector_store %arg5[%swap3A_162], %broadcast_in_dim3A_4 {strides = array<i32>} : memref<3200xf32, #tpu.memory_space<vmem>>, vector<16xf32>,
      %swap3A_164 = arith.constant 1280 : index
      %swap3A_165 = tpu.vector_load %arg5[%swap3A_164] {strides = array<i32>} : memref<3200xf32, #tpu.memory_space<vmem>>, vector<16xf32>,
      tpu.vector_store %arg5[%swap3A_164], %broadcast_in_dim3A_4 {strides = array<i32>} : memref<3200xf32, #tpu.memory_space<vmem>>, vector<16xf32>,
      %swap3A_166 = arith.constant 1296 : index
      %swap3A_167 = tpu.vector_load %arg5[%swap3A_166] {strides = array<i32>} : memref<3200xf32, #tpu.memory_space<vmem>>, vector<16xf32>,
      tpu.vector_store %arg5[%swap3A_166], %broadcast_in_dim3A_4 {strides = array<i32>} : memref<3200xf32, #tpu.memory_space<vmem>>, vector<16xf32>,
      %swap3A_168 = arith.constant 1312 : index
      %swap3A_169 = tpu.vector_load %arg5[%swap3A_168] {strides = array<i32>} : memref<3200xf32, #tpu.memory_space<vmem>>, vector<16xf32>,
      tpu.vector_store %arg5[%swap3A_168], %broadcast_in_dim3A_4 {strides = array<i32>} : memref<3200xf32, #tpu.memory_space<vmem>>, vector<16xf32>,
      %swap3A_170 = arith.constant 1328 : index
      %swap3A_171 = tpu.vector_load %arg5[%swap3A_170] {strides = array<i32>} : memref<3200xf32, #tpu.memory_space<vmem>>, vector<16xf32>,
      tpu.vector_store %arg5[%swap3A_170], %broadcast_in_dim3A_4 {strides = array<i32>} : memref<3200xf32, #tpu.memory_space<vmem>>, vector<16xf32>,
      %swap3A_172 = arith.constant 1344 : index
      %swap3A_173 = tpu.vector_load %arg5[%swap3A_172] {strides = array<i32>} : memref<3200xf32, #tpu.memory_space<vmem>>, vector<16xf32>,
      tpu.vector_store %arg5[%swap3A_172], %broadcast_in_dim3A_4 {strides = array<i32>} : memref<3200xf32, #tpu.memory_space<vmem>>, vector<16xf32>,
      %swap3A_174 = arith.constant 1360 : index
      %swap3A_175 = tpu.vector_load %arg5[%swap3A_174] {strides = array<i32>} : memref<3200xf32, #tpu.memory_space<vmem>>, vector<16xf32>,
      tpu.vector_store %arg5[%swap3A_174], %broadcast_in_dim3A_4 {strides = array<i32>} : memref<3200xf32, #tpu.memory_space<vmem>>, vector<16xf32>,
      %swap3A_176 = arith.constant 1376 : index
      %swap3A_177 = tpu.vector_load %arg5[%swap3A_176] {strides = array<i32>} : memref<3200xf32, #tpu.memory_space<vmem>>, vector<16xf32>,
      tpu.vector_store %arg5[%swap3A_176], %broadcast_in_dim3A_4 {strides = array<i32>} : memref<3200xf32, #tpu.memory_space<vmem>>, vector<16xf32>,
      %swap3A_178 = arith.constant 1392 : index
      %swap3A_179 = tpu.vector_load %arg5[%swap3A_178] {strides = array<i32>} : memref<3200xf32, #tpu.memory_space<vmem>>, vector<16xf32>,
      tpu.vector_store %arg5[%swap3A_178], %broadcast_in_dim3A_4 {strides = array<i32>} : memref<3200xf32, #tpu.memory_space<vmem>>, vector<16xf32>,
      %swap3A_180 = arith.constant 1408 : index
      %swap3A_181 = tpu.vector_load %arg5[%swap3A_180] {strides = array<i32>} : memref<3200xf32, #tpu.memory_space<vmem>>, vector<16xf32>,
      tpu.vector_store %arg5[%swap3A_180], %broadcast_in_dim3A_4 {strides = array<i32>} : memref<3200xf32, #tpu.memory_space<vmem>>, vector<16xf32>,
      %swap3A_182 = arith.constant 1424 : index
      %swap3A_183 = tpu.vector_load %arg5[%swap3A_182] {strides = array<i32>} : memref<3200xf32, #tpu.memory_space<vmem>>, vector<16xf32>,
      tpu.vector_store %arg5[%swap3A_182], %broadcast_in_dim3A_4 {strides = array<i32>} : memref<3200xf32, #tpu.memory_space<vmem>>, vector<16xf32>,
      %swap3A_184 = arith.constant 1440 : index
      %swap3A_185 = tpu.vector_load %arg5[%swap3A_184] {strides = array<i32>} : memref<3200xf32, #tpu.memory_space<vmem>>, vector<16xf32>,
      tpu.vector_store %arg5[%swap3A_184], %broadcast_in_dim3A_4 {strides = array<i32>} : memref<3200xf32, #tpu.memory_space<vmem>>, vector<16xf32>,
      %swap3A_186 = arith.constant 1456 : index
      %swap3A_187 = tpu.vector_load %arg5[%swap3A_186] {strides = array<i32>} : memref<3200xf32, #tpu.memory_space<vmem>>, vector<16xf32>,
      tpu.vector_store %arg5[%swap3A_186], %broadcast_in_dim3A_4 {strides = array<i32>} : memref<3200xf32, #tpu.memory_space<vmem>>, vector<16xf32>,
      %swap3A_188 = arith.constant 1472 : index
      %swap3A_189 = tpu.vector_load %arg5[%swap3A_188] {strides = array<i32>} : memref<3200xf32, #tpu.memory_space<vmem>>, vector<16xf32>,
      tpu.vector_store %arg5[%swap3A_188], %broadcast_in_dim3A_4 {strides = array<i32>} : memref<3200xf32, #tpu.memory_space<vmem>>, vector<16xf32>,
      %swap3A_190 = arith.constant 1488 : index
      %swap3A_191 = tpu.vector_load %arg5[%swap3A_190] {strides = array<i32>} : memref<3200xf32, #tpu.memory_space<vmem>>, vector<16xf32>,
      tpu.vector_store %arg5[%swap3A_190], %broadcast_in_dim3A_4 {strides = array<i32>} : memref<3200xf32, #tpu.memory_space<vmem>>, vector<16xf32>,
      %swap3A_192 = arith.constant 1504 : index
      %swap3A_193 = tpu.vector_load %arg5[%swap3A_192] {strides = array<i32>} : memref<3200xf32, #tpu.memory_space<vmem>>, vector<16xf32>,
      tpu.vector_store %arg5[%swap3A_192], %broadcast_in_dim3A_4 {strides = array<i32>} : memref<3200xf32, #tpu.memory_space<vmem>>, vector<16xf32>,
      %swap3A_194 = arith.constant 1520 : index
      %swap3A_195 = tpu.vector_load %arg5[%swap3A_194] {strides = array<i32>} : memref<3200xf32, #tpu.memory_space<vmem>>, vector<16xf32>,
      tpu.vector_store %arg5[%swap3A_194], %broadcast_in_dim3A_4 {strides = array<i32>} : memref<3200xf32, #tpu.memory_space<vmem>>, vector<16xf32>,
      %swap3A_196 = arith.constant 1536 : index
      %swap3A_197 = tpu.vector_load %arg5[%swap3A_196] {strides = array<i32>} : memref<3200xf32, #tpu.memory_space<vmem>>, vector<16xf32>,
      tpu.vector_store %arg5[%swap3A_196], %broadcast_in_dim3A_4 {strides = array<i32>} : memref<3200xf32, #tpu.memory_space<vmem>>, vector<16xf32>,
      %swap3A_198 = arith.constant 1552 : index
      %swap3A_199 = tpu.vector_load %arg5[%swap3A_198] {strides = array<i32>} : memref<3200xf32, #tpu.memory_space<vmem>>, vector<16xf32>,
      tpu.vector_store %arg5[%swap3A_198], %broadcast_in_dim3A_4 {strides = array<i32>} : memref<3200xf32, #tpu.memory_space<vmem>>, vector<16xf32>,
      %swap3A_200 = arith.constant 1568 : index
      %swap3A_201 = tpu.vector_load %arg5[%swap3A_200] {strides = array<i32>} : memref<3200xf32, #tpu.memory_space<vmem>>, vector<16xf32>,
      tpu.vector_store %arg5[%swap3A_200], %broadcast_in_dim3A_4 {strides = array<i32>} : memref<3200xf32, #tpu.memory_space<vmem>>, vector<16xf32>,
      %swap3A_202 = arith.constant 1584 : index
      %swap3A_203 = tpu.vector_load %arg5[%swap3A_202] {strides = array<i32>} : memref<3200xf32, #tpu.memory_space<vmem>>, vector<16xf32>,
      tpu.vector_store %arg5[%swap3A_202], %broadcast_in_dim3A_4 {strides = array<i32>} : memref<3200xf32, #tpu.memory_space<vmem>>, vector<16xf32>,
      %swap3A_204 = arith.constant 1600 : index
      %swap3A_205 = tpu.vector_load %arg5[%swap3A_204] {strides = array<i32>} : memref<3200xf32, #tpu.memory_space<vmem>>, vector<16xf32>,
      tpu.vector_store %arg5[%swap3A_204], %broadcast_in_dim3A_4 {strides = array<i32>} : memref<3200xf32, #tpu.memory_space<vmem>>, vector<16xf32>,
      %swap3A_206 = arith.constant 1616 : index
      %swap3A_207 = tpu.vector_load %arg5[%swap3A_206] {strides = array<i32>} : memref<3200xf32, #tpu.memory_space<vmem>>, vector<16xf32>,
      tpu.vector_store %arg5[%swap3A_206], %broadcast_in_dim3A_4 {strides = array<i32>} : memref<3200xf32, #tpu.memory_space<vmem>>, vector<16xf32>,
      %swap3A_208 = arith.constant 1632 : index
      %swap3A_209 = tpu.vector_load %arg5[%swap3A_208] {strides = array<i32>} : memref<3200xf32, #tpu.memory_space<vmem>>, vector<16xf32>,
      tpu.vector_store %arg5[%swap3A_208], %broadcast_in_dim3A_4 {strides = array<i32>} : memref<3200xf32, #tpu.memory_space<vmem>>, vector<16xf32>,
      %swap3A_210 = arith.constant 1648 : index
      %swap3A_211 = tpu.vector_load %arg5[%swap3A_210] {strides = array<i32>} : memref<3200xf32, #tpu.memory_space<vmem>>, vector<16xf32>,
      tpu.vector_store %arg5[%swap3A_210], %broadcast_in_dim3A_4 {strides = array<i32>} : memref<3200xf32, #tpu.memory_space<vmem>>, vector<16xf32>,
      %swap3A_212 = arith.constant 1664 : index
      %swap3A_213 = tpu.vector_load %arg5[%swap3A_212] {strides = array<i32>} : memref<3200xf32, #tpu.memory_space<vmem>>, vector<16xf32>,
      tpu.vector_store %arg5[%swap3A_212], %broadcast_in_dim3A_4 {strides = array<i32>} : memref<3200xf32, #tpu.memory_space<vmem>>, vector<16xf32>,
      %swap3A_214 = arith.constant 1680 : index
      %swap3A_215 = tpu.vector_load %arg5[%swap3A_214] {strides = array<i32>} : memref<3200xf32, #tpu.memory_space<vmem>>, vector<16xf32>,
      tpu.vector_store %arg5[%swap3A_214], %broadcast_in_dim3A_4 {strides = array<i32>} : memref<3200xf32, #tpu.memory_space<vmem>>, vector<16xf32>,
      %swap3A_216 = arith.constant 1696 : index
      %swap3A_217 = tpu.vector_load %arg5[%swap3A_216] {strides = array<i32>} : memref<3200xf32, #tpu.memory_space<vmem>>, vector<16xf32>,
      tpu.vector_store %arg5[%swap3A_216], %broadcast_in_dim3A_4 {strides = array<i32>} : memref<3200xf32, #tpu.memory_space<vmem>>, vector<16xf32>,
      %swap3A_218 = arith.constant 1712 : index
      %swap3A_219 = tpu.vector_load %arg5[%swap3A_218] {strides = array<i32>} : memref<3200xf32, #tpu.memory_space<vmem>>, vector<16xf32>,
      tpu.vector_store %arg5[%swap3A_218], %broadcast_in_dim3A_4 {strides = array<i32>} : memref<3200xf32, #tpu.memory_space<vmem>>, vector<16xf32>,
      %swap3A_220 = arith.constant 1728 : index
      %swap3A_221 = tpu.vector_load %arg5[%swap3A_220] {strides = array<i32>} : memref<3200xf32, #tpu.memory_space<vmem>>, vector<16xf32>,
      tpu.vector_store %arg5[%swap3A_220], %broadcast_in_dim3A_4 {strides = array<i32>} : memref<3200xf32, #tpu.memory_space<vmem>>, vector<16xf32>,
      %swap3A_222 = arith.constant 1744 : index
      %swap3A_223 = tpu.vector_load %arg5[%swap3A_222] {strides = array<i32>} : memref<3200xf32, #tpu.memory_space<vmem>>, vector<16xf32>,
      tpu.vector_store %arg5[%swap3A_222], %broadcast_in_dim3A_4 {strides = array<i32>} : memref<3200xf32, #tpu.memory_space<vmem>>, vector<16xf32>,
      %swap3A_224 = arith.constant 1760 : index
      %swap3A_225 = tpu.vector_load %arg5[%swap3A_224] {strides = array<i32>} : memref<3200xf32, #tpu.memory_space<vmem>>, vector<16xf32>,
      tpu.vector_store %arg5[%swap3A_224], %broadcast_in_dim3A_4 {strides = array<i32>} : memref<3200xf32, #tpu.memory_space<vmem>>, vector<16xf32>,
      %swap3A_226 = arith.constant 1776 : index
      %swap3A_227 = tpu.vector_load %arg5[%swap3A_226] {strides = array<i32>} : memref<3200xf32, #tpu.memory_space<vmem>>, vector<16xf32>,
      tpu.vector_store %arg5[%swap3A_226], %broadcast_in_dim3A_4 {strides = array<i32>} : memref<3200xf32, #tpu.memory_space<vmem>>, vector<16xf32>,
      %swap3A_228 = arith.constant 1792 : index
      %swap3A_229 = tpu.vector_load %arg5[%swap3A_228] {strides = array<i32>} : memref<3200xf32, #tpu.memory_space<vmem>>, vector<16xf32>,
      tpu.vector_store %arg5[%swap3A_228], %broadcast_in_dim3A_4 {strides = array<i32>} : memref<3200xf32, #tpu.memory_space<vmem>>, vector<16xf32>,
      %swap3A_230 = arith.constant 1808 : index
      %swap3A_231 = tpu.vector_load %arg5[%swap3A_230] {strides = array<i32>} : memref<3200xf32, #tpu.memory_space<vmem>>, vector<16xf32>,
      tpu.vector_store %arg5[%swap3A_230], %broadcast_in_dim3A_4 {strides = array<i32>} : memref<3200xf32, #tpu.memory_space<vmem>>, vector<16xf32>,
      %swap3A_232 = arith.constant 1824 : index
      %swap3A_233 = tpu.vector_load %arg5[%swap3A_232] {strides = array<i32>} : memref<3200xf32, #tpu.memory_space<vmem>>, vector<16xf32>,
      tpu.vector_store %arg5[%swap3A_232], %broadcast_in_dim3A_4 {strides = array<i32>} : memref<3200xf32, #tpu.memory_space<vmem>>, vector<16xf32>,
      %swap3A_234 = arith.constant 1840 : index
      %swap3A_235 = tpu.vector_load %arg5[%swap3A_234] {strides = array<i32>} : memref<3200xf32, #tpu.memory_space<vmem>>, vector<16xf32>,
      tpu.vector_store %arg5[%swap3A_234], %broadcast_in_dim3A_4 {strides = array<i32>} : memref<3200xf32, #tpu.memory_space<vmem>>, vector<16xf32>,
      %swap3A_236 = arith.constant 1856 : index
      %swap3A_237 = tpu.vector_load %arg5[%swap3A_236] {strides = array<i32>} : memref<3200xf32, #tpu.memory_space<vmem>>, vector<16xf32>,
      tpu.vector_store %arg5[%swap3A_236], %broadcast_in_dim3A_4 {strides = array<i32>} : memref<3200xf32, #tpu.memory_space<vmem>>, vector<16xf32>,
      %swap3A_238 = arith.constant 1872 : index
      %swap3A_239 = tpu.vector_load %arg5[%swap3A_238] {strides = array<i32>} : memref<3200xf32, #tpu.memory_space<vmem>>, vector<16xf32>,
      tpu.vector_store %arg5[%swap3A_238], %broadcast_in_dim3A_4 {strides = array<i32>} : memref<3200xf32, #tpu.memory_space<vmem>>, vector<16xf32>,
      %swap3A_240 = arith.constant 1888 : index
      %swap3A_241 = tpu.vector_load %arg5[%swap3A_240] {strides = array<i32>} : memref<3200xf32, #tpu.memory_space<vmem>>, vector<16xf32>,
      tpu.vector_store %arg5[%swap3A_240], %broadcast_in_dim3A_4 {strides = array<i32>} : memref<3200xf32, #tpu.memory_space<vmem>>, vector<16xf32>,
      %swap3A_242 = arith.constant 1904 : index
      %swap3A_243 = tpu.vector_load %arg5[%swap3A_242] {strides = array<i32>} : memref<3200xf32, #tpu.memory_space<vmem>>, vector<16xf32>,
      tpu.vector_store %arg5[%swap3A_242], %broadcast_in_dim3A_4 {strides = array<i32>} : memref<3200xf32, #tpu.memory_space<vmem>>, vector<16xf32>,
      %swap3A_244 = arith.constant 1920 : index
      %swap3A_245 = tpu.vector_load %arg5[%swap3A_244] {strides = array<i32>} : memref<3200xf32, #tpu.memory_space<vmem>>, vector<16xf32>,
      tpu.vector_store %arg5[%swap3A_244], %broadcast_in_dim3A_4 {strides = array<i32>} : memref<3200xf32, #tpu.memory_space<vmem>>, vector<16xf32>,
      %swap3A_246 = arith.constant 1936 : index
      %swap3A_247 = tpu.vector_load %arg5[%swap3A_246] {strides = array<i32>} : memref<3200xf32, #tpu.memory_space<vmem>>, vector<16xf32>,
      tpu.vector_store %arg5[%swap3A_246], %broadcast_in_dim3A_4 {strides = array<i32>} : memref<3200xf32, #tpu.memory_space<vmem>>, vector<16xf32>,
      %swap3A_248 = arith.constant 1952 : index
      %swap3A_249 = tpu.vector_load %arg5[%swap3A_248] {strides = array<i32>} : memref<3200xf32, #tpu.memory_space<vmem>>, vector<16xf32>,
      tpu.vector_store %arg5[%swap3A_248], %broadcast_in_dim3A_4 {strides = array<i32>} : memref<3200xf32, #tpu.memory_space<vmem>>, vector<16xf32>,
      %swap3A_250 = arith.constant 1968 : index
      %swap3A_251 = tpu.vector_load %arg5[%swap3A_250] {strides = array<i32>} : memref<3200xf32, #tpu.memory_space<vmem>>, vector<16xf32>,
      tpu.vector_store %arg5[%swap3A_250], %broadcast_in_dim3A_4 {strides = array<i32>} : memref<3200xf32, #tpu.memory_space<vmem>>, vector<16xf32>,
      %swap3A_252 = arith.constant 1984 : index
      %swap3A_253 = tpu.vector_load %arg5[%swap3A_252] {strides = array<i32>} : memref<3200xf32, #tpu.memory_space<vmem>>, vector<16xf32>,
      tpu.vector_store %arg5[%swap3A_252], %broadcast_in_dim3A_4 {strides = array<i32>} : memref<3200xf32, #tpu.memory_space<vmem>>, vector<16xf32>,
      %swap3A_254 = arith.constant 2000 : index
      %swap3A_255 = tpu.vector_load %arg5[%swap3A_254] {strides = array<i32>} : memref<3200xf32, #tpu.memory_space<vmem>>, vector<16xf32>,
      tpu.vector_store %arg5[%swap3A_254], %broadcast_in_dim3A_4 {strides = array<i32>} : memref<3200xf32, #tpu.memory_space<vmem>>, vector<16xf32>,
      %swap3A_256 = arith.constant 2016 : index
      %swap3A_257 = tpu.vector_load %arg5[%swap3A_256] {strides = array<i32>} : memref<3200xf32, #tpu.memory_space<vmem>>, vector<16xf32>,
      tpu.vector_store %arg5[%swap3A_256], %broadcast_in_dim3A_4 {strides = array<i32>} : memref<3200xf32, #tpu.memory_space<vmem>>, vector<16xf32>,
      %swap3A_258 = arith.constant 2032 : index
      %swap3A_259 = tpu.vector_load %arg5[%swap3A_258] {strides = array<i32>} : memref<3200xf32, #tpu.memory_space<vmem>>, vector<16xf32>,
      tpu.vector_store %arg5[%swap3A_258], %broadcast_in_dim3A_4 {strides = array<i32>} : memref<3200xf32, #tpu.memory_space<vmem>>, vector<16xf32>,
      %swap3A_260 = arith.constant 2048 : index
      %swap3A_261 = tpu.vector_load %arg5[%swap3A_260] {strides = array<i32>} : memref<3200xf32, #tpu.memory_space<vmem>>, vector<16xf32>,
      tpu.vector_store %arg5[%swap3A_260], %broadcast_in_dim3A_4 {strides = array<i32>} : memref<3200xf32, #tpu.memory_space<vmem>>, vector<16xf32>,
      %swap3A_262 = arith.constant 2064 : index
      %swap3A_263 = tpu.vector_load %arg5[%swap3A_262] {strides = array<i32>} : memref<3200xf32, #tpu.memory_space<vmem>>, vector<16xf32>,
      tpu.vector_store %arg5[%swap3A_262], %broadcast_in_dim3A_4 {strides = array<i32>} : memref<3200xf32, #tpu.memory_space<vmem>>, vector<16xf32>,
      %swap3A_264 = arith.constant 2080 : index
      %swap3A_265 = tpu.vector_load %arg5[%swap3A_264] {strides = array<i32>} : memref<3200xf32, #tpu.memory_space<vmem>>, vector<16xf32>,
      tpu.vector_store %arg5[%swap3A_264], %broadcast_in_dim3A_4 {strides = array<i32>} : memref<3200xf32, #tpu.memory_space<vmem>>, vector<16xf32>,
      %swap3A_266 = arith.constant 2096 : index
      %swap3A_267 = tpu.vector_load %arg5[%swap3A_266] {strides = array<i32>} : memref<3200xf32, #tpu.memory_space<vmem>>, vector<16xf32>,
      tpu.vector_store %arg5[%swap3A_266], %broadcast_in_dim3A_4 {strides = array<i32>} : memref<3200xf32, #tpu.memory_space<vmem>>, vector<16xf32>,
      %swap3A_268 = arith.constant 2112 : index
      %swap3A_269 = tpu.vector_load %arg5[%swap3A_268] {strides = array<i32>} : memref<3200xf32, #tpu.memory_space<vmem>>, vector<16xf32>,
      tpu.vector_store %arg5[%swap3A_268], %broadcast_in_dim3A_4 {strides = array<i32>} : memref<3200xf32, #tpu.memory_space<vmem>>, vector<16xf32>,
      %swap3A_270 = arith.constant 2128 : index
      %swap3A_271 = tpu.vector_load %arg5[%swap3A_270] {strides = array<i32>} : memref<3200xf32, #tpu.memory_space<vmem>>, vector<16xf32>,
      tpu.vector_store %arg5[%swap3A_270], %broadcast_in_dim3A_4 {strides = array<i32>} : memref<3200xf32, #tpu.memory_space<vmem>>, vector<16xf32>,
      %swap3A_272 = arith.constant 2144 : index
      %swap3A_273 = tpu.vector_load %arg5[%swap3A_272] {strides = array<i32>} : memref<3200xf32, #tpu.memory_space<vmem>>, vector<16xf32>,
      tpu.vector_store %arg5[%swap3A_272], %broadcast_in_dim3A_4 {strides = array<i32>} : memref<3200xf32, #tpu.memory_space<vmem>>, vector<16xf32>,
      %swap3A_274 = arith.constant 2160 : index
      %swap3A_275 = tpu.vector_load %arg5[%swap3A_274] {strides = array<i32>} : memref<3200xf32, #tpu.memory_space<vmem>>, vector<16xf32>,
      tpu.vector_store %arg5[%swap3A_274], %broadcast_in_dim3A_4 {strides = array<i32>} : memref<3200xf32, #tpu.memory_space<vmem>>, vector<16xf32>,
      %swap3A_276 = arith.constant 2176 : index
      %swap3A_277 = tpu.vector_load %arg5[%swap3A_276] {strides = array<i32>} : memref<3200xf32, #tpu.memory_space<vmem>>, vector<16xf32>,
      tpu.vector_store %arg5[%swap3A_276], %broadcast_in_dim3A_4 {strides = array<i32>} : memref<3200xf32, #tpu.memory_space<vmem>>, vector<16xf32>,
      %swap3A_278 = arith.constant 2192 : index
      %swap3A_279 = tpu.vector_load %arg5[%swap3A_278] {strides = array<i32>} : memref<3200xf32, #tpu.memory_space<vmem>>, vector<16xf32>,
      tpu.vector_store %arg5[%swap3A_278], %broadcast_in_dim3A_4 {strides = array<i32>} : memref<3200xf32, #tpu.memory_space<vmem>>, vector<16xf32>,
      %swap3A_280 = arith.constant 2208 : index
      %swap3A_281 = tpu.vector_load %arg5[%swap3A_280] {strides = array<i32>} : memref<3200xf32, #tpu.memory_space<vmem>>, vector<16xf32>,
      tpu.vector_store %arg5[%swap3A_280], %broadcast_in_dim3A_4 {strides = array<i32>} : memref<3200xf32, #tpu.memory_space<vmem>>, vector<16xf32>,
      %swap3A_282 = arith.constant 2224 : index
      %swap3A_283 = tpu.vector_load %arg5[%swap3A_282] {strides = array<i32>} : memref<3200xf32, #tpu.memory_space<vmem>>, vector<16xf32>,
      tpu.vector_store %arg5[%swap3A_282], %broadcast_in_dim3A_4 {strides = array<i32>} : memref<3200xf32, #tpu.memory_space<vmem>>, vector<16xf32>,
      %swap3A_284 = arith.constant 2240 : index
      %swap3A_285 = tpu.vector_load %arg5[%swap3A_284] {strides = array<i32>} : memref<3200xf32, #tpu.memory_space<vmem>>, vector<16xf32>,
      tpu.vector_store %arg5[%swap3A_284], %broadcast_in_dim3A_4 {strides = array<i32>} : memref<3200xf32, #tpu.memory_space<vmem>>, vector<16xf32>,
      %swap3A_286 = arith.constant 2256 : index
      %swap3A_287 = tpu.vector_load %arg5[%swap3A_286] {strides = array<i32>} : memref<3200xf32, #tpu.memory_space<vmem>>, vector<16xf32>,
      tpu.vector_store %arg5[%swap3A_286], %broadcast_in_dim3A_4 {strides = array<i32>} : memref<3200xf32, #tpu.memory_space<vmem>>, vector<16xf32>,
      %swap3A_288 = arith.constant 2272 : index
      %swap3A_289 = tpu.vector_load %arg5[%swap3A_288] {strides = array<i32>} : memref<3200xf32, #tpu.memory_space<vmem>>, vector<16xf32>,
      tpu.vector_store %arg5[%swap3A_288], %broadcast_in_dim3A_4 {strides = array<i32>} : memref<3200xf32, #tpu.memory_space<vmem>>, vector<16xf32>,
      %swap3A_290 = arith.constant 2288 : index
      %swap3A_291 = tpu.vector_load %arg5[%swap3A_290] {strides = array<i32>} : memref<3200xf32, #tpu.memory_space<vmem>>, vector<16xf32>,
      tpu.vector_store %arg5[%swap3A_290], %broadcast_in_dim3A_4 {strides = array<i32>} : memref<3200xf32, #tpu.memory_space<vmem>>, vector<16xf32>,
      %swap3A_292 = arith.constant 2304 : index
      %swap3A_293 = tpu.vector_load %arg5[%swap3A_292] {strides = array<i32>} : memref<3200xf32, #tpu.memory_space<vmem>>, vector<16xf32>,
      tpu.vector_store %arg5[%swap3A_292], %broadcast_in_dim3A_4 {strides = array<i32>} : memref<3200xf32, #tpu.memory_space<vmem>>, vector<16xf32>,
      %swap3A_294 = arith.constant 2320 : index
      %swap3A_295 = tpu.vector_load %arg5[%swap3A_294] {strides = array<i32>} : memref<3200xf32, #tpu.memory_space<vmem>>, vector<16xf32>,
      tpu.vector_store %arg5[%swap3A_294], %broadcast_in_dim3A_4 {strides = array<i32>} : memref<3200xf32, #tpu.memory_space<vmem>>, vector<16xf32>,
      %swap3A_296 = arith.constant 2336 : index
      %swap3A_297 = tpu.vector_load %arg5[%swap3A_296] {strides = array<i32>} : memref<3200xf32, #tpu.memory_space<vmem>>, vector<16xf32>,
      tpu.vector_store %arg5[%swap3A_296], %broadcast_in_dim3A_4 {strides = array<i32>} : memref<3200xf32, #tpu.memory_space<vmem>>, vector<16xf32>,
      %swap3A_298 = arith.constant 2352 : index
      %swap3A_299 = tpu.vector_load %arg5[%swap3A_298] {strides = array<i32>} : memref<3200xf32, #tpu.memory_space<vmem>>, vector<16xf32>,
      tpu.vector_store %arg5[%swap3A_298], %broadcast_in_dim3A_4 {strides = array<i32>} : memref<3200xf32, #tpu.memory_space<vmem>>, vector<16xf32>,
      %swap3A_300 = arith.constant 2368 : index
      %swap3A_301 = tpu.vector_load %arg5[%swap3A_300] {strides = array<i32>} : memref<3200xf32, #tpu.memory_space<vmem>>, vector<16xf32>,
      tpu.vector_store %arg5[%swap3A_300], %broadcast_in_dim3A_4 {strides = array<i32>} : memref<3200xf32, #tpu.memory_space<vmem>>, vector<16xf32>,
      %swap3A_302 = arith.constant 2384 : index
      %swap3A_303 = tpu.vector_load %arg5[%swap3A_302] {strides = array<i32>} : memref<3200xf32, #tpu.memory_space<vmem>>, vector<16xf32>,
      tpu.vector_store %arg5[%swap3A_302], %broadcast_in_dim3A_4 {strides = array<i32>} : memref<3200xf32, #tpu.memory_space<vmem>>, vector<16xf32>,
      %swap3A_304 = arith.constant 2400 : index
      %swap3A_305 = tpu.vector_load %arg5[%swap3A_304] {strides = array<i32>} : memref<3200xf32, #tpu.memory_space<vmem>>, vector<16xf32>,
      tpu.vector_store %arg5[%swap3A_304], %broadcast_in_dim3A_4 {strides = array<i32>} : memref<3200xf32, #tpu.memory_space<vmem>>, vector<16xf32>,
      %swap3A_306 = arith.constant 2416 : index
      %swap3A_307 = tpu.vector_load %arg5[%swap3A_306] {strides = array<i32>} : memref<3200xf32, #tpu.memory_space<vmem>>, vector<16xf32>,
      tpu.vector_store %arg5[%swap3A_306], %broadcast_in_dim3A_4 {strides = array<i32>} : memref<3200xf32, #tpu.memory_space<vmem>>, vector<16xf32>,
      %swap3A_308 = arith.constant 2432 : index
      %swap3A_309 = tpu.vector_load %arg5[%swap3A_308] {strides = array<i32>} : memref<3200xf32, #tpu.memory_space<vmem>>, vector<16xf32>,
      tpu.vector_store %arg5[%swap3A_308], %broadcast_in_dim3A_4 {strides = array<i32>} : memref<3200xf32, #tpu.memory_space<vmem>>, vector<16xf32>,
      %swap3A_310 = arith.constant 2448 : index
      %swap3A_311 = tpu.vector_load %arg5[%swap3A_310] {strides = array<i32>} : memref<3200xf32, #tpu.memory_space<vmem>>, vector<16xf32>,
      tpu.vector_store %arg5[%swap3A_310], %broadcast_in_dim3A_4 {strides = array<i32>} : memref<3200xf32, #tpu.memory_space<vmem>>, vector<16xf32>,
      %swap3A_312 = arith.constant 2464 : index
      %swap3A_313 = tpu.vector_load %arg5[%swap3A_312] {strides = array<i32>} : memref<3200xf32, #tpu.memory_space<vmem>>, vector<16xf32>,
      tpu.vector_store %arg5[%swap3A_312], %broadcast_in_dim3A_4 {strides = array<i32>} : memref<3200xf32, #tpu.memory_space<vmem>>, vector<16xf32>,
      %swap3A_314 = arith.constant 2480 : index
      %swap3A_315 = tpu.vector_load %arg5[%swap3A_314] {strides = array<i32>} : memref<3200xf32, #tpu.memory_space<vmem>>, vector<16xf32>,
      tpu.vector_store %arg5[%swap3A_314], %broadcast_in_dim3A_4 {strides = array<i32>} : memref<3200xf32, #tpu.memory_space<vmem>>, vector<16xf32>,
      %swap3A_316 = arith.constant 2496 : index
      %swap3A_317 = tpu.vector_load %arg5[%swap3A_316] {strides = array<i32>} : memref<3200xf32, #tpu.memory_space<vmem>>, vector<16xf32>,
      tpu.vector_store %arg5[%swap3A_316], %broadcast_in_dim3A_4 {strides = array<i32>} : memref<3200xf32, #tpu.memory_space<vmem>>, vector<16xf32>,
      %swap3A_318 = arith.constant 2512 : index
      %swap3A_319 = tpu.vector_load %arg5[%swap3A_318] {strides = array<i32>} : memref<3200xf32, #tpu.memory_space<vmem>>, vector<16xf32>,
      tpu.vector_store %arg5[%swap3A_318], %broadcast_in_dim3A_4 {strides = array<i32>} : memref<3200xf32, #tpu.memory_space<vmem>>, vector<16xf32>,
      %swap3A_320 = arith.constant 2528 : index
      %swap3A_321 = tpu.vector_load %arg5[%swap3A_320] {strides = array<i32>} : memref<3200xf32, #tpu.memory_space<vmem>>, vector<16xf32>,
      tpu.vector_store %arg5[%swap3A_320], %broadcast_in_dim3A_4 {strides = array<i32>} : memref<3200xf32, #tpu.memory_space<vmem>>, vector<16xf32>,
      %swap3A_322 = arith.constant 2544 : index
      %swap3A_323 = tpu.vector_load %arg5[%swap3A_322] {strides = array<i32>} : memref<3200xf32, #tpu.memory_space<vmem>>, vector<16xf32>,
      tpu.vector_store %arg5[%swap3A_322], %broadcast_in_dim3A_4 {strides = array<i32>} : memref<3200xf32, #tpu.memory_space<vmem>>, vector<16xf32>,
      %swap3A_324 = arith.constant 2560 : index
      %swap3A_325 = tpu.vector_load %arg5[%swap3A_324] {strides = array<i32>} : memref<3200xf32, #tpu.memory_space<vmem>>, vector<16xf32>,
      tpu.vector_store %arg5[%swap3A_324], %broadcast_in_dim3A_4 {strides = array<i32>} : memref<3200xf32, #tpu.memory_space<vmem>>, vector<16xf32>,
      %swap3A_326 = arith.constant 2576 : index
      %swap3A_327 = tpu.vector_load %arg5[%swap3A_326] {strides = array<i32>} : memref<3200xf32, #tpu.memory_space<vmem>>, vector<16xf32>,
      tpu.vector_store %arg5[%swap3A_326], %broadcast_in_dim3A_4 {strides = array<i32>} : memref<3200xf32, #tpu.memory_space<vmem>>, vector<16xf32>,
      %swap3A_328 = arith.constant 2592 : index
      %swap3A_329 = tpu.vector_load %arg5[%swap3A_328] {strides = array<i32>} : memref<3200xf32, #tpu.memory_space<vmem>>, vector<16xf32>,
      tpu.vector_store %arg5[%swap3A_328], %broadcast_in_dim3A_4 {strides = array<i32>} : memref<3200xf32, #tpu.memory_space<vmem>>, vector<16xf32>,
      %swap3A_330 = arith.constant 2608 : index
      %swap3A_331 = tpu.vector_load %arg5[%swap3A_330] {strides = array<i32>} : memref<3200xf32, #tpu.memory_space<vmem>>, vector<16xf32>,
      tpu.vector_store %arg5[%swap3A_330], %broadcast_in_dim3A_4 {strides = array<i32>} : memref<3200xf32, #tpu.memory_space<vmem>>, vector<16xf32>,
      %swap3A_332 = arith.constant 2624 : index
      %swap3A_333 = tpu.vector_load %arg5[%swap3A_332] {strides = array<i32>} : memref<3200xf32, #tpu.memory_space<vmem>>, vector<16xf32>,
      tpu.vector_store %arg5[%swap3A_332], %broadcast_in_dim3A_4 {strides = array<i32>} : memref<3200xf32, #tpu.memory_space<vmem>>, vector<16xf32>,
      %swap3A_334 = arith.constant 2640 : index
      %swap3A_335 = tpu.vector_load %arg5[%swap3A_334] {strides = array<i32>} : memref<3200xf32, #tpu.memory_space<vmem>>, vector<16xf32>,
      tpu.vector_store %arg5[%swap3A_334], %broadcast_in_dim3A_4 {strides = array<i32>} : memref<3200xf32, #tpu.memory_space<vmem>>, vector<16xf32>,
      %swap3A_336 = arith.constant 2656 : index
      %swap3A_337 = tpu.vector_load %arg5[%swap3A_336] {strides = array<i32>} : memref<3200xf32, #tpu.memory_space<vmem>>, vector<16xf32>,
      tpu.vector_store %arg5[%swap3A_336], %broadcast_in_dim3A_4 {strides = array<i32>} : memref<3200xf32, #tpu.memory_space<vmem>>, vector<16xf32>,
      %swap3A_338 = arith.constant 2672 : index
      %swap3A_339 = tpu.vector_load %arg5[%swap3A_338] {strides = array<i32>} : memref<3200xf32, #tpu.memory_space<vmem>>, vector<16xf32>,
      tpu.vector_store %arg5[%swap3A_338], %broadcast_in_dim3A_4 {strides = array<i32>} : memref<3200xf32, #tpu.memory_space<vmem>>, vector<16xf32>,
      %swap3A_340 = arith.constant 2688 : index
      %swap3A_341 = tpu.vector_load %arg5[%swap3A_340] {strides = array<i32>} : memref<3200xf32, #tpu.memory_space<vmem>>, vector<16xf32>,
      tpu.vector_store %arg5[%swap3A_340], %broadcast_in_dim3A_4 {strides = array<i32>} : memref<3200xf32, #tpu.memory_space<vmem>>, vector<16xf32>,
      %swap3A_342 = arith.constant 2704 : index
      %swap3A_343 = tpu.vector_load %arg5[%swap3A_342] {strides = array<i32>} : memref<3200xf32, #tpu.memory_space<vmem>>, vector<16xf32>,
      tpu.vector_store %arg5[%swap3A_342], %broadcast_in_dim3A_4 {strides = array<i32>} : memref<3200xf32, #tpu.memory_space<vmem>>, vector<16xf32>,
      %swap3A_344 = arith.constant 2720 : index
      %swap3A_345 = tpu.vector_load %arg5[%swap3A_344] {strides = array<i32>} : memref<3200xf32, #tpu.memory_space<vmem>>, vector<16xf32>,
      tpu.vector_store %arg5[%swap3A_344], %broadcast_in_dim3A_4 {strides = array<i32>} : memref<3200xf32, #tpu.memory_space<vmem>>, vector<16xf32>,
      %swap3A_346 = arith.constant 2736 : index
      %swap3A_347 = tpu.vector_load %arg5[%swap3A_346] {strides = array<i32>} : memref<3200xf32, #tpu.memory_space<vmem>>, vector<16xf32>,
      tpu.vector_store %arg5[%swap3A_346], %broadcast_in_dim3A_4 {strides = array<i32>} : memref<3200xf32, #tpu.memory_space<vmem>>, vector<16xf32>,
      %swap3A_348 = arith.constant 2752 : index
      %swap3A_349 = tpu.vector_load %arg5[%swap3A_348] {strides = array<i32>} : memref<3200xf32, #tpu.memory_space<vmem>>, vector<16xf32>,
      tpu.vector_store %arg5[%swap3A_348], %broadcast_in_dim3A_4 {strides = array<i32>} : memref<3200xf32, #tpu.memory_space<vmem>>, vector<16xf32>,
      %swap3A_350 = arith.constant 2768 : index
      %swap3A_351 = tpu.vector_load %arg5[%swap3A_350] {strides = array<i32>} : memref<3200xf32, #tpu.memory_space<vmem>>, vector<16xf32>,
      tpu.vector_store %arg5[%swap3A_350], %broadcast_in_dim3A_4 {strides = array<i32>} : memref<3200xf32, #tpu.memory_space<vmem>>, vector<16xf32>,
      %swap3A_352 = arith.constant 2784 : index
      %swap3A_353 = tpu.vector_load %arg5[%swap3A_352] {strides = array<i32>} : memref<3200xf32, #tpu.memory_space<vmem>>, vector<16xf32>,
      tpu.vector_store %arg5[%swap3A_352], %broadcast_in_dim3A_4 {strides = array<i32>} : memref<3200xf32, #tpu.memory_space<vmem>>, vector<16xf32>,
      %swap3A_354 = arith.constant 2800 : index
      %swap3A_355 = tpu.vector_load %arg5[%swap3A_354] {strides = array<i32>} : memref<3200xf32, #tpu.memory_space<vmem>>, vector<16xf32>,
      tpu.vector_store %arg5[%swap3A_354], %broadcast_in_dim3A_4 {strides = array<i32>} : memref<3200xf32, #tpu.memory_space<vmem>>, vector<16xf32>,
      %swap3A_356 = arith.constant 2816 : index
      %swap3A_357 = tpu.vector_load %arg5[%swap3A_356] {strides = array<i32>} : memref<3200xf32, #tpu.memory_space<vmem>>, vector<16xf32>,
      tpu.vector_store %arg5[%swap3A_356], %broadcast_in_dim3A_4 {strides = array<i32>} : memref<3200xf32, #tpu.memory_space<vmem>>, vector<16xf32>,
      %swap3A_358 = arith.constant 2832 : index
      %swap3A_359 = tpu.vector_load %arg5[%swap3A_358] {strides = array<i32>} : memref<3200xf32, #tpu.memory_space<vmem>>, vector<16xf32>,
      tpu.vector_store %arg5[%swap3A_358], %broadcast_in_dim3A_4 {strides = array<i32>} : memref<3200xf32, #tpu.memory_space<vmem>>, vector<16xf32>,
      %swap3A_360 = arith.constant 2848 : index
      %swap3A_361 = tpu.vector_load %arg5[%swap3A_360] {strides = array<i32>} : memref<3200xf32, #tpu.memory_space<vmem>>, vector<16xf32>,
      tpu.vector_store %arg5[%swap3A_360], %broadcast_in_dim3A_4 {strides = array<i32>} : memref<3200xf32, #tpu.memory_space<vmem>>, vector<16xf32>,
      %swap3A_362 = arith.constant 2864 : index
      %swap3A_363 = tpu.vector_load %arg5[%swap3A_362] {strides = array<i32>} : memref<3200xf32, #tpu.memory_space<vmem>>, vector<16xf32>,
      tpu.vector_store %arg5[%swap3A_362], %broadcast_in_dim3A_4 {strides = array<i32>} : memref<3200xf32, #tpu.memory_space<vmem>>, vector<16xf32>,
      %swap3A_364 = arith.constant 2880 : index
      %swap3A_365 = tpu.vector_load %arg5[%swap3A_364] {strides = array<i32>} : memref<3200xf32, #tpu.memory_space<vmem>>, vector<16xf32>,
      tpu.vector_store %arg5[%swap3A_364], %broadcast_in_dim3A_4 {strides = array<i32>} : memref<3200xf32, #tpu.memory_space<vmem>>, vector<16xf32>,
      %swap3A_366 = arith.constant 2896 : index
      %swap3A_367 = tpu.vector_load %arg5[%swap3A_366] {strides = array<i32>} : memref<3200xf32, #tpu.memory_space<vmem>>, vector<16xf32>,
      tpu.vector_store %arg5[%swap3A_366], %broadcast_in_dim3A_4 {strides = array<i32>} : memref<3200xf32, #tpu.memory_space<vmem>>, vector<16xf32>,
      %swap3A_368 = arith.constant 2912 : index
      %swap3A_369 = tpu.vector_load %arg5[%swap3A_368] {strides = array<i32>} : memref<3200xf32, #tpu.memory_space<vmem>>, vector<16xf32>,
      tpu.vector_store %arg5[%swap3A_368], %broadcast_in_dim3A_4 {strides = array<i32>} : memref<3200xf32, #tpu.memory_space<vmem>>, vector<16xf32>,
      %swap3A_370 = arith.constant 2928 : index
      %swap3A_371 = tpu.vector_load %arg5[%swap3A_370] {strides = array<i32>} : memref<3200xf32, #tpu.memory_space<vmem>>, vector<16xf32>,
      tpu.vector_store %arg5[%swap3A_370], %broadcast_in_dim3A_4 {strides = array<i32>} : memref<3200xf32, #tpu.memory_space<vmem>>, vector<16xf32>,
      %swap3A_372 = arith.constant 2944 : index
      %swap3A_373 = tpu.vector_load %arg5[%swap3A_372] {strides = array<i32>} : memref<3200xf32, #tpu.memory_space<vmem>>, vector<16xf32>,
      tpu.vector_store %arg5[%swap3A_372], %broadcast_in_dim3A_4 {strides = array<i32>} : memref<3200xf32, #tpu.memory_space<vmem>>, vector<16xf32>,
      %swap3A_374 = arith.constant 2960 : index
      %swap3A_375 = tpu.vector_load %arg5[%swap3A_374] {strides = array<i32>} : memref<3200xf32, #tpu.memory_space<vmem>>, vector<16xf32>,
      tpu.vector_store %arg5[%swap3A_374], %broadcast_in_dim3A_4 {strides = array<i32>} : memref<3200xf32, #tpu.memory_space<vmem>>, vector<16xf32>,
      %swap3A_376 = arith.constant 2976 : index
      %swap3A_377 = tpu.vector_load %arg5[%swap3A_376] {strides = array<i32>} : memref<3200xf32, #tpu.memory_space<vmem>>, vector<16xf32>,
      tpu.vector_store %arg5[%swap3A_376], %broadcast_in_dim3A_4 {strides = array<i32>} : memref<3200xf32, #tpu.memory_space<vmem>>, vector<16xf32>,
      %swap3A_378 = arith.constant 2992 : index
      %swap3A_379 = tpu.vector_load %arg5[%swap3A_378] {strides = array<i32>} : memref<3200xf32, #tpu.memory_space<vmem>>, vector<16xf32>,
      tpu.vector_store %arg5[%swap3A_378], %broadcast_in_dim3A_4 {strides = array<i32>} : memref<3200xf32, #tpu.memory_space<vmem>>, vector<16xf32>,
      %swap3A_380 = arith.constant 3008 : index
      %swap3A_381 = tpu.vector_load %arg5[%swap3A_380] {strides = array<i32>} : memref<3200xf32, #tpu.memory_space<vmem>>, vector<16xf32>,
      tpu.vector_store %arg5[%swap3A_380], %broadcast_in_dim3A_4 {strides = array<i32>} : memref<3200xf32, #tpu.memory_space<vmem>>, vector<16xf32>,
      %swap3A_382 = arith.constant 3024 : index
      %swap3A_383 = tpu.vector_load %arg5[%swap3A_382] {strides = array<i32>} : memref<3200xf32, #tpu.memory_space<vmem>>, vector<16xf32>,
      tpu.vector_store %arg5[%swap3A_382], %broadcast_in_dim3A_4 {strides = array<i32>} : memref<3200xf32, #tpu.memory_space<vmem>>, vector<16xf32>,
      %swap3A_384 = arith.constant 3040 : index
      %swap3A_385 = tpu.vector_load %arg5[%swap3A_384] {strides = array<i32>} : memref<3200xf32, #tpu.memory_space<vmem>>, vector<16xf32>,
      tpu.vector_store %arg5[%swap3A_384], %broadcast_in_dim3A_4 {strides = array<i32>} : memref<3200xf32, #tpu.memory_space<vmem>>, vector<16xf32>,
      %swap3A_386 = arith.constant 3056 : index
      %swap3A_387 = tpu.vector_load %arg5[%swap3A_386] {strides = array<i32>} : memref<3200xf32, #tpu.memory_space<vmem>>, vector<16xf32>,
      tpu.vector_store %arg5[%swap3A_386], %broadcast_in_dim3A_4 {strides = array<i32>} : memref<3200xf32, #tpu.memory_space<vmem>>, vector<16xf32>,
      %swap3A_388 = arith.constant 3072 : index
      %swap3A_389 = tpu.vector_load %arg5[%swap3A_388] {strides = array<i32>} : memref<3200xf32, #tpu.memory_space<vmem>>, vector<16xf32>,
      tpu.vector_store %arg5[%swap3A_388], %broadcast_in_dim3A_4 {strides = array<i32>} : memref<3200xf32, #tpu.memory_space<vmem>>, vector<16xf32>,
      %swap3A_390 = arith.constant 3088 : index
      %swap3A_391 = tpu.vector_load %arg5[%swap3A_390] {strides = array<i32>} : memref<3200xf32, #tpu.memory_space<vmem>>, vector<16xf32>,
      tpu.vector_store %arg5[%swap3A_390], %broadcast_in_dim3A_4 {strides = array<i32>} : memref<3200xf32, #tpu.memory_space<vmem>>, vector<16xf32>,
      %swap3A_392 = arith.constant 3104 : index
      %swap3A_393 = tpu.vector_load %arg5[%swap3A_392] {strides = array<i32>} : memref<3200xf32, #tpu.memory_space<vmem>>, vector<16xf32>,
      tpu.vector_store %arg5[%swap3A_392], %broadcast_in_dim3A_4 {strides = array<i32>} : memref<3200xf32, #tpu.memory_space<vmem>>, vector<16xf32>,
      %swap3A_394 = arith.constant 3120 : index
      %swap3A_395 = tpu.vector_load %arg5[%swap3A_394] {strides = array<i32>} : memref<3200xf32, #tpu.memory_space<vmem>>, vector<16xf32>,
      tpu.vector_store %arg5[%swap3A_394], %broadcast_in_dim3A_4 {strides = array<i32>} : memref<3200xf32, #tpu.memory_space<vmem>>, vector<16xf32>,
      %swap3A_396 = arith.constant 3136 : index
      %swap3A_397 = tpu.vector_load %arg5[%swap3A_396] {strides = array<i32>} : memref<3200xf32, #tpu.memory_space<vmem>>, vector<16xf32>,
      tpu.vector_store %arg5[%swap3A_396], %broadcast_in_dim3A_4 {strides = array<i32>} : memref<3200xf32, #tpu.memory_space<vmem>>, vector<16xf32>,
      %swap3A_398 = arith.constant 3152 : index
      %swap3A_399 = tpu.vector_load %arg5[%swap3A_398] {strides = array<i32>} : memref<3200xf32, #tpu.memory_space<vmem>>, vector<16xf32>,
      tpu.vector_store %arg5[%swap3A_398], %broadcast_in_dim3A_4 {strides = array<i32>} : memref<3200xf32, #tpu.memory_space<vmem>>, vector<16xf32>,
      %swap3A_400 = arith.constant 3168 : index
      %swap3A_401 = tpu.vector_load %arg5[%swap3A_400] {strides = array<i32>} : memref<3200xf32, #tpu.memory_space<vmem>>, vector<16xf32>,
      tpu.vector_store %arg5[%swap3A_400], %broadcast_in_dim3A_4 {strides = array<i32>} : memref<3200xf32, #tpu.memory_space<vmem>>, vector<16xf32>,
      %swap3A_402 = arith.constant 3184 : index
      %swap3A_403 = tpu.vector_load %arg5[%swap3A_402] {strides = array<i32>} : memref<3200xf32, #tpu.memory_space<vmem>>, vector<16xf32>,
      tpu.vector_store %arg5[%swap3A_402], %broadcast_in_dim3A_4 {strides = array<i32>} : memref<3200xf32, #tpu.memory_space<vmem>>, vector<16xf32>,
      %broadcast_in_dim3A_404 = arith.constant 1.000000e+00 : f32
      %broadcast_in_dim3A_405 = vector.broadcast %broadcast_in_dim3A_404 : f32 to vector<16xf32>
      %get3A = arith.constant 0 : i32
      %get3A_406 = arith.index_cast %get3A : i32 to index
      %get3A_407 = arith.constant 0 : index
      %get3A_408 = tpu.vector_load %arg4[%get3A_406, %get3A_407] {strides = array<i32>} : memref<2x800xi32, #tpu.memory_space<vmem>>, vector<16xi32>,
      %get3A_409 = arith.constant 1 : i32
      %get3A_410 = arith.index_cast %get3A_409 : i32 to index
      %get3A_411 = arith.constant 0 : index
      %get3A_412 = tpu.vector_load %arg4[%get3A_410, %get3A_411] {strides = array<i32>} : memref<2x800xi32, #tpu.memory_space<vmem>>, vector<16xi32>,
      %mul3A = arith.constant 64 : i32
      %mul3A_413 = vector.broadcast %mul3A : i32 to vector<16xi32>
      %mul3A_414 = arith.muli %get3A_412, %mul3A_413 : vector<16xi32>
      %add3A = arith.addi %mul3A_414, %get3A_408 : vector<16xi32>
      tpu.vector_store_idx %arg5[%add3A], %broadcast_in_dim3A_405 {add = true} : memref<3200xf32, #tpu.memory_space<vmem>>[vector<16xi32>], vector<16xf32>,
      %get3A_415 = arith.constant 0 : i32
      %get3A_416 = arith.index_cast %get3A_415 : i32 to index
      %get3A_417 = arith.constant 16 : index
      %get3A_418 = tpu.vector_load %arg4[%get3A_416, %get3A_417] {strides = array<i32>} : memref<2x800xi32, #tpu.memory_space<vmem>>, vector<16xi32>,
      %get3A_419 = arith.constant 1 : i32
      %get3A_420 = arith.index_cast %get3A_419 : i32 to index
      %get3A_421 = arith.constant 16 : index
      %get3A_422 = tpu.vector_load %arg4[%get3A_420, %get3A_421] {strides = array<i32>} : memref<2x800xi32, #tpu.memory_space<vmem>>, vector<16xi32>,
      %mul3A_423 = arith.constant 64 : i32
      %mul3A_424 = vector.broadcast %mul3A_423 : i32 to vector<16xi32>
      %mul3A_425 = arith.muli %get3A_422, %mul3A_424 : vector<16xi32>
      %add3A_426 = arith.addi %mul3A_425, %get3A_418 : vector<16xi32>
      tpu.vector_store_idx %arg5[%add3A_426], %broadcast_in_dim3A_405 {add = true} : memref<3200xf32, #tpu.memory_space<vmem>>[vector<16xi32>], vector<16xf32>,
      %get3A_427 = arith.constant 0 : i32
      %get3A_428 = arith.index_cast %get3A_427 : i32 to index
      %get3A_429 = arith.constant 32 : index
      %get3A_430 = tpu.vector_load %arg4[%get3A_428, %get3A_429] {strides = array<i32>} : memref<2x800xi32, #tpu.memory_space<vmem>>, vector<16xi32>,
      %get3A_431 = arith.constant 1 : i32
      %get3A_432 = arith.index_cast %get3A_431 : i32 to index
      %get3A_433 = arith.constant 32 : index
      %get3A_434 = tpu.vector_load %arg4[%get3A_432, %get3A_433] {strides = array<i32>} : memref<2x800xi32, #tpu.memory_space<vmem>>, vector<16xi32>,
      %mul3A_435 = arith.constant 64 : i32
      %mul3A_436 = vector.broadcast %mul3A_435 : i32 to vector<16xi32>
      %mul3A_437 = arith.muli %get3A_434, %mul3A_436 : vector<16xi32>
      %add3A_438 = arith.addi %mul3A_437, %get3A_430 : vector<16xi32>
      tpu.vector_store_idx %arg5[%add3A_438], %broadcast_in_dim3A_405 {add = true} : memref<3200xf32, #tpu.memory_space<vmem>>[vector<16xi32>], vector<16xf32>,
      %get3A_439 = arith.constant 0 : i32
      %get3A_440 = arith.index_cast %get3A_439 : i32 to index
      %get3A_441 = arith.constant 48 : index
      %get3A_442 = tpu.vector_load %arg4[%get3A_440, %get3A_441] {strides = array<i32>} : memref<2x800xi32, #tpu.memory_space<vmem>>, vector<16xi32>,
      %get3A_443 = arith.constant 1 : i32
      %get3A_444 = arith.index_cast %get3A_443 : i32 to index
      %get3A_445 = arith.constant 48 : index
      %get3A_446 = tpu.vector_load %arg4[%get3A_444, %get3A_445] {strides = array<i32>} : memref<2x800xi32, #tpu.memory_space<vmem>>, vector<16xi32>,
      %mul3A_447 = arith.constant 64 : i32
      %mul3A_448 = vector.broadcast %mul3A_447 : i32 to vector<16xi32>
      %mul3A_449 = arith.muli %get3A_446, %mul3A_448 : vector<16xi32>
      %add3A_450 = arith.addi %mul3A_449, %get3A_442 : vector<16xi32>
      tpu.vector_store_idx %arg5[%add3A_450], %broadcast_in_dim3A_405 {add = true} : memref<3200xf32, #tpu.memory_space<vmem>>[vector<16xi32>], vector<16xf32>,
      %get3A_451 = arith.constant 0 : i32
      %get3A_452 = arith.index_cast %get3A_451 : i32 to index
      %get3A_453 = arith.constant 64 : index
      %get3A_454 = tpu.vector_load %arg4[%get3A_452, %get3A_453] {strides = array<i32>} : memref<2x800xi32, #tpu.memory_space<vmem>>, vector<16xi32>,
      %get3A_455 = arith.constant 1 : i32
      %get3A_456 = arith.index_cast %get3A_455 : i32 to index
      %get3A_457 = arith.constant 64 : index
      %get3A_458 = tpu.vector_load %arg4[%get3A_456, %get3A_457] {strides = array<i32>} : memref<2x800xi32, #tpu.memory_space<vmem>>, vector<16xi32>,
      %mul3A_459 = arith.constant 64 : i32
      %mul3A_460 = vector.broadcast %mul3A_459 : i32 to vector<16xi32>
      %mul3A_461 = arith.muli %get3A_458, %mul3A_460 : vector<16xi32>
      %add3A_462 = arith.addi %mul3A_461, %get3A_454 : vector<16xi32>
      tpu.vector_store_idx %arg5[%add3A_462], %broadcast_in_dim3A_405 {add = true} : memref<3200xf32, #tpu.memory_space<vmem>>[vector<16xi32>], vector<16xf32>,
      %get3A_463 = arith.constant 0 : i32
      %get3A_464 = arith.index_cast %get3A_463 : i32 to index
      %get3A_465 = arith.constant 80 : index
      %get3A_466 = tpu.vector_load %arg4[%get3A_464, %get3A_465] {strides = array<i32>} : memref<2x800xi32, #tpu.memory_space<vmem>>, vector<16xi32>,
      %get3A_467 = arith.constant 1 : i32
      %get3A_468 = arith.index_cast %get3A_467 : i32 to index
      %get3A_469 = arith.constant 80 : index
      %get3A_470 = tpu.vector_load %arg4[%get3A_468, %get3A_469] {strides = array<i32>} : memref<2x800xi32, #tpu.memory_space<vmem>>, vector<16xi32>,
      %mul3A_471 = arith.constant 64 : i32
      %mul3A_472 = vector.broadcast %mul3A_471 : i32 to vector<16xi32>
      %mul3A_473 = arith.muli %get3A_470, %mul3A_472 : vector<16xi32>
      %add3A_474 = arith.addi %mul3A_473, %get3A_466 : vector<16xi32>
      tpu.vector_store_idx %arg5[%add3A_474], %broadcast_in_dim3A_405 {add = true} : memref<3200xf32, #tpu.memory_space<vmem>>[vector<16xi32>], vector<16xf32>,
      %get3A_475 = arith.constant 0 : i32
      %get3A_476 = arith.index_cast %get3A_475 : i32 to index
      %get3A_477 = arith.constant 96 : index
      %get3A_478 = tpu.vector_load %arg4[%get3A_476, %get3A_477] {strides = array<i32>} : memref<2x800xi32, #tpu.memory_space<vmem>>, vector<16xi32>,
      %get3A_479 = arith.constant 1 : i32
      %get3A_480 = arith.index_cast %get3A_479 : i32 to index
      %get3A_481 = arith.constant 96 : index
      %get3A_482 = tpu.vector_load %arg4[%get3A_480, %get3A_481] {strides = array<i32>} : memref<2x800xi32, #tpu.memory_space<vmem>>, vector<16xi32>,
      %mul3A_483 = arith.constant 64 : i32
      %mul3A_484 = vector.broadcast %mul3A_483 : i32 to vector<16xi32>
      %mul3A_485 = arith.muli %get3A_482, %mul3A_484 : vector<16xi32>
      %add3A_486 = arith.addi %mul3A_485, %get3A_478 : vector<16xi32>
      tpu.vector_store_idx %arg5[%add3A_486], %broadcast_in_dim3A_405 {add = true} : memref<3200xf32, #tpu.memory_space<vmem>>[vector<16xi32>], vector<16xf32>,
      %get3A_487 = arith.constant 0 : i32
      %get3A_488 = arith.index_cast %get3A_487 : i32 to index
      %get3A_489 = arith.constant 112 : index
      %get3A_490 = tpu.vector_load %arg4[%get3A_488, %get3A_489] {strides = array<i32>} : memref<2x800xi32, #tpu.memory_space<vmem>>, vector<16xi32>,
      %get3A_491 = arith.constant 1 : i32
      %get3A_492 = arith.index_cast %get3A_491 : i32 to index
      %get3A_493 = arith.constant 112 : index
      %get3A_494 = tpu.vector_load %arg4[%get3A_492, %get3A_493] {strides = array<i32>} : memref<2x800xi32, #tpu.memory_space<vmem>>, vector<16xi32>,
      %mul3A_495 = arith.constant 64 : i32
      %mul3A_496 = vector.broadcast %mul3A_495 : i32 to vector<16xi32>
      %mul3A_497 = arith.muli %get3A_494, %mul3A_496 : vector<16xi32>
      %add3A_498 = arith.addi %mul3A_497, %get3A_490 : vector<16xi32>
      tpu.vector_store_idx %arg5[%add3A_498], %broadcast_in_dim3A_405 {add = true} : memref<3200xf32, #tpu.memory_space<vmem>>[vector<16xi32>], vector<16xf32>,
      %get3A_499 = arith.constant 0 : i32
      %get3A_500 = arith.index_cast %get3A_499 : i32 to index
      %get3A_501 = arith.constant 128 : index
      %get3A_502 = tpu.vector_load %arg4[%get3A_500, %get3A_501] {strides = array<i32>} : memref<2x800xi32, #tpu.memory_space<vmem>>, vector<16xi32>,
      %get3A_503 = arith.constant 1 : i32
      %get3A_504 = arith.index_cast %get3A_503 : i32 to index
      %get3A_505 = arith.constant 128 : index
      %get3A_506 = tpu.vector_load %arg4[%get3A_504, %get3A_505] {strides = array<i32>} : memref<2x800xi32, #tpu.memory_space<vmem>>, vector<16xi32>,
      %mul3A_507 = arith.constant 64 : i32
      %mul3A_508 = vector.broadcast %mul3A_507 : i32 to vector<16xi32>
      %mul3A_509 = arith.muli %get3A_506, %mul3A_508 : vector<16xi32>
      %add3A_510 = arith.addi %mul3A_509, %get3A_502 : vector<16xi32>
      tpu.vector_store_idx %arg5[%add3A_510], %broadcast_in_dim3A_405 {add = true} : memref<3200xf32, #tpu.memory_space<vmem>>[vector<16xi32>], vector<16xf32>,
      %get3A_511 = arith.constant 0 : i32
      %get3A_512 = arith.index_cast %get3A_511 : i32 to index
      %get3A_513 = arith.constant 144 : index
      %get3A_514 = tpu.vector_load %arg4[%get3A_512, %get3A_513] {strides = array<i32>} : memref<2x800xi32, #tpu.memory_space<vmem>>, vector<16xi32>,
      %get3A_515 = arith.constant 1 : i32
      %get3A_516 = arith.index_cast %get3A_515 : i32 to index
      %get3A_517 = arith.constant 144 : index
      %get3A_518 = tpu.vector_load %arg4[%get3A_516, %get3A_517] {strides = array<i32>} : memref<2x800xi32, #tpu.memory_space<vmem>>, vector<16xi32>,
      %mul3A_519 = arith.constant 64 : i32
      %mul3A_520 = vector.broadcast %mul3A_519 : i32 to vector<16xi32>
      %mul3A_521 = arith.muli %get3A_518, %mul3A_520 : vector<16xi32>
      %add3A_522 = arith.addi %mul3A_521, %get3A_514 : vector<16xi32>
      tpu.vector_store_idx %arg5[%add3A_522], %broadcast_in_dim3A_405 {add = true} : memref<3200xf32, #tpu.memory_space<vmem>>[vector<16xi32>], vector<16xf32>,
      %get3A_523 = arith.constant 0 : i32
      %get3A_524 = arith.index_cast %get3A_523 : i32 to index
      %get3A_525 = arith.constant 160 : index
      %get3A_526 = tpu.vector_load %arg4[%get3A_524, %get3A_525] {strides = array<i32>} : memref<2x800xi32, #tpu.memory_space<vmem>>, vector<16xi32>,
      %get3A_527 = arith.constant 1 : i32
      %get3A_528 = arith.index_cast %get3A_527 : i32 to index
      %get3A_529 = arith.constant 160 : index
      %get3A_530 = tpu.vector_load %arg4[%get3A_528, %get3A_529] {strides = array<i32>} : memref<2x800xi32, #tpu.memory_space<vmem>>, vector<16xi32>,
      %mul3A_531 = arith.constant 64 : i32
      %mul3A_532 = vector.broadcast %mul3A_531 : i32 to vector<16xi32>
      %mul3A_533 = arith.muli %get3A_530, %mul3A_532 : vector<16xi32>
      %add3A_534 = arith.addi %mul3A_533, %get3A_526 : vector<16xi32>
      tpu.vector_store_idx %arg5[%add3A_534], %broadcast_in_dim3A_405 {add = true} : memref<3200xf32, #tpu.memory_space<vmem>>[vector<16xi32>], vector<16xf32>,
      %get3A_535 = arith.constant 0 : i32
      %get3A_536 = arith.index_cast %get3A_535 : i32 to index
      %get3A_537 = arith.constant 176 : index
      %get3A_538 = tpu.vector_load %arg4[%get3A_536, %get3A_537] {strides = array<i32>} : memref<2x800xi32, #tpu.memory_space<vmem>>, vector<16xi32>,
      %get3A_539 = arith.constant 1 : i32
      %get3A_540 = arith.index_cast %get3A_539 : i32 to index
      %get3A_541 = arith.constant 176 : index
      %get3A_542 = tpu.vector_load %arg4[%get3A_540, %get3A_541] {strides = array<i32>} : memref<2x800xi32, #tpu.memory_space<vmem>>, vector<16xi32>,
      %mul3A_543 = arith.constant 64 : i32
      %mul3A_544 = vector.broadcast %mul3A_543 : i32 to vector<16xi32>
      %mul3A_545 = arith.muli %get3A_542, %mul3A_544 : vector<16xi32>
      %add3A_546 = arith.addi %mul3A_545, %get3A_538 : vector<16xi32>
      tpu.vector_store_idx %arg5[%add3A_546], %broadcast_in_dim3A_405 {add = true} : memref<3200xf32, #tpu.memory_space<vmem>>[vector<16xi32>], vector<16xf32>,
      %get3A_547 = arith.constant 0 : i32
      %get3A_548 = arith.index_cast %get3A_547 : i32 to index
      %get3A_549 = arith.constant 192 : index
      %get3A_550 = tpu.vector_load %arg4[%get3A_548, %get3A_549] {strides = array<i32>} : memref<2x800xi32, #tpu.memory_space<vmem>>, vector<16xi32>,
      %get3A_551 = arith.constant 1 : i32
      %get3A_552 = arith.index_cast %get3A_551 : i32 to index
      %get3A_553 = arith.constant 192 : index
      %get3A_554 = tpu.vector_load %arg4[%get3A_552, %get3A_553] {strides = array<i32>} : memref<2x800xi32, #tpu.memory_space<vmem>>, vector<16xi32>,
      %mul3A_555 = arith.constant 64 : i32
      %mul3A_556 = vector.broadcast %mul3A_555 : i32 to vector<16xi32>
      %mul3A_557 = arith.muli %get3A_554, %mul3A_556 : vector<16xi32>
      %add3A_558 = arith.addi %mul3A_557, %get3A_550 : vector<16xi32>
      tpu.vector_store_idx %arg5[%add3A_558], %broadcast_in_dim3A_405 {add = true} : memref<3200xf32, #tpu.memory_space<vmem>>[vector<16xi32>], vector<16xf32>,
      %get3A_559 = arith.constant 0 : i32
      %get3A_560 = arith.index_cast %get3A_559 : i32 to index
      %get3A_561 = arith.constant 208 : index
      %get3A_562 = tpu.vector_load %arg4[%get3A_560, %get3A_561] {strides = array<i32>} : memref<2x800xi32, #tpu.memory_space<vmem>>, vector<16xi32>,
      %get3A_563 = arith.constant 1 : i32
      %get3A_564 = arith.index_cast %get3A_563 : i32 to index
      %get3A_565 = arith.constant 208 : index
      %get3A_566 = tpu.vector_load %arg4[%get3A_564, %get3A_565] {strides = array<i32>} : memref<2x800xi32, #tpu.memory_space<vmem>>, vector<16xi32>,
      %mul3A_567 = arith.constant 64 : i32
      %mul3A_568 = vector.broadcast %mul3A_567 : i32 to vector<16xi32>
      %mul3A_569 = arith.muli %get3A_566, %mul3A_568 : vector<16xi32>
      %add3A_570 = arith.addi %mul3A_569, %get3A_562 : vector<16xi32>
      tpu.vector_store_idx %arg5[%add3A_570], %broadcast_in_dim3A_405 {add = true} : memref<3200xf32, #tpu.memory_space<vmem>>[vector<16xi32>], vector<16xf32>,
      %get3A_571 = arith.constant 0 : i32
      %get3A_572 = arith.index_cast %get3A_571 : i32 to index
      %get3A_573 = arith.constant 224 : index
      %get3A_574 = tpu.vector_load %arg4[%get3A_572, %get3A_573] {strides = array<i32>} : memref<2x800xi32, #tpu.memory_space<vmem>>, vector<16xi32>,
      %get3A_575 = arith.constant 1 : i32
      %get3A_576 = arith.index_cast %get3A_575 : i32 to index
      %get3A_577 = arith.constant 224 : index
      %get3A_578 = tpu.vector_load %arg4[%get3A_576, %get3A_577] {strides = array<i32>} : memref<2x800xi32, #tpu.memory_space<vmem>>, vector<16xi32>,
      %mul3A_579 = arith.constant 64 : i32
      %mul3A_580 = vector.broadcast %mul3A_579 : i32 to vector<16xi32>
      %mul3A_581 = arith.muli %get3A_578, %mul3A_580 : vector<16xi32>
      %add3A_582 = arith.addi %mul3A_581, %get3A_574 : vector<16xi32>
      tpu.vector_store_idx %arg5[%add3A_582], %broadcast_in_dim3A_405 {add = true} : memref<3200xf32, #tpu.memory_space<vmem>>[vector<16xi32>], vector<16xf32>,
      %get3A_583 = arith.constant 0 : i32
      %get3A_584 = arith.index_cast %get3A_583 : i32 to index
      %get3A_585 = arith.constant 240 : index
      %get3A_586 = tpu.vector_load %arg4[%get3A_584, %get3A_585] {strides = array<i32>} : memref<2x800xi32, #tpu.memory_space<vmem>>, vector<16xi32>,
      %get3A_587 = arith.constant 1 : i32
      %get3A_588 = arith.index_cast %get3A_587 : i32 to index
      %get3A_589 = arith.constant 240 : index
      %get3A_590 = tpu.vector_load %arg4[%get3A_588, %get3A_589] {strides = array<i32>} : memref<2x800xi32, #tpu.memory_space<vmem>>, vector<16xi32>,
      %mul3A_591 = arith.constant 64 : i32
      %mul3A_592 = vector.broadcast %mul3A_591 : i32 to vector<16xi32>
      %mul3A_593 = arith.muli %get3A_590, %mul3A_592 : vector<16xi32>
      %add3A_594 = arith.addi %mul3A_593, %get3A_586 : vector<16xi32>
      tpu.vector_store_idx %arg5[%add3A_594], %broadcast_in_dim3A_405 {add = true} : memref<3200xf32, #tpu.memory_space<vmem>>[vector<16xi32>], vector<16xf32>,
      %get3A_595 = arith.constant 0 : i32
      %get3A_596 = arith.index_cast %get3A_595 : i32 to index
      %get3A_597 = arith.constant 256 : index
      %get3A_598 = tpu.vector_load %arg4[%get3A_596, %get3A_597] {strides = array<i32>} : memref<2x800xi32, #tpu.memory_space<vmem>>, vector<16xi32>,
      %get3A_599 = arith.constant 1 : i32
      %get3A_600 = arith.index_cast %get3A_599 : i32 to index
      %get3A_601 = arith.constant 256 : index
      %get3A_602 = tpu.vector_load %arg4[%get3A_600, %get3A_601] {strides = array<i32>} : memref<2x800xi32, #tpu.memory_space<vmem>>, vector<16xi32>,
      %mul3A_603 = arith.constant 64 : i32
      %mul3A_604 = vector.broadcast %mul3A_603 : i32 to vector<16xi32>
      %mul3A_605 = arith.muli %get3A_602, %mul3A_604 : vector<16xi32>
      %add3A_606 = arith.addi %mul3A_605, %get3A_598 : vector<16xi32>
      tpu.vector_store_idx %arg5[%add3A_606], %broadcast_in_dim3A_405 {add = true} : memref<3200xf32, #tpu.memory_space<vmem>>[vector<16xi32>], vector<16xf32>,
      %get3A_607 = arith.constant 0 : i32
      %get3A_608 = arith.index_cast %get3A_607 : i32 to index
      %get3A_609 = arith.constant 272 : index
      %get3A_610 = tpu.vector_load %arg4[%get3A_608, %get3A_609] {strides = array<i32>} : memref<2x800xi32, #tpu.memory_space<vmem>>, vector<16xi32>,
      %get3A_611 = arith.constant 1 : i32
      %get3A_612 = arith.index_cast %get3A_611 : i32 to index
      %get3A_613 = arith.constant 272 : index
      %get3A_614 = tpu.vector_load %arg4[%get3A_612, %get3A_613] {strides = array<i32>} : memref<2x800xi32, #tpu.memory_space<vmem>>, vector<16xi32>,
      %mul3A_615 = arith.constant 64 : i32
      %mul3A_616 = vector.broadcast %mul3A_615 : i32 to vector<16xi32>
      %mul3A_617 = arith.muli %get3A_614, %mul3A_616 : vector<16xi32>
      %add3A_618 = arith.addi %mul3A_617, %get3A_610 : vector<16xi32>
      tpu.vector_store_idx %arg5[%add3A_618], %broadcast_in_dim3A_405 {add = true} : memref<3200xf32, #tpu.memory_space<vmem>>[vector<16xi32>], vector<16xf32>,
      %get3A_619 = arith.constant 0 : i32
      %get3A_620 = arith.index_cast %get3A_619 : i32 to index
      %get3A_621 = arith.constant 288 : index
      %get3A_622 = tpu.vector_load %arg4[%get3A_620, %get3A_621] {strides = array<i32>} : memref<2x800xi32, #tpu.memory_space<vmem>>, vector<16xi32>,
      %get3A_623 = arith.constant 1 : i32
      %get3A_624 = arith.index_cast %get3A_623 : i32 to index
      %get3A_625 = arith.constant 288 : index
      %get3A_626 = tpu.vector_load %arg4[%get3A_624, %get3A_625] {strides = array<i32>} : memref<2x800xi32, #tpu.memory_space<vmem>>, vector<16xi32>,
      %mul3A_627 = arith.constant 64 : i32
      %mul3A_628 = vector.broadcast %mul3A_627 : i32 to vector<16xi32>
      %mul3A_629 = arith.muli %get3A_626, %mul3A_628 : vector<16xi32>
      %add3A_630 = arith.addi %mul3A_629, %get3A_622 : vector<16xi32>
      tpu.vector_store_idx %arg5[%add3A_630], %broadcast_in_dim3A_405 {add = true} : memref<3200xf32, #tpu.memory_space<vmem>>[vector<16xi32>], vector<16xf32>,
      %get3A_631 = arith.constant 0 : i32
      %get3A_632 = arith.index_cast %get3A_631 : i32 to index
      %get3A_633 = arith.constant 304 : index
      %get3A_634 = tpu.vector_load %arg4[%get3A_632, %get3A_633] {strides = array<i32>} : memref<2x800xi32, #tpu.memory_space<vmem>>, vector<16xi32>,
      %get3A_635 = arith.constant 1 : i32
      %get3A_636 = arith.index_cast %get3A_635 : i32 to index
      %get3A_637 = arith.constant 304 : index
      %get3A_638 = tpu.vector_load %arg4[%get3A_636, %get3A_637] {strides = array<i32>} : memref<2x800xi32, #tpu.memory_space<vmem>>, vector<16xi32>,
      %mul3A_639 = arith.constant 64 : i32
      %mul3A_640 = vector.broadcast %mul3A_639 : i32 to vector<16xi32>
      %mul3A_641 = arith.muli %get3A_638, %mul3A_640 : vector<16xi32>
      %add3A_642 = arith.addi %mul3A_641, %get3A_634 : vector<16xi32>
      tpu.vector_store_idx %arg5[%add3A_642], %broadcast_in_dim3A_405 {add = true} : memref<3200xf32, #tpu.memory_space<vmem>>[vector<16xi32>], vector<16xf32>,
      %get3A_643 = arith.constant 0 : i32
      %get3A_644 = arith.index_cast %get3A_643 : i32 to index
      %get3A_645 = arith.constant 320 : index
      %get3A_646 = tpu.vector_load %arg4[%get3A_644, %get3A_645] {strides = array<i32>} : memref<2x800xi32, #tpu.memory_space<vmem>>, vector<16xi32>,
      %get3A_647 = arith.constant 1 : i32
      %get3A_648 = arith.index_cast %get3A_647 : i32 to index
      %get3A_649 = arith.constant 320 : index
      %get3A_650 = tpu.vector_load %arg4[%get3A_648, %get3A_649] {strides = array<i32>} : memref<2x800xi32, #tpu.memory_space<vmem>>, vector<16xi32>,
      %mul3A_651 = arith.constant 64 : i32
      %mul3A_652 = vector.broadcast %mul3A_651 : i32 to vector<16xi32>
      %mul3A_653 = arith.muli %get3A_650, %mul3A_652 : vector<16xi32>
      %add3A_654 = arith.addi %mul3A_653, %get3A_646 : vector<16xi32>
      tpu.vector_store_idx %arg5[%add3A_654], %broadcast_in_dim3A_405 {add = true} : memref<3200xf32, #tpu.memory_space<vmem>>[vector<16xi32>], vector<16xf32>,
      %get3A_655 = arith.constant 0 : i32
      %get3A_656 = arith.index_cast %get3A_655 : i32 to index
      %get3A_657 = arith.constant 336 : index
      %get3A_658 = tpu.vector_load %arg4[%get3A_656, %get3A_657] {strides = array<i32>} : memref<2x800xi32, #tpu.memory_space<vmem>>, vector<16xi32>,
      %get3A_659 = arith.constant 1 : i32
      %get3A_660 = arith.index_cast %get3A_659 : i32 to index
      %get3A_661 = arith.constant 336 : index
      %get3A_662 = tpu.vector_load %arg4[%get3A_660, %get3A_661] {strides = array<i32>} : memref<2x800xi32, #tpu.memory_space<vmem>>, vector<16xi32>,
      %mul3A_663 = arith.constant 64 : i32
      %mul3A_664 = vector.broadcast %mul3A_663 : i32 to vector<16xi32>
      %mul3A_665 = arith.muli %get3A_662, %mul3A_664 : vector<16xi32>
      %add3A_666 = arith.addi %mul3A_665, %get3A_658 : vector<16xi32>
      tpu.vector_store_idx %arg5[%add3A_666], %broadcast_in_dim3A_405 {add = true} : memref<3200xf32, #tpu.memory_space<vmem>>[vector<16xi32>], vector<16xf32>,
      %get3A_667 = arith.constant 0 : i32
      %get3A_668 = arith.index_cast %get3A_667 : i32 to index
      %get3A_669 = arith.constant 352 : index
      %get3A_670 = tpu.vector_load %arg4[%get3A_668, %get3A_669] {strides = array<i32>} : memref<2x800xi32, #tpu.memory_space<vmem>>, vector<16xi32>,
      %get3A_671 = arith.constant 1 : i32
      %get3A_672 = arith.index_cast %get3A_671 : i32 to index
      %get3A_673 = arith.constant 352 : index
      %get3A_674 = tpu.vector_load %arg4[%get3A_672, %get3A_673] {strides = array<i32>} : memref<2x800xi32, #tpu.memory_space<vmem>>, vector<16xi32>,
      %mul3A_675 = arith.constant 64 : i32
      %mul3A_676 = vector.broadcast %mul3A_675 : i32 to vector<16xi32>
      %mul3A_677 = arith.muli %get3A_674, %mul3A_676 : vector<16xi32>
      %add3A_678 = arith.addi %mul3A_677, %get3A_670 : vector<16xi32>
      tpu.vector_store_idx %arg5[%add3A_678], %broadcast_in_dim3A_405 {add = true} : memref<3200xf32, #tpu.memory_space<vmem>>[vector<16xi32>], vector<16xf32>,
      %get3A_679 = arith.constant 0 : i32
      %get3A_680 = arith.index_cast %get3A_679 : i32 to index
      %get3A_681 = arith.constant 368 : index
      %get3A_682 = tpu.vector_load %arg4[%get3A_680, %get3A_681] {strides = array<i32>} : memref<2x800xi32, #tpu.memory_space<vmem>>, vector<16xi32>,
      %get3A_683 = arith.constant 1 : i32
      %get3A_684 = arith.index_cast %get3A_683 : i32 to index
      %get3A_685 = arith.constant 368 : index
      %get3A_686 = tpu.vector_load %arg4[%get3A_684, %get3A_685] {strides = array<i32>} : memref<2x800xi32, #tpu.memory_space<vmem>>, vector<16xi32>,
      %mul3A_687 = arith.constant 64 : i32
      %mul3A_688 = vector.broadcast %mul3A_687 : i32 to vector<16xi32>
      %mul3A_689 = arith.muli %get3A_686, %mul3A_688 : vector<16xi32>
      %add3A_690 = arith.addi %mul3A_689, %get3A_682 : vector<16xi32>
      tpu.vector_store_idx %arg5[%add3A_690], %broadcast_in_dim3A_405 {add = true} : memref<3200xf32, #tpu.memory_space<vmem>>[vector<16xi32>], vector<16xf32>,
      %get3A_691 = arith.constant 0 : i32
      %get3A_692 = arith.index_cast %get3A_691 : i32 to index
      %get3A_693 = arith.constant 384 : index
      %get3A_694 = tpu.vector_load %arg4[%get3A_692, %get3A_693] {strides = array<i32>} : memref<2x800xi32, #tpu.memory_space<vmem>>, vector<16xi32>,
      %get3A_695 = arith.constant 1 : i32
      %get3A_696 = arith.index_cast %get3A_695 : i32 to index
      %get3A_697 = arith.constant 384 : index
      %get3A_698 = tpu.vector_load %arg4[%get3A_696, %get3A_697] {strides = array<i32>} : memref<2x800xi32, #tpu.memory_space<vmem>>, vector<16xi32>,
      %mul3A_699 = arith.constant 64 : i32
      %mul3A_700 = vector.broadcast %mul3A_699 : i32 to vector<16xi32>
      %mul3A_701 = arith.muli %get3A_698, %mul3A_700 : vector<16xi32>
      %add3A_702 = arith.addi %mul3A_701, %get3A_694 : vector<16xi32>
      tpu.vector_store_idx %arg5[%add3A_702], %broadcast_in_dim3A_405 {add = true} : memref<3200xf32, #tpu.memory_space<vmem>>[vector<16xi32>], vector<16xf32>,
      %get3A_703 = arith.constant 0 : i32
      %get3A_704 = arith.index_cast %get3A_703 : i32 to index
      %get3A_705 = arith.constant 400 : index
      %get3A_706 = tpu.vector_load %arg4[%get3A_704, %get3A_705] {strides = array<i32>} : memref<2x800xi32, #tpu.memory_space<vmem>>, vector<16xi32>,
      %get3A_707 = arith.constant 1 : i32
      %get3A_708 = arith.index_cast %get3A_707 : i32 to index
      %get3A_709 = arith.constant 400 : index
      %get3A_710 = tpu.vector_load %arg4[%get3A_708, %get3A_709] {strides = array<i32>} : memref<2x800xi32, #tpu.memory_space<vmem>>, vector<16xi32>,
      %mul3A_711 = arith.constant 64 : i32
      %mul3A_712 = vector.broadcast %mul3A_711 : i32 to vector<16xi32>
      %mul3A_713 = arith.muli %get3A_710, %mul3A_712 : vector<16xi32>
      %add3A_714 = arith.addi %mul3A_713, %get3A_706 : vector<16xi32>
      tpu.vector_store_idx %arg5[%add3A_714], %broadcast_in_dim3A_405 {add = true} : memref<3200xf32, #tpu.memory_space<vmem>>[vector<16xi32>], vector<16xf32>,
      %get3A_715 = arith.constant 0 : i32
      %get3A_716 = arith.index_cast %get3A_715 : i32 to index
      %get3A_717 = arith.constant 416 : index
      %get3A_718 = tpu.vector_load %arg4[%get3A_716, %get3A_717] {strides = array<i32>} : memref<2x800xi32, #tpu.memory_space<vmem>>, vector<16xi32>,
      %get3A_719 = arith.constant 1 : i32
      %get3A_720 = arith.index_cast %get3A_719 : i32 to index
      %get3A_721 = arith.constant 416 : index
      %get3A_722 = tpu.vector_load %arg4[%get3A_720, %get3A_721] {strides = array<i32>} : memref<2x800xi32, #tpu.memory_space<vmem>>, vector<16xi32>,
      %mul3A_723 = arith.constant 64 : i32
      %mul3A_724 = vector.broadcast %mul3A_723 : i32 to vector<16xi32>
      %mul3A_725 = arith.muli %get3A_722, %mul3A_724 : vector<16xi32>
      %add3A_726 = arith.addi %mul3A_725, %get3A_718 : vector<16xi32>
      tpu.vector_store_idx %arg5[%add3A_726], %broadcast_in_dim3A_405 {add = true} : memref<3200xf32, #tpu.memory_space<vmem>>[vector<16xi32>], vector<16xf32>,
      %get3A_727 = arith.constant 0 : i32
      %get3A_728 = arith.index_cast %get3A_727 : i32 to index
      %get3A_729 = arith.constant 432 : index
      %get3A_730 = tpu.vector_load %arg4[%get3A_728, %get3A_729] {strides = array<i32>} : memref<2x800xi32, #tpu.memory_space<vmem>>, vector<16xi32>,
      %get3A_731 = arith.constant 1 : i32
      %get3A_732 = arith.index_cast %get3A_731 : i32 to index
      %get3A_733 = arith.constant 432 : index
      %get3A_734 = tpu.vector_load %arg4[%get3A_732, %get3A_733] {strides = array<i32>} : memref<2x800xi32, #tpu.memory_space<vmem>>, vector<16xi32>,
      %mul3A_735 = arith.constant 64 : i32
      %mul3A_736 = vector.broadcast %mul3A_735 : i32 to vector<16xi32>
      %mul3A_737 = arith.muli %get3A_734, %mul3A_736 : vector<16xi32>
      %add3A_738 = arith.addi %mul3A_737, %get3A_730 : vector<16xi32>
      tpu.vector_store_idx %arg5[%add3A_738], %broadcast_in_dim3A_405 {add = true} : memref<3200xf32, #tpu.memory_space<vmem>>[vector<16xi32>], vector<16xf32>,
      %get3A_739 = arith.constant 0 : i32
      %get3A_740 = arith.index_cast %get3A_739 : i32 to index
      %get3A_741 = arith.constant 448 : index
      %get3A_742 = tpu.vector_load %arg4[%get3A_740, %get3A_741] {strides = array<i32>} : memref<2x800xi32, #tpu.memory_space<vmem>>, vector<16xi32>,
      %get3A_743 = arith.constant 1 : i32
      %get3A_744 = arith.index_cast %get3A_743 : i32 to index
      %get3A_745 = arith.constant 448 : index
      %get3A_746 = tpu.vector_load %arg4[%get3A_744, %get3A_745] {strides = array<i32>} : memref<2x800xi32, #tpu.memory_space<vmem>>, vector<16xi32>,
      %mul3A_747 = arith.constant 64 : i32
      %mul3A_748 = vector.broadcast %mul3A_747 : i32 to vector<16xi32>
      %mul3A_749 = arith.muli %get3A_746, %mul3A_748 : vector<16xi32>
      %add3A_750 = arith.addi %mul3A_749, %get3A_742 : vector<16xi32>
      tpu.vector_store_idx %arg5[%add3A_750], %broadcast_in_dim3A_405 {add = true} : memref<3200xf32, #tpu.memory_space<vmem>>[vector<16xi32>], vector<16xf32>,
      %get3A_751 = arith.constant 0 : i32
      %get3A_752 = arith.index_cast %get3A_751 : i32 to index
      %get3A_753 = arith.constant 464 : index
      %get3A_754 = tpu.vector_load %arg4[%get3A_752, %get3A_753] {strides = array<i32>} : memref<2x800xi32, #tpu.memory_space<vmem>>, vector<16xi32>,
      %get3A_755 = arith.constant 1 : i32
      %get3A_756 = arith.index_cast %get3A_755 : i32 to index
      %get3A_757 = arith.constant 464 : index
      %get3A_758 = tpu.vector_load %arg4[%get3A_756, %get3A_757] {strides = array<i32>} : memref<2x800xi32, #tpu.memory_space<vmem>>, vector<16xi32>,
      %mul3A_759 = arith.constant 64 : i32
      %mul3A_760 = vector.broadcast %mul3A_759 : i32 to vector<16xi32>
      %mul3A_761 = arith.muli %get3A_758, %mul3A_760 : vector<16xi32>
      %add3A_762 = arith.addi %mul3A_761, %get3A_754 : vector<16xi32>
      tpu.vector_store_idx %arg5[%add3A_762], %broadcast_in_dim3A_405 {add = true} : memref<3200xf32, #tpu.memory_space<vmem>>[vector<16xi32>], vector<16xf32>,
      %get3A_763 = arith.constant 0 : i32
      %get3A_764 = arith.index_cast %get3A_763 : i32 to index
      %get3A_765 = arith.constant 480 : index
      %get3A_766 = tpu.vector_load %arg4[%get3A_764, %get3A_765] {strides = array<i32>} : memref<2x800xi32, #tpu.memory_space<vmem>>, vector<16xi32>,
      %get3A_767 = arith.constant 1 : i32
      %get3A_768 = arith.index_cast %get3A_767 : i32 to index
      %get3A_769 = arith.constant 480 : index
      %get3A_770 = tpu.vector_load %arg4[%get3A_768, %get3A_769] {strides = array<i32>} : memref<2x800xi32, #tpu.memory_space<vmem>>, vector<16xi32>,
      %mul3A_771 = arith.constant 64 : i32
      %mul3A_772 = vector.broadcast %mul3A_771 : i32 to vector<16xi32>
      %mul3A_773 = arith.muli %get3A_770, %mul3A_772 : vector<16xi32>
      %add3A_774 = arith.addi %mul3A_773, %get3A_766 : vector<16xi32>
      tpu.vector_store_idx %arg5[%add3A_774], %broadcast_in_dim3A_405 {add = true} : memref<3200xf32, #tpu.memory_space<vmem>>[vector<16xi32>], vector<16xf32>,
      %get3A_775 = arith.constant 0 : i32
      %get3A_776 = arith.index_cast %get3A_775 : i32 to index
      %get3A_777 = arith.constant 496 : index
      %get3A_778 = tpu.vector_load %arg4[%get3A_776, %get3A_777] {strides = array<i32>} : memref<2x800xi32, #tpu.memory_space<vmem>>, vector<16xi32>,
      %get3A_779 = arith.constant 1 : i32
      %get3A_780 = arith.index_cast %get3A_779 : i32 to index
      %get3A_781 = arith.constant 496 : index
      %get3A_782 = tpu.vector_load %arg4[%get3A_780, %get3A_781] {strides = array<i32>} : memref<2x800xi32, #tpu.memory_space<vmem>>, vector<16xi32>,
      %mul3A_783 = arith.constant 64 : i32
      %mul3A_784 = vector.broadcast %mul3A_783 : i32 to vector<16xi32>
      %mul3A_785 = arith.muli %get3A_782, %mul3A_784 : vector<16xi32>
      %add3A_786 = arith.addi %mul3A_785, %get3A_778 : vector<16xi32>
      tpu.vector_store_idx %arg5[%add3A_786], %broadcast_in_dim3A_405 {add = true} : memref<3200xf32, #tpu.memory_space<vmem>>[vector<16xi32>], vector<16xf32>,
      %get3A_787 = arith.constant 0 : i32
      %get3A_788 = arith.index_cast %get3A_787 : i32 to index
      %get3A_789 = arith.constant 512 : index
      %get3A_790 = tpu.vector_load %arg4[%get3A_788, %get3A_789] {strides = array<i32>} : memref<2x800xi32, #tpu.memory_space<vmem>>, vector<16xi32>,
      %get3A_791 = arith.constant 1 : i32
      %get3A_792 = arith.index_cast %get3A_791 : i32 to index
      %get3A_793 = arith.constant 512 : index
      %get3A_794 = tpu.vector_load %arg4[%get3A_792, %get3A_793] {strides = array<i32>} : memref<2x800xi32, #tpu.memory_space<vmem>>, vector<16xi32>,
      %mul3A_795 = arith.constant 64 : i32
      %mul3A_796 = vector.broadcast %mul3A_795 : i32 to vector<16xi32>
      %mul3A_797 = arith.muli %get3A_794, %mul3A_796 : vector<16xi32>
      %add3A_798 = arith.addi %mul3A_797, %get3A_790 : vector<16xi32>
      tpu.vector_store_idx %arg5[%add3A_798], %broadcast_in_dim3A_405 {add = true} : memref<3200xf32, #tpu.memory_space<vmem>>[vector<16xi32>], vector<16xf32>,
      %get3A_799 = arith.constant 0 : i32
      %get3A_800 = arith.index_cast %get3A_799 : i32 to index
      %get3A_801 = arith.constant 528 : index
      %get3A_802 = tpu.vector_load %arg4[%get3A_800, %get3A_801] {strides = array<i32>} : memref<2x800xi32, #tpu.memory_space<vmem>>, vector<16xi32>,
      %get3A_803 = arith.constant 1 : i32
      %get3A_804 = arith.index_cast %get3A_803 : i32 to index
      %get3A_805 = arith.constant 528 : index
      %get3A_806 = tpu.vector_load %arg4[%get3A_804, %get3A_805] {strides = array<i32>} : memref<2x800xi32, #tpu.memory_space<vmem>>, vector<16xi32>,
      %mul3A_807 = arith.constant 64 : i32
      %mul3A_808 = vector.broadcast %mul3A_807 : i32 to vector<16xi32>
      %mul3A_809 = arith.muli %get3A_806, %mul3A_808 : vector<16xi32>
      %add3A_810 = arith.addi %mul3A_809, %get3A_802 : vector<16xi32>
      tpu.vector_store_idx %arg5[%add3A_810], %broadcast_in_dim3A_405 {add = true} : memref<3200xf32, #tpu.memory_space<vmem>>[vector<16xi32>], vector<16xf32>,
      %get3A_811 = arith.constant 0 : i32
      %get3A_812 = arith.index_cast %get3A_811 : i32 to index
      %get3A_813 = arith.constant 544 : index
      %get3A_814 = tpu.vector_load %arg4[%get3A_812, %get3A_813] {strides = array<i32>} : memref<2x800xi32, #tpu.memory_space<vmem>>, vector<16xi32>,
      %get3A_815 = arith.constant 1 : i32
      %get3A_816 = arith.index_cast %get3A_815 : i32 to index
      %get3A_817 = arith.constant 544 : index
      %get3A_818 = tpu.vector_load %arg4[%get3A_816, %get3A_817] {strides = array<i32>} : memref<2x800xi32, #tpu.memory_space<vmem>>, vector<16xi32>,
      %mul3A_819 = arith.constant 64 : i32
      %mul3A_820 = vector.broadcast %mul3A_819 : i32 to vector<16xi32>
      %mul3A_821 = arith.muli %get3A_818, %mul3A_820 : vector<16xi32>
      %add3A_822 = arith.addi %mul3A_821, %get3A_814 : vector<16xi32>
      tpu.vector_store_idx %arg5[%add3A_822], %broadcast_in_dim3A_405 {add = true} : memref<3200xf32, #tpu.memory_space<vmem>>[vector<16xi32>], vector<16xf32>,
      %get3A_823 = arith.constant 0 : i32
      %get3A_824 = arith.index_cast %get3A_823 : i32 to index
      %get3A_825 = arith.constant 560 : index
      %get3A_826 = tpu.vector_load %arg4[%get3A_824, %get3A_825] {strides = array<i32>} : memref<2x800xi32, #tpu.memory_space<vmem>>, vector<16xi32>,
      %get3A_827 = arith.constant 1 : i32
      %get3A_828 = arith.index_cast %get3A_827 : i32 to index
      %get3A_829 = arith.constant 560 : index
      %get3A_830 = tpu.vector_load %arg4[%get3A_828, %get3A_829] {strides = array<i32>} : memref<2x800xi32, #tpu.memory_space<vmem>>, vector<16xi32>,
      %mul3A_831 = arith.constant 64 : i32
      %mul3A_832 = vector.broadcast %mul3A_831 : i32 to vector<16xi32>
      %mul3A_833 = arith.muli %get3A_830, %mul3A_832 : vector<16xi32>
      %add3A_834 = arith.addi %mul3A_833, %get3A_826 : vector<16xi32>
      tpu.vector_store_idx %arg5[%add3A_834], %broadcast_in_dim3A_405 {add = true} : memref<3200xf32, #tpu.memory_space<vmem>>[vector<16xi32>], vector<16xf32>,
      %get3A_835 = arith.constant 0 : i32
      %get3A_836 = arith.index_cast %get3A_835 : i32 to index
      %get3A_837 = arith.constant 576 : index
      %get3A_838 = tpu.vector_load %arg4[%get3A_836, %get3A_837] {strides = array<i32>} : memref<2x800xi32, #tpu.memory_space<vmem>>, vector<16xi32>,
      %get3A_839 = arith.constant 1 : i32
      %get3A_840 = arith.index_cast %get3A_839 : i32 to index
      %get3A_841 = arith.constant 576 : index
      %get3A_842 = tpu.vector_load %arg4[%get3A_840, %get3A_841] {strides = array<i32>} : memref<2x800xi32, #tpu.memory_space<vmem>>, vector<16xi32>,
      %mul3A_843 = arith.constant 64 : i32
      %mul3A_844 = vector.broadcast %mul3A_843 : i32 to vector<16xi32>
      %mul3A_845 = arith.muli %get3A_842, %mul3A_844 : vector<16xi32>
      %add3A_846 = arith.addi %mul3A_845, %get3A_838 : vector<16xi32>
      tpu.vector_store_idx %arg5[%add3A_846], %broadcast_in_dim3A_405 {add = true} : memref<3200xf32, #tpu.memory_space<vmem>>[vector<16xi32>], vector<16xf32>,
      %get3A_847 = arith.constant 0 : i32
      %get3A_848 = arith.index_cast %get3A_847 : i32 to index
      %get3A_849 = arith.constant 592 : index
      %get3A_850 = tpu.vector_load %arg4[%get3A_848, %get3A_849] {strides = array<i32>} : memref<2x800xi32, #tpu.memory_space<vmem>>, vector<16xi32>,
      %get3A_851 = arith.constant 1 : i32
      %get3A_852 = arith.index_cast %get3A_851 : i32 to index
      %get3A_853 = arith.constant 592 : index
      %get3A_854 = tpu.vector_load %arg4[%get3A_852, %get3A_853] {strides = array<i32>} : memref<2x800xi32, #tpu.memory_space<vmem>>, vector<16xi32>,
      %mul3A_855 = arith.constant 64 : i32
      %mul3A_856 = vector.broadcast %mul3A_855 : i32 to vector<16xi32>
      %mul3A_857 = arith.muli %get3A_854, %mul3A_856 : vector<16xi32>
      %add3A_858 = arith.addi %mul3A_857, %get3A_850 : vector<16xi32>
      tpu.vector_store_idx %arg5[%add3A_858], %broadcast_in_dim3A_405 {add = true} : memref<3200xf32, #tpu.memory_space<vmem>>[vector<16xi32>], vector<16xf32>,
      %get3A_859 = arith.constant 0 : i32
      %get3A_860 = arith.index_cast %get3A_859 : i32 to index
      %get3A_861 = arith.constant 608 : index
      %get3A_862 = tpu.vector_load %arg4[%get3A_860, %get3A_861] {strides = array<i32>} : memref<2x800xi32, #tpu.memory_space<vmem>>, vector<16xi32>,
      %get3A_863 = arith.constant 1 : i32
      %get3A_864 = arith.index_cast %get3A_863 : i32 to index
      %get3A_865 = arith.constant 608 : index
      %get3A_866 = tpu.vector_load %arg4[%get3A_864, %get3A_865] {strides = array<i32>} : memref<2x800xi32, #tpu.memory_space<vmem>>, vector<16xi32>,
      %mul3A_867 = arith.constant 64 : i32
      %mul3A_868 = vector.broadcast %mul3A_867 : i32 to vector<16xi32>
      %mul3A_869 = arith.muli %get3A_866, %mul3A_868 : vector<16xi32>
      %add3A_870 = arith.addi %mul3A_869, %get3A_862 : vector<16xi32>
      tpu.vector_store_idx %arg5[%add3A_870], %broadcast_in_dim3A_405 {add = true} : memref<3200xf32, #tpu.memory_space<vmem>>[vector<16xi32>], vector<16xf32>,
      %get3A_871 = arith.constant 0 : i32
      %get3A_872 = arith.index_cast %get3A_871 : i32 to index
      %get3A_873 = arith.constant 624 : index
      %get3A_874 = tpu.vector_load %arg4[%get3A_872, %get3A_873] {strides = array<i32>} : memref<2x800xi32, #tpu.memory_space<vmem>>, vector<16xi32>,
      %get3A_875 = arith.constant 1 : i32
      %get3A_876 = arith.index_cast %get3A_875 : i32 to index
      %get3A_877 = arith.constant 624 : index
      %get3A_878 = tpu.vector_load %arg4[%get3A_876, %get3A_877] {strides = array<i32>} : memref<2x800xi32, #tpu.memory_space<vmem>>, vector<16xi32>,
      %mul3A_879 = arith.constant 64 : i32
      %mul3A_880 = vector.broadcast %mul3A_879 : i32 to vector<16xi32>
      %mul3A_881 = arith.muli %get3A_878, %mul3A_880 : vector<16xi32>
      %add3A_882 = arith.addi %mul3A_881, %get3A_874 : vector<16xi32>
      tpu.vector_store_idx %arg5[%add3A_882], %broadcast_in_dim3A_405 {add = true} : memref<3200xf32, #tpu.memory_space<vmem>>[vector<16xi32>], vector<16xf32>,
      %get3A_883 = arith.constant 0 : i32
      %get3A_884 = arith.index_cast %get3A_883 : i32 to index
      %get3A_885 = arith.constant 640 : index
      %get3A_886 = tpu.vector_load %arg4[%get3A_884, %get3A_885] {strides = array<i32>} : memref<2x800xi32, #tpu.memory_space<vmem>>, vector<16xi32>,
      %get3A_887 = arith.constant 1 : i32
      %get3A_888 = arith.index_cast %get3A_887 : i32 to index
      %get3A_889 = arith.constant 640 : index
      %get3A_890 = tpu.vector_load %arg4[%get3A_888, %get3A_889] {strides = array<i32>} : memref<2x800xi32, #tpu.memory_space<vmem>>, vector<16xi32>,
      %mul3A_891 = arith.constant 64 : i32
      %mul3A_892 = vector.broadcast %mul3A_891 : i32 to vector<16xi32>
      %mul3A_893 = arith.muli %get3A_890, %mul3A_892 : vector<16xi32>
      %add3A_894 = arith.addi %mul3A_893, %get3A_886 : vector<16xi32>
      tpu.vector_store_idx %arg5[%add3A_894], %broadcast_in_dim3A_405 {add = true} : memref<3200xf32, #tpu.memory_space<vmem>>[vector<16xi32>], vector<16xf32>,
      %get3A_895 = arith.constant 0 : i32
      %get3A_896 = arith.index_cast %get3A_895 : i32 to index
      %get3A_897 = arith.constant 656 : index
      %get3A_898 = tpu.vector_load %arg4[%get3A_896, %get3A_897] {strides = array<i32>} : memref<2x800xi32, #tpu.memory_space<vmem>>, vector<16xi32>,
      %get3A_899 = arith.constant 1 : i32
      %get3A_900 = arith.index_cast %get3A_899 : i32 to index
      %get3A_901 = arith.constant 656 : index
      %get3A_902 = tpu.vector_load %arg4[%get3A_900, %get3A_901] {strides = array<i32>} : memref<2x800xi32, #tpu.memory_space<vmem>>, vector<16xi32>,
      %mul3A_903 = arith.constant 64 : i32
      %mul3A_904 = vector.broadcast %mul3A_903 : i32 to vector<16xi32>
      %mul3A_905 = arith.muli %get3A_902, %mul3A_904 : vector<16xi32>
      %add3A_906 = arith.addi %mul3A_905, %get3A_898 : vector<16xi32>
      tpu.vector_store_idx %arg5[%add3A_906], %broadcast_in_dim3A_405 {add = true} : memref<3200xf32, #tpu.memory_space<vmem>>[vector<16xi32>], vector<16xf32>,
      %get3A_907 = arith.constant 0 : i32
      %get3A_908 = arith.index_cast %get3A_907 : i32 to index
      %get3A_909 = arith.constant 672 : index
      %get3A_910 = tpu.vector_load %arg4[%get3A_908, %get3A_909] {strides = array<i32>} : memref<2x800xi32, #tpu.memory_space<vmem>>, vector<16xi32>,
      %get3A_911 = arith.constant 1 : i32
      %get3A_912 = arith.index_cast %get3A_911 : i32 to index
      %get3A_913 = arith.constant 672 : index
      %get3A_914 = tpu.vector_load %arg4[%get3A_912, %get3A_913] {strides = array<i32>} : memref<2x800xi32, #tpu.memory_space<vmem>>, vector<16xi32>,
      %mul3A_915 = arith.constant 64 : i32
      %mul3A_916 = vector.broadcast %mul3A_915 : i32 to vector<16xi32>
      %mul3A_917 = arith.muli %get3A_914, %mul3A_916 : vector<16xi32>
      %add3A_918 = arith.addi %mul3A_917, %get3A_910 : vector<16xi32>
      tpu.vector_store_idx %arg5[%add3A_918], %broadcast_in_dim3A_405 {add = true} : memref<3200xf32, #tpu.memory_space<vmem>>[vector<16xi32>], vector<16xf32>,
      %get3A_919 = arith.constant 0 : i32
      %get3A_920 = arith.index_cast %get3A_919 : i32 to index
      %get3A_921 = arith.constant 688 : index
      %get3A_922 = tpu.vector_load %arg4[%get3A_920, %get3A_921] {strides = array<i32>} : memref<2x800xi32, #tpu.memory_space<vmem>>, vector<16xi32>,
      %get3A_923 = arith.constant 1 : i32
      %get3A_924 = arith.index_cast %get3A_923 : i32 to index
      %get3A_925 = arith.constant 688 : index
      %get3A_926 = tpu.vector_load %arg4[%get3A_924, %get3A_925] {strides = array<i32>} : memref<2x800xi32, #tpu.memory_space<vmem>>, vector<16xi32>,
      %mul3A_927 = arith.constant 64 : i32
      %mul3A_928 = vector.broadcast %mul3A_927 : i32 to vector<16xi32>
      %mul3A_929 = arith.muli %get3A_926, %mul3A_928 : vector<16xi32>
      %add3A_930 = arith.addi %mul3A_929, %get3A_922 : vector<16xi32>
      tpu.vector_store_idx %arg5[%add3A_930], %broadcast_in_dim3A_405 {add = true} : memref<3200xf32, #tpu.memory_space<vmem>>[vector<16xi32>], vector<16xf32>,
      %get3A_931 = arith.constant 0 : i32
      %get3A_932 = arith.index_cast %get3A_931 : i32 to index
      %get3A_933 = arith.constant 704 : index
      %get3A_934 = tpu.vector_load %arg4[%get3A_932, %get3A_933] {strides = array<i32>} : memref<2x800xi32, #tpu.memory_space<vmem>>, vector<16xi32>,
      %get3A_935 = arith.constant 1 : i32
      %get3A_936 = arith.index_cast %get3A_935 : i32 to index
      %get3A_937 = arith.constant 704 : index
      %get3A_938 = tpu.vector_load %arg4[%get3A_936, %get3A_937] {strides = array<i32>} : memref<2x800xi32, #tpu.memory_space<vmem>>, vector<16xi32>,
      %mul3A_939 = arith.constant 64 : i32
      %mul3A_940 = vector.broadcast %mul3A_939 : i32 to vector<16xi32>
      %mul3A_941 = arith.muli %get3A_938, %mul3A_940 : vector<16xi32>
      %add3A_942 = arith.addi %mul3A_941, %get3A_934 : vector<16xi32>
      tpu.vector_store_idx %arg5[%add3A_942], %broadcast_in_dim3A_405 {add = true} : memref<3200xf32, #tpu.memory_space<vmem>>[vector<16xi32>], vector<16xf32>,
      %get3A_943 = arith.constant 0 : i32
      %get3A_944 = arith.index_cast %get3A_943 : i32 to index
      %get3A_945 = arith.constant 720 : index
      %get3A_946 = tpu.vector_load %arg4[%get3A_944, %get3A_945] {strides = array<i32>} : memref<2x800xi32, #tpu.memory_space<vmem>>, vector<16xi32>,
      %get3A_947 = arith.constant 1 : i32
      %get3A_948 = arith.index_cast %get3A_947 : i32 to index
      %get3A_949 = arith.constant 720 : index
      %get3A_950 = tpu.vector_load %arg4[%get3A_948, %get3A_949] {strides = array<i32>} : memref<2x800xi32, #tpu.memory_space<vmem>>, vector<16xi32>,
      %mul3A_951 = arith.constant 64 : i32
      %mul3A_952 = vector.broadcast %mul3A_951 : i32 to vector<16xi32>
      %mul3A_953 = arith.muli %get3A_950, %mul3A_952 : vector<16xi32>
      %add3A_954 = arith.addi %mul3A_953, %get3A_946 : vector<16xi32>
      tpu.vector_store_idx %arg5[%add3A_954], %broadcast_in_dim3A_405 {add = true} : memref<3200xf32, #tpu.memory_space<vmem>>[vector<16xi32>], vector<16xf32>,
      %get3A_955 = arith.constant 0 : i32
      %get3A_956 = arith.index_cast %get3A_955 : i32 to index
      %get3A_957 = arith.constant 736 : index
      %get3A_958 = tpu.vector_load %arg4[%get3A_956, %get3A_957] {strides = array<i32>} : memref<2x800xi32, #tpu.memory_space<vmem>>, vector<16xi32>,
      %get3A_959 = arith.constant 1 : i32
      %get3A_960 = arith.index_cast %get3A_959 : i32 to index
      %get3A_961 = arith.constant 736 : index
      %get3A_962 = tpu.vector_load %arg4[%get3A_960, %get3A_961] {strides = array<i32>} : memref<2x800xi32, #tpu.memory_space<vmem>>, vector<16xi32>,
      %mul3A_963 = arith.constant 64 : i32
      %mul3A_964 = vector.broadcast %mul3A_963 : i32 to vector<16xi32>
      %mul3A_965 = arith.muli %get3A_962, %mul3A_964 : vector<16xi32>
      %add3A_966 = arith.addi %mul3A_965, %get3A_958 : vector<16xi32>
      tpu.vector_store_idx %arg5[%add3A_966], %broadcast_in_dim3A_405 {add = true} : memref<3200xf32, #tpu.memory_space<vmem>>[vector<16xi32>], vector<16xf32>,
      %get3A_967 = arith.constant 0 : i32
      %get3A_968 = arith.index_cast %get3A_967 : i32 to index
      %get3A_969 = arith.constant 752 : index
      %get3A_970 = tpu.vector_load %arg4[%get3A_968, %get3A_969] {strides = array<i32>} : memref<2x800xi32, #tpu.memory_space<vmem>>, vector<16xi32>,
      %get3A_971 = arith.constant 1 : i32
      %get3A_972 = arith.index_cast %get3A_971 : i32 to index
      %get3A_973 = arith.constant 752 : index
      %get3A_974 = tpu.vector_load %arg4[%get3A_972, %get3A_973] {strides = array<i32>} : memref<2x800xi32, #tpu.memory_space<vmem>>, vector<16xi32>,
      %mul3A_975 = arith.constant 64 : i32
      %mul3A_976 = vector.broadcast %mul3A_975 : i32 to vector<16xi32>
      %mul3A_977 = arith.muli %get3A_974, %mul3A_976 : vector<16xi32>
      %add3A_978 = arith.addi %mul3A_977, %get3A_970 : vector<16xi32>
      tpu.vector_store_idx %arg5[%add3A_978], %broadcast_in_dim3A_405 {add = true} : memref<3200xf32, #tpu.memory_space<vmem>>[vector<16xi32>], vector<16xf32>,
      %get3A_979 = arith.constant 0 : i32
      %get3A_980 = arith.index_cast %get3A_979 : i32 to index
      %get3A_981 = arith.constant 768 : index
      %get3A_982 = tpu.vector_load %arg4[%get3A_980, %get3A_981] {strides = array<i32>} : memref<2x800xi32, #tpu.memory_space<vmem>>, vector<16xi32>,
      %get3A_983 = arith.constant 1 : i32
      %get3A_984 = arith.index_cast %get3A_983 : i32 to index
      %get3A_985 = arith.constant 768 : index
      %get3A_986 = tpu.vector_load %arg4[%get3A_984, %get3A_985] {strides = array<i32>} : memref<2x800xi32, #tpu.memory_space<vmem>>, vector<16xi32>,
      %mul3A_987 = arith.constant 64 : i32
      %mul3A_988 = vector.broadcast %mul3A_987 : i32 to vector<16xi32>
      %mul3A_989 = arith.muli %get3A_986, %mul3A_988 : vector<16xi32>
      %add3A_990 = arith.addi %mul3A_989, %get3A_982 : vector<16xi32>
      tpu.vector_store_idx %arg5[%add3A_990], %broadcast_in_dim3A_405 {add = true} : memref<3200xf32, #tpu.memory_space<vmem>>[vector<16xi32>], vector<16xf32>,
      %get3A_991 = arith.constant 0 : i32
      %get3A_992 = arith.index_cast %get3A_991 : i32 to index
      %get3A_993 = arith.constant 784 : index
      %get3A_994 = tpu.vector_load %arg4[%get3A_992, %get3A_993] {strides = array<i32>} : memref<2x800xi32, #tpu.memory_space<vmem>>, vector<16xi32>,
      %get3A_995 = arith.constant 1 : i32
      %get3A_996 = arith.index_cast %get3A_995 : i32 to index
      %get3A_997 = arith.constant 784 : index
      %get3A_998 = tpu.vector_load %arg4[%get3A_996, %get3A_997] {strides = array<i32>} : memref<2x800xi32, #tpu.memory_space<vmem>>, vector<16xi32>,
      %mul3A_999 = arith.constant 64 : i32
      %mul3A_1000 = vector.broadcast %mul3A_999 : i32 to vector<16xi32>
      %mul3A_1001 = arith.muli %get3A_998, %mul3A_1000 : vector<16xi32>
      %add3A_1002 = arith.addi %mul3A_1001, %get3A_994 : vector<16xi32>
      tpu.vector_store_idx %arg5[%add3A_1002], %broadcast_in_dim3A_405 {add = true} : memref<3200xf32, #tpu.memory_space<vmem>>[vector<16xi32>], vector<16xf32>,
      %get3A_1003 = arith.constant 0 : index
      %get3A_1004 = tpu.vector_load %arg5[%get3A_1003] {strides = array<i32>} : memref<3200xf32, #tpu.memory_space<vmem>>, vector<16xf32>,
      %swap3A_1005 = arith.constant 0 : i32
      %swap3A_1006 = arith.index_cast %swap3A_1005 : i32 to index
      %swap3A_1007 = arith.constant 0 : index
      %swap3A_1008 = tpu.vector_load %arg6[%swap3A_1006, %swap3A_1007] {strides = array<i32>} : memref<50x64xf32, #tpu.memory_space<vmem>>, vector<16xf32>,
      tpu.vector_store %arg6[%swap3A_1006, %swap3A_1007], %get3A_1004 {strides = array<i32>} : memref<50x64xf32, #tpu.memory_space<vmem>>, vector<16xf32>,
      %get3A_1009 = arith.constant 16 : index
      %get3A_1010 = tpu.vector_load %arg5[%get3A_1009] {strides = array<i32>} : memref<3200xf32, #tpu.memory_space<vmem>>, vector<16xf32>,
      %swap3A_1011 = arith.constant 0 : i32
      %swap3A_1012 = arith.index_cast %swap3A_1011 : i32 to index
      %swap3A_1013 = arith.constant 16 : index
      %swap3A_1014 = tpu.vector_load %arg6[%swap3A_1012, %swap3A_1013] {strides = array<i32>} : memref<50x64xf32, #tpu.memory_space<vmem>>, vector<16xf32>,
      tpu.vector_store %arg6[%swap3A_1012, %swap3A_1013], %get3A_1010 {strides = array<i32>} : memref<50x64xf32, #tpu.memory_space<vmem>>, vector<16xf32>,
      %get3A_1015 = arith.constant 32 : index
      %get3A_1016 = tpu.vector_load %arg5[%get3A_1015] {strides = array<i32>} : memref<3200xf32, #tpu.memory_space<vmem>>, vector<16xf32>,
      %swap3A_1017 = arith.constant 0 : i32
      %swap3A_1018 = arith.index_cast %swap3A_1017 : i32 to index
      %swap3A_1019 = arith.constant 32 : index
      %swap3A_1020 = tpu.vector_load %arg6[%swap3A_1018, %swap3A_1019] {strides = array<i32>} : memref<50x64xf32, #tpu.memory_space<vmem>>, vector<16xf32>,
      tpu.vector_store %arg6[%swap3A_1018, %swap3A_1019], %get3A_1016 {strides = array<i32>} : memref<50x64xf32, #tpu.memory_space<vmem>>, vector<16xf32>,
      %get3A_1021 = arith.constant 48 : index
      %get3A_1022 = tpu.vector_load %arg5[%get3A_1021] {strides = array<i32>} : memref<3200xf32, #tpu.memory_space<vmem>>, vector<16xf32>,
      %swap3A_1023 = arith.constant 0 : i32
      %swap3A_1024 = arith.index_cast %swap3A_1023 : i32 to index
      %swap3A_1025 = arith.constant 48 : index
      %swap3A_1026 = tpu.vector_load %arg6[%swap3A_1024, %swap3A_1025] {strides = array<i32>} : memref<50x64xf32, #tpu.memory_space<vmem>>, vector<16xf32>,
      tpu.vector_store %arg6[%swap3A_1024, %swap3A_1025], %get3A_1022 {strides = array<i32>} : memref<50x64xf32, #tpu.memory_space<vmem>>, vector<16xf32>,
      %get3A_1027 = arith.constant 64 : index
      %get3A_1028 = tpu.vector_load %arg5[%get3A_1027] {strides = array<i32>} : memref<3200xf32, #tpu.memory_space<vmem>>, vector<16xf32>,
      %swap3A_1029 = arith.constant 1 : i32
      %swap3A_1030 = arith.index_cast %swap3A_1029 : i32 to index
      %swap3A_1031 = arith.constant 0 : index
      %swap3A_1032 = tpu.vector_load %arg6[%swap3A_1030, %swap3A_1031] {strides = array<i32>} : memref<50x64xf32, #tpu.memory_space<vmem>>, vector<16xf32>,
      tpu.vector_store %arg6[%swap3A_1030, %swap3A_1031], %get3A_1028 {strides = array<i32>} : memref<50x64xf32, #tpu.memory_space<vmem>>, vector<16xf32>,
      %get3A_1033 = arith.constant 80 : index
      %get3A_1034 = tpu.vector_load %arg5[%get3A_1033] {strides = array<i32>} : memref<3200xf32, #tpu.memory_space<vmem>>, vector<16xf32>,
      %swap3A_1035 = arith.constant 1 : i32
      %swap3A_1036 = arith.index_cast %swap3A_1035 : i32 to index
      %swap3A_1037 = arith.constant 16 : index
      %swap3A_1038 = tpu.vector_load %arg6[%swap3A_1036, %swap3A_1037] {strides = array<i32>} : memref<50x64xf32, #tpu.memory_space<vmem>>, vector<16xf32>,
      tpu.vector_store %arg6[%swap3A_1036, %swap3A_1037], %get3A_1034 {strides = array<i32>} : memref<50x64xf32, #tpu.memory_space<vmem>>, vector<16xf32>,
      %get3A_1039 = arith.constant 96 : index
      %get3A_1040 = tpu.vector_load %arg5[%get3A_1039] {strides = array<i32>} : memref<3200xf32, #tpu.memory_space<vmem>>, vector<16xf32>,
      %swap3A_1041 = arith.constant 1 : i32
      %swap3A_1042 = arith.index_cast %swap3A_1041 : i32 to index
      %swap3A_1043 = arith.constant 32 : index
      %swap3A_1044 = tpu.vector_load %arg6[%swap3A_1042, %swap3A_1043] {strides = array<i32>} : memref<50x64xf32, #tpu.memory_space<vmem>>, vector<16xf32>,
      tpu.vector_store %arg6[%swap3A_1042, %swap3A_1043], %get3A_1040 {strides = array<i32>} : memref<50x64xf32, #tpu.memory_space<vmem>>, vector<16xf32>,
      %get3A_1045 = arith.constant 112 : index
      %get3A_1046 = tpu.vector_load %arg5[%get3A_1045] {strides = array<i32>} : memref<3200xf32, #tpu.memory_space<vmem>>, vector<16xf32>,
      %swap3A_1047 = arith.constant 1 : i32
      %swap3A_1048 = arith.index_cast %swap3A_1047 : i32 to index
      %swap3A_1049 = arith.constant 48 : index
      %swap3A_1050 = tpu.vector_load %arg6[%swap3A_1048, %swap3A_1049] {strides = array<i32>} : memref<50x64xf32, #tpu.memory_space<vmem>>, vector<16xf32>,
      tpu.vector_store %arg6[%swap3A_1048, %swap3A_1049], %get3A_1046 {strides = array<i32>} : memref<50x64xf32, #tpu.memory_space<vmem>>, vector<16xf32>,
      %get3A_1051 = arith.constant 128 : index
      %get3A_1052 = tpu.vector_load %arg5[%get3A_1051] {strides = array<i32>} : memref<3200xf32, #tpu.memory_space<vmem>>, vector<16xf32>,
      %swap3A_1053 = arith.constant 2 : i32
      %swap3A_1054 = arith.index_cast %swap3A_1053 : i32 to index
      %swap3A_1055 = arith.constant 0 : index
      %swap3A_1056 = tpu.vector_load %arg6[%swap3A_1054, %swap3A_1055] {strides = array<i32>} : memref<50x64xf32, #tpu.memory_space<vmem>>, vector<16xf32>,
      tpu.vector_store %arg6[%swap3A_1054, %swap3A_1055], %get3A_1052 {strides = array<i32>} : memref<50x64xf32, #tpu.memory_space<vmem>>, vector<16xf32>,
      %get3A_1057 = arith.constant 144 : index
      %get3A_1058 = tpu.vector_load %arg5[%get3A_1057] {strides = array<i32>} : memref<3200xf32, #tpu.memory_space<vmem>>, vector<16xf32>,
      %swap3A_1059 = arith.constant 2 : i32
      %swap3A_1060 = arith.index_cast %swap3A_1059 : i32 to index
      %swap3A_1061 = arith.constant 16 : index
      %swap3A_1062 = tpu.vector_load %arg6[%swap3A_1060, %swap3A_1061] {strides = array<i32>} : memref<50x64xf32, #tpu.memory_space<vmem>>, vector<16xf32>,
      tpu.vector_store %arg6[%swap3A_1060, %swap3A_1061], %get3A_1058 {strides = array<i32>} : memref<50x64xf32, #tpu.memory_space<vmem>>, vector<16xf32>,
      %get3A_1063 = arith.constant 160 : index
      %get3A_1064 = tpu.vector_load %arg5[%get3A_1063] {strides = array<i32>} : memref<3200xf32, #tpu.memory_space<vmem>>, vector<16xf32>,
      %swap3A_1065 = arith.constant 2 : i32
      %swap3A_1066 = arith.index_cast %swap3A_1065 : i32 to index
      %swap3A_1067 = arith.constant 32 : index
      %swap3A_1068 = tpu.vector_load %arg6[%swap3A_1066, %swap3A_1067] {strides = array<i32>} : memref<50x64xf32, #tpu.memory_space<vmem>>, vector<16xf32>,
      tpu.vector_store %arg6[%swap3A_1066, %swap3A_1067], %get3A_1064 {strides = array<i32>} : memref<50x64xf32, #tpu.memory_space<vmem>>, vector<16xf32>,
      %get3A_1069 = arith.constant 176 : index
      %get3A_1070 = tpu.vector_load %arg5[%get3A_1069] {strides = array<i32>} : memref<3200xf32, #tpu.memory_space<vmem>>, vector<16xf32>,
      %swap3A_1071 = arith.constant 2 : i32
      %swap3A_1072 = arith.index_cast %swap3A_1071 : i32 to index
      %swap3A_1073 = arith.constant 48 : index
      %swap3A_1074 = tpu.vector_load %arg6[%swap3A_1072, %swap3A_1073] {strides = array<i32>} : memref<50x64xf32, #tpu.memory_space<vmem>>, vector<16xf32>,
      tpu.vector_store %arg6[%swap3A_1072, %swap3A_1073], %get3A_1070 {strides = array<i32>} : memref<50x64xf32, #tpu.memory_space<vmem>>, vector<16xf32>,
      %get3A_1075 = arith.constant 192 : index
      %get3A_1076 = tpu.vector_load %arg5[%get3A_1075] {strides = array<i32>} : memref<3200xf32, #tpu.memory_space<vmem>>, vector<16xf32>,
      %swap3A_1077 = arith.constant 3 : i32
      %swap3A_1078 = arith.index_cast %swap3A_1077 : i32 to index
      %swap3A_1079 = arith.constant 0 : index
      %swap3A_1080 = tpu.vector_load %arg6[%swap3A_1078, %swap3A_1079] {strides = array<i32>} : memref<50x64xf32, #tpu.memory_space<vmem>>, vector<16xf32>,
      tpu.vector_store %arg6[%swap3A_1078, %swap3A_1079], %get3A_1076 {strides = array<i32>} : memref<50x64xf32, #tpu.memory_space<vmem>>, vector<16xf32>,
      %get3A_1081 = arith.constant 208 : index
      %get3A_1082 = tpu.vector_load %arg5[%get3A_1081] {strides = array<i32>} : memref<3200xf32, #tpu.memory_space<vmem>>, vector<16xf32>,
      %swap3A_1083 = arith.constant 3 : i32
      %swap3A_1084 = arith.index_cast %swap3A_1083 : i32 to index
      %swap3A_1085 = arith.constant 16 : index
      %swap3A_1086 = tpu.vector_load %arg6[%swap3A_1084, %swap3A_1085] {strides = array<i32>} : memref<50x64xf32, #tpu.memory_space<vmem>>, vector<16xf32>,
      tpu.vector_store %arg6[%swap3A_1084, %swap3A_1085], %get3A_1082 {strides = array<i32>} : memref<50x64xf32, #tpu.memory_space<vmem>>, vector<16xf32>,
      %get3A_1087 = arith.constant 224 : index
      %get3A_1088 = tpu.vector_load %arg5[%get3A_1087] {strides = array<i32>} : memref<3200xf32, #tpu.memory_space<vmem>>, vector<16xf32>,
      %swap3A_1089 = arith.constant 3 : i32
      %swap3A_1090 = arith.index_cast %swap3A_1089 : i32 to index
      %swap3A_1091 = arith.constant 32 : index
      %swap3A_1092 = tpu.vector_load %arg6[%swap3A_1090, %swap3A_1091] {strides = array<i32>} : memref<50x64xf32, #tpu.memory_space<vmem>>, vector<16xf32>,
      tpu.vector_store %arg6[%swap3A_1090, %swap3A_1091], %get3A_1088 {strides = array<i32>} : memref<50x64xf32, #tpu.memory_space<vmem>>, vector<16xf32>,
      %get3A_1093 = arith.constant 240 : index
      %get3A_1094 = tpu.vector_load %arg5[%get3A_1093] {strides = array<i32>} : memref<3200xf32, #tpu.memory_space<vmem>>, vector<16xf32>,
      %swap3A_1095 = arith.constant 3 : i32
      %swap3A_1096 = arith.index_cast %swap3A_1095 : i32 to index
      %swap3A_1097 = arith.constant 48 : index
      %swap3A_1098 = tpu.vector_load %arg6[%swap3A_1096, %swap3A_1097] {strides = array<i32>} : memref<50x64xf32, #tpu.memory_space<vmem>>, vector<16xf32>,
      tpu.vector_store %arg6[%swap3A_1096, %swap3A_1097], %get3A_1094 {strides = array<i32>} : memref<50x64xf32, #tpu.memory_space<vmem>>, vector<16xf32>,
      %get3A_1099 = arith.constant 256 : index
      %get3A_1100 = tpu.vector_load %arg5[%get3A_1099] {strides = array<i32>} : memref<3200xf32, #tpu.memory_space<vmem>>, vector<16xf32>,
      %swap3A_1101 = arith.constant 4 : i32
      %swap3A_1102 = arith.index_cast %swap3A_1101 : i32 to index
      %swap3A_1103 = arith.constant 0 : index
      %swap3A_1104 = tpu.vector_load %arg6[%swap3A_1102, %swap3A_1103] {strides = array<i32>} : memref<50x64xf32, #tpu.memory_space<vmem>>, vector<16xf32>,
      tpu.vector_store %arg6[%swap3A_1102, %swap3A_1103], %get3A_1100 {strides = array<i32>} : memref<50x64xf32, #tpu.memory_space<vmem>>, vector<16xf32>,
      %get3A_1105 = arith.constant 272 : index
      %get3A_1106 = tpu.vector_load %arg5[%get3A_1105] {strides = array<i32>} : memref<3200xf32, #tpu.memory_space<vmem>>, vector<16xf32>,
      %swap3A_1107 = arith.constant 4 : i32
      %swap3A_1108 = arith.index_cast %swap3A_1107 : i32 to index
      %swap3A_1109 = arith.constant 16 : index
      %swap3A_1110 = tpu.vector_load %arg6[%swap3A_1108, %swap3A_1109] {strides = array<i32>} : memref<50x64xf32, #tpu.memory_space<vmem>>, vector<16xf32>,
      tpu.vector_store %arg6[%swap3A_1108, %swap3A_1109], %get3A_1106 {strides = array<i32>} : memref<50x64xf32, #tpu.memory_space<vmem>>, vector<16xf32>,
      %get3A_1111 = arith.constant 288 : index
      %get3A_1112 = tpu.vector_load %arg5[%get3A_1111] {strides = array<i32>} : memref<3200xf32, #tpu.memory_space<vmem>>, vector<16xf32>,
      %swap3A_1113 = arith.constant 4 : i32
      %swap3A_1114 = arith.index_cast %swap3A_1113 : i32 to index
      %swap3A_1115 = arith.constant 32 : index
      %swap3A_1116 = tpu.vector_load %arg6[%swap3A_1114, %swap3A_1115] {strides = array<i32>} : memref<50x64xf32, #tpu.memory_space<vmem>>, vector<16xf32>,
      tpu.vector_store %arg6[%swap3A_1114, %swap3A_1115], %get3A_1112 {strides = array<i32>} : memref<50x64xf32, #tpu.memory_space<vmem>>, vector<16xf32>,
      %get3A_1117 = arith.constant 304 : index
      %get3A_1118 = tpu.vector_load %arg5[%get3A_1117] {strides = array<i32>} : memref<3200xf32, #tpu.memory_space<vmem>>, vector<16xf32>,
      %swap3A_1119 = arith.constant 4 : i32
      %swap3A_1120 = arith.index_cast %swap3A_1119 : i32 to index
      %swap3A_1121 = arith.constant 48 : index
      %swap3A_1122 = tpu.vector_load %arg6[%swap3A_1120, %swap3A_1121] {strides = array<i32>} : memref<50x64xf32, #tpu.memory_space<vmem>>, vector<16xf32>,
      tpu.vector_store %arg6[%swap3A_1120, %swap3A_1121], %get3A_1118 {strides = array<i32>} : memref<50x64xf32, #tpu.memory_space<vmem>>, vector<16xf32>,
      %get3A_1123 = arith.constant 320 : index
      %get3A_1124 = tpu.vector_load %arg5[%get3A_1123] {strides = array<i32>} : memref<3200xf32, #tpu.memory_space<vmem>>, vector<16xf32>,
      %swap3A_1125 = arith.constant 5 : i32
      %swap3A_1126 = arith.index_cast %swap3A_1125 : i32 to index
      %swap3A_1127 = arith.constant 0 : index
      %swap3A_1128 = tpu.vector_load %arg6[%swap3A_1126, %swap3A_1127] {strides = array<i32>} : memref<50x64xf32, #tpu.memory_space<vmem>>, vector<16xf32>,
      tpu.vector_store %arg6[%swap3A_1126, %swap3A_1127], %get3A_1124 {strides = array<i32>} : memref<50x64xf32, #tpu.memory_space<vmem>>, vector<16xf32>,
      %get3A_1129 = arith.constant 336 : index
      %get3A_1130 = tpu.vector_load %arg5[%get3A_1129] {strides = array<i32>} : memref<3200xf32, #tpu.memory_space<vmem>>, vector<16xf32>,
      %swap3A_1131 = arith.constant 5 : i32
      %swap3A_1132 = arith.index_cast %swap3A_1131 : i32 to index
      %swap3A_1133 = arith.constant 16 : index
      %swap3A_1134 = tpu.vector_load %arg6[%swap3A_1132, %swap3A_1133] {strides = array<i32>} : memref<50x64xf32, #tpu.memory_space<vmem>>, vector<16xf32>,
      tpu.vector_store %arg6[%swap3A_1132, %swap3A_1133], %get3A_1130 {strides = array<i32>} : memref<50x64xf32, #tpu.memory_space<vmem>>, vector<16xf32>,
      %get3A_1135 = arith.constant 352 : index
      %get3A_1136 = tpu.vector_load %arg5[%get3A_1135] {strides = array<i32>} : memref<3200xf32, #tpu.memory_space<vmem>>, vector<16xf32>,
      %swap3A_1137 = arith.constant 5 : i32
      %swap3A_1138 = arith.index_cast %swap3A_1137 : i32 to index
      %swap3A_1139 = arith.constant 32 : index
      %swap3A_1140 = tpu.vector_load %arg6[%swap3A_1138, %swap3A_1139] {strides = array<i32>} : memref<50x64xf32, #tpu.memory_space<vmem>>, vector<16xf32>,
      tpu.vector_store %arg6[%swap3A_1138, %swap3A_1139], %get3A_1136 {strides = array<i32>} : memref<50x64xf32, #tpu.memory_space<vmem>>, vector<16xf32>,
      %get3A_1141 = arith.constant 368 : index
      %get3A_1142 = tpu.vector_load %arg5[%get3A_1141] {strides = array<i32>} : memref<3200xf32, #tpu.memory_space<vmem>>, vector<16xf32>,
      %swap3A_1143 = arith.constant 5 : i32
      %swap3A_1144 = arith.index_cast %swap3A_1143 : i32 to index
      %swap3A_1145 = arith.constant 48 : index
      %swap3A_1146 = tpu.vector_load %arg6[%swap3A_1144, %swap3A_1145] {strides = array<i32>} : memref<50x64xf32, #tpu.memory_space<vmem>>, vector<16xf32>,
      tpu.vector_store %arg6[%swap3A_1144, %swap3A_1145], %get3A_1142 {strides = array<i32>} : memref<50x64xf32, #tpu.memory_space<vmem>>, vector<16xf32>,
      %get3A_1147 = arith.constant 384 : index
      %get3A_1148 = tpu.vector_load %arg5[%get3A_1147] {strides = array<i32>} : memref<3200xf32, #tpu.memory_space<vmem>>, vector<16xf32>,
      %swap3A_1149 = arith.constant 6 : i32
      %swap3A_1150 = arith.index_cast %swap3A_1149 : i32 to index
      %swap3A_1151 = arith.constant 0 : index
      %swap3A_1152 = tpu.vector_load %arg6[%swap3A_1150, %swap3A_1151] {strides = array<i32>} : memref<50x64xf32, #tpu.memory_space<vmem>>, vector<16xf32>,
      tpu.vector_store %arg6[%swap3A_1150, %swap3A_1151], %get3A_1148 {strides = array<i32>} : memref<50x64xf32, #tpu.memory_space<vmem>>, vector<16xf32>,
      %get3A_1153 = arith.constant 400 : index
      %get3A_1154 = tpu.vector_load %arg5[%get3A_1153] {strides = array<i32>} : memref<3200xf32, #tpu.memory_space<vmem>>, vector<16xf32>,
      %swap3A_1155 = arith.constant 6 : i32
      %swap3A_1156 = arith.index_cast %swap3A_1155 : i32 to index
      %swap3A_1157 = arith.constant 16 : index
      %swap3A_1158 = tpu.vector_load %arg6[%swap3A_1156, %swap3A_1157] {strides = array<i32>} : memref<50x64xf32, #tpu.memory_space<vmem>>, vector<16xf32>,
      tpu.vector_store %arg6[%swap3A_1156, %swap3A_1157], %get3A_1154 {strides = array<i32>} : memref<50x64xf32, #tpu.memory_space<vmem>>, vector<16xf32>,
      %get3A_1159 = arith.constant 416 : index
      %get3A_1160 = tpu.vector_load %arg5[%get3A_1159] {strides = array<i32>} : memref<3200xf32, #tpu.memory_space<vmem>>, vector<16xf32>,
      %swap3A_1161 = arith.constant 6 : i32
      %swap3A_1162 = arith.index_cast %swap3A_1161 : i32 to index
      %swap3A_1163 = arith.constant 32 : index
      %swap3A_1164 = tpu.vector_load %arg6[%swap3A_1162, %swap3A_1163] {strides = array<i32>} : memref<50x64xf32, #tpu.memory_space<vmem>>, vector<16xf32>,
      tpu.vector_store %arg6[%swap3A_1162, %swap3A_1163], %get3A_1160 {strides = array<i32>} : memref<50x64xf32, #tpu.memory_space<vmem>>, vector<16xf32>,
      %get3A_1165 = arith.constant 432 : index
      %get3A_1166 = tpu.vector_load %arg5[%get3A_1165] {strides = array<i32>} : memref<3200xf32, #tpu.memory_space<vmem>>, vector<16xf32>,
      %swap3A_1167 = arith.constant 6 : i32
      %swap3A_1168 = arith.index_cast %swap3A_1167 : i32 to index
      %swap3A_1169 = arith.constant 48 : index
      %swap3A_1170 = tpu.vector_load %arg6[%swap3A_1168, %swap3A_1169] {strides = array<i32>} : memref<50x64xf32, #tpu.memory_space<vmem>>, vector<16xf32>,
      tpu.vector_store %arg6[%swap3A_1168, %swap3A_1169], %get3A_1166 {strides = array<i32>} : memref<50x64xf32, #tpu.memory_space<vmem>>, vector<16xf32>,
      %get3A_1171 = arith.constant 448 : index
      %get3A_1172 = tpu.vector_load %arg5[%get3A_1171] {strides = array<i32>} : memref<3200xf32, #tpu.memory_space<vmem>>, vector<16xf32>,
      %swap3A_1173 = arith.constant 7 : i32
      %swap3A_1174 = arith.index_cast %swap3A_1173 : i32 to index
      %swap3A_1175 = arith.constant 0 : index
      %swap3A_1176 = tpu.vector_load %arg6[%swap3A_1174, %swap3A_1175] {strides = array<i32>} : memref<50x64xf32, #tpu.memory_space<vmem>>, vector<16xf32>,
      tpu.vector_store %arg6[%swap3A_1174, %swap3A_1175], %get3A_1172 {strides = array<i32>} : memref<50x64xf32, #tpu.memory_space<vmem>>, vector<16xf32>,
      %get3A_1177 = arith.constant 464 : index
      %get3A_1178 = tpu.vector_load %arg5[%get3A_1177] {strides = array<i32>} : memref<3200xf32, #tpu.memory_space<vmem>>, vector<16xf32>,
      %swap3A_1179 = arith.constant 7 : i32
      %swap3A_1180 = arith.index_cast %swap3A_1179 : i32 to index
      %swap3A_1181 = arith.constant 16 : index
      %swap3A_1182 = tpu.vector_load %arg6[%swap3A_1180, %swap3A_1181] {strides = array<i32>} : memref<50x64xf32, #tpu.memory_space<vmem>>, vector<16xf32>,
      tpu.vector_store %arg6[%swap3A_1180, %swap3A_1181], %get3A_1178 {strides = array<i32>} : memref<50x64xf32, #tpu.memory_space<vmem>>, vector<16xf32>,
      %get3A_1183 = arith.constant 480 : index
      %get3A_1184 = tpu.vector_load %arg5[%get3A_1183] {strides = array<i32>} : memref<3200xf32, #tpu.memory_space<vmem>>, vector<16xf32>,
      %swap3A_1185 = arith.constant 7 : i32
      %swap3A_1186 = arith.index_cast %swap3A_1185 : i32 to index
      %swap3A_1187 = arith.constant 32 : index
      %swap3A_1188 = tpu.vector_load %arg6[%swap3A_1186, %swap3A_1187] {strides = array<i32>} : memref<50x64xf32, #tpu.memory_space<vmem>>, vector<16xf32>,
      tpu.vector_store %arg6[%swap3A_1186, %swap3A_1187], %get3A_1184 {strides = array<i32>} : memref<50x64xf32, #tpu.memory_space<vmem>>, vector<16xf32>,
      %get3A_1189 = arith.constant 496 : index
      %get3A_1190 = tpu.vector_load %arg5[%get3A_1189] {strides = array<i32>} : memref<3200xf32, #tpu.memory_space<vmem>>, vector<16xf32>,
      %swap3A_1191 = arith.constant 7 : i32
      %swap3A_1192 = arith.index_cast %swap3A_1191 : i32 to index
      %swap3A_1193 = arith.constant 48 : index
      %swap3A_1194 = tpu.vector_load %arg6[%swap3A_1192, %swap3A_1193] {strides = array<i32>} : memref<50x64xf32, #tpu.memory_space<vmem>>, vector<16xf32>,
      tpu.vector_store %arg6[%swap3A_1192, %swap3A_1193], %get3A_1190 {strides = array<i32>} : memref<50x64xf32, #tpu.memory_space<vmem>>, vector<16xf32>,
      %get3A_1195 = arith.constant 512 : index
      %get3A_1196 = tpu.vector_load %arg5[%get3A_1195] {strides = array<i32>} : memref<3200xf32, #tpu.memory_space<vmem>>, vector<16xf32>,
      %swap3A_1197 = arith.constant 8 : i32
      %swap3A_1198 = arith.index_cast %swap3A_1197 : i32 to index
      %swap3A_1199 = arith.constant 0 : index
      %swap3A_1200 = tpu.vector_load %arg6[%swap3A_1198, %swap3A_1199] {strides = array<i32>} : memref<50x64xf32, #tpu.memory_space<vmem>>, vector<16xf32>,
      tpu.vector_store %arg6[%swap3A_1198, %swap3A_1199], %get3A_1196 {strides = array<i32>} : memref<50x64xf32, #tpu.memory_space<vmem>>, vector<16xf32>,
      %get3A_1201 = arith.constant 528 : index
      %get3A_1202 = tpu.vector_load %arg5[%get3A_1201] {strides = array<i32>} : memref<3200xf32, #tpu.memory_space<vmem>>, vector<16xf32>,
      %swap3A_1203 = arith.constant 8 : i32
      %swap3A_1204 = arith.index_cast %swap3A_1203 : i32 to index
      %swap3A_1205 = arith.constant 16 : index
      %swap3A_1206 = tpu.vector_load %arg6[%swap3A_1204, %swap3A_1205] {strides = array<i32>} : memref<50x64xf32, #tpu.memory_space<vmem>>, vector<16xf32>,
      tpu.vector_store %arg6[%swap3A_1204, %swap3A_1205], %get3A_1202 {strides = array<i32>} : memref<50x64xf32, #tpu.memory_space<vmem>>, vector<16xf32>,
      %get3A_1207 = arith.constant 544 : index
      %get3A_1208 = tpu.vector_load %arg5[%get3A_1207] {strides = array<i32>} : memref<3200xf32, #tpu.memory_space<vmem>>, vector<16xf32>,
      %swap3A_1209 = arith.constant 8 : i32
      %swap3A_1210 = arith.index_cast %swap3A_1209 : i32 to index
      %swap3A_1211 = arith.constant 32 : index
      %swap3A_1212 = tpu.vector_load %arg6[%swap3A_1210, %swap3A_1211] {strides = array<i32>} : memref<50x64xf32, #tpu.memory_space<vmem>>, vector<16xf32>,
      tpu.vector_store %arg6[%swap3A_1210, %swap3A_1211], %get3A_1208 {strides = array<i32>} : memref<50x64xf32, #tpu.memory_space<vmem>>, vector<16xf32>,
      %get3A_1213 = arith.constant 560 : index
      %get3A_1214 = tpu.vector_load %arg5[%get3A_1213] {strides = array<i32>} : memref<3200xf32, #tpu.memory_space<vmem>>, vector<16xf32>,
      %swap3A_1215 = arith.constant 8 : i32
      %swap3A_1216 = arith.index_cast %swap3A_1215 : i32 to index
      %swap3A_1217 = arith.constant 48 : index
      %swap3A_1218 = tpu.vector_load %arg6[%swap3A_1216, %swap3A_1217] {strides = array<i32>} : memref<50x64xf32, #tpu.memory_space<vmem>>, vector<16xf32>,
      tpu.vector_store %arg6[%swap3A_1216, %swap3A_1217], %get3A_1214 {strides = array<i32>} : memref<50x64xf32, #tpu.memory_space<vmem>>, vector<16xf32>,
      %get3A_1219 = arith.constant 576 : index
      %get3A_1220 = tpu.vector_load %arg5[%get3A_1219] {strides = array<i32>} : memref<3200xf32, #tpu.memory_space<vmem>>, vector<16xf32>,
      %swap3A_1221 = arith.constant 9 : i32
      %swap3A_1222 = arith.index_cast %swap3A_1221 : i32 to index
      %swap3A_1223 = arith.constant 0 : index
      %swap3A_1224 = tpu.vector_load %arg6[%swap3A_1222, %swap3A_1223] {strides = array<i32>} : memref<50x64xf32, #tpu.memory_space<vmem>>, vector<16xf32>,
      tpu.vector_store %arg6[%swap3A_1222, %swap3A_1223], %get3A_1220 {strides = array<i32>} : memref<50x64xf32, #tpu.memory_space<vmem>>, vector<16xf32>,
      %get3A_1225 = arith.constant 592 : index
      %get3A_1226 = tpu.vector_load %arg5[%get3A_1225] {strides = array<i32>} : memref<3200xf32, #tpu.memory_space<vmem>>, vector<16xf32>,
      %swap3A_1227 = arith.constant 9 : i32
      %swap3A_1228 = arith.index_cast %swap3A_1227 : i32 to index
      %swap3A_1229 = arith.constant 16 : index
      %swap3A_1230 = tpu.vector_load %arg6[%swap3A_1228, %swap3A_1229] {strides = array<i32>} : memref<50x64xf32, #tpu.memory_space<vmem>>, vector<16xf32>,
      tpu.vector_store %arg6[%swap3A_1228, %swap3A_1229], %get3A_1226 {strides = array<i32>} : memref<50x64xf32, #tpu.memory_space<vmem>>, vector<16xf32>,
      %get3A_1231 = arith.constant 608 : index
      %get3A_1232 = tpu.vector_load %arg5[%get3A_1231] {strides = array<i32>} : memref<3200xf32, #tpu.memory_space<vmem>>, vector<16xf32>,
      %swap3A_1233 = arith.constant 9 : i32
      %swap3A_1234 = arith.index_cast %swap3A_1233 : i32 to index
      %swap3A_1235 = arith.constant 32 : index
      %swap3A_1236 = tpu.vector_load %arg6[%swap3A_1234, %swap3A_1235] {strides = array<i32>} : memref<50x64xf32, #tpu.memory_space<vmem>>, vector<16xf32>,
      tpu.vector_store %arg6[%swap3A_1234, %swap3A_1235], %get3A_1232 {strides = array<i32>} : memref<50x64xf32, #tpu.memory_space<vmem>>, vector<16xf32>,
      %get3A_1237 = arith.constant 624 : index
      %get3A_1238 = tpu.vector_load %arg5[%get3A_1237] {strides = array<i32>} : memref<3200xf32, #tpu.memory_space<vmem>>, vector<16xf32>,
      %swap3A_1239 = arith.constant 9 : i32
      %swap3A_1240 = arith.index_cast %swap3A_1239 : i32 to index
      %swap3A_1241 = arith.constant 48 : index
      %swap3A_1242 = tpu.vector_load %arg6[%swap3A_1240, %swap3A_1241] {strides = array<i32>} : memref<50x64xf32, #tpu.memory_space<vmem>>, vector<16xf32>,
      tpu.vector_store %arg6[%swap3A_1240, %swap3A_1241], %get3A_1238 {strides = array<i32>} : memref<50x64xf32, #tpu.memory_space<vmem>>, vector<16xf32>,
      %get3A_1243 = arith.constant 640 : index
      %get3A_1244 = tpu.vector_load %arg5[%get3A_1243] {strides = array<i32>} : memref<3200xf32, #tpu.memory_space<vmem>>, vector<16xf32>,
      %swap3A_1245 = arith.constant 10 : i32
      %swap3A_1246 = arith.index_cast %swap3A_1245 : i32 to index
      %swap3A_1247 = arith.constant 0 : index
      %swap3A_1248 = tpu.vector_load %arg6[%swap3A_1246, %swap3A_1247] {strides = array<i32>} : memref<50x64xf32, #tpu.memory_space<vmem>>, vector<16xf32>,
      tpu.vector_store %arg6[%swap3A_1246, %swap3A_1247], %get3A_1244 {strides = array<i32>} : memref<50x64xf32, #tpu.memory_space<vmem>>, vector<16xf32>,
      %get3A_1249 = arith.constant 656 : index
      %get3A_1250 = tpu.vector_load %arg5[%get3A_1249] {strides = array<i32>} : memref<3200xf32, #tpu.memory_space<vmem>>, vector<16xf32>,
      %swap3A_1251 = arith.constant 10 : i32
      %swap3A_1252 = arith.index_cast %swap3A_1251 : i32 to index
      %swap3A_1253 = arith.constant 16 : index
      %swap3A_1254 = tpu.vector_load %arg6[%swap3A_1252, %swap3A_1253] {strides = array<i32>} : memref<50x64xf32, #tpu.memory_space<vmem>>, vector<16xf32>,
      tpu.vector_store %arg6[%swap3A_1252, %swap3A_1253], %get3A_1250 {strides = array<i32>} : memref<50x64xf32, #tpu.memory_space<vmem>>, vector<16xf32>,
      %get3A_1255 = arith.constant 672 : index
      %get3A_1256 = tpu.vector_load %arg5[%get3A_1255] {strides = array<i32>} : memref<3200xf32, #tpu.memory_space<vmem>>, vector<16xf32>,
      %swap3A_1257 = arith.constant 10 : i32
      %swap3A_1258 = arith.index_cast %swap3A_1257 : i32 to index
      %swap3A_1259 = arith.constant 32 : index
      %swap3A_1260 = tpu.vector_load %arg6[%swap3A_1258, %swap3A_1259] {strides = array<i32>} : memref<50x64xf32, #tpu.memory_space<vmem>>, vector<16xf32>,
      tpu.vector_store %arg6[%swap3A_1258, %swap3A_1259], %get3A_1256 {strides = array<i32>} : memref<50x64xf32, #tpu.memory_space<vmem>>, vector<16xf32>,
      %get3A_1261 = arith.constant 688 : index
      %get3A_1262 = tpu.vector_load %arg5[%get3A_1261] {strides = array<i32>} : memref<3200xf32, #tpu.memory_space<vmem>>, vector<16xf32>,
      %swap3A_1263 = arith.constant 10 : i32
      %swap3A_1264 = arith.index_cast %swap3A_1263 : i32 to index
      %swap3A_1265 = arith.constant 48 : index
      %swap3A_1266 = tpu.vector_load %arg6[%swap3A_1264, %swap3A_1265] {strides = array<i32>} : memref<50x64xf32, #tpu.memory_space<vmem>>, vector<16xf32>,
      tpu.vector_store %arg6[%swap3A_1264, %swap3A_1265], %get3A_1262 {strides = array<i32>} : memref<50x64xf32, #tpu.memory_space<vmem>>, vector<16xf32>,
      %get3A_1267 = arith.constant 704 : index
      %get3A_1268 = tpu.vector_load %arg5[%get3A_1267] {strides = array<i32>} : memref<3200xf32, #tpu.memory_space<vmem>>, vector<16xf32>,
      %swap3A_1269 = arith.constant 11 : i32
      %swap3A_1270 = arith.index_cast %swap3A_1269 : i32 to index
      %swap3A_1271 = arith.constant 0 : index
      %swap3A_1272 = tpu.vector_load %arg6[%swap3A_1270, %swap3A_1271] {strides = array<i32>} : memref<50x64xf32, #tpu.memory_space<vmem>>, vector<16xf32>,
      tpu.vector_store %arg6[%swap3A_1270, %swap3A_1271], %get3A_1268 {strides = array<i32>} : memref<50x64xf32, #tpu.memory_space<vmem>>, vector<16xf32>,
      %get3A_1273 = arith.constant 720 : index
      %get3A_1274 = tpu.vector_load %arg5[%get3A_1273] {strides = array<i32>} : memref<3200xf32, #tpu.memory_space<vmem>>, vector<16xf32>,
      %swap3A_1275 = arith.constant 11 : i32
      %swap3A_1276 = arith.index_cast %swap3A_1275 : i32 to index
      %swap3A_1277 = arith.constant 16 : index
      %swap3A_1278 = tpu.vector_load %arg6[%swap3A_1276, %swap3A_1277] {strides = array<i32>} : memref<50x64xf32, #tpu.memory_space<vmem>>, vector<16xf32>,
      tpu.vector_store %arg6[%swap3A_1276, %swap3A_1277], %get3A_1274 {strides = array<i32>} : memref<50x64xf32, #tpu.memory_space<vmem>>, vector<16xf32>,
      %get3A_1279 = arith.constant 736 : index
      %get3A_1280 = tpu.vector_load %arg5[%get3A_1279] {strides = array<i32>} : memref<3200xf32, #tpu.memory_space<vmem>>, vector<16xf32>,
      %swap3A_1281 = arith.constant 11 : i32
      %swap3A_1282 = arith.index_cast %swap3A_1281 : i32 to index
      %swap3A_1283 = arith.constant 32 : index
      %swap3A_1284 = tpu.vector_load %arg6[%swap3A_1282, %swap3A_1283] {strides = array<i32>} : memref<50x64xf32, #tpu.memory_space<vmem>>, vector<16xf32>,
      tpu.vector_store %arg6[%swap3A_1282, %swap3A_1283], %get3A_1280 {strides = array<i32>} : memref<50x64xf32, #tpu.memory_space<vmem>>, vector<16xf32>,
      %get3A_1285 = arith.constant 752 : index
      %get3A_1286 = tpu.vector_load %arg5[%get3A_1285] {strides = array<i32>} : memref<3200xf32, #tpu.memory_space<vmem>>, vector<16xf32>,
      %swap3A_1287 = arith.constant 11 : i32
      %swap3A_1288 = arith.index_cast %swap3A_1287 : i32 to index
      %swap3A_1289 = arith.constant 48 : index
      %swap3A_1290 = tpu.vector_load %arg6[%swap3A_1288, %swap3A_1289] {strides = array<i32>} : memref<50x64xf32, #tpu.memory_space<vmem>>, vector<16xf32>,
      tpu.vector_store %arg6[%swap3A_1288, %swap3A_1289], %get3A_1286 {strides = array<i32>} : memref<50x64xf32, #tpu.memory_space<vmem>>, vector<16xf32>,
      %get3A_1291 = arith.constant 768 : index
      %get3A_1292 = tpu.vector_load %arg5[%get3A_1291] {strides = array<i32>} : memref<3200xf32, #tpu.memory_space<vmem>>, vector<16xf32>,
      %swap3A_1293 = arith.constant 12 : i32
      %swap3A_1294 = arith.index_cast %swap3A_1293 : i32 to index
      %swap3A_1295 = arith.constant 0 : index
      %swap3A_1296 = tpu.vector_load %arg6[%swap3A_1294, %swap3A_1295] {strides = array<i32>} : memref<50x64xf32, #tpu.memory_space<vmem>>, vector<16xf32>,
      tpu.vector_store %arg6[%swap3A_1294, %swap3A_1295], %get3A_1292 {strides = array<i32>} : memref<50x64xf32, #tpu.memory_space<vmem>>, vector<16xf32>,
      %get3A_1297 = arith.constant 784 : index
      %get3A_1298 = tpu.vector_load %arg5[%get3A_1297] {strides = array<i32>} : memref<3200xf32, #tpu.memory_space<vmem>>, vector<16xf32>,
      %swap3A_1299 = arith.constant 12 : i32
      %swap3A_1300 = arith.index_cast %swap3A_1299 : i32 to index
      %swap3A_1301 = arith.constant 16 : index
      %swap3A_1302 = tpu.vector_load %arg6[%swap3A_1300, %swap3A_1301] {strides = array<i32>} : memref<50x64xf32, #tpu.memory_space<vmem>>, vector<16xf32>,
      tpu.vector_store %arg6[%swap3A_1300, %swap3A_1301], %get3A_1298 {strides = array<i32>} : memref<50x64xf32, #tpu.memory_space<vmem>>, vector<16xf32>,
      %get3A_1303 = arith.constant 800 : index
      %get3A_1304 = tpu.vector_load %arg5[%get3A_1303] {strides = array<i32>} : memref<3200xf32, #tpu.memory_space<vmem>>, vector<16xf32>,
      %swap3A_1305 = arith.constant 12 : i32
      %swap3A_1306 = arith.index_cast %swap3A_1305 : i32 to index
      %swap3A_1307 = arith.constant 32 : index
      %swap3A_1308 = tpu.vector_load %arg6[%swap3A_1306, %swap3A_1307] {strides = array<i32>} : memref<50x64xf32, #tpu.memory_space<vmem>>, vector<16xf32>,
      tpu.vector_store %arg6[%swap3A_1306, %swap3A_1307], %get3A_1304 {strides = array<i32>} : memref<50x64xf32, #tpu.memory_space<vmem>>, vector<16xf32>,
      %get3A_1309 = arith.constant 816 : index
      %get3A_1310 = tpu.vector_load %arg5[%get3A_1309] {strides = array<i32>} : memref<3200xf32, #tpu.memory_space<vmem>>, vector<16xf32>,
      %swap3A_1311 = arith.constant 12 : i32
      %swap3A_1312 = arith.index_cast %swap3A_1311 : i32 to index
      %swap3A_1313 = arith.constant 48 : index
      %swap3A_1314 = tpu.vector_load %arg6[%swap3A_1312, %swap3A_1313] {strides = array<i32>} : memref<50x64xf32, #tpu.memory_space<vmem>>, vector<16xf32>,
      tpu.vector_store %arg6[%swap3A_1312, %swap3A_1313], %get3A_1310 {strides = array<i32>} : memref<50x64xf32, #tpu.memory_space<vmem>>, vector<16xf32>,
      %get3A_1315 = arith.constant 832 : index
      %get3A_1316 = tpu.vector_load %arg5[%get3A_1315] {strides = array<i32>} : memref<3200xf32, #tpu.memory_space<vmem>>, vector<16xf32>,
      %swap3A_1317 = arith.constant 13 : i32
      %swap3A_1318 = arith.index_cast %swap3A_1317 : i32 to index
      %swap3A_1319 = arith.constant 0 : index
      %swap3A_1320 = tpu.vector_load %arg6[%swap3A_1318, %swap3A_1319] {strides = array<i32>} : memref<50x64xf32, #tpu.memory_space<vmem>>, vector<16xf32>,
      tpu.vector_store %arg6[%swap3A_1318, %swap3A_1319], %get3A_1316 {strides = array<i32>} : memref<50x64xf32, #tpu.memory_space<vmem>>, vector<16xf32>,
      %get3A_1321 = arith.constant 848 : index
      %get3A_1322 = tpu.vector_load %arg5[%get3A_1321] {strides = array<i32>} : memref<3200xf32, #tpu.memory_space<vmem>>, vector<16xf32>,
      %swap3A_1323 = arith.constant 13 : i32
      %swap3A_1324 = arith.index_cast %swap3A_1323 : i32 to index
      %swap3A_1325 = arith.constant 16 : index
      %swap3A_1326 = tpu.vector_load %arg6[%swap3A_1324, %swap3A_1325] {strides = array<i32>} : memref<50x64xf32, #tpu.memory_space<vmem>>, vector<16xf32>,
      tpu.vector_store %arg6[%swap3A_1324, %swap3A_1325], %get3A_1322 {strides = array<i32>} : memref<50x64xf32, #tpu.memory_space<vmem>>, vector<16xf32>,
      %get3A_1327 = arith.constant 864 : index
      %get3A_1328 = tpu.vector_load %arg5[%get3A_1327] {strides = array<i32>} : memref<3200xf32, #tpu.memory_space<vmem>>, vector<16xf32>,
      %swap3A_1329 = arith.constant 13 : i32
      %swap3A_1330 = arith.index_cast %swap3A_1329 : i32 to index
      %swap3A_1331 = arith.constant 32 : index
      %swap3A_1332 = tpu.vector_load %arg6[%swap3A_1330, %swap3A_1331] {strides = array<i32>} : memref<50x64xf32, #tpu.memory_space<vmem>>, vector<16xf32>,
      tpu.vector_store %arg6[%swap3A_1330, %swap3A_1331], %get3A_1328 {strides = array<i32>} : memref<50x64xf32, #tpu.memory_space<vmem>>, vector<16xf32>,
      %get3A_1333 = arith.constant 880 : index
      %get3A_1334 = tpu.vector_load %arg5[%get3A_1333] {strides = array<i32>} : memref<3200xf32, #tpu.memory_space<vmem>>, vector<16xf32>,
      %swap3A_1335 = arith.constant 13 : i32
      %swap3A_1336 = arith.index_cast %swap3A_1335 : i32 to index
      %swap3A_1337 = arith.constant 48 : index
      %swap3A_1338 = tpu.vector_load %arg6[%swap3A_1336, %swap3A_1337] {strides = array<i32>} : memref<50x64xf32, #tpu.memory_space<vmem>>, vector<16xf32>,
      tpu.vector_store %arg6[%swap3A_1336, %swap3A_1337], %get3A_1334 {strides = array<i32>} : memref<50x64xf32, #tpu.memory_space<vmem>>, vector<16xf32>,
      %get3A_1339 = arith.constant 896 : index
      %get3A_1340 = tpu.vector_load %arg5[%get3A_1339] {strides = array<i32>} : memref<3200xf32, #tpu.memory_space<vmem>>, vector<16xf32>,
      %swap3A_1341 = arith.constant 14 : i32
      %swap3A_1342 = arith.index_cast %swap3A_1341 : i32 to index
      %swap3A_1343 = arith.constant 0 : index
      %swap3A_1344 = tpu.vector_load %arg6[%swap3A_1342, %swap3A_1343] {strides = array<i32>} : memref<50x64xf32, #tpu.memory_space<vmem>>, vector<16xf32>,
      tpu.vector_store %arg6[%swap3A_1342, %swap3A_1343], %get3A_1340 {strides = array<i32>} : memref<50x64xf32, #tpu.memory_space<vmem>>, vector<16xf32>,
      %get3A_1345 = arith.constant 912 : index
      %get3A_1346 = tpu.vector_load %arg5[%get3A_1345] {strides = array<i32>} : memref<3200xf32, #tpu.memory_space<vmem>>, vector<16xf32>,
      %swap3A_1347 = arith.constant 14 : i32
      %swap3A_1348 = arith.index_cast %swap3A_1347 : i32 to index
      %swap3A_1349 = arith.constant 16 : index
      %swap3A_1350 = tpu.vector_load %arg6[%swap3A_1348, %swap3A_1349] {strides = array<i32>} : memref<50x64xf32, #tpu.memory_space<vmem>>, vector<16xf32>,
      tpu.vector_store %arg6[%swap3A_1348, %swap3A_1349], %get3A_1346 {strides = array<i32>} : memref<50x64xf32, #tpu.memory_space<vmem>>, vector<16xf32>,
      %get3A_1351 = arith.constant 928 : index
      %get3A_1352 = tpu.vector_load %arg5[%get3A_1351] {strides = array<i32>} : memref<3200xf32, #tpu.memory_space<vmem>>, vector<16xf32>,
      %swap3A_1353 = arith.constant 14 : i32
      %swap3A_1354 = arith.index_cast %swap3A_1353 : i32 to index
      %swap3A_1355 = arith.constant 32 : index
      %swap3A_1356 = tpu.vector_load %arg6[%swap3A_1354, %swap3A_1355] {strides = array<i32>} : memref<50x64xf32, #tpu.memory_space<vmem>>, vector<16xf32>,
      tpu.vector_store %arg6[%swap3A_1354, %swap3A_1355], %get3A_1352 {strides = array<i32>} : memref<50x64xf32, #tpu.memory_space<vmem>>, vector<16xf32>,
      %get3A_1357 = arith.constant 944 : index
      %get3A_1358 = tpu.vector_load %arg5[%get3A_1357] {strides = array<i32>} : memref<3200xf32, #tpu.memory_space<vmem>>, vector<16xf32>,
      %swap3A_1359 = arith.constant 14 : i32
      %swap3A_1360 = arith.index_cast %swap3A_1359 : i32 to index
      %swap3A_1361 = arith.constant 48 : index
      %swap3A_1362 = tpu.vector_load %arg6[%swap3A_1360, %swap3A_1361] {strides = array<i32>} : memref<50x64xf32, #tpu.memory_space<vmem>>, vector<16xf32>,
      tpu.vector_store %arg6[%swap3A_1360, %swap3A_1361], %get3A_1358 {strides = array<i32>} : memref<50x64xf32, #tpu.memory_space<vmem>>, vector<16xf32>,
      %get3A_1363 = arith.constant 960 : index
      %get3A_1364 = tpu.vector_load %arg5[%get3A_1363] {strides = array<i32>} : memref<3200xf32, #tpu.memory_space<vmem>>, vector<16xf32>,
      %swap3A_1365 = arith.constant 15 : i32
      %swap3A_1366 = arith.index_cast %swap3A_1365 : i32 to index
      %swap3A_1367 = arith.constant 0 : index
      %swap3A_1368 = tpu.vector_load %arg6[%swap3A_1366, %swap3A_1367] {strides = array<i32>} : memref<50x64xf32, #tpu.memory_space<vmem>>, vector<16xf32>,
      tpu.vector_store %arg6[%swap3A_1366, %swap3A_1367], %get3A_1364 {strides = array<i32>} : memref<50x64xf32, #tpu.memory_space<vmem>>, vector<16xf32>,
      %get3A_1369 = arith.constant 976 : index
      %get3A_1370 = tpu.vector_load %arg5[%get3A_1369] {strides = array<i32>} : memref<3200xf32, #tpu.memory_space<vmem>>, vector<16xf32>,
      %swap3A_1371 = arith.constant 15 : i32
      %swap3A_1372 = arith.index_cast %swap3A_1371 : i32 to index
      %swap3A_1373 = arith.constant 16 : index
      %swap3A_1374 = tpu.vector_load %arg6[%swap3A_1372, %swap3A_1373] {strides = array<i32>} : memref<50x64xf32, #tpu.memory_space<vmem>>, vector<16xf32>,
      tpu.vector_store %arg6[%swap3A_1372, %swap3A_1373], %get3A_1370 {strides = array<i32>} : memref<50x64xf32, #tpu.memory_space<vmem>>, vector<16xf32>,
      %get3A_1375 = arith.constant 992 : index
      %get3A_1376 = tpu.vector_load %arg5[%get3A_1375] {strides = array<i32>} : memref<3200xf32, #tpu.memory_space<vmem>>, vector<16xf32>,
      %swap3A_1377 = arith.constant 15 : i32
      %swap3A_1378 = arith.index_cast %swap3A_1377 : i32 to index
      %swap3A_1379 = arith.constant 32 : index
      %swap3A_1380 = tpu.vector_load %arg6[%swap3A_1378, %swap3A_1379] {strides = array<i32>} : memref<50x64xf32, #tpu.memory_space<vmem>>, vector<16xf32>,
      tpu.vector_store %arg6[%swap3A_1378, %swap3A_1379], %get3A_1376 {strides = array<i32>} : memref<50x64xf32, #tpu.memory_space<vmem>>, vector<16xf32>,
      %get3A_1381 = arith.constant 1008 : index
      %get3A_1382 = tpu.vector_load %arg5[%get3A_1381] {strides = array<i32>} : memref<3200xf32, #tpu.memory_space<vmem>>, vector<16xf32>,
      %swap3A_1383 = arith.constant 15 : i32
      %swap3A_1384 = arith.index_cast %swap3A_1383 : i32 to index
      %swap3A_1385 = arith.constant 48 : index
      %swap3A_1386 = tpu.vector_load %arg6[%swap3A_1384, %swap3A_1385] {strides = array<i32>} : memref<50x64xf32, #tpu.memory_space<vmem>>, vector<16xf32>,
      tpu.vector_store %arg6[%swap3A_1384, %swap3A_1385], %get3A_1382 {strides = array<i32>} : memref<50x64xf32, #tpu.memory_space<vmem>>, vector<16xf32>,
      %get3A_1387 = arith.constant 1024 : index
      %get3A_1388 = tpu.vector_load %arg5[%get3A_1387] {strides = array<i32>} : memref<3200xf32, #tpu.memory_space<vmem>>, vector<16xf32>,
      %swap3A_1389 = arith.constant 16 : i32
      %swap3A_1390 = arith.index_cast %swap3A_1389 : i32 to index
      %swap3A_1391 = arith.constant 0 : index
      %swap3A_1392 = tpu.vector_load %arg6[%swap3A_1390, %swap3A_1391] {strides = array<i32>} : memref<50x64xf32, #tpu.memory_space<vmem>>, vector<16xf32>,
      tpu.vector_store %arg6[%swap3A_1390, %swap3A_1391], %get3A_1388 {strides = array<i32>} : memref<50x64xf32, #tpu.memory_space<vmem>>, vector<16xf32>,
      %get3A_1393 = arith.constant 1040 : index
      %get3A_1394 = tpu.vector_load %arg5[%get3A_1393] {strides = array<i32>} : memref<3200xf32, #tpu.memory_space<vmem>>, vector<16xf32>,
      %swap3A_1395 = arith.constant 16 : i32
      %swap3A_1396 = arith.index_cast %swap3A_1395 : i32 to index
      %swap3A_1397 = arith.constant 16 : index
      %swap3A_1398 = tpu.vector_load %arg6[%swap3A_1396, %swap3A_1397] {strides = array<i32>} : memref<50x64xf32, #tpu.memory_space<vmem>>, vector<16xf32>,
      tpu.vector_store %arg6[%swap3A_1396, %swap3A_1397], %get3A_1394 {strides = array<i32>} : memref<50x64xf32, #tpu.memory_space<vmem>>, vector<16xf32>,
      %get3A_1399 = arith.constant 1056 : index
      %get3A_1400 = tpu.vector_load %arg5[%get3A_1399] {strides = array<i32>} : memref<3200xf32, #tpu.memory_space<vmem>>, vector<16xf32>,
      %swap3A_1401 = arith.constant 16 : i32
      %swap3A_1402 = arith.index_cast %swap3A_1401 : i32 to index
      %swap3A_1403 = arith.constant 32 : index
      %swap3A_1404 = tpu.vector_load %arg6[%swap3A_1402, %swap3A_1403] {strides = array<i32>} : memref<50x64xf32, #tpu.memory_space<vmem>>, vector<16xf32>,
      tpu.vector_store %arg6[%swap3A_1402, %swap3A_1403], %get3A_1400 {strides = array<i32>} : memref<50x64xf32, #tpu.memory_space<vmem>>, vector<16xf32>,
      %get3A_1405 = arith.constant 1072 : index
      %get3A_1406 = tpu.vector_load %arg5[%get3A_1405] {strides = array<i32>} : memref<3200xf32, #tpu.memory_space<vmem>>, vector<16xf32>,
      %swap3A_1407 = arith.constant 16 : i32
      %swap3A_1408 = arith.index_cast %swap3A_1407 : i32 to index
      %swap3A_1409 = arith.constant 48 : index
      %swap3A_1410 = tpu.vector_load %arg6[%swap3A_1408, %swap3A_1409] {strides = array<i32>} : memref<50x64xf32, #tpu.memory_space<vmem>>, vector<16xf32>,
      tpu.vector_store %arg6[%swap3A_1408, %swap3A_1409], %get3A_1406 {strides = array<i32>} : memref<50x64xf32, #tpu.memory_space<vmem>>, vector<16xf32>,
      %get3A_1411 = arith.constant 1088 : index
      %get3A_1412 = tpu.vector_load %arg5[%get3A_1411] {strides = array<i32>} : memref<3200xf32, #tpu.memory_space<vmem>>, vector<16xf32>,
      %swap3A_1413 = arith.constant 17 : i32
      %swap3A_1414 = arith.index_cast %swap3A_1413 : i32 to index
      %swap3A_1415 = arith.constant 0 : index
      %swap3A_1416 = tpu.vector_load %arg6[%swap3A_1414, %swap3A_1415] {strides = array<i32>} : memref<50x64xf32, #tpu.memory_space<vmem>>, vector<16xf32>,
      tpu.vector_store %arg6[%swap3A_1414, %swap3A_1415], %get3A_1412 {strides = array<i32>} : memref<50x64xf32, #tpu.memory_space<vmem>>, vector<16xf32>,
      %get3A_1417 = arith.constant 1104 : index
      %get3A_1418 = tpu.vector_load %arg5[%get3A_1417] {strides = array<i32>} : memref<3200xf32, #tpu.memory_space<vmem>>, vector<16xf32>,
      %swap3A_1419 = arith.constant 17 : i32
      %swap3A_1420 = arith.index_cast %swap3A_1419 : i32 to index
      %swap3A_1421 = arith.constant 16 : index
      %swap3A_1422 = tpu.vector_load %arg6[%swap3A_1420, %swap3A_1421] {strides = array<i32>} : memref<50x64xf32, #tpu.memory_space<vmem>>, vector<16xf32>,
      tpu.vector_store %arg6[%swap3A_1420, %swap3A_1421], %get3A_1418 {strides = array<i32>} : memref<50x64xf32, #tpu.memory_space<vmem>>, vector<16xf32>,
      %get3A_1423 = arith.constant 1120 : index
      %get3A_1424 = tpu.vector_load %arg5[%get3A_1423] {strides = array<i32>} : memref<3200xf32, #tpu.memory_space<vmem>>, vector<16xf32>,
      %swap3A_1425 = arith.constant 17 : i32
      %swap3A_1426 = arith.index_cast %swap3A_1425 : i32 to index
      %swap3A_1427 = arith.constant 32 : index
      %swap3A_1428 = tpu.vector_load %arg6[%swap3A_1426, %swap3A_1427] {strides = array<i32>} : memref<50x64xf32, #tpu.memory_space<vmem>>, vector<16xf32>,
      tpu.vector_store %arg6[%swap3A_1426, %swap3A_1427], %get3A_1424 {strides = array<i32>} : memref<50x64xf32, #tpu.memory_space<vmem>>, vector<16xf32>,
      %get3A_1429 = arith.constant 1136 : index
      %get3A_1430 = tpu.vector_load %arg5[%get3A_1429] {strides = array<i32>} : memref<3200xf32, #tpu.memory_space<vmem>>, vector<16xf32>,
      %swap3A_1431 = arith.constant 17 : i32
      %swap3A_1432 = arith.index_cast %swap3A_1431 : i32 to index
      %swap3A_1433 = arith.constant 48 : index
      %swap3A_1434 = tpu.vector_load %arg6[%swap3A_1432, %swap3A_1433] {strides = array<i32>} : memref<50x64xf32, #tpu.memory_space<vmem>>, vector<16xf32>,
      tpu.vector_store %arg6[%swap3A_1432, %swap3A_1433], %get3A_1430 {strides = array<i32>} : memref<50x64xf32, #tpu.memory_space<vmem>>, vector<16xf32>,
      %get3A_1435 = arith.constant 1152 : index
      %get3A_1436 = tpu.vector_load %arg5[%get3A_1435] {strides = array<i32>} : memref<3200xf32, #tpu.memory_space<vmem>>, vector<16xf32>,
      %swap3A_1437 = arith.constant 18 : i32
      %swap3A_1438 = arith.index_cast %swap3A_1437 : i32 to index
      %swap3A_1439 = arith.constant 0 : index
      %swap3A_1440 = tpu.vector_load %arg6[%swap3A_1438, %swap3A_1439] {strides = array<i32>} : memref<50x64xf32, #tpu.memory_space<vmem>>, vector<16xf32>,
      tpu.vector_store %arg6[%swap3A_1438, %swap3A_1439], %get3A_1436 {strides = array<i32>} : memref<50x64xf32, #tpu.memory_space<vmem>>, vector<16xf32>,
      %get3A_1441 = arith.constant 1168 : index
      %get3A_1442 = tpu.vector_load %arg5[%get3A_1441] {strides = array<i32>} : memref<3200xf32, #tpu.memory_space<vmem>>, vector<16xf32>,
      %swap3A_1443 = arith.constant 18 : i32
      %swap3A_1444 = arith.index_cast %swap3A_1443 : i32 to index
      %swap3A_1445 = arith.constant 16 : index
      %swap3A_1446 = tpu.vector_load %arg6[%swap3A_1444, %swap3A_1445] {strides = array<i32>} : memref<50x64xf32, #tpu.memory_space<vmem>>, vector<16xf32>,
      tpu.vector_store %arg6[%swap3A_1444, %swap3A_1445], %get3A_1442 {strides = array<i32>} : memref<50x64xf32, #tpu.memory_space<vmem>>, vector<16xf32>,
      %get3A_1447 = arith.constant 1184 : index
      %get3A_1448 = tpu.vector_load %arg5[%get3A_1447] {strides = array<i32>} : memref<3200xf32, #tpu.memory_space<vmem>>, vector<16xf32>,
      %swap3A_1449 = arith.constant 18 : i32
      %swap3A_1450 = arith.index_cast %swap3A_1449 : i32 to index
      %swap3A_1451 = arith.constant 32 : index
      %swap3A_1452 = tpu.vector_load %arg6[%swap3A_1450, %swap3A_1451] {strides = array<i32>} : memref<50x64xf32, #tpu.memory_space<vmem>>, vector<16xf32>,
      tpu.vector_store %arg6[%swap3A_1450, %swap3A_1451], %get3A_1448 {strides = array<i32>} : memref<50x64xf32, #tpu.memory_space<vmem>>, vector<16xf32>,
      %get3A_1453 = arith.constant 1200 : index
      %get3A_1454 = tpu.vector_load %arg5[%get3A_1453] {strides = array<i32>} : memref<3200xf32, #tpu.memory_space<vmem>>, vector<16xf32>,
      %swap3A_1455 = arith.constant 18 : i32
      %swap3A_1456 = arith.index_cast %swap3A_1455 : i32 to index
      %swap3A_1457 = arith.constant 48 : index
      %swap3A_1458 = tpu.vector_load %arg6[%swap3A_1456, %swap3A_1457] {strides = array<i32>} : memref<50x64xf32, #tpu.memory_space<vmem>>, vector<16xf32>,
      tpu.vector_store %arg6[%swap3A_1456, %swap3A_1457], %get3A_1454 {strides = array<i32>} : memref<50x64xf32, #tpu.memory_space<vmem>>, vector<16xf32>,
      %get3A_1459 = arith.constant 1216 : index
      %get3A_1460 = tpu.vector_load %arg5[%get3A_1459] {strides = array<i32>} : memref<3200xf32, #tpu.memory_space<vmem>>, vector<16xf32>,
      %swap3A_1461 = arith.constant 19 : i32
      %swap3A_1462 = arith.index_cast %swap3A_1461 : i32 to index
      %swap3A_1463 = arith.constant 0 : index
      %swap3A_1464 = tpu.vector_load %arg6[%swap3A_1462, %swap3A_1463] {strides = array<i32>} : memref<50x64xf32, #tpu.memory_space<vmem>>, vector<16xf32>,
      tpu.vector_store %arg6[%swap3A_1462, %swap3A_1463], %get3A_1460 {strides = array<i32>} : memref<50x64xf32, #tpu.memory_space<vmem>>, vector<16xf32>,
      %get3A_1465 = arith.constant 1232 : index
      %get3A_1466 = tpu.vector_load %arg5[%get3A_1465] {strides = array<i32>} : memref<3200xf32, #tpu.memory_space<vmem>>, vector<16xf32>,
      %swap3A_1467 = arith.constant 19 : i32
      %swap3A_1468 = arith.index_cast %swap3A_1467 : i32 to index
      %swap3A_1469 = arith.constant 16 : index
      %swap3A_1470 = tpu.vector_load %arg6[%swap3A_1468, %swap3A_1469] {strides = array<i32>} : memref<50x64xf32, #tpu.memory_space<vmem>>, vector<16xf32>,
      tpu.vector_store %arg6[%swap3A_1468, %swap3A_1469], %get3A_1466 {strides = array<i32>} : memref<50x64xf32, #tpu.memory_space<vmem>>, vector<16xf32>,
      %get3A_1471 = arith.constant 1248 : index
      %get3A_1472 = tpu.vector_load %arg5[%get3A_1471] {strides = array<i32>} : memref<3200xf32, #tpu.memory_space<vmem>>, vector<16xf32>,
      %swap3A_1473 = arith.constant 19 : i32
      %swap3A_1474 = arith.index_cast %swap3A_1473 : i32 to index
      %swap3A_1475 = arith.constant 32 : index
      %swap3A_1476 = tpu.vector_load %arg6[%swap3A_1474, %swap3A_1475] {strides = array<i32>} : memref<50x64xf32, #tpu.memory_space<vmem>>, vector<16xf32>,
      tpu.vector_store %arg6[%swap3A_1474, %swap3A_1475], %get3A_1472 {strides = array<i32>} : memref<50x64xf32, #tpu.memory_space<vmem>>, vector<16xf32>,
      %get3A_1477 = arith.constant 1264 : index
      %get3A_1478 = tpu.vector_load %arg5[%get3A_1477] {strides = array<i32>} : memref<3200xf32, #tpu.memory_space<vmem>>, vector<16xf32>,
      %swap3A_1479 = arith.constant 19 : i32
      %swap3A_1480 = arith.index_cast %swap3A_1479 : i32 to index
      %swap3A_1481 = arith.constant 48 : index
      %swap3A_1482 = tpu.vector_load %arg6[%swap3A_1480, %swap3A_1481] {strides = array<i32>} : memref<50x64xf32, #tpu.memory_space<vmem>>, vector<16xf32>,
      tpu.vector_store %arg6[%swap3A_1480, %swap3A_1481], %get3A_1478 {strides = array<i32>} : memref<50x64xf32, #tpu.memory_space<vmem>>, vector<16xf32>,
      %get3A_1483 = arith.constant 1280 : index
      %get3A_1484 = tpu.vector_load %arg5[%get3A_1483] {strides = array<i32>} : memref<3200xf32, #tpu.memory_space<vmem>>, vector<16xf32>,
      %swap3A_1485 = arith.constant 20 : i32
      %swap3A_1486 = arith.index_cast %swap3A_1485 : i32 to index
      %swap3A_1487 = arith.constant 0 : index
      %swap3A_1488 = tpu.vector_load %arg6[%swap3A_1486, %swap3A_1487] {strides = array<i32>} : memref<50x64xf32, #tpu.memory_space<vmem>>, vector<16xf32>,
      tpu.vector_store %arg6[%swap3A_1486, %swap3A_1487], %get3A_1484 {strides = array<i32>} : memref<50x64xf32, #tpu.memory_space<vmem>>, vector<16xf32>,
      %get3A_1489 = arith.constant 1296 : index
      %get3A_1490 = tpu.vector_load %arg5[%get3A_1489] {strides = array<i32>} : memref<3200xf32, #tpu.memory_space<vmem>>, vector<16xf32>,
      %swap3A_1491 = arith.constant 20 : i32
      %swap3A_1492 = arith.index_cast %swap3A_1491 : i32 to index
      %swap3A_1493 = arith.constant 16 : index
      %swap3A_1494 = tpu.vector_load %arg6[%swap3A_1492, %swap3A_1493] {strides = array<i32>} : memref<50x64xf32, #tpu.memory_space<vmem>>, vector<16xf32>,
      tpu.vector_store %arg6[%swap3A_1492, %swap3A_1493], %get3A_1490 {strides = array<i32>} : memref<50x64xf32, #tpu.memory_space<vmem>>, vector<16xf32>,
      %get3A_1495 = arith.constant 1312 : index
      %get3A_1496 = tpu.vector_load %arg5[%get3A_1495] {strides = array<i32>} : memref<3200xf32, #tpu.memory_space<vmem>>, vector<16xf32>,
      %swap3A_1497 = arith.constant 20 : i32
      %swap3A_1498 = arith.index_cast %swap3A_1497 : i32 to index
      %swap3A_1499 = arith.constant 32 : index
      %swap3A_1500 = tpu.vector_load %arg6[%swap3A_1498, %swap3A_1499] {strides = array<i32>} : memref<50x64xf32, #tpu.memory_space<vmem>>, vector<16xf32>,
      tpu.vector_store %arg6[%swap3A_1498, %swap3A_1499], %get3A_1496 {strides = array<i32>} : memref<50x64xf32, #tpu.memory_space<vmem>>, vector<16xf32>,
      %get3A_1501 = arith.constant 1328 : index
      %get3A_1502 = tpu.vector_load %arg5[%get3A_1501] {strides = array<i32>} : memref<3200xf32, #tpu.memory_space<vmem>>, vector<16xf32>,
      %swap3A_1503 = arith.constant 20 : i32
      %swap3A_1504 = arith.index_cast %swap3A_1503 : i32 to index
      %swap3A_1505 = arith.constant 48 : index
      %swap3A_1506 = tpu.vector_load %arg6[%swap3A_1504, %swap3A_1505] {strides = array<i32>} : memref<50x64xf32, #tpu.memory_space<vmem>>, vector<16xf32>,
      tpu.vector_store %arg6[%swap3A_1504, %swap3A_1505], %get3A_1502 {strides = array<i32>} : memref<50x64xf32, #tpu.memory_space<vmem>>, vector<16xf32>,
      %get3A_1507 = arith.constant 1344 : index
      %get3A_1508 = tpu.vector_load %arg5[%get3A_1507] {strides = array<i32>} : memref<3200xf32, #tpu.memory_space<vmem>>, vector<16xf32>,
      %swap3A_1509 = arith.constant 21 : i32
      %swap3A_1510 = arith.index_cast %swap3A_1509 : i32 to index
      %swap3A_1511 = arith.constant 0 : index
      %swap3A_1512 = tpu.vector_load %arg6[%swap3A_1510, %swap3A_1511] {strides = array<i32>} : memref<50x64xf32, #tpu.memory_space<vmem>>, vector<16xf32>,
      tpu.vector_store %arg6[%swap3A_1510, %swap3A_1511], %get3A_1508 {strides = array<i32>} : memref<50x64xf32, #tpu.memory_space<vmem>>, vector<16xf32>,
      %get3A_1513 = arith.constant 1360 : index
      %get3A_1514 = tpu.vector_load %arg5[%get3A_1513] {strides = array<i32>} : memref<3200xf32, #tpu.memory_space<vmem>>, vector<16xf32>,
      %swap3A_1515 = arith.constant 21 : i32
      %swap3A_1516 = arith.index_cast %swap3A_1515 : i32 to index
      %swap3A_1517 = arith.constant 16 : index
      %swap3A_1518 = tpu.vector_load %arg6[%swap3A_1516, %swap3A_1517] {strides = array<i32>} : memref<50x64xf32, #tpu.memory_space<vmem>>, vector<16xf32>,
      tpu.vector_store %arg6[%swap3A_1516, %swap3A_1517], %get3A_1514 {strides = array<i32>} : memref<50x64xf32, #tpu.memory_space<vmem>>, vector<16xf32>,
      %get3A_1519 = arith.constant 1376 : index
      %get3A_1520 = tpu.vector_load %arg5[%get3A_1519] {strides = array<i32>} : memref<3200xf32, #tpu.memory_space<vmem>>, vector<16xf32>,
      %swap3A_1521 = arith.constant 21 : i32
      %swap3A_1522 = arith.index_cast %swap3A_1521 : i32 to index
      %swap3A_1523 = arith.constant 32 : index
      %swap3A_1524 = tpu.vector_load %arg6[%swap3A_1522, %swap3A_1523] {strides = array<i32>} : memref<50x64xf32, #tpu.memory_space<vmem>>, vector<16xf32>,
      tpu.vector_store %arg6[%swap3A_1522, %swap3A_1523], %get3A_1520 {strides = array<i32>} : memref<50x64xf32, #tpu.memory_space<vmem>>, vector<16xf32>,
      %get3A_1525 = arith.constant 1392 : index
      %get3A_1526 = tpu.vector_load %arg5[%get3A_1525] {strides = array<i32>} : memref<3200xf32, #tpu.memory_space<vmem>>, vector<16xf32>,
      %swap3A_1527 = arith.constant 21 : i32
      %swap3A_1528 = arith.index_cast %swap3A_1527 : i32 to index
      %swap3A_1529 = arith.constant 48 : index
      %swap3A_1530 = tpu.vector_load %arg6[%swap3A_1528, %swap3A_1529] {strides = array<i32>} : memref<50x64xf32, #tpu.memory_space<vmem>>, vector<16xf32>,
      tpu.vector_store %arg6[%swap3A_1528, %swap3A_1529], %get3A_1526 {strides = array<i32>} : memref<50x64xf32, #tpu.memory_space<vmem>>, vector<16xf32>,
      %get3A_1531 = arith.constant 1408 : index
      %get3A_1532 = tpu.vector_load %arg5[%get3A_1531] {strides = array<i32>} : memref<3200xf32, #tpu.memory_space<vmem>>, vector<16xf32>,
      %swap3A_1533 = arith.constant 22 : i32
      %swap3A_1534 = arith.index_cast %swap3A_1533 : i32 to index
      %swap3A_1535 = arith.constant 0 : index
      %swap3A_1536 = tpu.vector_load %arg6[%swap3A_1534, %swap3A_1535] {strides = array<i32>} : memref<50x64xf32, #tpu.memory_space<vmem>>, vector<16xf32>,
      tpu.vector_store %arg6[%swap3A_1534, %swap3A_1535], %get3A_1532 {strides = array<i32>} : memref<50x64xf32, #tpu.memory_space<vmem>>, vector<16xf32>,
      %get3A_1537 = arith.constant 1424 : index
      %get3A_1538 = tpu.vector_load %arg5[%get3A_1537] {strides = array<i32>} : memref<3200xf32, #tpu.memory_space<vmem>>, vector<16xf32>,
      %swap3A_1539 = arith.constant 22 : i32
      %swap3A_1540 = arith.index_cast %swap3A_1539 : i32 to index
      %swap3A_1541 = arith.constant 16 : index
      %swap3A_1542 = tpu.vector_load %arg6[%swap3A_1540, %swap3A_1541] {strides = array<i32>} : memref<50x64xf32, #tpu.memory_space<vmem>>, vector<16xf32>,
      tpu.vector_store %arg6[%swap3A_1540, %swap3A_1541], %get3A_1538 {strides = array<i32>} : memref<50x64xf32, #tpu.memory_space<vmem>>, vector<16xf32>,
      %get3A_1543 = arith.constant 1440 : index
      %get3A_1544 = tpu.vector_load %arg5[%get3A_1543] {strides = array<i32>} : memref<3200xf32, #tpu.memory_space<vmem>>, vector<16xf32>,
      %swap3A_1545 = arith.constant 22 : i32
      %swap3A_1546 = arith.index_cast %swap3A_1545 : i32 to index
      %swap3A_1547 = arith.constant 32 : index
      %swap3A_1548 = tpu.vector_load %arg6[%swap3A_1546, %swap3A_1547] {strides = array<i32>} : memref<50x64xf32, #tpu.memory_space<vmem>>, vector<16xf32>,
      tpu.vector_store %arg6[%swap3A_1546, %swap3A_1547], %get3A_1544 {strides = array<i32>} : memref<50x64xf32, #tpu.memory_space<vmem>>, vector<16xf32>,
      %get3A_1549 = arith.constant 1456 : index
      %get3A_1550 = tpu.vector_load %arg5[%get3A_1549] {strides = array<i32>} : memref<3200xf32, #tpu.memory_space<vmem>>, vector<16xf32>,
      %swap3A_1551 = arith.constant 22 : i32
      %swap3A_1552 = arith.index_cast %swap3A_1551 : i32 to index
      %swap3A_1553 = arith.constant 48 : index
      %swap3A_1554 = tpu.vector_load %arg6[%swap3A_1552, %swap3A_1553] {strides = array<i32>} : memref<50x64xf32, #tpu.memory_space<vmem>>, vector<16xf32>,
      tpu.vector_store %arg6[%swap3A_1552, %swap3A_1553], %get3A_1550 {strides = array<i32>} : memref<50x64xf32, #tpu.memory_space<vmem>>, vector<16xf32>,
      %get3A_1555 = arith.constant 1472 : index
      %get3A_1556 = tpu.vector_load %arg5[%get3A_1555] {strides = array<i32>} : memref<3200xf32, #tpu.memory_space<vmem>>, vector<16xf32>,
      %swap3A_1557 = arith.constant 23 : i32
      %swap3A_1558 = arith.index_cast %swap3A_1557 : i32 to index
      %swap3A_1559 = arith.constant 0 : index
      %swap3A_1560 = tpu.vector_load %arg6[%swap3A_1558, %swap3A_1559] {strides = array<i32>} : memref<50x64xf32, #tpu.memory_space<vmem>>, vector<16xf32>,
      tpu.vector_store %arg6[%swap3A_1558, %swap3A_1559], %get3A_1556 {strides = array<i32>} : memref<50x64xf32, #tpu.memory_space<vmem>>, vector<16xf32>,
      %get3A_1561 = arith.constant 1488 : index
      %get3A_1562 = tpu.vector_load %arg5[%get3A_1561] {strides = array<i32>} : memref<3200xf32, #tpu.memory_space<vmem>>, vector<16xf32>,
      %swap3A_1563 = arith.constant 23 : i32
      %swap3A_1564 = arith.index_cast %swap3A_1563 : i32 to index
      %swap3A_1565 = arith.constant 16 : index
      %swap3A_1566 = tpu.vector_load %arg6[%swap3A_1564, %swap3A_1565] {strides = array<i32>} : memref<50x64xf32, #tpu.memory_space<vmem>>, vector<16xf32>,
      tpu.vector_store %arg6[%swap3A_1564, %swap3A_1565], %get3A_1562 {strides = array<i32>} : memref<50x64xf32, #tpu.memory_space<vmem>>, vector<16xf32>,
      %get3A_1567 = arith.constant 1504 : index
      %get3A_1568 = tpu.vector_load %arg5[%get3A_1567] {strides = array<i32>} : memref<3200xf32, #tpu.memory_space<vmem>>, vector<16xf32>,
      %swap3A_1569 = arith.constant 23 : i32
      %swap3A_1570 = arith.index_cast %swap3A_1569 : i32 to index
      %swap3A_1571 = arith.constant 32 : index
      %swap3A_1572 = tpu.vector_load %arg6[%swap3A_1570, %swap3A_1571] {strides = array<i32>} : memref<50x64xf32, #tpu.memory_space<vmem>>, vector<16xf32>,
      tpu.vector_store %arg6[%swap3A_1570, %swap3A_1571], %get3A_1568 {strides = array<i32>} : memref<50x64xf32, #tpu.memory_space<vmem>>, vector<16xf32>,
      %get3A_1573 = arith.constant 1520 : index
      %get3A_1574 = tpu.vector_load %arg5[%get3A_1573] {strides = array<i32>} : memref<3200xf32, #tpu.memory_space<vmem>>, vector<16xf32>,
      %swap3A_1575 = arith.constant 23 : i32
      %swap3A_1576 = arith.index_cast %swap3A_1575 : i32 to index
      %swap3A_1577 = arith.constant 48 : index
      %swap3A_1578 = tpu.vector_load %arg6[%swap3A_1576, %swap3A_1577] {strides = array<i32>} : memref<50x64xf32, #tpu.memory_space<vmem>>, vector<16xf32>,
      tpu.vector_store %arg6[%swap3A_1576, %swap3A_1577], %get3A_1574 {strides = array<i32>} : memref<50x64xf32, #tpu.memory_space<vmem>>, vector<16xf32>,
      %get3A_1579 = arith.constant 1536 : index
      %get3A_1580 = tpu.vector_load %arg5[%get3A_1579] {strides = array<i32>} : memref<3200xf32, #tpu.memory_space<vmem>>, vector<16xf32>,
      %swap3A_1581 = arith.constant 24 : i32
      %swap3A_1582 = arith.index_cast %swap3A_1581 : i32 to index
      %swap3A_1583 = arith.constant 0 : index
      %swap3A_1584 = tpu.vector_load %arg6[%swap3A_1582, %swap3A_1583] {strides = array<i32>} : memref<50x64xf32, #tpu.memory_space<vmem>>, vector<16xf32>,
      tpu.vector_store %arg6[%swap3A_1582, %swap3A_1583], %get3A_1580 {strides = array<i32>} : memref<50x64xf32, #tpu.memory_space<vmem>>, vector<16xf32>,
      %get3A_1585 = arith.constant 1552 : index
      %get3A_1586 = tpu.vector_load %arg5[%get3A_1585] {strides = array<i32>} : memref<3200xf32, #tpu.memory_space<vmem>>, vector<16xf32>,
      %swap3A_1587 = arith.constant 24 : i32
      %swap3A_1588 = arith.index_cast %swap3A_1587 : i32 to index
      %swap3A_1589 = arith.constant 16 : index
      %swap3A_1590 = tpu.vector_load %arg6[%swap3A_1588, %swap3A_1589] {strides = array<i32>} : memref<50x64xf32, #tpu.memory_space<vmem>>, vector<16xf32>,
      tpu.vector_store %arg6[%swap3A_1588, %swap3A_1589], %get3A_1586 {strides = array<i32>} : memref<50x64xf32, #tpu.memory_space<vmem>>, vector<16xf32>,
      %get3A_1591 = arith.constant 1568 : index
      %get3A_1592 = tpu.vector_load %arg5[%get3A_1591] {strides = array<i32>} : memref<3200xf32, #tpu.memory_space<vmem>>, vector<16xf32>,
      %swap3A_1593 = arith.constant 24 : i32
      %swap3A_1594 = arith.index_cast %swap3A_1593 : i32 to index
      %swap3A_1595 = arith.constant 32 : index
      %swap3A_1596 = tpu.vector_load %arg6[%swap3A_1594, %swap3A_1595] {strides = array<i32>} : memref<50x64xf32, #tpu.memory_space<vmem>>, vector<16xf32>,
      tpu.vector_store %arg6[%swap3A_1594, %swap3A_1595], %get3A_1592 {strides = array<i32>} : memref<50x64xf32, #tpu.memory_space<vmem>>, vector<16xf32>,
      %get3A_1597 = arith.constant 1584 : index
      %get3A_1598 = tpu.vector_load %arg5[%get3A_1597] {strides = array<i32>} : memref<3200xf32, #tpu.memory_space<vmem>>, vector<16xf32>,
      %swap3A_1599 = arith.constant 24 : i32
      %swap3A_1600 = arith.index_cast %swap3A_1599 : i32 to index
      %swap3A_1601 = arith.constant 48 : index
      %swap3A_1602 = tpu.vector_load %arg6[%swap3A_1600, %swap3A_1601] {strides = array<i32>} : memref<50x64xf32, #tpu.memory_space<vmem>>, vector<16xf32>,
      tpu.vector_store %arg6[%swap3A_1600, %swap3A_1601], %get3A_1598 {strides = array<i32>} : memref<50x64xf32, #tpu.memory_space<vmem>>, vector<16xf32>,
      %get3A_1603 = arith.constant 1600 : index
      %get3A_1604 = tpu.vector_load %arg5[%get3A_1603] {strides = array<i32>} : memref<3200xf32, #tpu.memory_space<vmem>>, vector<16xf32>,
      %swap3A_1605 = arith.constant 25 : i32
      %swap3A_1606 = arith.index_cast %swap3A_1605 : i32 to index
      %swap3A_1607 = arith.constant 0 : index
      %swap3A_1608 = tpu.vector_load %arg6[%swap3A_1606, %swap3A_1607] {strides = array<i32>} : memref<50x64xf32, #tpu.memory_space<vmem>>, vector<16xf32>,
      tpu.vector_store %arg6[%swap3A_1606, %swap3A_1607], %get3A_1604 {strides = array<i32>} : memref<50x64xf32, #tpu.memory_space<vmem>>, vector<16xf32>,
      %get3A_1609 = arith.constant 1616 : index
      %get3A_1610 = tpu.vector_load %arg5[%get3A_1609] {strides = array<i32>} : memref<3200xf32, #tpu.memory_space<vmem>>, vector<16xf32>,
      %swap3A_1611 = arith.constant 25 : i32
      %swap3A_1612 = arith.index_cast %swap3A_1611 : i32 to index
      %swap3A_1613 = arith.constant 16 : index
      %swap3A_1614 = tpu.vector_load %arg6[%swap3A_1612, %swap3A_1613] {strides = array<i32>} : memref<50x64xf32, #tpu.memory_space<vmem>>, vector<16xf32>,
      tpu.vector_store %arg6[%swap3A_1612, %swap3A_1613], %get3A_1610 {strides = array<i32>} : memref<50x64xf32, #tpu.memory_space<vmem>>, vector<16xf32>,
      %get3A_1615 = arith.constant 1632 : index
      %get3A_1616 = tpu.vector_load %arg5[%get3A_1615] {strides = array<i32>} : memref<3200xf32, #tpu.memory_space<vmem>>, vector<16xf32>,
      %swap3A_1617 = arith.constant 25 : i32
      %swap3A_1618 = arith.index_cast %swap3A_1617 : i32 to index
      %swap3A_1619 = arith.constant 32 : index
      %swap3A_1620 = tpu.vector_load %arg6[%swap3A_1618, %swap3A_1619] {strides = array<i32>} : memref<50x64xf32, #tpu.memory_space<vmem>>, vector<16xf32>,
      tpu.vector_store %arg6[%swap3A_1618, %swap3A_1619], %get3A_1616 {strides = array<i32>} : memref<50x64xf32, #tpu.memory_space<vmem>>, vector<16xf32>,
      %get3A_1621 = arith.constant 1648 : index
      %get3A_1622 = tpu.vector_load %arg5[%get3A_1621] {strides = array<i32>} : memref<3200xf32, #tpu.memory_space<vmem>>, vector<16xf32>,
      %swap3A_1623 = arith.constant 25 : i32
      %swap3A_1624 = arith.index_cast %swap3A_1623 : i32 to index
      %swap3A_1625 = arith.constant 48 : index
      %swap3A_1626 = tpu.vector_load %arg6[%swap3A_1624, %swap3A_1625] {strides = array<i32>} : memref<50x64xf32, #tpu.memory_space<vmem>>, vector<16xf32>,
      tpu.vector_store %arg6[%swap3A_1624, %swap3A_1625], %get3A_1622 {strides = array<i32>} : memref<50x64xf32, #tpu.memory_space<vmem>>, vector<16xf32>,
      %get3A_1627 = arith.constant 1664 : index
      %get3A_1628 = tpu.vector_load %arg5[%get3A_1627] {strides = array<i32>} : memref<3200xf32, #tpu.memory_space<vmem>>, vector<16xf32>,
      %swap3A_1629 = arith.constant 26 : i32
      %swap3A_1630 = arith.index_cast %swap3A_1629 : i32 to index
      %swap3A_1631 = arith.constant 0 : index
      %swap3A_1632 = tpu.vector_load %arg6[%swap3A_1630, %swap3A_1631] {strides = array<i32>} : memref<50x64xf32, #tpu.memory_space<vmem>>, vector<16xf32>,
      tpu.vector_store %arg6[%swap3A_1630, %swap3A_1631], %get3A_1628 {strides = array<i32>} : memref<50x64xf32, #tpu.memory_space<vmem>>, vector<16xf32>,
      %get3A_1633 = arith.constant 1680 : index
      %get3A_1634 = tpu.vector_load %arg5[%get3A_1633] {strides = array<i32>} : memref<3200xf32, #tpu.memory_space<vmem>>, vector<16xf32>,
      %swap3A_1635 = arith.constant 26 : i32
      %swap3A_1636 = arith.index_cast %swap3A_1635 : i32 to index
      %swap3A_1637 = arith.constant 16 : index
      %swap3A_1638 = tpu.vector_load %arg6[%swap3A_1636, %swap3A_1637] {strides = array<i32>} : memref<50x64xf32, #tpu.memory_space<vmem>>, vector<16xf32>,
      tpu.vector_store %arg6[%swap3A_1636, %swap3A_1637], %get3A_1634 {strides = array<i32>} : memref<50x64xf32, #tpu.memory_space<vmem>>, vector<16xf32>,
      %get3A_1639 = arith.constant 1696 : index
      %get3A_1640 = tpu.vector_load %arg5[%get3A_1639] {strides = array<i32>} : memref<3200xf32, #tpu.memory_space<vmem>>, vector<16xf32>,
      %swap3A_1641 = arith.constant 26 : i32
      %swap3A_1642 = arith.index_cast %swap3A_1641 : i32 to index
      %swap3A_1643 = arith.constant 32 : index
      %swap3A_1644 = tpu.vector_load %arg6[%swap3A_1642, %swap3A_1643] {strides = array<i32>} : memref<50x64xf32, #tpu.memory_space<vmem>>, vector<16xf32>,
      tpu.vector_store %arg6[%swap3A_1642, %swap3A_1643], %get3A_1640 {strides = array<i32>} : memref<50x64xf32, #tpu.memory_space<vmem>>, vector<16xf32>,
      %get3A_1645 = arith.constant 1712 : index
      %get3A_1646 = tpu.vector_load %arg5[%get3A_1645] {strides = array<i32>} : memref<3200xf32, #tpu.memory_space<vmem>>, vector<16xf32>,
      %swap3A_1647 = arith.constant 26 : i32
      %swap3A_1648 = arith.index_cast %swap3A_1647 : i32 to index
      %swap3A_1649 = arith.constant 48 : index
      %swap3A_1650 = tpu.vector_load %arg6[%swap3A_1648, %swap3A_1649] {strides = array<i32>} : memref<50x64xf32, #tpu.memory_space<vmem>>, vector<16xf32>,
      tpu.vector_store %arg6[%swap3A_1648, %swap3A_1649], %get3A_1646 {strides = array<i32>} : memref<50x64xf32, #tpu.memory_space<vmem>>, vector<16xf32>,
      %get3A_1651 = arith.constant 1728 : index
      %get3A_1652 = tpu.vector_load %arg5[%get3A_1651] {strides = array<i32>} : memref<3200xf32, #tpu.memory_space<vmem>>, vector<16xf32>,
      %swap3A_1653 = arith.constant 27 : i32
      %swap3A_1654 = arith.index_cast %swap3A_1653 : i32 to index
      %swap3A_1655 = arith.constant 0 : index
      %swap3A_1656 = tpu.vector_load %arg6[%swap3A_1654, %swap3A_1655] {strides = array<i32>} : memref<50x64xf32, #tpu.memory_space<vmem>>, vector<16xf32>,
      tpu.vector_store %arg6[%swap3A_1654, %swap3A_1655], %get3A_1652 {strides = array<i32>} : memref<50x64xf32, #tpu.memory_space<vmem>>, vector<16xf32>,
      %get3A_1657 = arith.constant 1744 : index
      %get3A_1658 = tpu.vector_load %arg5[%get3A_1657] {strides = array<i32>} : memref<3200xf32, #tpu.memory_space<vmem>>, vector<16xf32>,
      %swap3A_1659 = arith.constant 27 : i32
      %swap3A_1660 = arith.index_cast %swap3A_1659 : i32 to index
      %swap3A_1661 = arith.constant 16 : index
      %swap3A_1662 = tpu.vector_load %arg6[%swap3A_1660, %swap3A_1661] {strides = array<i32>} : memref<50x64xf32, #tpu.memory_space<vmem>>, vector<16xf32>,
      tpu.vector_store %arg6[%swap3A_1660, %swap3A_1661], %get3A_1658 {strides = array<i32>} : memref<50x64xf32, #tpu.memory_space<vmem>>, vector<16xf32>,
      %get3A_1663 = arith.constant 1760 : index
      %get3A_1664 = tpu.vector_load %arg5[%get3A_1663] {strides = array<i32>} : memref<3200xf32, #tpu.memory_space<vmem>>, vector<16xf32>,
      %swap3A_1665 = arith.constant 27 : i32
      %swap3A_1666 = arith.index_cast %swap3A_1665 : i32 to index
      %swap3A_1667 = arith.constant 32 : index
      %swap3A_1668 = tpu.vector_load %arg6[%swap3A_1666, %swap3A_1667] {strides = array<i32>} : memref<50x64xf32, #tpu.memory_space<vmem>>, vector<16xf32>,
      tpu.vector_store %arg6[%swap3A_1666, %swap3A_1667], %get3A_1664 {strides = array<i32>} : memref<50x64xf32, #tpu.memory_space<vmem>>, vector<16xf32>,
      %get3A_1669 = arith.constant 1776 : index
      %get3A_1670 = tpu.vector_load %arg5[%get3A_1669] {strides = array<i32>} : memref<3200xf32, #tpu.memory_space<vmem>>, vector<16xf32>,
      %swap3A_1671 = arith.constant 27 : i32
      %swap3A_1672 = arith.index_cast %swap3A_1671 : i32 to index
      %swap3A_1673 = arith.constant 48 : index
      %swap3A_1674 = tpu.vector_load %arg6[%swap3A_1672, %swap3A_1673] {strides = array<i32>} : memref<50x64xf32, #tpu.memory_space<vmem>>, vector<16xf32>,
      tpu.vector_store %arg6[%swap3A_1672, %swap3A_1673], %get3A_1670 {strides = array<i32>} : memref<50x64xf32, #tpu.memory_space<vmem>>, vector<16xf32>,
      %get3A_1675 = arith.constant 1792 : index
      %get3A_1676 = tpu.vector_load %arg5[%get3A_1675] {strides = array<i32>} : memref<3200xf32, #tpu.memory_space<vmem>>, vector<16xf32>,
      %swap3A_1677 = arith.constant 28 : i32
      %swap3A_1678 = arith.index_cast %swap3A_1677 : i32 to index
      %swap3A_1679 = arith.constant 0 : index
      %swap3A_1680 = tpu.vector_load %arg6[%swap3A_1678, %swap3A_1679] {strides = array<i32>} : memref<50x64xf32, #tpu.memory_space<vmem>>, vector<16xf32>,
      tpu.vector_store %arg6[%swap3A_1678, %swap3A_1679], %get3A_1676 {strides = array<i32>} : memref<50x64xf32, #tpu.memory_space<vmem>>, vector<16xf32>,
      %get3A_1681 = arith.constant 1808 : index
      %get3A_1682 = tpu.vector_load %arg5[%get3A_1681] {strides = array<i32>} : memref<3200xf32, #tpu.memory_space<vmem>>, vector<16xf32>,
      %swap3A_1683 = arith.constant 28 : i32
      %swap3A_1684 = arith.index_cast %swap3A_1683 : i32 to index
      %swap3A_1685 = arith.constant 16 : index
      %swap3A_1686 = tpu.vector_load %arg6[%swap3A_1684, %swap3A_1685] {strides = array<i32>} : memref<50x64xf32, #tpu.memory_space<vmem>>, vector<16xf32>,
      tpu.vector_store %arg6[%swap3A_1684, %swap3A_1685], %get3A_1682 {strides = array<i32>} : memref<50x64xf32, #tpu.memory_space<vmem>>, vector<16xf32>,
      %get3A_1687 = arith.constant 1824 : index
      %get3A_1688 = tpu.vector_load %arg5[%get3A_1687] {strides = array<i32>} : memref<3200xf32, #tpu.memory_space<vmem>>, vector<16xf32>,
      %swap3A_1689 = arith.constant 28 : i32
      %swap3A_1690 = arith.index_cast %swap3A_1689 : i32 to index
      %swap3A_1691 = arith.constant 32 : index
      %swap3A_1692 = tpu.vector_load %arg6[%swap3A_1690, %swap3A_1691] {strides = array<i32>} : memref<50x64xf32, #tpu.memory_space<vmem>>, vector<16xf32>,
      tpu.vector_store %arg6[%swap3A_1690, %swap3A_1691], %get3A_1688 {strides = array<i32>} : memref<50x64xf32, #tpu.memory_space<vmem>>, vector<16xf32>,
      %get3A_1693 = arith.constant 1840 : index
      %get3A_1694 = tpu.vector_load %arg5[%get3A_1693] {strides = array<i32>} : memref<3200xf32, #tpu.memory_space<vmem>>, vector<16xf32>,
      %swap3A_1695 = arith.constant 28 : i32
      %swap3A_1696 = arith.index_cast %swap3A_1695 : i32 to index
      %swap3A_1697 = arith.constant 48 : index
      %swap3A_1698 = tpu.vector_load %arg6[%swap3A_1696, %swap3A_1697] {strides = array<i32>} : memref<50x64xf32, #tpu.memory_space<vmem>>, vector<16xf32>,
      tpu.vector_store %arg6[%swap3A_1696, %swap3A_1697], %get3A_1694 {strides = array<i32>} : memref<50x64xf32, #tpu.memory_space<vmem>>, vector<16xf32>,
      %get3A_1699 = arith.constant 1856 : index
      %get3A_1700 = tpu.vector_load %arg5[%get3A_1699] {strides = array<i32>} : memref<3200xf32, #tpu.memory_space<vmem>>, vector<16xf32>,
      %swap3A_1701 = arith.constant 29 : i32
      %swap3A_1702 = arith.index_cast %swap3A_1701 : i32 to index
      %swap3A_1703 = arith.constant 0 : index
      %swap3A_1704 = tpu.vector_load %arg6[%swap3A_1702, %swap3A_1703] {strides = array<i32>} : memref<50x64xf32, #tpu.memory_space<vmem>>, vector<16xf32>,
      tpu.vector_store %arg6[%swap3A_1702, %swap3A_1703], %get3A_1700 {strides = array<i32>} : memref<50x64xf32, #tpu.memory_space<vmem>>, vector<16xf32>,
      %get3A_1705 = arith.constant 1872 : index
      %get3A_1706 = tpu.vector_load %arg5[%get3A_1705] {strides = array<i32>} : memref<3200xf32, #tpu.memory_space<vmem>>, vector<16xf32>,
      %swap3A_1707 = arith.constant 29 : i32
      %swap3A_1708 = arith.index_cast %swap3A_1707 : i32 to index
      %swap3A_1709 = arith.constant 16 : index
      %swap3A_1710 = tpu.vector_load %arg6[%swap3A_1708, %swap3A_1709] {strides = array<i32>} : memref<50x64xf32, #tpu.memory_space<vmem>>, vector<16xf32>,
      tpu.vector_store %arg6[%swap3A_1708, %swap3A_1709], %get3A_1706 {strides = array<i32>} : memref<50x64xf32, #tpu.memory_space<vmem>>, vector<16xf32>,
      %get3A_1711 = arith.constant 1888 : index
      %get3A_1712 = tpu.vector_load %arg5[%get3A_1711] {strides = array<i32>} : memref<3200xf32, #tpu.memory_space<vmem>>, vector<16xf32>,
      %swap3A_1713 = arith.constant 29 : i32
      %swap3A_1714 = arith.index_cast %swap3A_1713 : i32 to index
      %swap3A_1715 = arith.constant 32 : index
      %swap3A_1716 = tpu.vector_load %arg6[%swap3A_1714, %swap3A_1715] {strides = array<i32>} : memref<50x64xf32, #tpu.memory_space<vmem>>, vector<16xf32>,
      tpu.vector_store %arg6[%swap3A_1714, %swap3A_1715], %get3A_1712 {strides = array<i32>} : memref<50x64xf32, #tpu.memory_space<vmem>>, vector<16xf32>,
      %get3A_1717 = arith.constant 1904 : index
      %get3A_1718 = tpu.vector_load %arg5[%get3A_1717] {strides = array<i32>} : memref<3200xf32, #tpu.memory_space<vmem>>, vector<16xf32>,
      %swap3A_1719 = arith.constant 29 : i32
      %swap3A_1720 = arith.index_cast %swap3A_1719 : i32 to index
      %swap3A_1721 = arith.constant 48 : index
      %swap3A_1722 = tpu.vector_load %arg6[%swap3A_1720, %swap3A_1721] {strides = array<i32>} : memref<50x64xf32, #tpu.memory_space<vmem>>, vector<16xf32>,
      tpu.vector_store %arg6[%swap3A_1720, %swap3A_1721], %get3A_1718 {strides = array<i32>} : memref<50x64xf32, #tpu.memory_space<vmem>>, vector<16xf32>,
      %get3A_1723 = arith.constant 1920 : index
      %get3A_1724 = tpu.vector_load %arg5[%get3A_1723] {strides = array<i32>} : memref<3200xf32, #tpu.memory_space<vmem>>, vector<16xf32>,
      %swap3A_1725 = arith.constant 30 : i32
      %swap3A_1726 = arith.index_cast %swap3A_1725 : i32 to index
      %swap3A_1727 = arith.constant 0 : index
      %swap3A_1728 = tpu.vector_load %arg6[%swap3A_1726, %swap3A_1727] {strides = array<i32>} : memref<50x64xf32, #tpu.memory_space<vmem>>, vector<16xf32>,
      tpu.vector_store %arg6[%swap3A_1726, %swap3A_1727], %get3A_1724 {strides = array<i32>} : memref<50x64xf32, #tpu.memory_space<vmem>>, vector<16xf32>,
      %get3A_1729 = arith.constant 1936 : index
      %get3A_1730 = tpu.vector_load %arg5[%get3A_1729] {strides = array<i32>} : memref<3200xf32, #tpu.memory_space<vmem>>, vector<16xf32>,
      %swap3A_1731 = arith.constant 30 : i32
      %swap3A_1732 = arith.index_cast %swap3A_1731 : i32 to index
      %swap3A_1733 = arith.constant 16 : index
      %swap3A_1734 = tpu.vector_load %arg6[%swap3A_1732, %swap3A_1733] {strides = array<i32>} : memref<50x64xf32, #tpu.memory_space<vmem>>, vector<16xf32>,
      tpu.vector_store %arg6[%swap3A_1732, %swap3A_1733], %get3A_1730 {strides = array<i32>} : memref<50x64xf32, #tpu.memory_space<vmem>>, vector<16xf32>,
      %get3A_1735 = arith.constant 1952 : index
      %get3A_1736 = tpu.vector_load %arg5[%get3A_1735] {strides = array<i32>} : memref<3200xf32, #tpu.memory_space<vmem>>, vector<16xf32>,
      %swap3A_1737 = arith.constant 30 : i32
      %swap3A_1738 = arith.index_cast %swap3A_1737 : i32 to index
      %swap3A_1739 = arith.constant 32 : index
      %swap3A_1740 = tpu.vector_load %arg6[%swap3A_1738, %swap3A_1739] {strides = array<i32>} : memref<50x64xf32, #tpu.memory_space<vmem>>, vector<16xf32>,
      tpu.vector_store %arg6[%swap3A_1738, %swap3A_1739], %get3A_1736 {strides = array<i32>} : memref<50x64xf32, #tpu.memory_space<vmem>>, vector<16xf32>,
      %get3A_1741 = arith.constant 1968 : index
      %get3A_1742 = tpu.vector_load %arg5[%get3A_1741] {strides = array<i32>} : memref<3200xf32, #tpu.memory_space<vmem>>, vector<16xf32>,
      %swap3A_1743 = arith.constant 30 : i32
      %swap3A_1744 = arith.index_cast %swap3A_1743 : i32 to index
      %swap3A_1745 = arith.constant 48 : index
      %swap3A_1746 = tpu.vector_load %arg6[%swap3A_1744, %swap3A_1745] {strides = array<i32>} : memref<50x64xf32, #tpu.memory_space<vmem>>, vector<16xf32>,
      tpu.vector_store %arg6[%swap3A_1744, %swap3A_1745], %get3A_1742 {strides = array<i32>} : memref<50x64xf32, #tpu.memory_space<vmem>>, vector<16xf32>,
      %get3A_1747 = arith.constant 1984 : index
      %get3A_1748 = tpu.vector_load %arg5[%get3A_1747] {strides = array<i32>} : memref<3200xf32, #tpu.memory_space<vmem>>, vector<16xf32>,
      %swap3A_1749 = arith.constant 31 : i32
      %swap3A_1750 = arith.index_cast %swap3A_1749 : i32 to index
      %swap3A_1751 = arith.constant 0 : index
      %swap3A_1752 = tpu.vector_load %arg6[%swap3A_1750, %swap3A_1751] {strides = array<i32>} : memref<50x64xf32, #tpu.memory_space<vmem>>, vector<16xf32>,
      tpu.vector_store %arg6[%swap3A_1750, %swap3A_1751], %get3A_1748 {strides = array<i32>} : memref<50x64xf32, #tpu.memory_space<vmem>>, vector<16xf32>,
      %get3A_1753 = arith.constant 2000 : index
      %get3A_1754 = tpu.vector_load %arg5[%get3A_1753] {strides = array<i32>} : memref<3200xf32, #tpu.memory_space<vmem>>, vector<16xf32>,
      %swap3A_1755 = arith.constant 31 : i32
      %swap3A_1756 = arith.index_cast %swap3A_1755 : i32 to index
      %swap3A_1757 = arith.constant 16 : index
      %swap3A_1758 = tpu.vector_load %arg6[%swap3A_1756, %swap3A_1757] {strides = array<i32>} : memref<50x64xf32, #tpu.memory_space<vmem>>, vector<16xf32>,
      tpu.vector_store %arg6[%swap3A_1756, %swap3A_1757], %get3A_1754 {strides = array<i32>} : memref<50x64xf32, #tpu.memory_space<vmem>>, vector<16xf32>,
      %get3A_1759 = arith.constant 2016 : index
      %get3A_1760 = tpu.vector_load %arg5[%get3A_1759] {strides = array<i32>} : memref<3200xf32, #tpu.memory_space<vmem>>, vector<16xf32>,
      %swap3A_1761 = arith.constant 31 : i32
      %swap3A_1762 = arith.index_cast %swap3A_1761 : i32 to index
      %swap3A_1763 = arith.constant 32 : index
      %swap3A_1764 = tpu.vector_load %arg6[%swap3A_1762, %swap3A_1763] {strides = array<i32>} : memref<50x64xf32, #tpu.memory_space<vmem>>, vector<16xf32>,
      tpu.vector_store %arg6[%swap3A_1762, %swap3A_1763], %get3A_1760 {strides = array<i32>} : memref<50x64xf32, #tpu.memory_space<vmem>>, vector<16xf32>,
      %get3A_1765 = arith.constant 2032 : index
      %get3A_1766 = tpu.vector_load %arg5[%get3A_1765] {strides = array<i32>} : memref<3200xf32, #tpu.memory_space<vmem>>, vector<16xf32>,
      %swap3A_1767 = arith.constant 31 : i32
      %swap3A_1768 = arith.index_cast %swap3A_1767 : i32 to index
      %swap3A_1769 = arith.constant 48 : index
      %swap3A_1770 = tpu.vector_load %arg6[%swap3A_1768, %swap3A_1769] {strides = array<i32>} : memref<50x64xf32, #tpu.memory_space<vmem>>, vector<16xf32>,
      tpu.vector_store %arg6[%swap3A_1768, %swap3A_1769], %get3A_1766 {strides = array<i32>} : memref<50x64xf32, #tpu.memory_space<vmem>>, vector<16xf32>,
      %get3A_1771 = arith.constant 2048 : index
      %get3A_1772 = tpu.vector_load %arg5[%get3A_1771] {strides = array<i32>} : memref<3200xf32, #tpu.memory_space<vmem>>, vector<16xf32>,
      %swap3A_1773 = arith.constant 32 : i32
      %swap3A_1774 = arith.index_cast %swap3A_1773 : i32 to index
      %swap3A_1775 = arith.constant 0 : index
      %swap3A_1776 = tpu.vector_load %arg6[%swap3A_1774, %swap3A_1775] {strides = array<i32>} : memref<50x64xf32, #tpu.memory_space<vmem>>, vector<16xf32>,
      tpu.vector_store %arg6[%swap3A_1774, %swap3A_1775], %get3A_1772 {strides = array<i32>} : memref<50x64xf32, #tpu.memory_space<vmem>>, vector<16xf32>,
      %get3A_1777 = arith.constant 2064 : index
      %get3A_1778 = tpu.vector_load %arg5[%get3A_1777] {strides = array<i32>} : memref<3200xf32, #tpu.memory_space<vmem>>, vector<16xf32>,
      %swap3A_1779 = arith.constant 32 : i32
      %swap3A_1780 = arith.index_cast %swap3A_1779 : i32 to index
      %swap3A_1781 = arith.constant 16 : index
      %swap3A_1782 = tpu.vector_load %arg6[%swap3A_1780, %swap3A_1781] {strides = array<i32>} : memref<50x64xf32, #tpu.memory_space<vmem>>, vector<16xf32>,
      tpu.vector_store %arg6[%swap3A_1780, %swap3A_1781], %get3A_1778 {strides = array<i32>} : memref<50x64xf32, #tpu.memory_space<vmem>>, vector<16xf32>,
      %get3A_1783 = arith.constant 2080 : index
      %get3A_1784 = tpu.vector_load %arg5[%get3A_1783] {strides = array<i32>} : memref<3200xf32, #tpu.memory_space<vmem>>, vector<16xf32>,
      %swap3A_1785 = arith.constant 32 : i32
      %swap3A_1786 = arith.index_cast %swap3A_1785 : i32 to index
      %swap3A_1787 = arith.constant 32 : index
      %swap3A_1788 = tpu.vector_load %arg6[%swap3A_1786, %swap3A_1787] {strides = array<i32>} : memref<50x64xf32, #tpu.memory_space<vmem>>, vector<16xf32>,
      tpu.vector_store %arg6[%swap3A_1786, %swap3A_1787], %get3A_1784 {strides = array<i32>} : memref<50x64xf32, #tpu.memory_space<vmem>>, vector<16xf32>,
      %get3A_1789 = arith.constant 2096 : index
      %get3A_1790 = tpu.vector_load %arg5[%get3A_1789] {strides = array<i32>} : memref<3200xf32, #tpu.memory_space<vmem>>, vector<16xf32>,
      %swap3A_1791 = arith.constant 32 : i32
      %swap3A_1792 = arith.index_cast %swap3A_1791 : i32 to index
      %swap3A_1793 = arith.constant 48 : index
      %swap3A_1794 = tpu.vector_load %arg6[%swap3A_1792, %swap3A_1793] {strides = array<i32>} : memref<50x64xf32, #tpu.memory_space<vmem>>, vector<16xf32>,
      tpu.vector_store %arg6[%swap3A_1792, %swap3A_1793], %get3A_1790 {strides = array<i32>} : memref<50x64xf32, #tpu.memory_space<vmem>>, vector<16xf32>,
      %get3A_1795 = arith.constant 2112 : index
      %get3A_1796 = tpu.vector_load %arg5[%get3A_1795] {strides = array<i32>} : memref<3200xf32, #tpu.memory_space<vmem>>, vector<16xf32>,
      %swap3A_1797 = arith.constant 33 : i32
      %swap3A_1798 = arith.index_cast %swap3A_1797 : i32 to index
      %swap3A_1799 = arith.constant 0 : index
      %swap3A_1800 = tpu.vector_load %arg6[%swap3A_1798, %swap3A_1799] {strides = array<i32>} : memref<50x64xf32, #tpu.memory_space<vmem>>, vector<16xf32>,
      tpu.vector_store %arg6[%swap3A_1798, %swap3A_1799], %get3A_1796 {strides = array<i32>} : memref<50x64xf32, #tpu.memory_space<vmem>>, vector<16xf32>,
      %get3A_1801 = arith.constant 2128 : index
      %get3A_1802 = tpu.vector_load %arg5[%get3A_1801] {strides = array<i32>} : memref<3200xf32, #tpu.memory_space<vmem>>, vector<16xf32>,
      %swap3A_1803 = arith.constant 33 : i32
      %swap3A_1804 = arith.index_cast %swap3A_1803 : i32 to index
      %swap3A_1805 = arith.constant 16 : index
      %swap3A_1806 = tpu.vector_load %arg6[%swap3A_1804, %swap3A_1805] {strides = array<i32>} : memref<50x64xf32, #tpu.memory_space<vmem>>, vector<16xf32>,
      tpu.vector_store %arg6[%swap3A_1804, %swap3A_1805], %get3A_1802 {strides = array<i32>} : memref<50x64xf32, #tpu.memory_space<vmem>>, vector<16xf32>,
      %get3A_1807 = arith.constant 2144 : index
      %get3A_1808 = tpu.vector_load %arg5[%get3A_1807] {strides = array<i32>} : memref<3200xf32, #tpu.memory_space<vmem>>, vector<16xf32>,
      %swap3A_1809 = arith.constant 33 : i32
      %swap3A_1810 = arith.index_cast %swap3A_1809 : i32 to index
      %swap3A_1811 = arith.constant 32 : index
      %swap3A_1812 = tpu.vector_load %arg6[%swap3A_1810, %swap3A_1811] {strides = array<i32>} : memref<50x64xf32, #tpu.memory_space<vmem>>, vector<16xf32>,
      tpu.vector_store %arg6[%swap3A_1810, %swap3A_1811], %get3A_1808 {strides = array<i32>} : memref<50x64xf32, #tpu.memory_space<vmem>>, vector<16xf32>,
      %get3A_1813 = arith.constant 2160 : index
      %get3A_1814 = tpu.vector_load %arg5[%get3A_1813] {strides = array<i32>} : memref<3200xf32, #tpu.memory_space<vmem>>, vector<16xf32>,
      %swap3A_1815 = arith.constant 33 : i32
      %swap3A_1816 = arith.index_cast %swap3A_1815 : i32 to index
      %swap3A_1817 = arith.constant 48 : index
      %swap3A_1818 = tpu.vector_load %arg6[%swap3A_1816, %swap3A_1817] {strides = array<i32>} : memref<50x64xf32, #tpu.memory_space<vmem>>, vector<16xf32>,
      tpu.vector_store %arg6[%swap3A_1816, %swap3A_1817], %get3A_1814 {strides = array<i32>} : memref<50x64xf32, #tpu.memory_space<vmem>>, vector<16xf32>,
      %get3A_1819 = arith.constant 2176 : index
      %get3A_1820 = tpu.vector_load %arg5[%get3A_1819] {strides = array<i32>} : memref<3200xf32, #tpu.memory_space<vmem>>, vector<16xf32>,
      %swap3A_1821 = arith.constant 34 : i32
      %swap3A_1822 = arith.index_cast %swap3A_1821 : i32 to index
      %swap3A_1823 = arith.constant 0 : index
      %swap3A_1824 = tpu.vector_load %arg6[%swap3A_1822, %swap3A_1823] {strides = array<i32>} : memref<50x64xf32, #tpu.memory_space<vmem>>, vector<16xf32>,
      tpu.vector_store %arg6[%swap3A_1822, %swap3A_1823], %get3A_1820 {strides = array<i32>} : memref<50x64xf32, #tpu.memory_space<vmem>>, vector<16xf32>,
      %get3A_1825 = arith.constant 2192 : index
      %get3A_1826 = tpu.vector_load %arg5[%get3A_1825] {strides = array<i32>} : memref<3200xf32, #tpu.memory_space<vmem>>, vector<16xf32>,
      %swap3A_1827 = arith.constant 34 : i32
      %swap3A_1828 = arith.index_cast %swap3A_1827 : i32 to index
      %swap3A_1829 = arith.constant 16 : index
      %swap3A_1830 = tpu.vector_load %arg6[%swap3A_1828, %swap3A_1829] {strides = array<i32>} : memref<50x64xf32, #tpu.memory_space<vmem>>, vector<16xf32>,
      tpu.vector_store %arg6[%swap3A_1828, %swap3A_1829], %get3A_1826 {strides = array<i32>} : memref<50x64xf32, #tpu.memory_space<vmem>>, vector<16xf32>,
      %get3A_1831 = arith.constant 2208 : index
      %get3A_1832 = tpu.vector_load %arg5[%get3A_1831] {strides = array<i32>} : memref<3200xf32, #tpu.memory_space<vmem>>, vector<16xf32>,
      %swap3A_1833 = arith.constant 34 : i32
      %swap3A_1834 = arith.index_cast %swap3A_1833 : i32 to index
      %swap3A_1835 = arith.constant 32 : index
      %swap3A_1836 = tpu.vector_load %arg6[%swap3A_1834, %swap3A_1835] {strides = array<i32>} : memref<50x64xf32, #tpu.memory_space<vmem>>, vector<16xf32>,
      tpu.vector_store %arg6[%swap3A_1834, %swap3A_1835], %get3A_1832 {strides = array<i32>} : memref<50x64xf32, #tpu.memory_space<vmem>>, vector<16xf32>,
      %get3A_1837 = arith.constant 2224 : index
      %get3A_1838 = tpu.vector_load %arg5[%get3A_1837] {strides = array<i32>} : memref<3200xf32, #tpu.memory_space<vmem>>, vector<16xf32>,
      %swap3A_1839 = arith.constant 34 : i32
      %swap3A_1840 = arith.index_cast %swap3A_1839 : i32 to index
      %swap3A_1841 = arith.constant 48 : index
      %swap3A_1842 = tpu.vector_load %arg6[%swap3A_1840, %swap3A_1841] {strides = array<i32>} : memref<50x64xf32, #tpu.memory_space<vmem>>, vector<16xf32>,
      tpu.vector_store %arg6[%swap3A_1840, %swap3A_1841], %get3A_1838 {strides = array<i32>} : memref<50x64xf32, #tpu.memory_space<vmem>>, vector<16xf32>,
      %get3A_1843 = arith.constant 2240 : index
      %get3A_1844 = tpu.vector_load %arg5[%get3A_1843] {strides = array<i32>} : memref<3200xf32, #tpu.memory_space<vmem>>, vector<16xf32>,
      %swap3A_1845 = arith.constant 35 : i32
      %swap3A_1846 = arith.index_cast %swap3A_1845 : i32 to index
      %swap3A_1847 = arith.constant 0 : index
      %swap3A_1848 = tpu.vector_load %arg6[%swap3A_1846, %swap3A_1847] {strides = array<i32>} : memref<50x64xf32, #tpu.memory_space<vmem>>, vector<16xf32>,
      tpu.vector_store %arg6[%swap3A_1846, %swap3A_1847], %get3A_1844 {strides = array<i32>} : memref<50x64xf32, #tpu.memory_space<vmem>>, vector<16xf32>,
      %get3A_1849 = arith.constant 2256 : index
      %get3A_1850 = tpu.vector_load %arg5[%get3A_1849] {strides = array<i32>} : memref<3200xf32, #tpu.memory_space<vmem>>, vector<16xf32>,
      %swap3A_1851 = arith.constant 35 : i32
      %swap3A_1852 = arith.index_cast %swap3A_1851 : i32 to index
      %swap3A_1853 = arith.constant 16 : index
      %swap3A_1854 = tpu.vector_load %arg6[%swap3A_1852, %swap3A_1853] {strides = array<i32>} : memref<50x64xf32, #tpu.memory_space<vmem>>, vector<16xf32>,
      tpu.vector_store %arg6[%swap3A_1852, %swap3A_1853], %get3A_1850 {strides = array<i32>} : memref<50x64xf32, #tpu.memory_space<vmem>>, vector<16xf32>,
      %get3A_1855 = arith.constant 2272 : index
      %get3A_1856 = tpu.vector_load %arg5[%get3A_1855] {strides = array<i32>} : memref<3200xf32, #tpu.memory_space<vmem>>, vector<16xf32>,
      %swap3A_1857 = arith.constant 35 : i32
      %swap3A_1858 = arith.index_cast %swap3A_1857 : i32 to index
      %swap3A_1859 = arith.constant 32 : index
      %swap3A_1860 = tpu.vector_load %arg6[%swap3A_1858, %swap3A_1859] {strides = array<i32>} : memref<50x64xf32, #tpu.memory_space<vmem>>, vector<16xf32>,
      tpu.vector_store %arg6[%swap3A_1858, %swap3A_1859], %get3A_1856 {strides = array<i32>} : memref<50x64xf32, #tpu.memory_space<vmem>>, vector<16xf32>,
      %get3A_1861 = arith.constant 2288 : index
      %get3A_1862 = tpu.vector_load %arg5[%get3A_1861] {strides = array<i32>} : memref<3200xf32, #tpu.memory_space<vmem>>, vector<16xf32>,
      %swap3A_1863 = arith.constant 35 : i32
      %swap3A_1864 = arith.index_cast %swap3A_1863 : i32 to index
      %swap3A_1865 = arith.constant 48 : index
      %swap3A_1866 = tpu.vector_load %arg6[%swap3A_1864, %swap3A_1865] {strides = array<i32>} : memref<50x64xf32, #tpu.memory_space<vmem>>, vector<16xf32>,
      tpu.vector_store %arg6[%swap3A_1864, %swap3A_1865], %get3A_1862 {strides = array<i32>} : memref<50x64xf32, #tpu.memory_space<vmem>>, vector<16xf32>,
      %get3A_1867 = arith.constant 2304 : index
      %get3A_1868 = tpu.vector_load %arg5[%get3A_1867] {strides = array<i32>} : memref<3200xf32, #tpu.memory_space<vmem>>, vector<16xf32>,
      %swap3A_1869 = arith.constant 36 : i32
      %swap3A_1870 = arith.index_cast %swap3A_1869 : i32 to index
      %swap3A_1871 = arith.constant 0 : index
      %swap3A_1872 = tpu.vector_load %arg6[%swap3A_1870, %swap3A_1871] {strides = array<i32>} : memref<50x64xf32, #tpu.memory_space<vmem>>, vector<16xf32>,
      tpu.vector_store %arg6[%swap3A_1870, %swap3A_1871], %get3A_1868 {strides = array<i32>} : memref<50x64xf32, #tpu.memory_space<vmem>>, vector<16xf32>,
      %get3A_1873 = arith.constant 2320 : index
      %get3A_1874 = tpu.vector_load %arg5[%get3A_1873] {strides = array<i32>} : memref<3200xf32, #tpu.memory_space<vmem>>, vector<16xf32>,
      %swap3A_1875 = arith.constant 36 : i32
      %swap3A_1876 = arith.index_cast %swap3A_1875 : i32 to index
      %swap3A_1877 = arith.constant 16 : index
      %swap3A_1878 = tpu.vector_load %arg6[%swap3A_1876, %swap3A_1877] {strides = array<i32>} : memref<50x64xf32, #tpu.memory_space<vmem>>, vector<16xf32>,
      tpu.vector_store %arg6[%swap3A_1876, %swap3A_1877], %get3A_1874 {strides = array<i32>} : memref<50x64xf32, #tpu.memory_space<vmem>>, vector<16xf32>,
      %get3A_1879 = arith.constant 2336 : index
      %get3A_1880 = tpu.vector_load %arg5[%get3A_1879] {strides = array<i32>} : memref<3200xf32, #tpu.memory_space<vmem>>, vector<16xf32>,
      %swap3A_1881 = arith.constant 36 : i32
      %swap3A_1882 = arith.index_cast %swap3A_1881 : i32 to index
      %swap3A_1883 = arith.constant 32 : index
      %swap3A_1884 = tpu.vector_load %arg6[%swap3A_1882, %swap3A_1883] {strides = array<i32>} : memref<50x64xf32, #tpu.memory_space<vmem>>, vector<16xf32>,
      tpu.vector_store %arg6[%swap3A_1882, %swap3A_1883], %get3A_1880 {strides = array<i32>} : memref<50x64xf32, #tpu.memory_space<vmem>>, vector<16xf32>,
      %get3A_1885 = arith.constant 2352 : index
      %get3A_1886 = tpu.vector_load %arg5[%get3A_1885] {strides = array<i32>} : memref<3200xf32, #tpu.memory_space<vmem>>, vector<16xf32>,
      %swap3A_1887 = arith.constant 36 : i32
      %swap3A_1888 = arith.index_cast %swap3A_1887 : i32 to index
      %swap3A_1889 = arith.constant 48 : index
      %swap3A_1890 = tpu.vector_load %arg6[%swap3A_1888, %swap3A_1889] {strides = array<i32>} : memref<50x64xf32, #tpu.memory_space<vmem>>, vector<16xf32>,
      tpu.vector_store %arg6[%swap3A_1888, %swap3A_1889], %get3A_1886 {strides = array<i32>} : memref<50x64xf32, #tpu.memory_space<vmem>>, vector<16xf32>,
      %get3A_1891 = arith.constant 2368 : index
      %get3A_1892 = tpu.vector_load %arg5[%get3A_1891] {strides = array<i32>} : memref<3200xf32, #tpu.memory_space<vmem>>, vector<16xf32>,
      %swap3A_1893 = arith.constant 37 : i32
      %swap3A_1894 = arith.index_cast %swap3A_1893 : i32 to index
      %swap3A_1895 = arith.constant 0 : index
      %swap3A_1896 = tpu.vector_load %arg6[%swap3A_1894, %swap3A_1895] {strides = array<i32>} : memref<50x64xf32, #tpu.memory_space<vmem>>, vector<16xf32>,
      tpu.vector_store %arg6[%swap3A_1894, %swap3A_1895], %get3A_1892 {strides = array<i32>} : memref<50x64xf32, #tpu.memory_space<vmem>>, vector<16xf32>,
      %get3A_1897 = arith.constant 2384 : index
      %get3A_1898 = tpu.vector_load %arg5[%get3A_1897] {strides = array<i32>} : memref<3200xf32, #tpu.memory_space<vmem>>, vector<16xf32>,
      %swap3A_1899 = arith.constant 37 : i32
      %swap3A_1900 = arith.index_cast %swap3A_1899 : i32 to index
      %swap3A_1901 = arith.constant 16 : index
      %swap3A_1902 = tpu.vector_load %arg6[%swap3A_1900, %swap3A_1901] {strides = array<i32>} : memref<50x64xf32, #tpu.memory_space<vmem>>, vector<16xf32>,
      tpu.vector_store %arg6[%swap3A_1900, %swap3A_1901], %get3A_1898 {strides = array<i32>} : memref<50x64xf32, #tpu.memory_space<vmem>>, vector<16xf32>,
      %get3A_1903 = arith.constant 2400 : index
      %get3A_1904 = tpu.vector_load %arg5[%get3A_1903] {strides = array<i32>} : memref<3200xf32, #tpu.memory_space<vmem>>, vector<16xf32>,
      %swap3A_1905 = arith.constant 37 : i32
      %swap3A_1906 = arith.index_cast %swap3A_1905 : i32 to index
      %swap3A_1907 = arith.constant 32 : index
      %swap3A_1908 = tpu.vector_load %arg6[%swap3A_1906, %swap3A_1907] {strides = array<i32>} : memref<50x64xf32, #tpu.memory_space<vmem>>, vector<16xf32>,
      tpu.vector_store %arg6[%swap3A_1906, %swap3A_1907], %get3A_1904 {strides = array<i32>} : memref<50x64xf32, #tpu.memory_space<vmem>>, vector<16xf32>,
      %get3A_1909 = arith.constant 2416 : index
      %get3A_1910 = tpu.vector_load %arg5[%get3A_1909] {strides = array<i32>} : memref<3200xf32, #tpu.memory_space<vmem>>, vector<16xf32>,
      %swap3A_1911 = arith.constant 37 : i32
      %swap3A_1912 = arith.index_cast %swap3A_1911 : i32 to index
      %swap3A_1913 = arith.constant 48 : index
      %swap3A_1914 = tpu.vector_load %arg6[%swap3A_1912, %swap3A_1913] {strides = array<i32>} : memref<50x64xf32, #tpu.memory_space<vmem>>, vector<16xf32>,
      tpu.vector_store %arg6[%swap3A_1912, %swap3A_1913], %get3A_1910 {strides = array<i32>} : memref<50x64xf32, #tpu.memory_space<vmem>>, vector<16xf32>,
      %get3A_1915 = arith.constant 2432 : index
      %get3A_1916 = tpu.vector_load %arg5[%get3A_1915] {strides = array<i32>} : memref<3200xf32, #tpu.memory_space<vmem>>, vector<16xf32>,
      %swap3A_1917 = arith.constant 38 : i32
      %swap3A_1918 = arith.index_cast %swap3A_1917 : i32 to index
      %swap3A_1919 = arith.constant 0 : index
      %swap3A_1920 = tpu.vector_load %arg6[%swap3A_1918, %swap3A_1919] {strides = array<i32>} : memref<50x64xf32, #tpu.memory_space<vmem>>, vector<16xf32>,
      tpu.vector_store %arg6[%swap3A_1918, %swap3A_1919], %get3A_1916 {strides = array<i32>} : memref<50x64xf32, #tpu.memory_space<vmem>>, vector<16xf32>,
      %get3A_1921 = arith.constant 2448 : index
      %get3A_1922 = tpu.vector_load %arg5[%get3A_1921] {strides = array<i32>} : memref<3200xf32, #tpu.memory_space<vmem>>, vector<16xf32>,
      %swap3A_1923 = arith.constant 38 : i32
      %swap3A_1924 = arith.index_cast %swap3A_1923 : i32 to index
      %swap3A_1925 = arith.constant 16 : index
      %swap3A_1926 = tpu.vector_load %arg6[%swap3A_1924, %swap3A_1925] {strides = array<i32>} : memref<50x64xf32, #tpu.memory_space<vmem>>, vector<16xf32>,
      tpu.vector_store %arg6[%swap3A_1924, %swap3A_1925], %get3A_1922 {strides = array<i32>} : memref<50x64xf32, #tpu.memory_space<vmem>>, vector<16xf32>,
      %get3A_1927 = arith.constant 2464 : index
      %get3A_1928 = tpu.vector_load %arg5[%get3A_1927] {strides = array<i32>} : memref<3200xf32, #tpu.memory_space<vmem>>, vector<16xf32>,
      %swap3A_1929 = arith.constant 38 : i32
      %swap3A_1930 = arith.index_cast %swap3A_1929 : i32 to index
      %swap3A_1931 = arith.constant 32 : index
      %swap3A_1932 = tpu.vector_load %arg6[%swap3A_1930, %swap3A_1931] {strides = array<i32>} : memref<50x64xf32, #tpu.memory_space<vmem>>, vector<16xf32>,
      tpu.vector_store %arg6[%swap3A_1930, %swap3A_1931], %get3A_1928 {strides = array<i32>} : memref<50x64xf32, #tpu.memory_space<vmem>>, vector<16xf32>,
      %get3A_1933 = arith.constant 2480 : index
      %get3A_1934 = tpu.vector_load %arg5[%get3A_1933] {strides = array<i32>} : memref<3200xf32, #tpu.memory_space<vmem>>, vector<16xf32>,
      %swap3A_1935 = arith.constant 38 : i32
      %swap3A_1936 = arith.index_cast %swap3A_1935 : i32 to index
      %swap3A_1937 = arith.constant 48 : index
      %swap3A_1938 = tpu.vector_load %arg6[%swap3A_1936, %swap3A_1937] {strides = array<i32>} : memref<50x64xf32, #tpu.memory_space<vmem>>, vector<16xf32>,
      tpu.vector_store %arg6[%swap3A_1936, %swap3A_1937], %get3A_1934 {strides = array<i32>} : memref<50x64xf32, #tpu.memory_space<vmem>>, vector<16xf32>,
      %get3A_1939 = arith.constant 2496 : index
      %get3A_1940 = tpu.vector_load %arg5[%get3A_1939] {strides = array<i32>} : memref<3200xf32, #tpu.memory_space<vmem>>, vector<16xf32>,
      %swap3A_1941 = arith.constant 39 : i32
      %swap3A_1942 = arith.index_cast %swap3A_1941 : i32 to index
      %swap3A_1943 = arith.constant 0 : index
      %swap3A_1944 = tpu.vector_load %arg6[%swap3A_1942, %swap3A_1943] {strides = array<i32>} : memref<50x64xf32, #tpu.memory_space<vmem>>, vector<16xf32>,
      tpu.vector_store %arg6[%swap3A_1942, %swap3A_1943], %get3A_1940 {strides = array<i32>} : memref<50x64xf32, #tpu.memory_space<vmem>>, vector<16xf32>,
      %get3A_1945 = arith.constant 2512 : index
      %get3A_1946 = tpu.vector_load %arg5[%get3A_1945] {strides = array<i32>} : memref<3200xf32, #tpu.memory_space<vmem>>, vector<16xf32>,
      %swap3A_1947 = arith.constant 39 : i32
      %swap3A_1948 = arith.index_cast %swap3A_1947 : i32 to index
      %swap3A_1949 = arith.constant 16 : index
      %swap3A_1950 = tpu.vector_load %arg6[%swap3A_1948, %swap3A_1949] {strides = array<i32>} : memref<50x64xf32, #tpu.memory_space<vmem>>, vector<16xf32>,
      tpu.vector_store %arg6[%swap3A_1948, %swap3A_1949], %get3A_1946 {strides = array<i32>} : memref<50x64xf32, #tpu.memory_space<vmem>>, vector<16xf32>,
      %get3A_1951 = arith.constant 2528 : index
      %get3A_1952 = tpu.vector_load %arg5[%get3A_1951] {strides = array<i32>} : memref<3200xf32, #tpu.memory_space<vmem>>, vector<16xf32>,
      %swap3A_1953 = arith.constant 39 : i32
      %swap3A_1954 = arith.index_cast %swap3A_1953 : i32 to index
      %swap3A_1955 = arith.constant 32 : index
      %swap3A_1956 = tpu.vector_load %arg6[%swap3A_1954, %swap3A_1955] {strides = array<i32>} : memref<50x64xf32, #tpu.memory_space<vmem>>, vector<16xf32>,
      tpu.vector_store %arg6[%swap3A_1954, %swap3A_1955], %get3A_1952 {strides = array<i32>} : memref<50x64xf32, #tpu.memory_space<vmem>>, vector<16xf32>,
      %get3A_1957 = arith.constant 2544 : index
      %get3A_1958 = tpu.vector_load %arg5[%get3A_1957] {strides = array<i32>} : memref<3200xf32, #tpu.memory_space<vmem>>, vector<16xf32>,
      %swap3A_1959 = arith.constant 39 : i32
      %swap3A_1960 = arith.index_cast %swap3A_1959 : i32 to index
      %swap3A_1961 = arith.constant 48 : index
      %swap3A_1962 = tpu.vector_load %arg6[%swap3A_1960, %swap3A_1961] {strides = array<i32>} : memref<50x64xf32, #tpu.memory_space<vmem>>, vector<16xf32>,
      tpu.vector_store %arg6[%swap3A_1960, %swap3A_1961], %get3A_1958 {strides = array<i32>} : memref<50x64xf32, #tpu.memory_space<vmem>>, vector<16xf32>,
      %get3A_1963 = arith.constant 2560 : index
      %get3A_1964 = tpu.vector_load %arg5[%get3A_1963] {strides = array<i32>} : memref<3200xf32, #tpu.memory_space<vmem>>, vector<16xf32>,
      %swap3A_1965 = arith.constant 40 : i32
      %swap3A_1966 = arith.index_cast %swap3A_1965 : i32 to index
      %swap3A_1967 = arith.constant 0 : index
      %swap3A_1968 = tpu.vector_load %arg6[%swap3A_1966, %swap3A_1967] {strides = array<i32>} : memref<50x64xf32, #tpu.memory_space<vmem>>, vector<16xf32>,
      tpu.vector_store %arg6[%swap3A_1966, %swap3A_1967], %get3A_1964 {strides = array<i32>} : memref<50x64xf32, #tpu.memory_space<vmem>>, vector<16xf32>,
      %get3A_1969 = arith.constant 2576 : index
      %get3A_1970 = tpu.vector_load %arg5[%get3A_1969] {strides = array<i32>} : memref<3200xf32, #tpu.memory_space<vmem>>, vector<16xf32>,
      %swap3A_1971 = arith.constant 40 : i32
      %swap3A_1972 = arith.index_cast %swap3A_1971 : i32 to index
      %swap3A_1973 = arith.constant 16 : index
      %swap3A_1974 = tpu.vector_load %arg6[%swap3A_1972, %swap3A_1973] {strides = array<i32>} : memref<50x64xf32, #tpu.memory_space<vmem>>, vector<16xf32>,
      tpu.vector_store %arg6[%swap3A_1972, %swap3A_1973], %get3A_1970 {strides = array<i32>} : memref<50x64xf32, #tpu.memory_space<vmem>>, vector<16xf32>,
      %get3A_1975 = arith.constant 2592 : index
      %get3A_1976 = tpu.vector_load %arg5[%get3A_1975] {strides = array<i32>} : memref<3200xf32, #tpu.memory_space<vmem>>, vector<16xf32>,
      %swap3A_1977 = arith.constant 40 : i32
      %swap3A_1978 = arith.index_cast %swap3A_1977 : i32 to index
      %swap3A_1979 = arith.constant 32 : index
      %swap3A_1980 = tpu.vector_load %arg6[%swap3A_1978, %swap3A_1979] {strides = array<i32>} : memref<50x64xf32, #tpu.memory_space<vmem>>, vector<16xf32>,
      tpu.vector_store %arg6[%swap3A_1978, %swap3A_1979], %get3A_1976 {strides = array<i32>} : memref<50x64xf32, #tpu.memory_space<vmem>>, vector<16xf32>,
      %get3A_1981 = arith.constant 2608 : index
      %get3A_1982 = tpu.vector_load %arg5[%get3A_1981] {strides = array<i32>} : memref<3200xf32, #tpu.memory_space<vmem>>, vector<16xf32>,
      %swap3A_1983 = arith.constant 40 : i32
      %swap3A_1984 = arith.index_cast %swap3A_1983 : i32 to index
      %swap3A_1985 = arith.constant 48 : index
      %swap3A_1986 = tpu.vector_load %arg6[%swap3A_1984, %swap3A_1985] {strides = array<i32>} : memref<50x64xf32, #tpu.memory_space<vmem>>, vector<16xf32>,
      tpu.vector_store %arg6[%swap3A_1984, %swap3A_1985], %get3A_1982 {strides = array<i32>} : memref<50x64xf32, #tpu.memory_space<vmem>>, vector<16xf32>,
      %get3A_1987 = arith.constant 2624 : index
      %get3A_1988 = tpu.vector_load %arg5[%get3A_1987] {strides = array<i32>} : memref<3200xf32, #tpu.memory_space<vmem>>, vector<16xf32>,
      %swap3A_1989 = arith.constant 41 : i32
      %swap3A_1990 = arith.index_cast %swap3A_1989 : i32 to index
      %swap3A_1991 = arith.constant 0 : index
      %swap3A_1992 = tpu.vector_load %arg6[%swap3A_1990, %swap3A_1991] {strides = array<i32>} : memref<50x64xf32, #tpu.memory_space<vmem>>, vector<16xf32>,
      tpu.vector_store %arg6[%swap3A_1990, %swap3A_1991], %get3A_1988 {strides = array<i32>} : memref<50x64xf32, #tpu.memory_space<vmem>>, vector<16xf32>,
      %get3A_1993 = arith.constant 2640 : index
      %get3A_1994 = tpu.vector_load %arg5[%get3A_1993] {strides = array<i32>} : memref<3200xf32, #tpu.memory_space<vmem>>, vector<16xf32>,
      %swap3A_1995 = arith.constant 41 : i32
      %swap3A_1996 = arith.index_cast %swap3A_1995 : i32 to index
      %swap3A_1997 = arith.constant 16 : index
      %swap3A_1998 = tpu.vector_load %arg6[%swap3A_1996, %swap3A_1997] {strides = array<i32>} : memref<50x64xf32, #tpu.memory_space<vmem>>, vector<16xf32>,
      tpu.vector_store %arg6[%swap3A_1996, %swap3A_1997], %get3A_1994 {strides = array<i32>} : memref<50x64xf32, #tpu.memory_space<vmem>>, vector<16xf32>,
      %get3A_1999 = arith.constant 2656 : index
      %get3A_2000 = tpu.vector_load %arg5[%get3A_1999] {strides = array<i32>} : memref<3200xf32, #tpu.memory_space<vmem>>, vector<16xf32>,
      %swap3A_2001 = arith.constant 41 : i32
      %swap3A_2002 = arith.index_cast %swap3A_2001 : i32 to index
      %swap3A_2003 = arith.constant 32 : index
      %swap3A_2004 = tpu.vector_load %arg6[%swap3A_2002, %swap3A_2003] {strides = array<i32>} : memref<50x64xf32, #tpu.memory_space<vmem>>, vector<16xf32>,
      tpu.vector_store %arg6[%swap3A_2002, %swap3A_2003], %get3A_2000 {strides = array<i32>} : memref<50x64xf32, #tpu.memory_space<vmem>>, vector<16xf32>,
      %get3A_2005 = arith.constant 2672 : index
      %get3A_2006 = tpu.vector_load %arg5[%get3A_2005] {strides = array<i32>} : memref<3200xf32, #tpu.memory_space<vmem>>, vector<16xf32>,
      %swap3A_2007 = arith.constant 41 : i32
      %swap3A_2008 = arith.index_cast %swap3A_2007 : i32 to index
      %swap3A_2009 = arith.constant 48 : index
      %swap3A_2010 = tpu.vector_load %arg6[%swap3A_2008, %swap3A_2009] {strides = array<i32>} : memref<50x64xf32, #tpu.memory_space<vmem>>, vector<16xf32>,
      tpu.vector_store %arg6[%swap3A_2008, %swap3A_2009], %get3A_2006 {strides = array<i32>} : memref<50x64xf32, #tpu.memory_space<vmem>>, vector<16xf32>,
      %get3A_2011 = arith.constant 2688 : index
      %get3A_2012 = tpu.vector_load %arg5[%get3A_2011] {strides = array<i32>} : memref<3200xf32, #tpu.memory_space<vmem>>, vector<16xf32>,
      %swap3A_2013 = arith.constant 42 : i32
      %swap3A_2014 = arith.index_cast %swap3A_2013 : i32 to index
      %swap3A_2015 = arith.constant 0 : index
      %swap3A_2016 = tpu.vector_load %arg6[%swap3A_2014, %swap3A_2015] {strides = array<i32>} : memref<50x64xf32, #tpu.memory_space<vmem>>, vector<16xf32>,
      tpu.vector_store %arg6[%swap3A_2014, %swap3A_2015], %get3A_2012 {strides = array<i32>} : memref<50x64xf32, #tpu.memory_space<vmem>>, vector<16xf32>,
      %get3A_2017 = arith.constant 2704 : index
      %get3A_2018 = tpu.vector_load %arg5[%get3A_2017] {strides = array<i32>} : memref<3200xf32, #tpu.memory_space<vmem>>, vector<16xf32>,
      %swap3A_2019 = arith.constant 42 : i32
      %swap3A_2020 = arith.index_cast %swap3A_2019 : i32 to index
      %swap3A_2021 = arith.constant 16 : index
      %swap3A_2022 = tpu.vector_load %arg6[%swap3A_2020, %swap3A_2021] {strides = array<i32>} : memref<50x64xf32, #tpu.memory_space<vmem>>, vector<16xf32>,
      tpu.vector_store %arg6[%swap3A_2020, %swap3A_2021], %get3A_2018 {strides = array<i32>} : memref<50x64xf32, #tpu.memory_space<vmem>>, vector<16xf32>,
      %get3A_2023 = arith.constant 2720 : index
      %get3A_2024 = tpu.vector_load %arg5[%get3A_2023] {strides = array<i32>} : memref<3200xf32, #tpu.memory_space<vmem>>, vector<16xf32>,
      %swap3A_2025 = arith.constant 42 : i32
      %swap3A_2026 = arith.index_cast %swap3A_2025 : i32 to index
      %swap3A_2027 = arith.constant 32 : index
      %swap3A_2028 = tpu.vector_load %arg6[%swap3A_2026, %swap3A_2027] {strides = array<i32>} : memref<50x64xf32, #tpu.memory_space<vmem>>, vector<16xf32>,
      tpu.vector_store %arg6[%swap3A_2026, %swap3A_2027], %get3A_2024 {strides = array<i32>} : memref<50x64xf32, #tpu.memory_space<vmem>>, vector<16xf32>,
      %get3A_2029 = arith.constant 2736 : index
      %get3A_2030 = tpu.vector_load %arg5[%get3A_2029] {strides = array<i32>} : memref<3200xf32, #tpu.memory_space<vmem>>, vector<16xf32>,
      %swap3A_2031 = arith.constant 42 : i32
      %swap3A_2032 = arith.index_cast %swap3A_2031 : i32 to index
      %swap3A_2033 = arith.constant 48 : index
      %swap3A_2034 = tpu.vector_load %arg6[%swap3A_2032, %swap3A_2033] {strides = array<i32>} : memref<50x64xf32, #tpu.memory_space<vmem>>, vector<16xf32>,
      tpu.vector_store %arg6[%swap3A_2032, %swap3A_2033], %get3A_2030 {strides = array<i32>} : memref<50x64xf32, #tpu.memory_space<vmem>>, vector<16xf32>,
      %get3A_2035 = arith.constant 2752 : index
      %get3A_2036 = tpu.vector_load %arg5[%get3A_2035] {strides = array<i32>} : memref<3200xf32, #tpu.memory_space<vmem>>, vector<16xf32>,
      %swap3A_2037 = arith.constant 43 : i32
      %swap3A_2038 = arith.index_cast %swap3A_2037 : i32 to index
      %swap3A_2039 = arith.constant 0 : index
      %swap3A_2040 = tpu.vector_load %arg6[%swap3A_2038, %swap3A_2039] {strides = array<i32>} : memref<50x64xf32, #tpu.memory_space<vmem>>, vector<16xf32>,
      tpu.vector_store %arg6[%swap3A_2038, %swap3A_2039], %get3A_2036 {strides = array<i32>} : memref<50x64xf32, #tpu.memory_space<vmem>>, vector<16xf32>,
      %get3A_2041 = arith.constant 2768 : index
      %get3A_2042 = tpu.vector_load %arg5[%get3A_2041] {strides = array<i32>} : memref<3200xf32, #tpu.memory_space<vmem>>, vector<16xf32>,
      %swap3A_2043 = arith.constant 43 : i32
      %swap3A_2044 = arith.index_cast %swap3A_2043 : i32 to index
      %swap3A_2045 = arith.constant 16 : index
      %swap3A_2046 = tpu.vector_load %arg6[%swap3A_2044, %swap3A_2045] {strides = array<i32>} : memref<50x64xf32, #tpu.memory_space<vmem>>, vector<16xf32>,
      tpu.vector_store %arg6[%swap3A_2044, %swap3A_2045], %get3A_2042 {strides = array<i32>} : memref<50x64xf32, #tpu.memory_space<vmem>>, vector<16xf32>,
      %get3A_2047 = arith.constant 2784 : index
      %get3A_2048 = tpu.vector_load %arg5[%get3A_2047] {strides = array<i32>} : memref<3200xf32, #tpu.memory_space<vmem>>, vector<16xf32>,
      %swap3A_2049 = arith.constant 43 : i32
      %swap3A_2050 = arith.index_cast %swap3A_2049 : i32 to index
      %swap3A_2051 = arith.constant 32 : index
      %swap3A_2052 = tpu.vector_load %arg6[%swap3A_2050, %swap3A_2051] {strides = array<i32>} : memref<50x64xf32, #tpu.memory_space<vmem>>, vector<16xf32>,
      tpu.vector_store %arg6[%swap3A_2050, %swap3A_2051], %get3A_2048 {strides = array<i32>} : memref<50x64xf32, #tpu.memory_space<vmem>>, vector<16xf32>,
      %get3A_2053 = arith.constant 2800 : index
      %get3A_2054 = tpu.vector_load %arg5[%get3A_2053] {strides = array<i32>} : memref<3200xf32, #tpu.memory_space<vmem>>, vector<16xf32>,
      %swap3A_2055 = arith.constant 43 : i32
      %swap3A_2056 = arith.index_cast %swap3A_2055 : i32 to index
      %swap3A_2057 = arith.constant 48 : index
      %swap3A_2058 = tpu.vector_load %arg6[%swap3A_2056, %swap3A_2057] {strides = array<i32>} : memref<50x64xf32, #tpu.memory_space<vmem>>, vector<16xf32>,
      tpu.vector_store %arg6[%swap3A_2056, %swap3A_2057], %get3A_2054 {strides = array<i32>} : memref<50x64xf32, #tpu.memory_space<vmem>>, vector<16xf32>,
      %get3A_2059 = arith.constant 2816 : index
      %get3A_2060 = tpu.vector_load %arg5[%get3A_2059] {strides = array<i32>} : memref<3200xf32, #tpu.memory_space<vmem>>, vector<16xf32>,
      %swap3A_2061 = arith.constant 44 : i32
      %swap3A_2062 = arith.index_cast %swap3A_2061 : i32 to index
      %swap3A_2063 = arith.constant 0 : index
      %swap3A_2064 = tpu.vector_load %arg6[%swap3A_2062, %swap3A_2063] {strides = array<i32>} : memref<50x64xf32, #tpu.memory_space<vmem>>, vector<16xf32>,
      tpu.vector_store %arg6[%swap3A_2062, %swap3A_2063], %get3A_2060 {strides = array<i32>} : memref<50x64xf32, #tpu.memory_space<vmem>>, vector<16xf32>,
      %get3A_2065 = arith.constant 2832 : index
      %get3A_2066 = tpu.vector_load %arg5[%get3A_2065] {strides = array<i32>} : memref<3200xf32, #tpu.memory_space<vmem>>, vector<16xf32>,
      %swap3A_2067 = arith.constant 44 : i32
      %swap3A_2068 = arith.index_cast %swap3A_2067 : i32 to index
      %swap3A_2069 = arith.constant 16 : index
      %swap3A_2070 = tpu.vector_load %arg6[%swap3A_2068, %swap3A_2069] {strides = array<i32>} : memref<50x64xf32, #tpu.memory_space<vmem>>, vector<16xf32>,
      tpu.vector_store %arg6[%swap3A_2068, %swap3A_2069], %get3A_2066 {strides = array<i32>} : memref<50x64xf32, #tpu.memory_space<vmem>>, vector<16xf32>,
      %get3A_2071 = arith.constant 2848 : index
      %get3A_2072 = tpu.vector_load %arg5[%get3A_2071] {strides = array<i32>} : memref<3200xf32, #tpu.memory_space<vmem>>, vector<16xf32>,
      %swap3A_2073 = arith.constant 44 : i32
      %swap3A_2074 = arith.index_cast %swap3A_2073 : i32 to index
      %swap3A_2075 = arith.constant 32 : index
      %swap3A_2076 = tpu.vector_load %arg6[%swap3A_2074, %swap3A_2075] {strides = array<i32>} : memref<50x64xf32, #tpu.memory_space<vmem>>, vector<16xf32>,
      tpu.vector_store %arg6[%swap3A_2074, %swap3A_2075], %get3A_2072 {strides = array<i32>} : memref<50x64xf32, #tpu.memory_space<vmem>>, vector<16xf32>,
      %get3A_2077 = arith.constant 2864 : index
      %get3A_2078 = tpu.vector_load %arg5[%get3A_2077] {strides = array<i32>} : memref<3200xf32, #tpu.memory_space<vmem>>, vector<16xf32>,
      %swap3A_2079 = arith.constant 44 : i32
      %swap3A_2080 = arith.index_cast %swap3A_2079 : i32 to index
      %swap3A_2081 = arith.constant 48 : index
      %swap3A_2082 = tpu.vector_load %arg6[%swap3A_2080, %swap3A_2081] {strides = array<i32>} : memref<50x64xf32, #tpu.memory_space<vmem>>, vector<16xf32>,
      tpu.vector_store %arg6[%swap3A_2080, %swap3A_2081], %get3A_2078 {strides = array<i32>} : memref<50x64xf32, #tpu.memory_space<vmem>>, vector<16xf32>,
      %get3A_2083 = arith.constant 2880 : index
      %get3A_2084 = tpu.vector_load %arg5[%get3A_2083] {strides = array<i32>} : memref<3200xf32, #tpu.memory_space<vmem>>, vector<16xf32>,
      %swap3A_2085 = arith.constant 45 : i32
      %swap3A_2086 = arith.index_cast %swap3A_2085 : i32 to index
      %swap3A_2087 = arith.constant 0 : index
      %swap3A_2088 = tpu.vector_load %arg6[%swap3A_2086, %swap3A_2087] {strides = array<i32>} : memref<50x64xf32, #tpu.memory_space<vmem>>, vector<16xf32>,
      tpu.vector_store %arg6[%swap3A_2086, %swap3A_2087], %get3A_2084 {strides = array<i32>} : memref<50x64xf32, #tpu.memory_space<vmem>>, vector<16xf32>,
      %get3A_2089 = arith.constant 2896 : index
      %get3A_2090 = tpu.vector_load %arg5[%get3A_2089] {strides = array<i32>} : memref<3200xf32, #tpu.memory_space<vmem>>, vector<16xf32>,
      %swap3A_2091 = arith.constant 45 : i32
      %swap3A_2092 = arith.index_cast %swap3A_2091 : i32 to index
      %swap3A_2093 = arith.constant 16 : index
      %swap3A_2094 = tpu.vector_load %arg6[%swap3A_2092, %swap3A_2093] {strides = array<i32>} : memref<50x64xf32, #tpu.memory_space<vmem>>, vector<16xf32>,
      tpu.vector_store %arg6[%swap3A_2092, %swap3A_2093], %get3A_2090 {strides = array<i32>} : memref<50x64xf32, #tpu.memory_space<vmem>>, vector<16xf32>,
      %get3A_2095 = arith.constant 2912 : index
      %get3A_2096 = tpu.vector_load %arg5[%get3A_2095] {strides = array<i32>} : memref<3200xf32, #tpu.memory_space<vmem>>, vector<16xf32>,
      %swap3A_2097 = arith.constant 45 : i32
      %swap3A_2098 = arith.index_cast %swap3A_2097 : i32 to index
      %swap3A_2099 = arith.constant 32 : index
      %swap3A_2100 = tpu.vector_load %arg6[%swap3A_2098, %swap3A_2099] {strides = array<i32>} : memref<50x64xf32, #tpu.memory_space<vmem>>, vector<16xf32>,
      tpu.vector_store %arg6[%swap3A_2098, %swap3A_2099], %get3A_2096 {strides = array<i32>} : memref<50x64xf32, #tpu.memory_space<vmem>>, vector<16xf32>,
      %get3A_2101 = arith.constant 2928 : index
      %get3A_2102 = tpu.vector_load %arg5[%get3A_2101] {strides = array<i32>} : memref<3200xf32, #tpu.memory_space<vmem>>, vector<16xf32>,
      %swap3A_2103 = arith.constant 45 : i32
      %swap3A_2104 = arith.index_cast %swap3A_2103 : i32 to index
      %swap3A_2105 = arith.constant 48 : index
      %swap3A_2106 = tpu.vector_load %arg6[%swap3A_2104, %swap3A_2105] {strides = array<i32>} : memref<50x64xf32, #tpu.memory_space<vmem>>, vector<16xf32>,
      tpu.vector_store %arg6[%swap3A_2104, %swap3A_2105], %get3A_2102 {strides = array<i32>} : memref<50x64xf32, #tpu.memory_space<vmem>>, vector<16xf32>,
      %get3A_2107 = arith.constant 2944 : index
      %get3A_2108 = tpu.vector_load %arg5[%get3A_2107] {strides = array<i32>} : memref<3200xf32, #tpu.memory_space<vmem>>, vector<16xf32>,
      %swap3A_2109 = arith.constant 46 : i32
      %swap3A_2110 = arith.index_cast %swap3A_2109 : i32 to index
      %swap3A_2111 = arith.constant 0 : index
      %swap3A_2112 = tpu.vector_load %arg6[%swap3A_2110, %swap3A_2111] {strides = array<i32>} : memref<50x64xf32, #tpu.memory_space<vmem>>, vector<16xf32>,
      tpu.vector_store %arg6[%swap3A_2110, %swap3A_2111], %get3A_2108 {strides = array<i32>} : memref<50x64xf32, #tpu.memory_space<vmem>>, vector<16xf32>,
      %get3A_2113 = arith.constant 2960 : index
      %get3A_2114 = tpu.vector_load %arg5[%get3A_2113] {strides = array<i32>} : memref<3200xf32, #tpu.memory_space<vmem>>, vector<16xf32>,
      %swap3A_2115 = arith.constant 46 : i32
      %swap3A_2116 = arith.index_cast %swap3A_2115 : i32 to index
      %swap3A_2117 = arith.constant 16 : index
      %swap3A_2118 = tpu.vector_load %arg6[%swap3A_2116, %swap3A_2117] {strides = array<i32>} : memref<50x64xf32, #tpu.memory_space<vmem>>, vector<16xf32>,
      tpu.vector_store %arg6[%swap3A_2116, %swap3A_2117], %get3A_2114 {strides = array<i32>} : memref<50x64xf32, #tpu.memory_space<vmem>>, vector<16xf32>,
      %get3A_2119 = arith.constant 2976 : index
      %get3A_2120 = tpu.vector_load %arg5[%get3A_2119] {strides = array<i32>} : memref<3200xf32, #tpu.memory_space<vmem>>, vector<16xf32>,
      %swap3A_2121 = arith.constant 46 : i32
      %swap3A_2122 = arith.index_cast %swap3A_2121 : i32 to index
      %swap3A_2123 = arith.constant 32 : index
      %swap3A_2124 = tpu.vector_load %arg6[%swap3A_2122, %swap3A_2123] {strides = array<i32>} : memref<50x64xf32, #tpu.memory_space<vmem>>, vector<16xf32>,
      tpu.vector_store %arg6[%swap3A_2122, %swap3A_2123], %get3A_2120 {strides = array<i32>} : memref<50x64xf32, #tpu.memory_space<vmem>>, vector<16xf32>,
      %get3A_2125 = arith.constant 2992 : index
      %get3A_2126 = tpu.vector_load %arg5[%get3A_2125] {strides = array<i32>} : memref<3200xf32, #tpu.memory_space<vmem>>, vector<16xf32>,
      %swap3A_2127 = arith.constant 46 : i32
      %swap3A_2128 = arith.index_cast %swap3A_2127 : i32 to index
      %swap3A_2129 = arith.constant 48 : index
      %swap3A_2130 = tpu.vector_load %arg6[%swap3A_2128, %swap3A_2129] {strides = array<i32>} : memref<50x64xf32, #tpu.memory_space<vmem>>, vector<16xf32>,
      tpu.vector_store %arg6[%swap3A_2128, %swap3A_2129], %get3A_2126 {strides = array<i32>} : memref<50x64xf32, #tpu.memory_space<vmem>>, vector<16xf32>,
      %get3A_2131 = arith.constant 3008 : index
      %get3A_2132 = tpu.vector_load %arg5[%get3A_2131] {strides = array<i32>} : memref<3200xf32, #tpu.memory_space<vmem>>, vector<16xf32>,
      %swap3A_2133 = arith.constant 47 : i32
      %swap3A_2134 = arith.index_cast %swap3A_2133 : i32 to index
      %swap3A_2135 = arith.constant 0 : index
      %swap3A_2136 = tpu.vector_load %arg6[%swap3A_2134, %swap3A_2135] {strides = array<i32>} : memref<50x64xf32, #tpu.memory_space<vmem>>, vector<16xf32>,
      tpu.vector_store %arg6[%swap3A_2134, %swap3A_2135], %get3A_2132 {strides = array<i32>} : memref<50x64xf32, #tpu.memory_space<vmem>>, vector<16xf32>,
      %get3A_2137 = arith.constant 3024 : index
      %get3A_2138 = tpu.vector_load %arg5[%get3A_2137] {strides = array<i32>} : memref<3200xf32, #tpu.memory_space<vmem>>, vector<16xf32>,
      %swap3A_2139 = arith.constant 47 : i32
      %swap3A_2140 = arith.index_cast %swap3A_2139 : i32 to index
      %swap3A_2141 = arith.constant 16 : index
      %swap3A_2142 = tpu.vector_load %arg6[%swap3A_2140, %swap3A_2141] {strides = array<i32>} : memref<50x64xf32, #tpu.memory_space<vmem>>, vector<16xf32>,
      tpu.vector_store %arg6[%swap3A_2140, %swap3A_2141], %get3A_2138 {strides = array<i32>} : memref<50x64xf32, #tpu.memory_space<vmem>>, vector<16xf32>,
      %get3A_2143 = arith.constant 3040 : index
      %get3A_2144 = tpu.vector_load %arg5[%get3A_2143] {strides = array<i32>} : memref<3200xf32, #tpu.memory_space<vmem>>, vector<16xf32>,
      %swap3A_2145 = arith.constant 47 : i32
      %swap3A_2146 = arith.index_cast %swap3A_2145 : i32 to index
      %swap3A_2147 = arith.constant 32 : index
      %swap3A_2148 = tpu.vector_load %arg6[%swap3A_2146, %swap3A_2147] {strides = array<i32>} : memref<50x64xf32, #tpu.memory_space<vmem>>, vector<16xf32>,
      tpu.vector_store %arg6[%swap3A_2146, %swap3A_2147], %get3A_2144 {strides = array<i32>} : memref<50x64xf32, #tpu.memory_space<vmem>>, vector<16xf32>,
      %get3A_2149 = arith.constant 3056 : index
      %get3A_2150 = tpu.vector_load %arg5[%get3A_2149] {strides = array<i32>} : memref<3200xf32, #tpu.memory_space<vmem>>, vector<16xf32>,
      %swap3A_2151 = arith.constant 47 : i32
      %swap3A_2152 = arith.index_cast %swap3A_2151 : i32 to index
      %swap3A_2153 = arith.constant 48 : index
      %swap3A_2154 = tpu.vector_load %arg6[%swap3A_2152, %swap3A_2153] {strides = array<i32>} : memref<50x64xf32, #tpu.memory_space<vmem>>, vector<16xf32>,
      tpu.vector_store %arg6[%swap3A_2152, %swap3A_2153], %get3A_2150 {strides = array<i32>} : memref<50x64xf32, #tpu.memory_space<vmem>>, vector<16xf32>,
      %get3A_2155 = arith.constant 3072 : index
      %get3A_2156 = tpu.vector_load %arg5[%get3A_2155] {strides = array<i32>} : memref<3200xf32, #tpu.memory_space<vmem>>, vector<16xf32>,
      %swap3A_2157 = arith.constant 48 : i32
      %swap3A_2158 = arith.index_cast %swap3A_2157 : i32 to index
      %swap3A_2159 = arith.constant 0 : index
      %swap3A_2160 = tpu.vector_load %arg6[%swap3A_2158, %swap3A_2159] {strides = array<i32>} : memref<50x64xf32, #tpu.memory_space<vmem>>, vector<16xf32>,
      tpu.vector_store %arg6[%swap3A_2158, %swap3A_2159], %get3A_2156 {strides = array<i32>} : memref<50x64xf32, #tpu.memory_space<vmem>>, vector<16xf32>,
      %get3A_2161 = arith.constant 3088 : index
      %get3A_2162 = tpu.vector_load %arg5[%get3A_2161] {strides = array<i32>} : memref<3200xf32, #tpu.memory_space<vmem>>, vector<16xf32>,
      %swap3A_2163 = arith.constant 48 : i32
      %swap3A_2164 = arith.index_cast %swap3A_2163 : i32 to index
      %swap3A_2165 = arith.constant 16 : index
      %swap3A_2166 = tpu.vector_load %arg6[%swap3A_2164, %swap3A_2165] {strides = array<i32>} : memref<50x64xf32, #tpu.memory_space<vmem>>, vector<16xf32>,
      tpu.vector_store %arg6[%swap3A_2164, %swap3A_2165], %get3A_2162 {strides = array<i32>} : memref<50x64xf32, #tpu.memory_space<vmem>>, vector<16xf32>,
      %get3A_2167 = arith.constant 3104 : index
      %get3A_2168 = tpu.vector_load %arg5[%get3A_2167] {strides = array<i32>} : memref<3200xf32, #tpu.memory_space<vmem>>, vector<16xf32>,
      %swap3A_2169 = arith.constant 48 : i32
      %swap3A_2170 = arith.index_cast %swap3A_2169 : i32 to index
      %swap3A_2171 = arith.constant 32 : index
      %swap3A_2172 = tpu.vector_load %arg6[%swap3A_2170, %swap3A_2171] {strides = array<i32>} : memref<50x64xf32, #tpu.memory_space<vmem>>, vector<16xf32>,
      tpu.vector_store %arg6[%swap3A_2170, %swap3A_2171], %get3A_2168 {strides = array<i32>} : memref<50x64xf32, #tpu.memory_space<vmem>>, vector<16xf32>,
      %get3A_2173 = arith.constant 3120 : index
      %get3A_2174 = tpu.vector_load %arg5[%get3A_2173] {strides = array<i32>} : memref<3200xf32, #tpu.memory_space<vmem>>, vector<16xf32>,
      %swap3A_2175 = arith.constant 48 : i32
      %swap3A_2176 = arith.index_cast %swap3A_2175 : i32 to index
      %swap3A_2177 = arith.constant 48 : index
      %swap3A_2178 = tpu.vector_load %arg6[%swap3A_2176, %swap3A_2177] {strides = array<i32>} : memref<50x64xf32, #tpu.memory_space<vmem>>, vector<16xf32>,
      tpu.vector_store %arg6[%swap3A_2176, %swap3A_2177], %get3A_2174 {strides = array<i32>} : memref<50x64xf32, #tpu.memory_space<vmem>>, vector<16xf32>,
      %get3A_2179 = arith.constant 3136 : index
      %get3A_2180 = tpu.vector_load %arg5[%get3A_2179] {strides = array<i32>} : memref<3200xf32, #tpu.memory_space<vmem>>, vector<16xf32>,
      %swap3A_2181 = arith.constant 49 : i32
      %swap3A_2182 = arith.index_cast %swap3A_2181 : i32 to index
      %swap3A_2183 = arith.constant 0 : index
      %swap3A_2184 = tpu.vector_load %arg6[%swap3A_2182, %swap3A_2183] {strides = array<i32>} : memref<50x64xf32, #tpu.memory_space<vmem>>, vector<16xf32>,
      tpu.vector_store %arg6[%swap3A_2182, %swap3A_2183], %get3A_2180 {strides = array<i32>} : memref<50x64xf32, #tpu.memory_space<vmem>>, vector<16xf32>,
      %get3A_2185 = arith.constant 3152 : index
      %get3A_2186 = tpu.vector_load %arg5[%get3A_2185] {strides = array<i32>} : memref<3200xf32, #tpu.memory_space<vmem>>, vector<16xf32>,
      %swap3A_2187 = arith.constant 49 : i32
      %swap3A_2188 = arith.index_cast %swap3A_2187 : i32 to index
      %swap3A_2189 = arith.constant 16 : index
      %swap3A_2190 = tpu.vector_load %arg6[%swap3A_2188, %swap3A_2189] {strides = array<i32>} : memref<50x64xf32, #tpu.memory_space<vmem>>, vector<16xf32>,
      tpu.vector_store %arg6[%swap3A_2188, %swap3A_2189], %get3A_2186 {strides = array<i32>} : memref<50x64xf32, #tpu.memory_space<vmem>>, vector<16xf32>,
      %get3A_2191 = arith.constant 3168 : index
      %get3A_2192 = tpu.vector_load %arg5[%get3A_2191] {strides = array<i32>} : memref<3200xf32, #tpu.memory_space<vmem>>, vector<16xf32>,
      %swap3A_2193 = arith.constant 49 : i32
      %swap3A_2194 = arith.index_cast %swap3A_2193 : i32 to index
      %swap3A_2195 = arith.constant 32 : index
      %swap3A_2196 = tpu.vector_load %arg6[%swap3A_2194, %swap3A_2195] {strides = array<i32>} : memref<50x64xf32, #tpu.memory_space<vmem>>, vector<16xf32>,
      tpu.vector_store %arg6[%swap3A_2194, %swap3A_2195], %get3A_2192 {strides = array<i32>} : memref<50x64xf32, #tpu.memory_space<vmem>>, vector<16xf32>,
      %get3A_2197 = arith.constant 3184 : index
      %get3A_2198 = tpu.vector_load %arg5[%get3A_2197] {strides = array<i32>} : memref<3200xf32, #tpu.memory_space<vmem>>, vector<16xf32>,
      %swap3A_2199 = arith.constant 49 : i32
      %swap3A_2200 = arith.index_cast %swap3A_2199 : i32 to index
      %swap3A_2201 = arith.constant 48 : index
      %swap3A_2202 = tpu.vector_load %arg6[%swap3A_2200, %swap3A_2201] {strides = array<i32>} : memref<50x64xf32, #tpu.memory_space<vmem>>, vector<16xf32>,
      tpu.vector_store %arg6[%swap3A_2200, %swap3A_2201], %get3A_2198 {strides = array<i32>} : memref<50x64xf32, #tpu.memory_space<vmem>>, vector<16xf32>,
      "tpu.region"() ({
        %run_scoped3A = tpu.sem_alloc : memref<!tpu.dma_semaphore, #tpu.memory_space<semaphore_mem>>
        tpu.enqueue_dma source(%arg6 : memref<50x64xf32, #tpu.memory_space<vmem>>) target(%arg3 : memref<50x64xf32, #tpu.memory_space<hbm>>) target_semaphore(%run_scoped3A : memref<!tpu.dma_semaphore, #tpu.memory_space<semaphore_mem>>)
        tpu.wait_dma2 semaphore(%run_scoped3A : memref<!tpu.dma_semaphore, #tpu.memory_space<semaphore_mem>>) src(%arg6 : memref<50x64xf32, #tpu.memory_space<vmem>>) dst(%arg3 : memref<50x64xf32, #tpu.memory_space<hbm>>)
        tpu.yield
      }) : () -> ()
    } else {
    }
    return
  }
}

module attributes {stable_mosaic.version = 14 : i64} {
  func.func @_fused(%arg0: memref<50x64xf32, #tpu.memory_space<vmem>>, %arg1: memref<50x1xf32, #tpu.memory_space<vmem>>, %arg2: memref<1x2600xf32, #tpu.memory_space<vmem>>, %arg3: memref<1x5xf32, #tpu.memory_space<vmem>>, %arg4: memref<1x5xf32, #tpu.memory_space<vmem>>, %arg5: memref<1x5xf32, #tpu.memory_space<vmem>>, %arg6: memref<10x5xf32, #tpu.memory_space<vmem>>, %arg7: memref<10x5xf32, #tpu.memory_space<vmem>>, %arg8: memref<10x5xf32, #tpu.memory_space<vmem>>, %arg9: memref<10x5xf32, #tpu.memory_space<vmem>>, %arg10: memref<10x5xf32, #tpu.memory_space<vmem>>, %arg11: memref<10x5xf32, #tpu.memory_space<vmem>>, %arg12: memref<3100x128xf32, #tpu.memory_space<vmem>>, %arg13: memref<1x128xf32, #tpu.memory_space<vmem>>, %arg14: memref<128x128xf32, #tpu.memory_space<vmem>>, %arg15: memref<1x128xf32, #tpu.memory_space<vmem>>, %arg16: memref<128x64xf32, #tpu.memory_space<vmem>>, %arg17: memref<1x64xf32, #tpu.memory_space<vmem>>, %arg18: memref<64x2xf32, #tpu.memory_space<vmem>>, %arg19: memref<1x2xf32, #tpu.memory_space<vmem>>, %arg20: memref<f32, #tpu.memory_space<smem>>) attributes {dimension_semantics = [], scalar_prefetch = 0 : i64, scratch_operands = 0 : i64, tpu.core_type = #tpu.core_type<tc>} {
    %get3A = arith.constant 0 : index
    %get3A_0 = arith.constant 0 : index
    %get3A_1 = vector.load %arg0[%get3A, %get3A_0] : memref<50x64xf32, #tpu.memory_space<vmem>>, vector<50x50xf32>
    %get3A_2 = arith.constant 0 : index
    %get3A_3 = arith.constant 0 : index
    %get3A_4 = vector.load %arg1[%get3A_2, %get3A_3] : memref<50x1xf32, #tpu.memory_space<vmem>>, vector<50x1xf32>
    %dot_general3A = arith.constant dense<0.000000e+00> : vector<50x1xf32>
    %dot_general3A_5 = tpu.matmul %get3A_1, %get3A_4, %dot_general3A {dimension_numbers = #tpu.dot_dimension_numbers<[1], [0], [0], [1], [0, 0, 1, 1], [], []>, transpose_lhs_hint = false} : vector<50x50xf32>, vector<50x1xf32>, vector<50x1xf32> -> vector<50x1xf32>
    %get3A_6 = arith.constant 0 : index
    %get3A_7 = arith.constant 0 : index
    %get3A_8 = vector.load %arg3[%get3A_6, %get3A_7] : memref<1x5xf32, #tpu.memory_space<vmem>>, vector<1x5xf32>
    %mul3A = vector.broadcast %dot_general3A_5 : vector<50x1xf32> to vector<50x5xf32>
    %mul3A_9 = vector.broadcast %get3A_8 : vector<1x5xf32> to vector<50x5xf32>
    %mul3A_10 = arith.mulf %mul3A, %mul3A_9 : vector<50x5xf32>
    %get3A_11 = arith.constant 0 : index
    %get3A_12 = arith.constant 0 : index
    %get3A_13 = vector.load %arg4[%get3A_11, %get3A_12] : memref<1x5xf32, #tpu.memory_space<vmem>>, vector<1x5xf32>
    %mul3A_14 = vector.broadcast %get3A_4 : vector<50x1xf32> to vector<50x5xf32>
    %mul3A_15 = vector.broadcast %get3A_13 : vector<1x5xf32> to vector<50x5xf32>
    %mul3A_16 = arith.mulf %mul3A_14, %mul3A_15 : vector<50x5xf32>
    %add3A = arith.addf %mul3A_16, %mul3A_10 : vector<50x5xf32>
    %jit3A = arith.constant 0.00999999977 : f32
    %ge3A = arith.constant 0.000000e+00 : f32
    %ge3A_17 = vector.broadcast %ge3A : f32 to vector<50x5xf32>
    %ge3A_18 = arith.cmpf oge, %add3A, %ge3A_17 : vector<50x5xf32>
    %mul3A_19 = vector.broadcast %jit3A : f32 to vector<50x5xf32>
    %mul3A_20 = arith.mulf %mul3A_19, %add3A : vector<50x5xf32>
    %select_n3A = arith.select %ge3A_18, %add3A, %mul3A_20 : vector<50x5xi1>, vector<50x5xf32>
    %get3A_21 = arith.constant 0 : index
    %get3A_22 = arith.constant 0 : index
    %get3A_23 = vector.load %arg5[%get3A_21, %get3A_22] : memref<1x5xf32, #tpu.memory_space<vmem>>, vector<1x5xf32>
    %mul3A_24 = vector.broadcast %get3A_4 : vector<50x1xf32> to vector<50x5xf32>
    %mul3A_25 = vector.broadcast %get3A_23 : vector<1x5xf32> to vector<50x5xf32>
    %mul3A_26 = arith.mulf %mul3A_24, %mul3A_25 : vector<50x5xf32>
    %add3A_27 = arith.addf %mul3A_26, %mul3A_10 : vector<50x5xf32>
    %neg3A = arith.constant 0.000000e+00 : f32
    %neg3A_28 = vector.broadcast %neg3A : f32 to vector<50x5xf32>
    %neg3A_29 = arith.subf %neg3A_28, %add3A_27 : vector<50x5xf32>
    %exp3A = math.exp %neg3A_29 : vector<50x5xf32>
    %add3A_30 = arith.constant 1.000000e+00 : f32
    %add3A_31 = vector.broadcast %add3A_30 : f32 to vector<50x5xf32>
    %add3A_32 = arith.addf %add3A_31, %exp3A : vector<50x5xf32>
    %div3A = arith.constant 1.000000e+00 : f32
    %div3A_33 = vector.broadcast %div3A : f32 to vector<50x5xf32>
    %div3A_34 = arith.divf %div3A_33, %add3A_32 : vector<50x5xf32>
    %mul3A_35 = arith.mulf %div3A_34, %select_n3A : vector<50x5xf32>
    %concatenate3A = tpu.concatenate %select_n3A, %mul3A_35 in 1 : vector<50x5xf32>, vector<50x5xf32> -> vector<50x10xf32>
    %dot_general3A_36 = arith.constant dense<0.000000e+00> : vector<50x10xf32>
    %dot_general3A_37 = tpu.matmul %get3A_1, %concatenate3A, %dot_general3A_36 {dimension_numbers = #tpu.dot_dimension_numbers<[1], [0], [0], [1], [0, 0, 1, 1], [], []>, transpose_lhs_hint = false} : vector<50x50xf32>, vector<50x10xf32>, vector<50x10xf32> -> vector<50x10xf32>
    %get3A_38 = arith.constant 0 : index
    %get3A_39 = arith.constant 0 : index
    %get3A_40 = vector.load %arg6[%get3A_38, %get3A_39] : memref<10x5xf32, #tpu.memory_space<vmem>>, vector<10x5xf32>
    %dot_general3A_41 = arith.constant dense<0.000000e+00> : vector<50x5xf32>
    %dot_general3A_42 = tpu.matmul %dot_general3A_37, %get3A_40, %dot_general3A_41 {dimension_numbers = #tpu.dot_dimension_numbers<[1], [0], [0], [1], [0, 0, 1, 1], [], []>, transpose_lhs_hint = false} : vector<50x10xf32>, vector<10x5xf32>, vector<50x5xf32> -> vector<50x5xf32>
    %get3A_43 = arith.constant 0 : index
    %get3A_44 = arith.constant 0 : index
    %get3A_45 = vector.load %arg7[%get3A_43, %get3A_44] : memref<10x5xf32, #tpu.memory_space<vmem>>, vector<10x5xf32>
    %dot_general3A_46 = arith.constant dense<0.000000e+00> : vector<50x5xf32>
    %dot_general3A_47 = tpu.matmul %concatenate3A, %get3A_45, %dot_general3A_46 {dimension_numbers = #tpu.dot_dimension_numbers<[1], [0], [0], [1], [0, 0, 1, 1], [], []>, transpose_lhs_hint = false} : vector<50x10xf32>, vector<10x5xf32>, vector<50x5xf32> -> vector<50x5xf32>
    %add3A_48 = arith.addf %dot_general3A_47, %dot_general3A_42 : vector<50x5xf32>
    %jit3A_49 = arith.constant 0.00999999977 : f32
    %ge3A_50 = arith.constant 0.000000e+00 : f32
    %ge3A_51 = vector.broadcast %ge3A_50 : f32 to vector<50x5xf32>
    %ge3A_52 = arith.cmpf oge, %add3A_48, %ge3A_51 : vector<50x5xf32>
    %mul3A_53 = vector.broadcast %jit3A_49 : f32 to vector<50x5xf32>
    %mul3A_54 = arith.mulf %mul3A_53, %add3A_48 : vector<50x5xf32>
    %select_n3A_55 = arith.select %ge3A_52, %add3A_48, %mul3A_54 : vector<50x5xi1>, vector<50x5xf32>
    %get3A_56 = arith.constant 0 : index
    %get3A_57 = arith.constant 0 : index
    %get3A_58 = vector.load %arg8[%get3A_56, %get3A_57] : memref<10x5xf32, #tpu.memory_space<vmem>>, vector<10x5xf32>
    %dot_general3A_59 = arith.constant dense<0.000000e+00> : vector<50x5xf32>
    %dot_general3A_60 = tpu.matmul %concatenate3A, %get3A_58, %dot_general3A_59 {dimension_numbers = #tpu.dot_dimension_numbers<[1], [0], [0], [1], [0, 0, 1, 1], [], []>, transpose_lhs_hint = false} : vector<50x10xf32>, vector<10x5xf32>, vector<50x5xf32> -> vector<50x5xf32>
    %add3A_61 = arith.addf %dot_general3A_60, %dot_general3A_42 : vector<50x5xf32>
    %neg3A_62 = arith.constant 0.000000e+00 : f32
    %neg3A_63 = vector.broadcast %neg3A_62 : f32 to vector<50x5xf32>
    %neg3A_64 = arith.subf %neg3A_63, %add3A_61 : vector<50x5xf32>
    %exp3A_65 = math.exp %neg3A_64 : vector<50x5xf32>
    %add3A_66 = arith.constant 1.000000e+00 : f32
    %add3A_67 = vector.broadcast %add3A_66 : f32 to vector<50x5xf32>
    %add3A_68 = arith.addf %add3A_67, %exp3A_65 : vector<50x5xf32>
    %div3A_69 = arith.constant 1.000000e+00 : f32
    %div3A_70 = vector.broadcast %div3A_69 : f32 to vector<50x5xf32>
    %div3A_71 = arith.divf %div3A_70, %add3A_68 : vector<50x5xf32>
    %mul3A_72 = arith.mulf %div3A_71, %select_n3A_55 : vector<50x5xf32>
    %concatenate3A_73 = tpu.concatenate %select_n3A_55, %mul3A_72 in 1 : vector<50x5xf32>, vector<50x5xf32> -> vector<50x10xf32>
    %dot_general3A_74 = arith.constant dense<0.000000e+00> : vector<50x10xf32>
    %dot_general3A_75 = tpu.matmul %get3A_1, %concatenate3A_73, %dot_general3A_74 {dimension_numbers = #tpu.dot_dimension_numbers<[1], [0], [0], [1], [0, 0, 1, 1], [], []>, transpose_lhs_hint = false} : vector<50x50xf32>, vector<50x10xf32>, vector<50x10xf32> -> vector<50x10xf32>
    %get3A_76 = arith.constant 0 : index
    %get3A_77 = arith.constant 0 : index
    %get3A_78 = vector.load %arg9[%get3A_76, %get3A_77] : memref<10x5xf32, #tpu.memory_space<vmem>>, vector<10x5xf32>
    %dot_general3A_79 = arith.constant dense<0.000000e+00> : vector<50x5xf32>
    %dot_general3A_80 = tpu.matmul %dot_general3A_75, %get3A_78, %dot_general3A_79 {dimension_numbers = #tpu.dot_dimension_numbers<[1], [0], [0], [1], [0, 0, 1, 1], [], []>, transpose_lhs_hint = false} : vector<50x10xf32>, vector<10x5xf32>, vector<50x5xf32> -> vector<50x5xf32>
    %get3A_81 = arith.constant 0 : index
    %get3A_82 = arith.constant 0 : index
    %get3A_83 = vector.load %arg10[%get3A_81, %get3A_82] : memref<10x5xf32, #tpu.memory_space<vmem>>, vector<10x5xf32>
    %dot_general3A_84 = arith.constant dense<0.000000e+00> : vector<50x5xf32>
    %dot_general3A_85 = tpu.matmul %concatenate3A_73, %get3A_83, %dot_general3A_84 {dimension_numbers = #tpu.dot_dimension_numbers<[1], [0], [0], [1], [0, 0, 1, 1], [], []>, transpose_lhs_hint = false} : vector<50x10xf32>, vector<10x5xf32>, vector<50x5xf32> -> vector<50x5xf32>
    %add3A_86 = arith.addf %dot_general3A_85, %dot_general3A_80 : vector<50x5xf32>
    %jit3A_87 = arith.constant 0.00999999977 : f32
    %ge3A_88 = arith.constant 0.000000e+00 : f32
    %ge3A_89 = vector.broadcast %ge3A_88 : f32 to vector<50x5xf32>
    %ge3A_90 = arith.cmpf oge, %add3A_86, %ge3A_89 : vector<50x5xf32>
    %mul3A_91 = vector.broadcast %jit3A_87 : f32 to vector<50x5xf32>
    %mul3A_92 = arith.mulf %mul3A_91, %add3A_86 : vector<50x5xf32>
    %select_n3A_93 = arith.select %ge3A_90, %add3A_86, %mul3A_92 : vector<50x5xi1>, vector<50x5xf32>
    %get3A_94 = arith.constant 0 : index
    %get3A_95 = arith.constant 0 : index
    %get3A_96 = vector.load %arg11[%get3A_94, %get3A_95] : memref<10x5xf32, #tpu.memory_space<vmem>>, vector<10x5xf32>
    %dot_general3A_97 = arith.constant dense<0.000000e+00> : vector<50x5xf32>
    %dot_general3A_98 = tpu.matmul %concatenate3A_73, %get3A_96, %dot_general3A_97 {dimension_numbers = #tpu.dot_dimension_numbers<[1], [0], [0], [1], [0, 0, 1, 1], [], []>, transpose_lhs_hint = false} : vector<50x10xf32>, vector<10x5xf32>, vector<50x5xf32> -> vector<50x5xf32>
    %add3A_99 = arith.addf %dot_general3A_98, %dot_general3A_80 : vector<50x5xf32>
    %neg3A_100 = arith.constant 0.000000e+00 : f32
    %neg3A_101 = vector.broadcast %neg3A_100 : f32 to vector<50x5xf32>
    %neg3A_102 = arith.subf %neg3A_101, %add3A_99 : vector<50x5xf32>
    %exp3A_103 = math.exp %neg3A_102 : vector<50x5xf32>
    %add3A_104 = arith.constant 1.000000e+00 : f32
    %add3A_105 = vector.broadcast %add3A_104 : f32 to vector<50x5xf32>
    %add3A_106 = arith.addf %add3A_105, %exp3A_103 : vector<50x5xf32>
    %div3A_107 = arith.constant 1.000000e+00 : f32
    %div3A_108 = vector.broadcast %div3A_107 : f32 to vector<50x5xf32>
    %div3A_109 = arith.divf %div3A_108, %add3A_106 : vector<50x5xf32>
    %mul3A_110 = arith.mulf %div3A_109, %select_n3A_93 : vector<50x5xf32>
    %concatenate3A_111 = tpu.concatenate %select_n3A_93, %mul3A_110 in 1 : vector<50x5xf32>, vector<50x5xf32> -> vector<50x10xf32>
    %transpose3A = tpu.transpose %concatenate3A_111, [1, 0] : vector<50x10xf32> -> vector<10x50xf32>
    %slice3A = vector.extract_strided_slice %transpose3A {offsets = [0, 0], sizes = [1, 50], strides = [1, 1]} : vector<10x50xf32> to vector<1x50xf32>
    %slice3A_112 = vector.extract_strided_slice %transpose3A {offsets = [1, 0], sizes = [1, 50], strides = [1, 1]} : vector<10x50xf32> to vector<1x50xf32>
    %slice3A_113 = vector.extract_strided_slice %transpose3A {offsets = [2, 0], sizes = [1, 50], strides = [1, 1]} : vector<10x50xf32> to vector<1x50xf32>
    %slice3A_114 = vector.extract_strided_slice %transpose3A {offsets = [3, 0], sizes = [1, 50], strides = [1, 1]} : vector<10x50xf32> to vector<1x50xf32>
    %slice3A_115 = vector.extract_strided_slice %transpose3A {offsets = [4, 0], sizes = [1, 50], strides = [1, 1]} : vector<10x50xf32> to vector<1x50xf32>
    %slice3A_116 = vector.extract_strided_slice %transpose3A {offsets = [5, 0], sizes = [1, 50], strides = [1, 1]} : vector<10x50xf32> to vector<1x50xf32>
    %slice3A_117 = vector.extract_strided_slice %transpose3A {offsets = [6, 0], sizes = [1, 50], strides = [1, 1]} : vector<10x50xf32> to vector<1x50xf32>
    %slice3A_118 = vector.extract_strided_slice %transpose3A {offsets = [7, 0], sizes = [1, 50], strides = [1, 1]} : vector<10x50xf32> to vector<1x50xf32>
    %slice3A_119 = vector.extract_strided_slice %transpose3A {offsets = [8, 0], sizes = [1, 50], strides = [1, 1]} : vector<10x50xf32> to vector<1x50xf32>
    %slice3A_120 = vector.extract_strided_slice %transpose3A {offsets = [9, 0], sizes = [1, 50], strides = [1, 1]} : vector<10x50xf32> to vector<1x50xf32>
    %concatenate3A_121 = tpu.concatenate %slice3A, %slice3A_112, %slice3A_113, %slice3A_114, %slice3A_115, %slice3A_116, %slice3A_117, %slice3A_118, %slice3A_119, %slice3A_120 in 1 : vector<1x50xf32>, vector<1x50xf32>, vector<1x50xf32>, vector<1x50xf32>, vector<1x50xf32>, vector<1x50xf32>, vector<1x50xf32>, vector<1x50xf32>, vector<1x50xf32>, vector<1x50xf32> -> vector<1x500xf32>
    %get3A_122 = arith.constant 0 : index
    %get3A_123 = arith.constant 0 : index
    %get3A_124 = vector.load %arg2[%get3A_122, %get3A_123] : memref<1x2600xf32, #tpu.memory_space<vmem>>, vector<1x2600xf32>
    %concatenate3A_125 = tpu.concatenate %concatenate3A_121, %get3A_124 in 1 : vector<1x500xf32>, vector<1x2600xf32> -> vector<1x3100xf32>
    %get3A_126 = arith.constant 0 : index
    %get3A_127 = arith.constant 0 : index
    %get3A_128 = vector.load %arg12[%get3A_126, %get3A_127] : memref<3100x128xf32, #tpu.memory_space<vmem>>, vector<3100x128xf32>
    %dot_general3A_129 = arith.constant dense<0.000000e+00> : vector<1x128xf32>
    %dot_general3A_130 = tpu.matmul %concatenate3A_125, %get3A_128, %dot_general3A_129 {dimension_numbers = #tpu.dot_dimension_numbers<[1], [0], [0], [1], [0, 0, 1, 1], [], []>, transpose_lhs_hint = false} : vector<1x3100xf32>, vector<3100x128xf32>, vector<1x128xf32> -> vector<1x128xf32>
    %get3A_131 = arith.constant 0 : index
    %get3A_132 = arith.constant 0 : index
    %get3A_133 = vector.load %arg13[%get3A_131, %get3A_132] : memref<1x128xf32, #tpu.memory_space<vmem>>, vector<1x128xf32>
    %add3A_134 = arith.addf %dot_general3A_130, %get3A_133 : vector<1x128xf32>
    %jit3A_135 = arith.constant 0.00999999977 : f32
    %ge3A_136 = arith.constant 0.000000e+00 : f32
    %ge3A_137 = vector.broadcast %ge3A_136 : f32 to vector<1x128xf32>
    %ge3A_138 = arith.cmpf oge, %add3A_134, %ge3A_137 : vector<1x128xf32>
    %mul3A_139 = vector.broadcast %jit3A_135 : f32 to vector<1x128xf32>
    %mul3A_140 = arith.mulf %mul3A_139, %add3A_134 : vector<1x128xf32>
    %select_n3A_141 = arith.select %ge3A_138, %add3A_134, %mul3A_140 : vector<1x128xi1>, vector<1x128xf32>
    %get3A_142 = arith.constant 0 : index
    %get3A_143 = arith.constant 0 : index
    %get3A_144 = vector.load %arg14[%get3A_142, %get3A_143] : memref<128x128xf32, #tpu.memory_space<vmem>>, vector<128x128xf32>
    %dot_general3A_145 = arith.constant dense<0.000000e+00> : vector<1x128xf32>
    %dot_general3A_146 = tpu.matmul %select_n3A_141, %get3A_144, %dot_general3A_145 {dimension_numbers = #tpu.dot_dimension_numbers<[1], [0], [0], [1], [0, 0, 1, 1], [], []>, transpose_lhs_hint = false} : vector<1x128xf32>, vector<128x128xf32>, vector<1x128xf32> -> vector<1x128xf32>
    %get3A_147 = arith.constant 0 : index
    %get3A_148 = arith.constant 0 : index
    %get3A_149 = vector.load %arg15[%get3A_147, %get3A_148] : memref<1x128xf32, #tpu.memory_space<vmem>>, vector<1x128xf32>
    %add3A_150 = arith.addf %dot_general3A_146, %get3A_149 : vector<1x128xf32>
    %jit3A_151 = arith.constant 0.00999999977 : f32
    %ge3A_152 = arith.constant 0.000000e+00 : f32
    %ge3A_153 = vector.broadcast %ge3A_152 : f32 to vector<1x128xf32>
    %ge3A_154 = arith.cmpf oge, %add3A_150, %ge3A_153 : vector<1x128xf32>
    %mul3A_155 = vector.broadcast %jit3A_151 : f32 to vector<1x128xf32>
    %mul3A_156 = arith.mulf %mul3A_155, %add3A_150 : vector<1x128xf32>
    %select_n3A_157 = arith.select %ge3A_154, %add3A_150, %mul3A_156 : vector<1x128xi1>, vector<1x128xf32>
    %get3A_158 = arith.constant 0 : index
    %get3A_159 = arith.constant 0 : index
    %get3A_160 = vector.load %arg16[%get3A_158, %get3A_159] : memref<128x64xf32, #tpu.memory_space<vmem>>, vector<128x64xf32>
    %dot_general3A_161 = arith.constant dense<0.000000e+00> : vector<1x64xf32>
    %dot_general3A_162 = tpu.matmul %select_n3A_157, %get3A_160, %dot_general3A_161 {dimension_numbers = #tpu.dot_dimension_numbers<[1], [0], [0], [1], [0, 0, 1, 1], [], []>, transpose_lhs_hint = false} : vector<1x128xf32>, vector<128x64xf32>, vector<1x64xf32> -> vector<1x64xf32>
    %get3A_163 = arith.constant 0 : index
    %get3A_164 = arith.constant 0 : index
    %get3A_165 = vector.load %arg17[%get3A_163, %get3A_164] : memref<1x64xf32, #tpu.memory_space<vmem>>, vector<1x64xf32>
    %add3A_166 = arith.addf %dot_general3A_162, %get3A_165 : vector<1x64xf32>
    %jit3A_167 = arith.constant 0.00999999977 : f32
    %ge3A_168 = arith.constant 0.000000e+00 : f32
    %ge3A_169 = vector.broadcast %ge3A_168 : f32 to vector<1x64xf32>
    %ge3A_170 = arith.cmpf oge, %add3A_166, %ge3A_169 : vector<1x64xf32>
    %mul3A_171 = vector.broadcast %jit3A_167 : f32 to vector<1x64xf32>
    %mul3A_172 = arith.mulf %mul3A_171, %add3A_166 : vector<1x64xf32>
    %select_n3A_173 = arith.select %ge3A_170, %add3A_166, %mul3A_172 : vector<1x64xi1>, vector<1x64xf32>
    %get3A_174 = arith.constant 0 : index
    %get3A_175 = arith.constant 0 : index
    %get3A_176 = vector.load %arg18[%get3A_174, %get3A_175] : memref<64x2xf32, #tpu.memory_space<vmem>>, vector<64x2xf32>
    %dot_general3A_177 = arith.constant dense<0.000000e+00> : vector<1x2xf32>
    %dot_general3A_178 = tpu.matmul %select_n3A_173, %get3A_176, %dot_general3A_177 {dimension_numbers = #tpu.dot_dimension_numbers<[1], [0], [0], [1], [0, 0, 1, 1], [], []>, transpose_lhs_hint = false} : vector<1x64xf32>, vector<64x2xf32>, vector<1x2xf32> -> vector<1x2xf32>
    %get3A_179 = arith.constant 0 : index
    %get3A_180 = arith.constant 0 : index
    %get3A_181 = vector.load %arg19[%get3A_179, %get3A_180] : memref<1x2xf32, #tpu.memory_space<vmem>>, vector<1x2xf32>
    %add3A_182 = arith.addf %dot_general3A_178, %get3A_181 : vector<1x2xf32>
    %neg3A_183 = arith.constant 0.000000e+00 : f32
    %neg3A_184 = vector.broadcast %neg3A_183 : f32 to vector<1x2xf32>
    %neg3A_185 = arith.subf %neg3A_184, %add3A_182 : vector<1x2xf32>
    %exp3A_186 = math.exp %neg3A_185 : vector<1x2xf32>
    %add3A_187 = arith.constant 1.000000e+00 : f32
    %add3A_188 = vector.broadcast %add3A_187 : f32 to vector<1x2xf32>
    %add3A_189 = arith.addf %add3A_188, %exp3A_186 : vector<1x2xf32>
    %div3A_190 = arith.constant 1.000000e+00 : f32
    %div3A_191 = vector.broadcast %div3A_190 : f32 to vector<1x2xf32>
    %div3A_192 = arith.divf %div3A_191, %add3A_189 : vector<1x2xf32>
    %slice3A_193 = vector.extract_strided_slice %div3A_192 {offsets = [0, 0], sizes = [1, 1], strides = [1, 1]} : vector<1x2xf32> to vector<1x1xf32>
    %squeeze3A = vector.extract %slice3A_193[0, 0] : f32 from vector<1x1xf32>
    %slice3A_194 = vector.extract_strided_slice %div3A_192 {offsets = [0, 1], sizes = [1, 1], strides = [1, 1]} : vector<1x2xf32> to vector<1x1xf32>
    %squeeze3A_195 = vector.extract %slice3A_194[0, 0] : f32 from vector<1x1xf32>
    %add3A_196 = arith.addf %squeeze3A, %squeeze3A_195 : f32
    %mul3A_197 = arith.constant 5.000000e-01 : f32
    %mul3A_198 = arith.mulf %mul3A_197, %add3A_196 : f32
    %swap3A = memref.load %arg20[] : memref<f32, #tpu.memory_space<smem>>
    memref.store %mul3A_198, %arg20[] : memref<f32, #tpu.memory_space<smem>>
    return
  }
}

</mosaic_0001>

<sc_bundles>
// kernel: kernel.4.cloned.1.call-start
scs
__scs_entry_jumppad:
0x0: {  	(pc) =	sbr.rel $0x88, $3  }
0x1: {  	(tag) =	ssettag $0x0;
	lr =	simm.s32 $0x1  }
0x2: {  	[smem:$0x3F8D] =	sst lr;
	_ =	strace $0xD0000000  }
0x3: {  	_ = 	snop  }
0x4: {  	_ = 	snop  }
0x5: {  	_ = 	snop  }
0x6: {  	_ = 	snop  }
0x7: {  	_ = 	snop  }
__scs_overlays_trampoline_lowered:
0x8: {  	[smem:$0x3F9C] =	sst s0  }
0x9: {  	[smem:$0x3F9D] =	sst s1  }
0xa: {  	[smem:$0x3F9E] =	sst s2  }
0xb: {  	[smem:$0x3F9F] =	sst s3  }
0xc: {  	[smem:$0x3FA0] =	sst s4  }
0xd: {  	[smem:$0x3FA1] =	sst s5  }
0xe: {  	[smem:$0x3FA2] =	sst s6  }
0xf: {  	[smem:$0x3FA3] =	sst s7  }
0x10: {  	[smem:$0x3FA4] =	sst s8  }
0x11: {  	[smem:$0x3FA5] =	sst s9;
	s0 =	simm.s32 @!p0 $0x0  }
0x12: {  	s1 =	sld [smem:$0x3F8B];
	s0 =	simm.s32 @p0 $0x1  }
0x13: {  	[smem:$0x3FA6] =	sst s0;
	s0 =	simm.s32 @!p1 $0x0  }
0x14: {  	s2 =	sld [smem:$0x3F8A];
	s0 =	simm.s32 @p1 $0x1  }
0x15: {  	[smem:$0x3FA7] =	sst s0;
	s0 =	simm.s32 @!p2 $0x0  }
0x16: {  	s3 =	sld [smem:$0x3FDB];
	s0 =	simm.s32 @p2 $0x1  }
0x17: {  	s4 =	simm.s32 $0x1BF5;
	[smem:$0x3FA9] =	sst s0  }
0x18: {  	s0 =	sld [smem:$0x3F8C];
	_ =	swait.ge [sflag:s4], $0x0  }
0x19: {  	s7 =	sld [smem:$0x3F8D]  }
0x1a: {  	s8 =	sadd.s32 $0xFFFFE003, lr  }
0x1b: {  	s9 =	sadd.s32 $0xFFFFFEF7, lr;
	s5 =	simm.s32 $0xFFFFFFFF;
	p2 =	slt.u32 s8, $0xFFFFF086  }
0x1c: {  	p1 =	slt.u32 s9, $0xF7A;
	s5 =	simm.s32 @!p2 $0x0  }
0x1d: {  	s5 =	simm.s32 @p1 $0x1;
	p0 =	seq.s32 s7, s2  }
0x1e: {  	s7 =	smul.u32 @!p0 $0xF7A, s2;
	p2 =	seq.s32 @!p0 s5, $0x0  }
0x1f: {  	s9 =	smul.u32 $0xF7A, s1;
	s8 =	simm.s32 @!p0 $0x1BF5;
	p2 =	por !p2, p0  }
0x20: {  	[sflag:s8] =	ssyncset.s32 @!p0 $0xFFFFF086;
	s6 =	sadd.s32 @!p0 s3, s7;
	s7 =	simm.s32 @!p0 $0x108  }
0x21: {  	s3 =	sadd.s32 s3, s9;
	s6 =	sadd.s32 @!p0 $0x88, s6;
	s7 =	simm.s32 @p2 $0x1082  }
0x22: {  	[simem:s7], [sflag:s8] =	dma.local @!p0 [hbm:s6], $0xF7A  }
0x23: {  	s9 =	sor.u32 $0xD0000000, s2;
	s6 =	simm.s32 $0x108;
	_ =	swait.ge @!p0 [sflag:s8], $0x0  }
0x24: {  	s3 =	sadd.s32 $0x88, s3;
	s6 =	simm.s32 @!p1 $0x1082;
	[sflag:s4] =	ssyncset.s32 $0xFFFFF086  }
0x25: {  	[simem:s6], [sflag:s4] =	dma.local [hbm:s3], $0xF7A  }
0x26: {  	[smem:$0x3F8D] =	sst s1;
	(tag) =	ssettag s2;
	_ =	strace s9  }
0x27: {  	s1 =	sld [smem:$0x3F9D]  }
0x28: {  	s2 =	sld [smem:$0x3F9E]  }
0x29: {  	s4 =	sld [smem:$0x3FA0]  }
0x2a: {  	p0 =	seq.s32 s5, $0x0;
	s5 =	sld [smem:$0x3FA1]  }
0x2b: {  	s6 =	sld [smem:$0x3FA2]  }
0x2c: {  	s7 =	sld [smem:$0x3FA3]  }
0x2d: {  	s3 =	simm.s32 $0x108;
	s8 =	sld [smem:$0x3FA4]  }
0x2e: {  	s3 =	simm.s32 @!p0 $0x1082;
	s9 =	sld [smem:$0x3FA5]  }
0x2f: {  	lr =	sadd.s32 s0, s3;
	s0 =	sld [smem:$0x3F9C]  }
0x30: {  	s3 =	sld [smem:$0x3F9F]  }
0x31: {  	[smem:$0x3FA8] =	sst s10  }
0x32: {  	s10 =	sld [smem:$0x3FA6];
	_ =	sdelay $0x3  }
0x33: {  	p0 =	seq.s32 s10, $0x1;
	s10 =	sld [smem:$0x3FA8];
	_ =	sdelay $0x3  }
0x34: {  	[smem:$0x3FA8] =	sst s10  }
0x35: {  	s10 =	sld [smem:$0x3FA7];
	_ =	sdelay $0x3  }
0x36: {  	p1 =	seq.s32 s10, $0x1;
	s10 =	sld [smem:$0x3FA8];
	_ =	sdelay $0x3  }
0x37: {  	[smem:$0x3FA8] =	sst s10  }
0x38: {  	s10 =	sld [smem:$0x3FA9]  }
0x39: {  	_ = 	snop;
	(pc) =	sbr.ind lr, $3  }
0x3a: {  	_ = 	snop  }
0x3b: {  	_ = 	snop  }
0x3c: {  	p2 =	seq.s32 s10, $0x1;
	s10 =	sld [smem:$0x3FA8]  }
0x3d: {  	_ =	shalt  }
0x3e: {  	_ =	shalt  }
0x3f: {  	_ =	shalt  }
0x40: {  	_ =	shalt  }
0x41: {  	_ =	shalt  }
0x42: {  	_ =	shalt  }
0x43: {  	_ =	shalt  }
0x44: {  	_ =	shalt  }
0x45: {  	_ =	shalt  }
0x46: {  	_ =	shalt  }
0x47: {  	_ =	shalt  }
0x48: {  	_ =	shalt  }
0x49: {  	_ =	shalt  }
0x4a: {  	_ =	shalt  }
0x4b: {  	_ =	shalt  }
0x4c: {  	_ =	shalt  }
0x4d: {  	_ =	shalt  }
0x4e: {  	_ =	shalt  }
0x4f: {  	_ =	shalt  }
0x50: {  	_ =	shalt  }
0x51: {  	_ =	shalt  }
0x52: {  	_ =	shalt  }
0x53: {  	_ =	shalt  }
0x54: {  	_ =	shalt  }
0x55: {  	_ =	shalt  }
0x56: {  	_ =	shalt  }
0x57: {  	_ =	shalt  }
0x58: {  	_ =	shalt  }
0x59: {  	_ =	shalt  }
0x5a: {  	_ =	shalt  }
0x5b: {  	_ =	shalt  }
0x5c: {  	_ =	shalt  }
0x5d: {  	_ =	shalt  }
0x5e: {  	_ =	shalt  }
0x5f: {  	_ =	shalt  }
0x60: {  	_ =	shalt  }
0x61: {  	_ =	shalt  }
0x62: {  	_ =	shalt  }
0x63: {  	_ =	shalt  }
0x64: {  	_ =	shalt  }
0x65: {  	_ =	shalt  }
0x66: {  	_ =	shalt  }
0x67: {  	_ =	shalt  }
0x68: {  	_ =	shalt  }
0x69: {  	_ =	shalt  }
0x6a: {  	_ =	shalt  }
0x6b: {  	_ =	shalt  }
0x6c: {  	_ =	shalt  }
0x6d: {  	_ =	shalt  }
0x6e: {  	_ =	shalt  }
0x6f: {  	_ =	shalt  }
0x70: {  	_ =	shalt  }
0x71: {  	_ =	shalt  }
0x72: {  	_ =	shalt  }
0x73: {  	_ =	shalt  }
0x74: {  	_ =	shalt  }
0x75: {  	_ =	shalt  }
0x76: {  	_ =	shalt  }
0x77: {  	_ =	shalt  }
0x78: {  	_ =	shalt  }
0x79: {  	_ =	shalt  }
0x7a: {  	_ =	shalt  }
0x7b: {  	_ =	shalt  }
0x7c: {  	_ =	shalt  }
0x7d: {  	_ =	shalt  }
0x7e: {  	_ =	shalt  }
0x7f: {  	_ =	shalt  }
0x80: {  	_ =	shalt  }
0x81: {  	_ =	shalt  }
0x82: {  	_ =	shalt  }
0x83: {  	_ =	shalt  }
0x84: {  	_ =	shalt  }
0x85: {  	_ =	shalt  }
0x86: {  	_ =	shalt  }
0x87: {  	_ =	shalt  }
.Lfunc_end0:
.L_simem_size_0:
called_computation_lowered:
.L_overlay_start_0:
0x88: {  	s2 =	sld [smem:$0x3FD9]  }
0x89: {  	s3 =	sld [smem:$0x3FFE];
	_ =	sdelay $0x1  }
0x8a: {  	s1 =	srdreg.scid  }
0x8b: {  	s0 =	sand.u32 $0x1, s1  }
0x8c: {  	s17 =	sshll.u32 s0, $0xA;
	s2 =	sadd.s32 s3, s2  }
0x8d: {  	s2 =	sadd.s32 s2, s17  }
0x8e: {  	[smem:$0x3FB4] =	sst s2  }
0x8f: {  	_ = 	snop  }
0x90: {  	s2 =	sld [smem:$0x3FC7];
	(tm) =	ssettm $0x1  }
0x91: {  	s18 =	sld [smem:$0x3FFB];
	_ =	sdelay $0x3  }
0x92: {  	_ =	strace s18  }
0x93: {  	s3 =	sld [smem:$0x3FFC];
	_ =	sdelay $0x3  }
0x94: {  	_ =	strace s3  }
0x95: {  	s3 =	sld [smem:$0x3FFD];
	_ =	sdelay $0x3  }
0x96: {  	_ =	strace s3  }
0x97: {  	_ =	strace $0x8FFFFFFF  }
0x98: {  	s19 =	sld [smem:$0x3FDB];
	_ =	sdelay $0x1  }
0x99: {  	s4 =	simm.s32 $_scs_section_size  }
0x9a: {  	s5 =	simm.s32 $_size__tile_overlayer_lowered;
	s6 =	simm.s32 $_tile_overlayer_lowered  }
0x9b: {  	s22 =	simm.s32 $0x1BFF;
	s21 =	sshll.u32 s6, $0x1;
	s3 =	sadd.s32 s4, s19  }
0x9c: {  	s7 =	simm.s32 $0x0;
	s20 =	sshll.u32 s5, $0x1;
	s5 =	sadd.s32 s21, s3  }
0x9d: {  	[timem:s7], [sflag:s22] =	dma.local [hbm:s5], s20  }
0x9e: {  	_ =	swait.ge [sflag:s22], s20  }
0x9f: {  	s4 =	ssub.s32 $0x0, s20;
	[sflag:s22] =	ssyncset.done $0x0  }
0xa0: {  	[sflag:s22] =	ssyncadd.s32 s4;
	_ =	sdelay $0x1  }
0xa1: {  	s23 =	simm.s32 $0x1B8B  }
0xa2: {  	_ =	swait.ge [sflag:s23], $0x1  }
0xa3: {  	[sflag:s23] =	ssyncset.done $0x0  }
0xa4: {  	s25 =	simm.s32 $0x1B8E;
	s24 =	sld [smem:$0x3FFE];
	[sflag:s23] =	ssyncadd.s32 $0xFFFFFFFF  }
0xa5: {  	s26 =	simm.s32 $execute0_lowered;
	[smem:$0x3FD2] =	sst s25  }
0xa6: {  	s5 =	sshll.u32 s26, $0x1;
	_ =	strace $0x80000046;
	[dreg:$0x1] =	wrdreg $0xFFFFFFFF  }
0xa7: {  	s28 =	simm.s32 $_size_execute0_lowered;
	s3 =	sadd.s32 s3, s5;
	[dreg:$0x0] =	wrdreg $0x0  }
0xa8: {  	s5 =	sshll.u32 s28, $0x1;
	[dreg:$0x2] =	wrdreg s3  }
0xa9: {  	[dreg:$0x3] =	wrdreg s5  }
0xaa: {  	[dreg:$0x4] =	wrdreg $0xC0  }
0xab: {  	_ =	task [dreg:s7], $0x5FFFF  }
0xac: {  	[dreg:$0x1] =	wrdreg $0xFFFFFFFF  }
0xad: {  	[dreg:$0x0] =	wrdreg $0x60  }
0xae: {  	[dreg:$0x2] =	wrdreg s2  }
0xaf: {  	[dreg:$0x3] =	wrdreg s24  }
0xb0: {  	[dreg:$0x4] =	wrdreg $0x9  }
0xb1: {  	_ =	task.clear_ibuf [dreg:s7], $0x5FFFF;
	_ =	strace $0x90000046  }
0xb2: {  	s29 =	simm.s32 $0x9;
	_ =	strace $0x80000048  }
0xb3: {  	_ =	swait.ge [sflag:s29], $0x1  }
0xb4: {  	[sflag:s29] =	ssyncadd.s32 $0xFFFFFFFF  }
0xb5: {  	_ =	strace $0x90000048  }
0xb6: {  	_ =	sfence  }
0xb7: {  	s30 =	sld [smem:$0x0];
	_ =	sdelay $0x2  }
0xb8: {  	s31 =	sshll.u32 s1, $0xD;
	s1 =	sshrl.u32 s1, $0x2  }
0xb9: {  	s3 =	sand.u32 $0x4000, s31;
	s1 =	sadd.s32 s1, s30  }
0xba: {  	s0 =	sor.u32 s3, s0;
	s1 =	sshll.u32 s1, $0x11  }
0xbb: {  	s0 =	sor.u32 s1, s0  }
0xbc: {  	s0 =	sadd.s32 $0x8F2B, s0  }
0xbd: {  	[sflag:s0] =	ssyncadd.remote.s32 $0x1  }
0xbe: {  	_ =	sfence.sel $0xFFFF  }
0xbf: {  	[dreg:$0x0] =	wrdreg $0xFFFFFFFF;
	(pc) =	sbr.abs _section_cstart, $3  }
0xc0: {  	[dreg:$0x1] =	wrdreg $0xFFFFFFFF  }
0xc1: {  	_ =	task.clear_ibuf [dreg:s7], $0x2FFFF;
	_ =	strace $0x9FFFFFFF  }
0xc2: {  	(tm) =	ssettm $0x7FFFFFFF  }
0xc3: {  	_ =	shalt  }
tec
execute0_lowered:
.L_overlay_start_1:
0x0: {  	(tag) =	ssettag $0x1  }
0x1: {  	s0 =	srdreg.scid  }
0x2: {  	s4 =	sand.u32 $0x1, s0;
	s0 =	stileid.u32  }
0x3: {  	s5 =	sor.u32 s0, s4  }
0x4: {  	p0 =	sne.s32 s5, $0x0  }
.Ltmp0:
0x5: {  	_ = 	snop;
	(pc) =	sbr.rel @p0 .LBB2_3-.Ltmp0, $4  }
0x6: {  	_ = 	snop  }
0x7: {  	s2 =	rddreg [dreg:$0x0]  }
0x8: {  	s3 =	rddreg [dreg:$0x1]  }
0x9: {  	s1 =	rddreg [dreg:$0x2];
	_ =	strace $0x80000047  }
0xa: {  	s4 =	ssub.s32 $0x2, s4;
	s3 =	sadd.s32 $0x2E00, s3  }
0xb: {  	s6 =	simm.s32 $0x1;
	s7 =	simm.s32 $0x700;
	s5 =	sshrl.u32 s4, $0x1  }
0xc: {  	v0 =	vimm.f32 $0.0e+00;
	v1 =	vimm.f32 $1.000000000e+00;
	s8 =	simm.s32 $0x1380;
	s4 =	ssub.s32 s4, s5;
	s5 =	simm.s32 $0x0  }
.LBB2_2:
0xd: {  	[tilespmem:s5], [sflag:$0x1] =	stream.linear.gather [hbm4b:s2+s5], $0x700, $0x38;
	[tilespmem:$0x2F80] =	vst v63  }
0xe: {  	_ =	swait.ge [sflag:s6], $0x700  }
0xf: {  	[sflag:s6] =	ssyncset.done $0x0  }
0x10: {  	[sflag:s6] =	ssyncadd.s32 $0xFFFFF900  }
0x11: {  	[tilespmem:$0x700] =	vst v0  }
0x12: {  	[tilespmem:$0x710] =	vst v0  }
0x13: {  	[tilespmem:$0x720] =	vst v0  }
0x14: {  	[tilespmem:$0x730] =	vst v0  }
0x15: {  	[tilespmem:$0x740] =	vst v0  }
0x16: {  	[tilespmem:$0x750] =	vst v0  }
0x17: {  	[tilespmem:$0x760] =	vst v0  }
0x18: {  	[tilespmem:$0x770] =	vst v0  }
0x19: {  	[tilespmem:$0x780] =	vst v0  }
0x1a: {  	[tilespmem:$0x790] =	vst v0  }
0x1b: {  	[tilespmem:$0x7A0] =	vst v0  }
0x1c: {  	[tilespmem:$0x7B0] =	vst v0  }
0x1d: {  	[tilespmem:$0x7C0] =	vst v0  }
0x1e: {  	[tilespmem:$0x7D0] =	vst v0  }
0x1f: {  	[tilespmem:$0x7E0] =	vst v0  }
0x20: {  	[tilespmem:$0x7F0] =	vst v0  }
0x21: {  	[tilespmem:$0x800] =	vst v0  }
0x22: {  	[tilespmem:$0x810] =	vst v0  }
0x23: {  	[tilespmem:$0x820] =	vst v0  }
0x24: {  	[tilespmem:$0x830] =	vst v0  }
0x25: {  	[tilespmem:$0x840] =	vst v0  }
0x26: {  	[tilespmem:$0x850] =	vst v0  }
0x27: {  	[tilespmem:$0x860] =	vst v0  }
0x28: {  	[tilespmem:$0x870] =	vst v0  }
0x29: {  	[tilespmem:$0x880] =	vst v0  }
0x2a: {  	[tilespmem:$0x890] =	vst v0  }
0x2b: {  	[tilespmem:$0x8A0] =	vst v0  }
0x2c: {  	[tilespmem:$0x8B0] =	vst v0  }
0x2d: {  	[tilespmem:$0x8C0] =	vst v0  }
0x2e: {  	[tilespmem:$0x8D0] =	vst v0  }
0x2f: {  	[tilespmem:$0x8E0] =	vst v0  }
0x30: {  	[tilespmem:$0x8F0] =	vst v0  }
0x31: {  	[tilespmem:$0x900] =	vst v0  }
0x32: {  	[tilespmem:$0x910] =	vst v0  }
0x33: {  	[tilespmem:$0x920] =	vst v0  }
0x34: {  	[tilespmem:$0x930] =	vst v0  }
0x35: {  	[tilespmem:$0x940] =	vst v0  }
0x36: {  	[tilespmem:$0x950] =	vst v0  }
0x37: {  	[tilespmem:$0x960] =	vst v0  }
0x38: {  	[tilespmem:$0x970] =	vst v0  }
0x39: {  	[tilespmem:$0x980] =	vst v0  }
0x3a: {  	[tilespmem:$0x990] =	vst v0  }
0x3b: {  	[tilespmem:$0x9A0] =	vst v0  }
0x3c: {  	[tilespmem:$0x9B0] =	vst v0  }
0x3d: {  	[tilespmem:$0x9C0] =	vst v0  }
0x3e: {  	[tilespmem:$0x9D0] =	vst v0  }
0x3f: {  	[tilespmem:$0x9E0] =	vst v0  }
0x40: {  	[tilespmem:$0x9F0] =	vst v0  }
0x41: {  	[tilespmem:$0xA00] =	vst v0  }
0x42: {  	[tilespmem:$0xA10] =	vst v0  }
0x43: {  	[tilespmem:$0xA20] =	vst v0  }
0x44: {  	[tilespmem:$0xA30] =	vst v0  }
0x45: {  	[tilespmem:$0xA40] =	vst v0  }
0x46: {  	[tilespmem:$0xA50] =	vst v0  }
0x47: {  	[tilespmem:$0xA60] =	vst v0  }
0x48: {  	[tilespmem:$0xA70] =	vst v0  }
0x49: {  	[tilespmem:$0xA80] =	vst v0  }
0x4a: {  	[tilespmem:$0xA90] =	vst v0  }
0x4b: {  	[tilespmem:$0xAA0] =	vst v0  }
0x4c: {  	[tilespmem:$0xAB0] =	vst v0  }
0x4d: {  	[tilespmem:$0xAC0] =	vst v0  }
0x4e: {  	[tilespmem:$0xAD0] =	vst v0  }
0x4f: {  	[tilespmem:$0xAE0] =	vst v0  }
0x50: {  	[tilespmem:$0xAF0] =	vst v0  }
0x51: {  	[tilespmem:$0xB00] =	vst v0  }
0x52: {  	[tilespmem:$0xB10] =	vst v0  }
0x53: {  	[tilespmem:$0xB20] =	vst v0  }
0x54: {  	[tilespmem:$0xB30] =	vst v0  }
0x55: {  	[tilespmem:$0xB40] =	vst v0  }
0x56: {  	[tilespmem:$0xB50] =	vst v0  }
0x57: {  	[tilespmem:$0xB60] =	vst v0  }
0x58: {  	[tilespmem:$0xB70] =	vst v0  }
0x59: {  	[tilespmem:$0xB80] =	vst v0  }
0x5a: {  	[tilespmem:$0xB90] =	vst v0  }
0x5b: {  	[tilespmem:$0xBA0] =	vst v0  }
0x5c: {  	[tilespmem:$0xBB0] =	vst v0  }
0x5d: {  	[tilespmem:$0xBC0] =	vst v0  }
0x5e: {  	[tilespmem:$0xBD0] =	vst v0  }
0x5f: {  	[tilespmem:$0xBE0] =	vst v0  }
0x60: {  	[tilespmem:$0xBF0] =	vst v0  }
0x61: {  	[tilespmem:$0xC00] =	vst v0  }
0x62: {  	[tilespmem:$0xC10] =	vst v0  }
0x63: {  	[tilespmem:$0xC20] =	vst v0  }
0x64: {  	[tilespmem:$0xC30] =	vst v0  }
0x65: {  	[tilespmem:$0xC40] =	vst v0  }
0x66: {  	[tilespmem:$0xC50] =	vst v0  }
0x67: {  	[tilespmem:$0xC60] =	vst v0  }
0x68: {  	[tilespmem:$0xC70] =	vst v0  }
0x69: {  	[tilespmem:$0xC80] =	vst v0  }
0x6a: {  	[tilespmem:$0xC90] =	vst v0  }
0x6b: {  	[tilespmem:$0xCA0] =	vst v0  }
0x6c: {  	[tilespmem:$0xCB0] =	vst v0  }
0x6d: {  	[tilespmem:$0xCC0] =	vst v0  }
0x6e: {  	[tilespmem:$0xCD0] =	vst v0  }
0x6f: {  	[tilespmem:$0xCE0] =	vst v0  }
0x70: {  	[tilespmem:$0xCF0] =	vst v0  }
0x71: {  	[tilespmem:$0xD00] =	vst v0  }
0x72: {  	[tilespmem:$0xD10] =	vst v0  }
0x73: {  	[tilespmem:$0xD20] =	vst v0  }
0x74: {  	[tilespmem:$0xD30] =	vst v0  }
0x75: {  	[tilespmem:$0xD40] =	vst v0  }
0x76: {  	[tilespmem:$0xD50] =	vst v0  }
0x77: {  	[tilespmem:$0xD60] =	vst v0  }
0x78: {  	[tilespmem:$0xD70] =	vst v0  }
0x79: {  	[tilespmem:$0xD80] =	vst v0  }
0x7a: {  	[tilespmem:$0xD90] =	vst v0  }
0x7b: {  	[tilespmem:$0xDA0] =	vst v0  }
0x7c: {  	[tilespmem:$0xDB0] =	vst v0  }
0x7d: {  	[tilespmem:$0xDC0] =	vst v0  }
0x7e: {  	[tilespmem:$0xDD0] =	vst v0  }
0x7f: {  	[tilespmem:$0xDE0] =	vst v0  }
0x80: {  	[tilespmem:$0xDF0] =	vst v0  }
0x81: {  	[tilespmem:$0xE00] =	vst v0  }
0x82: {  	[tilespmem:$0xE10] =	vst v0  }
0x83: {  	[tilespmem:$0xE20] =	vst v0  }
0x84: {  	[tilespmem:$0xE30] =	vst v0  }
0x85: {  	[tilespmem:$0xE40] =	vst v0  }
0x86: {  	[tilespmem:$0xE50] =	vst v0  }
0x87: {  	[tilespmem:$0xE60] =	vst v0  }
0x88: {  	[tilespmem:$0xE70] =	vst v0  }
0x89: {  	[tilespmem:$0xE80] =	vst v0  }
0x8a: {  	[tilespmem:$0xE90] =	vst v0  }
0x8b: {  	[tilespmem:$0xEA0] =	vst v0  }
0x8c: {  	[tilespmem:$0xEB0] =	vst v0  }
0x8d: {  	[tilespmem:$0xEC0] =	vst v0  }
0x8e: {  	[tilespmem:$0xED0] =	vst v0  }
0x8f: {  	[tilespmem:$0xEE0] =	vst v0  }
0x90: {  	[tilespmem:$0xEF0] =	vst v0  }
0x91: {  	[tilespmem:$0xF00] =	vst v0  }
0x92: {  	[tilespmem:$0xF10] =	vst v0  }
0x93: {  	[tilespmem:$0xF20] =	vst v0  }
0x94: {  	[tilespmem:$0xF30] =	vst v0  }
0x95: {  	[tilespmem:$0xF40] =	vst v0  }
0x96: {  	[tilespmem:$0xF50] =	vst v0  }
0x97: {  	[tilespmem:$0xF60] =	vst v0  }
0x98: {  	[tilespmem:$0xF70] =	vst v0  }
0x99: {  	[tilespmem:$0xF80] =	vst v0  }
0x9a: {  	[tilespmem:$0xF90] =	vst v0  }
0x9b: {  	[tilespmem:$0xFA0] =	vst v0  }
0x9c: {  	[tilespmem:$0xFB0] =	vst v0  }
0x9d: {  	[tilespmem:$0xFC0] =	vst v0  }
0x9e: {  	[tilespmem:$0xFD0] =	vst v0  }
0x9f: {  	[tilespmem:$0xFE0] =	vst v0  }
0xa0: {  	[tilespmem:$0xFF0] =	vst v0  }
0xa1: {  	[tilespmem:$0x1000] =	vst v0  }
0xa2: {  	[tilespmem:$0x1010] =	vst v0  }
0xa3: {  	[tilespmem:$0x1020] =	vst v0  }
0xa4: {  	[tilespmem:$0x1030] =	vst v0  }
0xa5: {  	[tilespmem:$0x1040] =	vst v0  }
0xa6: {  	[tilespmem:$0x1050] =	vst v0  }
0xa7: {  	[tilespmem:$0x1060] =	vst v0  }
0xa8: {  	[tilespmem:$0x1070] =	vst v0  }
0xa9: {  	[tilespmem:$0x1080] =	vst v0  }
0xaa: {  	[tilespmem:$0x1090] =	vst v0  }
0xab: {  	[tilespmem:$0x10A0] =	vst v0  }
0xac: {  	[tilespmem:$0x10B0] =	vst v0  }
0xad: {  	[tilespmem:$0x10C0] =	vst v0  }
0xae: {  	[tilespmem:$0x10D0] =	vst v0  }
0xaf: {  	[tilespmem:$0x10E0] =	vst v0  }
0xb0: {  	[tilespmem:$0x10F0] =	vst v0  }
0xb1: {  	[tilespmem:$0x1100] =	vst v0  }
0xb2: {  	[tilespmem:$0x1110] =	vst v0  }
0xb3: {  	[tilespmem:$0x1120] =	vst v0  }
0xb4: {  	[tilespmem:$0x1130] =	vst v0  }
0xb5: {  	[tilespmem:$0x1140] =	vst v0  }
0xb6: {  	[tilespmem:$0x1150] =	vst v0  }
0xb7: {  	[tilespmem:$0x1160] =	vst v0  }
0xb8: {  	[tilespmem:$0x1170] =	vst v0  }
0xb9: {  	[tilespmem:$0x1180] =	vst v0  }
0xba: {  	[tilespmem:$0x1190] =	vst v0  }
0xbb: {  	[tilespmem:$0x11A0] =	vst v0  }
0xbc: {  	[tilespmem:$0x11B0] =	vst v0  }
0xbd: {  	[tilespmem:$0x11C0] =	vst v0  }
0xbe: {  	[tilespmem:$0x11D0] =	vst v0  }
0xbf: {  	[tilespmem:$0x11E0] =	vst v0  }
0xc0: {  	[tilespmem:$0x11F0] =	vst v0  }
0xc1: {  	[tilespmem:$0x1200] =	vst v0  }
0xc2: {  	[tilespmem:$0x1210] =	vst v0  }
0xc3: {  	[tilespmem:$0x1220] =	vst v0  }
0xc4: {  	[tilespmem:$0x1230] =	vst v0  }
0xc5: {  	[tilespmem:$0x1240] =	vst v0  }
0xc6: {  	[tilespmem:$0x1250] =	vst v0  }
0xc7: {  	[tilespmem:$0x1260] =	vst v0  }
0xc8: {  	[tilespmem:$0x1270] =	vst v0  }
0xc9: {  	[tilespmem:$0x1280] =	vst v0  }
0xca: {  	[tilespmem:$0x1290] =	vst v0  }
0xcb: {  	[tilespmem:$0x12A0] =	vst v0  }
0xcc: {  	[tilespmem:$0x12B0] =	vst v0  }
0xcd: {  	[tilespmem:$0x12C0] =	vst v0  }
0xce: {  	[tilespmem:$0x12D0] =	vst v0;
	v2 =	vld [tilespmem:$0x80]  }
0xcf: {  	[tilespmem:$0x12E0] =	vst v0;
	v3 =	vld [tilespmem:$0x0]  }
0xd0: {  	[tilespmem:$0x12F0] =	vst v0  }
0xd1: {  	[tilespmem:$0x1300] =	vst v0  }
0xd2: {  	[tilespmem:$0x1310] =	vst v0  }
0xd3: {  	[tilespmem:$0x1320] =	vst v0;
	v2 =	vshll.u32 v2, $0x6  }
0xd4: {  	[tilespmem:$0x1330] =	vst v0;
	v2 =	vadd.s32 v3, v2  }
0xd5: {  	[tilespmem:$0x1340] =	vst v0  }
0xd6: {  	[tilespmem:$0x1350] =	vst v0  }
0xd7: {  	[tilespmem:$0x1360] =	vst v0  }
0xd8: {  	[tilespmem:$0x1370] =	vst v0  }
0xd9: {  	[tilespmem:v2+s7+$0x0] =	vst.idx.add.f32.msk $0xffff, v1  }
0xda: {  	v2 =	vld [tilespmem:$0x90]  }
0xdb: {  	v3 =	vld [tilespmem:$0x10];
	_ =	sdelay $0x3  }
0xdc: {  	v2 =	vshll.u32 v2, $0x6  }
0xdd: {  	v2 =	vadd.s32 v3, v2;
	_ =	sdelay $0x4  }
0xde: {  	[tilespmem:v2+s7+$0x0] =	vst.idx.add.f32.msk $0xffff, v1  }
0xdf: {  	v2 =	vld [tilespmem:$0xA0]  }
0xe0: {  	v3 =	vld [tilespmem:$0x20];
	_ =	sdelay $0x3  }
0xe1: {  	v2 =	vshll.u32 v2, $0x6  }
0xe2: {  	v2 =	vadd.s32 v3, v2;
	_ =	sdelay $0x4  }
0xe3: {  	[tilespmem:v2+s7+$0x0] =	vst.idx.add.f32.msk $0xffff, v1  }
0xe4: {  	v2 =	vld [tilespmem:$0xB0]  }
0xe5: {  	v3 =	vld [tilespmem:$0x30];
	_ =	sdelay $0x3  }
0xe6: {  	v2 =	vshll.u32 v2, $0x6  }
0xe7: {  	v2 =	vadd.s32 v3, v2;
	_ =	sdelay $0x4  }
0xe8: {  	[tilespmem:v2+s7+$0x0] =	vst.idx.add.f32.msk $0xffff, v1  }
0xe9: {  	v2 =	vld [tilespmem:$0xC0]  }
0xea: {  	v3 =	vld [tilespmem:$0x40];
	_ =	sdelay $0x3  }
0xeb: {  	v2 =	vshll.u32 v2, $0x6  }
0xec: {  	v2 =	vadd.s32 v3, v2;
	_ =	sdelay $0x4  }
0xed: {  	[tilespmem:v2+s7+$0x0] =	vst.idx.add.f32.msk $0xffff, v1  }
0xee: {  	v2 =	vld [tilespmem:$0xD0]  }
0xef: {  	v3 =	vld [tilespmem:$0x50];
	_ =	sdelay $0x3  }
0xf0: {  	v2 =	vshll.u32 v2, $0x6  }
0xf1: {  	v2 =	vadd.s32 v3, v2;
	_ =	sdelay $0x4  }
0xf2: {  	[tilespmem:v2+s7+$0x0] =	vst.idx.add.f32.msk $0xffff, v1  }
0xf3: {  	v2 =	vld [tilespmem:$0xE0]  }
0xf4: {  	v3 =	vld [tilespmem:$0x60];
	_ =	sdelay $0x3  }
0xf5: {  	v2 =	vshll.u32 v2, $0x6  }
0xf6: {  	v2 =	vadd.s32 v3, v2;
	_ =	sdelay $0x4  }
0xf7: {  	[tilespmem:v2+s7+$0x0] =	vst.idx.add.f32.msk $0xffff, v1  }
0xf8: {  	v2 =	vld [tilespmem:$0xF0]  }
0xf9: {  	v3 =	vld [tilespmem:$0x70];
	_ =	sdelay $0x3  }
0xfa: {  	v2 =	vshll.u32 v2, $0x6  }
0xfb: {  	v2 =	vadd.s32 v3, v2;
	_ =	sdelay $0x4  }
0xfc: {  	[tilespmem:v2+s7+$0x0] =	vst.idx.add.f32.msk $0xffff, v1  }
0xfd: {  	v2 =	vld [tilespmem:$0x180]  }
0xfe: {  	v3 =	vld [tilespmem:$0x100];
	_ =	sdelay $0x3  }
0xff: {  	v2 =	vshll.u32 v2, $0x6  }
0x100: {  	v2 =	vadd.s32 v3, v2;
	_ =	sdelay $0x4  }
0x101: {  	[tilespmem:v2+s7+$0x0] =	vst.idx.add.f32.msk $0xffff, v1  }
0x102: {  	v2 =	vld [tilespmem:$0x190]  }
0x103: {  	v3 =	vld [tilespmem:$0x110];
	_ =	sdelay $0x3  }
0x104: {  	v2 =	vshll.u32 v2, $0x6  }
0x105: {  	v2 =	vadd.s32 v3, v2;
	_ =	sdelay $0x4  }
0x106: {  	[tilespmem:v2+s7+$0x0] =	vst.idx.add.f32.msk $0xffff, v1  }
0x107: {  	v2 =	vld [tilespmem:$0x1A0]  }
0x108: {  	v3 =	vld [tilespmem:$0x120];
	_ =	sdelay $0x3  }
0x109: {  	v2 =	vshll.u32 v2, $0x6  }
0x10a: {  	v2 =	vadd.s32 v3, v2;
	_ =	sdelay $0x4  }
0x10b: {  	[tilespmem:v2+s7+$0x0] =	vst.idx.add.f32.msk $0xffff, v1  }
0x10c: {  	v2 =	vld [tilespmem:$0x1B0]  }
0x10d: {  	v3 =	vld [tilespmem:$0x130];
	_ =	sdelay $0x3  }
0x10e: {  	v2 =	vshll.u32 v2, $0x6  }
0x10f: {  	v2 =	vadd.s32 v3, v2;
	_ =	sdelay $0x4  }
0x110: {  	[tilespmem:v2+s7+$0x0] =	vst.idx.add.f32.msk $0xffff, v1  }
0x111: {  	v2 =	vld [tilespmem:$0x1C0]  }
0x112: {  	v3 =	vld [tilespmem:$0x140];
	_ =	sdelay $0x3  }
0x113: {  	v2 =	vshll.u32 v2, $0x6  }
0x114: {  	v2 =	vadd.s32 v3, v2;
	_ =	sdelay $0x4  }
0x115: {  	[tilespmem:v2+s7+$0x0] =	vst.idx.add.f32.msk $0xffff, v1  }
0x116: {  	v2 =	vld [tilespmem:$0x1D0]  }
0x117: {  	v3 =	vld [tilespmem:$0x150];
	_ =	sdelay $0x3  }
0x118: {  	v2 =	vshll.u32 v2, $0x6  }
0x119: {  	v2 =	vadd.s32 v3, v2;
	_ =	sdelay $0x4  }
0x11a: {  	[tilespmem:v2+s7+$0x0] =	vst.idx.add.f32.msk $0xffff, v1  }
0x11b: {  	v2 =	vld [tilespmem:$0x1E0]  }
0x11c: {  	v3 =	vld [tilespmem:$0x160];
	_ =	sdelay $0x3  }
0x11d: {  	v2 =	vshll.u32 v2, $0x6  }
0x11e: {  	v2 =	vadd.s32 v3, v2;
	_ =	sdelay $0x4  }
0x11f: {  	[tilespmem:v2+s7+$0x0] =	vst.idx.add.f32.msk $0xffff, v1  }
0x120: {  	v2 =	vld [tilespmem:$0x1F0]  }
0x121: {  	v3 =	vld [tilespmem:$0x170];
	_ =	sdelay $0x3  }
0x122: {  	v2 =	vshll.u32 v2, $0x6  }
0x123: {  	v2 =	vadd.s32 v3, v2;
	_ =	sdelay $0x4  }
0x124: {  	[tilespmem:v2+s7+$0x0] =	vst.idx.add.f32.msk $0xffff, v1  }
0x125: {  	v2 =	vld [tilespmem:$0x280]  }
0x126: {  	v3 =	vld [tilespmem:$0x200];
	_ =	sdelay $0x3  }
0x127: {  	v2 =	vshll.u32 v2, $0x6  }
0x128: {  	v2 =	vadd.s32 v3, v2;
	_ =	sdelay $0x4  }
0x129: {  	[tilespmem:v2+s7+$0x0] =	vst.idx.add.f32.msk $0xffff, v1  }
0x12a: {  	v2 =	vld [tilespmem:$0x290]  }
0x12b: {  	v3 =	vld [tilespmem:$0x210];
	_ =	sdelay $0x3  }
0x12c: {  	v2 =	vshll.u32 v2, $0x6  }
0x12d: {  	v2 =	vadd.s32 v3, v2;
	_ =	sdelay $0x4  }
0x12e: {  	[tilespmem:v2+s7+$0x0] =	vst.idx.add.f32.msk $0xffff, v1  }
0x12f: {  	v2 =	vld [tilespmem:$0x2A0]  }
0x130: {  	v3 =	vld [tilespmem:$0x220];
	_ =	sdelay $0x3  }
0x131: {  	v2 =	vshll.u32 v2, $0x6  }
0x132: {  	v2 =	vadd.s32 v3, v2;
	_ =	sdelay $0x4  }
0x133: {  	[tilespmem:v2+s7+$0x0] =	vst.idx.add.f32.msk $0xffff, v1  }
0x134: {  	v2 =	vld [tilespmem:$0x2B0]  }
0x135: {  	v3 =	vld [tilespmem:$0x230];
	_ =	sdelay $0x3  }
0x136: {  	v2 =	vshll.u32 v2, $0x6  }
0x137: {  	v2 =	vadd.s32 v3, v2;
	_ =	sdelay $0x4  }
0x138: {  	[tilespmem:v2+s7+$0x0] =	vst.idx.add.f32.msk $0xffff, v1  }
0x139: {  	v2 =	vld [tilespmem:$0x2C0]  }
0x13a: {  	v3 =	vld [tilespmem:$0x240];
	_ =	sdelay $0x3  }
0x13b: {  	v2 =	vshll.u32 v2, $0x6  }
0x13c: {  	v2 =	vadd.s32 v3, v2;
	_ =	sdelay $0x4  }
0x13d: {  	[tilespmem:v2+s7+$0x0] =	vst.idx.add.f32.msk $0xffff, v1  }
0x13e: {  	v2 =	vld [tilespmem:$0x2D0]  }
0x13f: {  	v3 =	vld [tilespmem:$0x250];
	_ =	sdelay $0x3  }
0x140: {  	v2 =	vshll.u32 v2, $0x6  }
0x141: {  	v2 =	vadd.s32 v3, v2;
	_ =	sdelay $0x4  }
0x142: {  	[tilespmem:v2+s7+$0x0] =	vst.idx.add.f32.msk $0xffff, v1  }
0x143: {  	v2 =	vld [tilespmem:$0x2E0]  }
0x144: {  	v3 =	vld [tilespmem:$0x260];
	_ =	sdelay $0x3  }
0x145: {  	v2 =	vshll.u32 v2, $0x6  }
0x146: {  	v2 =	vadd.s32 v3, v2;
	_ =	sdelay $0x4  }
0x147: {  	[tilespmem:v2+s7+$0x0] =	vst.idx.add.f32.msk $0xffff, v1  }
0x148: {  	v2 =	vld [tilespmem:$0x2F0]  }
0x149: {  	v3 =	vld [tilespmem:$0x270];
	_ =	sdelay $0x3  }
0x14a: {  	v2 =	vshll.u32 v2, $0x6  }
0x14b: {  	v2 =	vadd.s32 v3, v2;
	_ =	sdelay $0x4  }
0x14c: {  	[tilespmem:v2+s7+$0x0] =	vst.idx.add.f32.msk $0xffff, v1  }
0x14d: {  	v2 =	vld [tilespmem:$0x380]  }
0x14e: {  	v3 =	vld [tilespmem:$0x300];
	_ =	sdelay $0x3  }
0x14f: {  	v2 =	vshll.u32 v2, $0x6  }
0x150: {  	v2 =	vadd.s32 v3, v2;
	_ =	sdelay $0x4  }
0x151: {  	[tilespmem:v2+s7+$0x0] =	vst.idx.add.f32.msk $0xffff, v1  }
0x152: {  	v2 =	vld [tilespmem:$0x390]  }
0x153: {  	v3 =	vld [tilespmem:$0x310];
	_ =	sdelay $0x3  }
0x154: {  	v2 =	vshll.u32 v2, $0x6  }
0x155: {  	v2 =	vadd.s32 v3, v2;
	_ =	sdelay $0x4  }
0x156: {  	[tilespmem:v2+s7+$0x0] =	vst.idx.add.f32.msk $0xffff, v1  }
0x157: {  	v2 =	vld [tilespmem:$0x3A0]  }
0x158: {  	v3 =	vld [tilespmem:$0x320];
	_ =	sdelay $0x3  }
0x159: {  	v2 =	vshll.u32 v2, $0x6  }
0x15a: {  	v2 =	vadd.s32 v3, v2;
	_ =	sdelay $0x4  }
0x15b: {  	[tilespmem:v2+s7+$0x0] =	vst.idx.add.f32.msk $0xffff, v1  }
0x15c: {  	v2 =	vld [tilespmem:$0x3B0]  }
0x15d: {  	v3 =	vld [tilespmem:$0x330];
	_ =	sdelay $0x3  }
0x15e: {  	v2 =	vshll.u32 v2, $0x6  }
0x15f: {  	v2 =	vadd.s32 v3, v2;
	_ =	sdelay $0x4  }
0x160: {  	[tilespmem:v2+s7+$0x0] =	vst.idx.add.f32.msk $0xffff, v1  }
0x161: {  	v2 =	vld [tilespmem:$0x3C0]  }
0x162: {  	v3 =	vld [tilespmem:$0x340];
	_ =	sdelay $0x3  }
0x163: {  	v2 =	vshll.u32 v2, $0x6  }
0x164: {  	v2 =	vadd.s32 v3, v2;
	_ =	sdelay $0x4  }
0x165: {  	[tilespmem:v2+s7+$0x0] =	vst.idx.add.f32.msk $0xffff, v1  }
0x166: {  	v2 =	vld [tilespmem:$0x3D0]  }
0x167: {  	v3 =	vld [tilespmem:$0x350];
	_ =	sdelay $0x3  }
0x168: {  	v2 =	vshll.u32 v2, $0x6  }
0x169: {  	v2 =	vadd.s32 v3, v2;
	_ =	sdelay $0x4  }
0x16a: {  	[tilespmem:v2+s7+$0x0] =	vst.idx.add.f32.msk $0xffff, v1  }
0x16b: {  	v2 =	vld [tilespmem:$0x3E0]  }
0x16c: {  	v3 =	vld [tilespmem:$0x360];
	_ =	sdelay $0x3  }
0x16d: {  	v2 =	vshll.u32 v2, $0x6  }
0x16e: {  	v2 =	vadd.s32 v3, v2;
	_ =	sdelay $0x4  }
0x16f: {  	[tilespmem:v2+s7+$0x0] =	vst.idx.add.f32.msk $0xffff, v1  }
0x170: {  	v2 =	vld [tilespmem:$0x3F0]  }
0x171: {  	v3 =	vld [tilespmem:$0x370];
	_ =	sdelay $0x3  }
0x172: {  	v2 =	vshll.u32 v2, $0x6  }
0x173: {  	v2 =	vadd.s32 v3, v2;
	_ =	sdelay $0x4  }
0x174: {  	[tilespmem:v2+s7+$0x0] =	vst.idx.add.f32.msk $0xffff, v1  }
0x175: {  	v2 =	vld [tilespmem:$0x480]  }
0x176: {  	v3 =	vld [tilespmem:$0x400];
	_ =	sdelay $0x3  }
0x177: {  	v2 =	vshll.u32 v2, $0x6  }
0x178: {  	v2 =	vadd.s32 v3, v2;
	_ =	sdelay $0x4  }
0x179: {  	[tilespmem:v2+s7+$0x0] =	vst.idx.add.f32.msk $0xffff, v1  }
0x17a: {  	v2 =	vld [tilespmem:$0x490]  }
0x17b: {  	v3 =	vld [tilespmem:$0x410];
	_ =	sdelay $0x3  }
0x17c: {  	v2 =	vshll.u32 v2, $0x6  }
0x17d: {  	v2 =	vadd.s32 v3, v2;
	_ =	sdelay $0x4  }
0x17e: {  	[tilespmem:v2+s7+$0x0] =	vst.idx.add.f32.msk $0xffff, v1  }
0x17f: {  	v2 =	vld [tilespmem:$0x4A0]  }
0x180: {  	v3 =	vld [tilespmem:$0x420];
	_ =	sdelay $0x3  }
0x181: {  	v2 =	vshll.u32 v2, $0x6  }
0x182: {  	v2 =	vadd.s32 v3, v2;
	_ =	sdelay $0x4  }
0x183: {  	[tilespmem:v2+s7+$0x0] =	vst.idx.add.f32.msk $0xffff, v1  }
0x184: {  	v2 =	vld [tilespmem:$0x4B0]  }
0x185: {  	v3 =	vld [tilespmem:$0x430];
	_ =	sdelay $0x3  }
0x186: {  	v2 =	vshll.u32 v2, $0x6  }
0x187: {  	v2 =	vadd.s32 v3, v2;
	_ =	sdelay $0x4  }
0x188: {  	[tilespmem:v2+s7+$0x0] =	vst.idx.add.f32.msk $0xffff, v1  }
0x189: {  	v2 =	vld [tilespmem:$0x4C0]  }
0x18a: {  	v3 =	vld [tilespmem:$0x440];
	_ =	sdelay $0x3  }
0x18b: {  	v2 =	vshll.u32 v2, $0x6  }
0x18c: {  	v2 =	vadd.s32 v3, v2;
	_ =	sdelay $0x4  }
0x18d: {  	[tilespmem:v2+s7+$0x0] =	vst.idx.add.f32.msk $0xffff, v1  }
0x18e: {  	v2 =	vld [tilespmem:$0x4D0]  }
0x18f: {  	v3 =	vld [tilespmem:$0x450];
	_ =	sdelay $0x3  }
0x190: {  	v2 =	vshll.u32 v2, $0x6  }
0x191: {  	v2 =	vadd.s32 v3, v2;
	_ =	sdelay $0x4  }
0x192: {  	[tilespmem:v2+s7+$0x0] =	vst.idx.add.f32.msk $0xffff, v1  }
0x193: {  	v2 =	vld [tilespmem:$0x4E0]  }
0x194: {  	v3 =	vld [tilespmem:$0x460];
	_ =	sdelay $0x3  }
0x195: {  	v2 =	vshll.u32 v2, $0x6  }
0x196: {  	v2 =	vadd.s32 v3, v2;
	_ =	sdelay $0x4  }
0x197: {  	[tilespmem:v2+s7+$0x0] =	vst.idx.add.f32.msk $0xffff, v1  }
0x198: {  	v2 =	vld [tilespmem:$0x4F0]  }
0x199: {  	v3 =	vld [tilespmem:$0x470];
	_ =	sdelay $0x3  }
0x19a: {  	v2 =	vshll.u32 v2, $0x6  }
0x19b: {  	v2 =	vadd.s32 v3, v2;
	_ =	sdelay $0x4  }
0x19c: {  	[tilespmem:v2+s7+$0x0] =	vst.idx.add.f32.msk $0xffff, v1  }
0x19d: {  	v2 =	vld [tilespmem:$0x580]  }
0x19e: {  	v3 =	vld [tilespmem:$0x500];
	_ =	sdelay $0x3  }
0x19f: {  	v2 =	vshll.u32 v2, $0x6  }
0x1a0: {  	v2 =	vadd.s32 v3, v2;
	_ =	sdelay $0x4  }
0x1a1: {  	[tilespmem:v2+s7+$0x0] =	vst.idx.add.f32.msk $0xffff, v1  }
0x1a2: {  	v2 =	vld [tilespmem:$0x590]  }
0x1a3: {  	v3 =	vld [tilespmem:$0x510];
	_ =	sdelay $0x3  }
0x1a4: {  	v2 =	vshll.u32 v2, $0x6  }
0x1a5: {  	v2 =	vadd.s32 v3, v2;
	_ =	sdelay $0x4  }
0x1a6: {  	[tilespmem:v2+s7+$0x0] =	vst.idx.add.f32.msk $0xffff, v1  }
0x1a7: {  	v2 =	vld [tilespmem:$0x5A0]  }
0x1a8: {  	v3 =	vld [tilespmem:$0x520];
	_ =	sdelay $0x3  }
0x1a9: {  	v2 =	vshll.u32 v2, $0x6  }
0x1aa: {  	v2 =	vadd.s32 v3, v2;
	_ =	sdelay $0x4  }
0x1ab: {  	[tilespmem:v2+s7+$0x0] =	vst.idx.add.f32.msk $0xffff, v1  }
0x1ac: {  	v2 =	vld [tilespmem:$0x5B0]  }
0x1ad: {  	v3 =	vld [tilespmem:$0x530];
	_ =	sdelay $0x3  }
0x1ae: {  	v2 =	vshll.u32 v2, $0x6  }
0x1af: {  	v2 =	vadd.s32 v3, v2;
	_ =	sdelay $0x4  }
0x1b0: {  	[tilespmem:v2+s7+$0x0] =	vst.idx.add.f32.msk $0xffff, v1  }
0x1b1: {  	v2 =	vld [tilespmem:$0x5C0]  }
0x1b2: {  	v3 =	vld [tilespmem:$0x540];
	_ =	sdelay $0x3  }
0x1b3: {  	v2 =	vshll.u32 v2, $0x6  }
0x1b4: {  	v2 =	vadd.s32 v3, v2;
	_ =	sdelay $0x4  }
0x1b5: {  	[tilespmem:v2+s7+$0x0] =	vst.idx.add.f32.msk $0xffff, v1  }
0x1b6: {  	v2 =	vld [tilespmem:$0x5D0]  }
0x1b7: {  	v3 =	vld [tilespmem:$0x550];
	_ =	sdelay $0x3  }
0x1b8: {  	v2 =	vshll.u32 v2, $0x6  }
0x1b9: {  	v2 =	vadd.s32 v3, v2;
	_ =	sdelay $0x4  }
0x1ba: {  	[tilespmem:v2+s7+$0x0] =	vst.idx.add.f32.msk $0xffff, v1  }
0x1bb: {  	v2 =	vld [tilespmem:$0x5E0]  }
0x1bc: {  	v3 =	vld [tilespmem:$0x560];
	_ =	sdelay $0x3  }
0x1bd: {  	v2 =	vshll.u32 v2, $0x6  }
0x1be: {  	v2 =	vadd.s32 v3, v2;
	_ =	sdelay $0x4  }
0x1bf: {  	[tilespmem:v2+s7+$0x0] =	vst.idx.add.f32.msk $0xffff, v1  }
0x1c0: {  	v2 =	vld [tilespmem:$0x5F0]  }
0x1c1: {  	v3 =	vld [tilespmem:$0x570];
	_ =	sdelay $0x3  }
0x1c2: {  	v2 =	vshll.u32 v2, $0x6  }
0x1c3: {  	v2 =	vadd.s32 v3, v2;
	_ =	sdelay $0x4  }
0x1c4: {  	[tilespmem:v2+s7+$0x0] =	vst.idx.add.f32.msk $0xffff, v1  }
0x1c5: {  	v2 =	vld [tilespmem:$0x680]  }
0x1c6: {  	v3 =	vld [tilespmem:$0x600];
	_ =	sdelay $0x3  }
0x1c7: {  	v2 =	vshll.u32 v2, $0x6  }
0x1c8: {  	v2 =	vadd.s32 v3, v2;
	_ =	sdelay $0x4  }
0x1c9: {  	[tilespmem:v2+s7+$0x0] =	vst.idx.add.f32.msk $0xffff, v1  }
0x1ca: {  	v2 =	vld [tilespmem:$0x690]  }
0x1cb: {  	v3 =	vld [tilespmem:$0x610];
	_ =	sdelay $0x3  }
0x1cc: {  	v2 =	vshll.u32 v2, $0x6  }
0x1cd: {  	v2 =	vadd.s32 v3, v2;
	_ =	sdelay $0x4  }
0x1ce: {  	[tilespmem:v2+s7+$0x0] =	vst.idx.add.f32.msk $0xffff, v1  }
0x1cf: {  	v2 =	vld [tilespmem:$0x700]  }
0x1d0: {  	v3 =	vld [tilespmem:$0x710]  }
0x1d1: {  	v4 =	vld [tilespmem:$0x720]  }
0x1d2: {  	v5 =	vld [tilespmem:$0x730]  }
0x1d3: {  	v6 =	vld [tilespmem:$0x740]  }
0x1d4: {  	v57 =	vld [tilespmem:$0x770];
	[tilespmem:$0x1380] =	vst v2  }
0x1d5: {  	v58 =	vld [tilespmem:$0x780];
	[tilespmem:$0x1390] =	vst v3  }
0x1d6: {  	v59 =	vld [tilespmem:$0x790];
	[tilespmem:$0x13A0] =	vst v4  }
0x1d7: {  	v2 =	vld [tilespmem:$0x750];
	[tilespmem:$0x13B0] =	vst v5  }
0x1d8: {  	v3 =	vld [tilespmem:$0x760];
	[tilespmem:$0x1400] =	vst v6  }
0x1d9: {  	v60 =	vld [tilespmem:$0x7C0];
	[tilespmem:$0x1430] =	vst v57  }
0x1da: {  	v61 =	vld [tilespmem:$0x7D0];
	[tilespmem:$0x1480] =	vst v58  }
0x1db: {  	v62 =	vld [tilespmem:$0x7E0];
	[tilespmem:$0x1490] =	vst v59  }
0x1dc: {  	[tilespmem:$0x1410] =	vst v2;
	v2 =	vld [tilespmem:$0x7A0]  }
0x1dd: {  	[tilespmem:$0x1420] =	vst v3;
	v3 =	vld [tilespmem:$0x7B0]  }
0x1de: {  	v63 =	vld [tilespmem:$0x810];
	[tilespmem:$0x1500] =	vst v60  }
0x1df: {  	v9 =	vld [tilespmem:$0x820];
	[tilespmem:$0x1510] =	vst v61  }
0x1e0: {  	v10 =	vld [tilespmem:$0x830];
	[tilespmem:$0x1520] =	vst v62  }
0x1e1: {  	[tilespmem:$0x14A0] =	vst v2;
	v2 =	vld [tilespmem:$0x7F0]  }
0x1e2: {  	[tilespmem:$0x14B0] =	vst v3;
	v3 =	vld [tilespmem:$0x800]  }
0x1e3: {  	v11 =	vld [tilespmem:$0x860];
	[tilespmem:$0x1590] =	vst v63  }
0x1e4: {  	v12 =	vld [tilespmem:$0x870];
	[tilespmem:$0x15A0] =	vst v9  }
0x1e5: {  	v13 =	vld [tilespmem:$0x880];
	[tilespmem:$0x15B0] =	vst v10  }
0x1e6: {  	[tilespmem:$0x1530] =	vst v2;
	v2 =	vld [tilespmem:$0x840]  }
0x1e7: {  	[tilespmem:$0x1580] =	vst v3;
	v3 =	vld [tilespmem:$0x850]  }
0x1e8: {  	v14 =	vld [tilespmem:$0x8B0];
	[tilespmem:$0x1620] =	vst v11  }
0x1e9: {  	v15 =	vld [tilespmem:$0x8C0];
	[tilespmem:$0x1630] =	vst v12  }
0x1ea: {  	v16 =	vld [tilespmem:$0x8D0];
	[tilespmem:$0x1680] =	vst v13  }
0x1eb: {  	[tilespmem:$0x1600] =	vst v2;
	v2 =	vld [tilespmem:$0x890]  }
0x1ec: {  	[tilespmem:$0x1610] =	vst v3;
	v3 =	vld [tilespmem:$0x8A0]  }
0x1ed: {  	v17 =	vld [tilespmem:$0x900];
	[tilespmem:$0x16B0] =	vst v14  }
0x1ee: {  	v18 =	vld [tilespmem:$0x910];
	[tilespmem:$0x1700] =	vst v15  }
0x1ef: {  	v19 =	vld [tilespmem:$0x920];
	[tilespmem:$0x1710] =	vst v16  }
0x1f0: {  	[tilespmem:$0x1690] =	vst v2;
	v2 =	vld [tilespmem:$0x8E0]  }
0x1f1: {  	[tilespmem:$0x16A0] =	vst v3;
	v3 =	vld [tilespmem:$0x8F0]  }
0x1f2: {  	v20 =	vld [tilespmem:$0x950];
	[tilespmem:$0x1780] =	vst v17  }
0x1f3: {  	v21 =	vld [tilespmem:$0x960];
	[tilespmem:$0x1790] =	vst v18  }
0x1f4: {  	v22 =	vld [tilespmem:$0x970];
	[tilespmem:$0x17A0] =	vst v19  }
0x1f5: {  	[tilespmem:$0x1720] =	vst v2;
	v2 =	vld [tilespmem:$0x930]  }
0x1f6: {  	[tilespmem:$0x1730] =	vst v3;
	v3 =	vld [tilespmem:$0x940]  }
0x1f7: {  	v23 =	vld [tilespmem:$0x9A0];
	[tilespmem:$0x1810] =	vst v20  }
0x1f8: {  	v24 =	vld [tilespmem:$0x9B0];
	[tilespmem:$0x1820] =	vst v21  }
0x1f9: {  	v25 =	vld [tilespmem:$0x9C0];
	[tilespmem:$0x1830] =	vst v22  }
0x1fa: {  	[tilespmem:$0x17B0] =	vst v2;
	v2 =	vld [tilespmem:$0x980]  }
0x1fb: {  	[tilespmem:$0x1800] =	vst v3;
	v3 =	vld [tilespmem:$0x990]  }
0x1fc: {  	v26 =	vld [tilespmem:$0x9F0];
	[tilespmem:$0x18A0] =	vst v23  }
0x1fd: {  	v27 =	vld [tilespmem:$0xA00];
	[tilespmem:$0x18B0] =	vst v24  }
0x1fe: {  	v28 =	vld [tilespmem:$0xA10];
	[tilespmem:$0x1900] =	vst v25  }
0x1ff: {  	[tilespmem:$0x1880] =	vst v2;
	v2 =	vld [tilespmem:$0x9D0]  }
0x200: {  	[tilespmem:$0x1890] =	vst v3;
	v3 =	vld [tilespmem:$0x9E0]  }
0x201: {  	v29 =	vld [tilespmem:$0xA40];
	[tilespmem:$0x1930] =	vst v26  }
0x202: {  	v30 =	vld [tilespmem:$0xA50];
	[tilespmem:$0x1980] =	vst v27  }
0x203: {  	v31 =	vld [tilespmem:$0xA60];
	[tilespmem:$0x1990] =	vst v28  }
0x204: {  	[tilespmem:$0x1910] =	vst v2;
	v2 =	vld [tilespmem:$0xA20]  }
0x205: {  	[tilespmem:$0x1920] =	vst v3;
	v3 =	vld [tilespmem:$0xA30]  }
0x206: {  	v32 =	vld [tilespmem:$0xA90];
	[tilespmem:$0x1A00] =	vst v29  }
0x207: {  	v33 =	vld [tilespmem:$0xAA0];
	[tilespmem:$0x1A10] =	vst v30  }
0x208: {  	v34 =	vld [tilespmem:$0xAB0];
	[tilespmem:$0x1A20] =	vst v31  }
0x209: {  	[tilespmem:$0x19A0] =	vst v2;
	v2 =	vld [tilespmem:$0xA70]  }
0x20a: {  	[tilespmem:$0x19B0] =	vst v3;
	v3 =	vld [tilespmem:$0xA80]  }
0x20b: {  	v35 =	vld [tilespmem:$0xAE0];
	[tilespmem:$0x1A90] =	vst v32  }
0x20c: {  	v36 =	vld [tilespmem:$0xAF0];
	[tilespmem:$0x1AA0] =	vst v33  }
0x20d: {  	v37 =	vld [tilespmem:$0xB00];
	[tilespmem:$0x1AB0] =	vst v34  }
0x20e: {  	[tilespmem:$0x1A30] =	vst v2;
	v2 =	vld [tilespmem:$0xAC0]  }
0x20f: {  	[tilespmem:$0x1A80] =	vst v3;
	v3 =	vld [tilespmem:$0xAD0]  }
0x210: {  	v38 =	vld [tilespmem:$0xB30];
	[tilespmem:$0x1B20] =	vst v35  }
0x211: {  	v39 =	vld [tilespmem:$0xB40];
	[tilespmem:$0x1B30] =	vst v36  }
0x212: {  	v40 =	vld [tilespmem:$0xB50];
	[tilespmem:$0x1B80] =	vst v37  }
0x213: {  	[tilespmem:$0x1B00] =	vst v2;
	v2 =	vld [tilespmem:$0xB10]  }
0x214: {  	[tilespmem:$0x1B10] =	vst v3;
	v3 =	vld [tilespmem:$0xB20]  }
0x215: {  	v41 =	vld [tilespmem:$0xB80];
	[tilespmem:$0x1BB0] =	vst v38  }
0x216: {  	v42 =	vld [tilespmem:$0xB90];
	[tilespmem:$0x1C00] =	vst v39  }
0x217: {  	v43 =	vld [tilespmem:$0xBA0];
	[tilespmem:$0x1C10] =	vst v40  }
0x218: {  	[tilespmem:$0x1B90] =	vst v2;
	v2 =	vld [tilespmem:$0xB60]  }
0x219: {  	[tilespmem:$0x1BA0] =	vst v3;
	v3 =	vld [tilespmem:$0xB70]  }
0x21a: {  	v44 =	vld [tilespmem:$0xBD0];
	[tilespmem:$0x1C80] =	vst v41  }
0x21b: {  	v45 =	vld [tilespmem:$0xBE0];
	[tilespmem:$0x1C90] =	vst v42  }
0x21c: {  	v46 =	vld [tilespmem:$0xBF0];
	[tilespmem:$0x1CA0] =	vst v43  }
0x21d: {  	[tilespmem:$0x1C20] =	vst v2;
	v2 =	vld [tilespmem:$0xBB0]  }
0x21e: {  	[tilespmem:$0x1C30] =	vst v3;
	v3 =	vld [tilespmem:$0xBC0]  }
0x21f: {  	v47 =	vld [tilespmem:$0xC20];
	[tilespmem:$0x1D10] =	vst v44  }
0x220: {  	v48 =	vld [tilespmem:$0xC30];
	[tilespmem:$0x1D20] =	vst v45  }
0x221: {  	v49 =	vld [tilespmem:$0xC40];
	[tilespmem:$0x1D30] =	vst v46  }
0x222: {  	[tilespmem:$0x1CB0] =	vst v2;
	v2 =	vld [tilespmem:$0xC00]  }
0x223: {  	[tilespmem:$0x1D00] =	vst v3;
	v3 =	vld [tilespmem:$0xC10]  }
0x224: {  	v50 =	vld [tilespmem:$0xC70];
	[tilespmem:$0x1DA0] =	vst v47  }
0x225: {  	v51 =	vld [tilespmem:$0xC80];
	[tilespmem:$0x1DB0] =	vst v48  }
0x226: {  	v52 =	vld [tilespmem:$0xC90];
	[tilespmem:$0x1E00] =	vst v49  }
0x227: {  	[tilespmem:$0x1D80] =	vst v2;
	v2 =	vld [tilespmem:$0xC50]  }
0x228: {  	[tilespmem:$0x1D90] =	vst v3;
	v3 =	vld [tilespmem:$0xC60]  }
0x229: {  	v53 =	vld [tilespmem:$0xCC0];
	[tilespmem:$0x1E30] =	vst v50  }
0x22a: {  	v54 =	vld [tilespmem:$0xCD0];
	[tilespmem:$0x1E80] =	vst v51  }
0x22b: {  	v55 =	vld [tilespmem:$0xCE0];
	[tilespmem:$0x1E90] =	vst v52  }
0x22c: {  	[tilespmem:$0x1E10] =	vst v2;
	v2 =	vld [tilespmem:$0xCA0]  }
0x22d: {  	[tilespmem:$0x1E20] =	vst v3;
	v3 =	vld [tilespmem:$0xCB0]  }
0x22e: {  	v56 =	vld [tilespmem:$0xD10];
	[tilespmem:$0x1F00] =	vst v53  }
0x22f: {  	[tilespmem:$0x1F10] =	vst v54;
	v57 =	vld [tilespmem:$0xD20]  }
0x230: {  	[tilespmem:$0x1F20] =	vst v55;
	v58 =	vld [tilespmem:$0xD30]  }
0x231: {  	[tilespmem:$0x1EA0] =	vst v2;
	v2 =	vld [tilespmem:$0xCF0]  }
0x232: {  	[tilespmem:$0x1EB0] =	vst v3;
	v3 =	vld [tilespmem:$0xD00]  }
0x233: {  	[tilespmem:$0x1F90] =	vst v56;
	v59 =	vld [tilespmem:$0xD60]  }
0x234: {  	v60 =	vld [tilespmem:$0xD70];
	[tilespmem:$0x1FA0] =	vst v57  }
0x235: {  	v61 =	vld [tilespmem:$0xD80];
	[tilespmem:$0x1FB0] =	vst v58  }
0x236: {  	[tilespmem:$0x1F30] =	vst v2;
	v2 =	vld [tilespmem:$0xD40]  }
0x237: {  	[tilespmem:$0x1F80] =	vst v3;
	v3 =	vld [tilespmem:$0xD50]  }
0x238: {  	v62 =	vld [tilespmem:$0xDB0];
	[tilespmem:$0x2020] =	vst v59  }
0x239: {  	v63 =	vld [tilespmem:$0xDC0];
	[tilespmem:$0x2030] =	vst v60  }
0x23a: {  	v9 =	vld [tilespmem:$0xDD0];
	[tilespmem:$0x2080] =	vst v61  }
0x23b: {  	[tilespmem:$0x2000] =	vst v2;
	v2 =	vld [tilespmem:$0xD90]  }
0x23c: {  	[tilespmem:$0x2010] =	vst v3;
	v3 =	vld [tilespmem:$0xDA0]  }
0x23d: {  	v10 =	vld [tilespmem:$0xE00];
	[tilespmem:$0x20B0] =	vst v62  }
0x23e: {  	v11 =	vld [tilespmem:$0xE10];
	[tilespmem:$0x2100] =	vst v63  }
0x23f: {  	v12 =	vld [tilespmem:$0xE20];
	[tilespmem:$0x2110] =	vst v9  }
0x240: {  	[tilespmem:$0x2090] =	vst v2;
	v2 =	vld [tilespmem:$0xDE0]  }
0x241: {  	[tilespmem:$0x20A0] =	vst v3;
	v3 =	vld [tilespmem:$0xDF0]  }
0x242: {  	v13 =	vld [tilespmem:$0xE50];
	[tilespmem:$0x2180] =	vst v10  }
0x243: {  	v14 =	vld [tilespmem:$0xE60];
	[tilespmem:$0x2190] =	vst v11  }
0x244: {  	v15 =	vld [tilespmem:$0xE70];
	[tilespmem:$0x21A0] =	vst v12  }
0x245: {  	[tilespmem:$0x2120] =	vst v2;
	v2 =	vld [tilespmem:$0xE30]  }
0x246: {  	[tilespmem:$0x2130] =	vst v3;
	v3 =	vld [tilespmem:$0xE40]  }
0x247: {  	v16 =	vld [tilespmem:$0xEA0];
	[tilespmem:$0x2210] =	vst v13  }
0x248: {  	v17 =	vld [tilespmem:$0xEB0];
	[tilespmem:$0x2220] =	vst v14  }
0x249: {  	v18 =	vld [tilespmem:$0xEC0];
	[tilespmem:$0x2230] =	vst v15  }
0x24a: {  	[tilespmem:$0x21B0] =	vst v2;
	v2 =	vld [tilespmem:$0xE80]  }
0x24b: {  	[tilespmem:$0x2200] =	vst v3;
	v3 =	vld [tilespmem:$0xE90]  }
0x24c: {  	v19 =	vld [tilespmem:$0xEF0];
	[tilespmem:$0x22A0] =	vst v16  }
0x24d: {  	v20 =	vld [tilespmem:$0xF00];
	[tilespmem:$0x22B0] =	vst v17  }
0x24e: {  	v21 =	vld [tilespmem:$0xF10];
	[tilespmem:$0x2300] =	vst v18  }
0x24f: {  	[tilespmem:$0x2280] =	vst v2;
	v2 =	vld [tilespmem:$0xED0]  }
0x250: {  	[tilespmem:$0x2290] =	vst v3;
	v3 =	vld [tilespmem:$0xEE0]  }
0x251: {  	v22 =	vld [tilespmem:$0xF40];
	[tilespmem:$0x2330] =	vst v19  }
0x252: {  	v23 =	vld [tilespmem:$0xF50];
	[tilespmem:$0x2380] =	vst v20  }
0x253: {  	v24 =	vld [tilespmem:$0xF60];
	[tilespmem:$0x2390] =	vst v21  }
0x254: {  	[tilespmem:$0x2310] =	vst v2;
	v2 =	vld [tilespmem:$0xF20]  }
0x255: {  	[tilespmem:$0x2320] =	vst v3;
	v3 =	vld [tilespmem:$0xF30]  }
0x256: {  	v25 =	vld [tilespmem:$0xF90];
	[tilespmem:$0x2400] =	vst v22  }
0x257: {  	v26 =	vld [tilespmem:$0xFA0];
	[tilespmem:$0x2410] =	vst v23  }
0x258: {  	v27 =	vld [tilespmem:$0xFB0];
	[tilespmem:$0x2420] =	vst v24  }
0x259: {  	[tilespmem:$0x23A0] =	vst v2;
	v2 =	vld [tilespmem:$0xF70]  }
0x25a: {  	[tilespmem:$0x23B0] =	vst v3;
	v3 =	vld [tilespmem:$0xF80]  }
0x25b: {  	v28 =	vld [tilespmem:$0xFE0];
	[tilespmem:$0x2490] =	vst v25  }
0x25c: {  	v29 =	vld [tilespmem:$0xFF0];
	[tilespmem:$0x24A0] =	vst v26  }
0x25d: {  	v30 =	vld [tilespmem:$0x1000];
	[tilespmem:$0x24B0] =	vst v27  }
0x25e: {  	[tilespmem:$0x2430] =	vst v2;
	v2 =	vld [tilespmem:$0xFC0]  }
0x25f: {  	[tilespmem:$0x2480] =	vst v3;
	v3 =	vld [tilespmem:$0xFD0]  }
0x260: {  	v31 =	vld [tilespmem:$0x1030];
	[tilespmem:$0x2520] =	vst v28  }
0x261: {  	v32 =	vld [tilespmem:$0x1040];
	[tilespmem:$0x2530] =	vst v29  }
0x262: {  	v33 =	vld [tilespmem:$0x1050];
	[tilespmem:$0x2580] =	vst v30  }
0x263: {  	[tilespmem:$0x2500] =	vst v2;
	v2 =	vld [tilespmem:$0x1010]  }
0x264: {  	[tilespmem:$0x2510] =	vst v3;
	v3 =	vld [tilespmem:$0x1020]  }
0x265: {  	v34 =	vld [tilespmem:$0x1080];
	[tilespmem:$0x25B0] =	vst v31  }
0x266: {  	v35 =	vld [tilespmem:$0x1090];
	[tilespmem:$0x2600] =	vst v32  }
0x267: {  	v36 =	vld [tilespmem:$0x10A0];
	[tilespmem:$0x2610] =	vst v33  }
0x268: {  	[tilespmem:$0x2590] =	vst v2;
	v2 =	vld [tilespmem:$0x1060]  }
0x269: {  	[tilespmem:$0x25A0] =	vst v3;
	v3 =	vld [tilespmem:$0x1070]  }
0x26a: {  	v37 =	vld [tilespmem:$0x10D0];
	[tilespmem:$0x2680] =	vst v34  }
0x26b: {  	v38 =	vld [tilespmem:$0x10E0];
	[tilespmem:$0x2690] =	vst v35  }
0x26c: {  	v39 =	vld [tilespmem:$0x10F0];
	[tilespmem:$0x26A0] =	vst v36  }
0x26d: {  	[tilespmem:$0x2620] =	vst v2;
	v2 =	vld [tilespmem:$0x10B0]  }
0x26e: {  	[tilespmem:$0x2630] =	vst v3;
	v3 =	vld [tilespmem:$0x10C0]  }
0x26f: {  	v40 =	vld [tilespmem:$0x1120];
	[tilespmem:$0x2710] =	vst v37  }
0x270: {  	v41 =	vld [tilespmem:$0x1130];
	[tilespmem:$0x2720] =	vst v38  }
0x271: {  	v42 =	vld [tilespmem:$0x1140];
	[tilespmem:$0x2730] =	vst v39  }
0x272: {  	[tilespmem:$0x26B0] =	vst v2;
	v2 =	vld [tilespmem:$0x1100]  }
0x273: {  	[tilespmem:$0x2700] =	vst v3;
	v3 =	vld [tilespmem:$0x1110]  }
0x274: {  	v43 =	vld [tilespmem:$0x1170];
	[tilespmem:$0x27A0] =	vst v40  }
0x275: {  	v44 =	vld [tilespmem:$0x1180];
	[tilespmem:$0x27B0] =	vst v41  }
0x276: {  	v45 =	vld [tilespmem:$0x1190];
	[tilespmem:$0x2800] =	vst v42  }
0x277: {  	[tilespmem:$0x2780] =	vst v2;
	v2 =	vld [tilespmem:$0x1150]  }
0x278: {  	[tilespmem:$0x2790] =	vst v3;
	v3 =	vld [tilespmem:$0x1160]  }
0x279: {  	v46 =	vld [tilespmem:$0x11C0];
	[tilespmem:$0x2830] =	vst v43  }
0x27a: {  	v47 =	vld [tilespmem:$0x11D0];
	[tilespmem:$0x2880] =	vst v44  }
0x27b: {  	v48 =	vld [tilespmem:$0x11E0];
	[tilespmem:$0x2890] =	vst v45  }
0x27c: {  	[tilespmem:$0x2810] =	vst v2;
	v2 =	vld [tilespmem:$0x11A0]  }
0x27d: {  	[tilespmem:$0x2820] =	vst v3;
	v3 =	vld [tilespmem:$0x11B0]  }
0x27e: {  	v49 =	vld [tilespmem:$0x1210];
	[tilespmem:$0x2900] =	vst v46  }
0x27f: {  	v50 =	vld [tilespmem:$0x1220];
	[tilespmem:$0x2910] =	vst v47  }
0x280: {  	v51 =	vld [tilespmem:$0x1230];
	[tilespmem:$0x2920] =	vst v48  }
0x281: {  	[tilespmem:$0x28A0] =	vst v2;
	v2 =	vld [tilespmem:$0x11F0]  }
0x282: {  	[tilespmem:$0x28B0] =	vst v3;
	v3 =	vld [tilespmem:$0x1200]  }
0x283: {  	v52 =	vld [tilespmem:$0x1260];
	[tilespmem:$0x2990] =	vst v49  }
0x284: {  	v53 =	vld [tilespmem:$0x1270];
	[tilespmem:$0x29A0] =	vst v50  }
0x285: {  	v54 =	vld [tilespmem:$0x1280];
	[tilespmem:$0x29B0] =	vst v51  }
0x286: {  	[tilespmem:$0x2930] =	vst v2;
	v2 =	vld [tilespmem:$0x1240]  }
0x287: {  	[tilespmem:$0x2980] =	vst v3;
	v3 =	vld [tilespmem:$0x1250]  }
0x288: {  	v55 =	vld [tilespmem:$0x12B0];
	[tilespmem:$0x2A20] =	vst v52  }
0x289: {  	v56 =	vld [tilespmem:$0x12C0];
	[tilespmem:$0x2A30] =	vst v53  }
0x28a: {  	[tilespmem:$0x2A80] =	vst v54;
	v57 =	vld [tilespmem:$0x12D0]  }
0x28b: {  	[tilespmem:$0x2A00] =	vst v2;
	v2 =	vld [tilespmem:$0x1290]  }
0x28c: {  	[tilespmem:$0x2A10] =	vst v3;
	v3 =	vld [tilespmem:$0x12A0]  }
0x28d: {  	[tilespmem:$0x2AB0] =	vst v55;
	v58 =	vld [tilespmem:$0x1300]  }
0x28e: {  	[tilespmem:$0x2B00] =	vst v56;
	v59 =	vld [tilespmem:$0x1310]  }
0x28f: {  	v60 =	vld [tilespmem:$0x1320];
	[tilespmem:$0x2B10] =	vst v57  }
0x290: {  	[tilespmem:$0x2A90] =	vst v2;
	v2 =	vld [tilespmem:$0x12E0]  }
0x291: {  	[tilespmem:$0x2AA0] =	vst v3;
	v3 =	vld [tilespmem:$0x12F0]  }
0x292: {  	v61 =	vld [tilespmem:$0x1350];
	[tilespmem:$0x2B80] =	vst v58  }
0x293: {  	v62 =	vld [tilespmem:$0x1360];
	[tilespmem:$0x2B90] =	vst v59  }
0x294: {  	v63 =	vld [tilespmem:$0x1370];
	[tilespmem:$0x2BA0] =	vst v60  }
0x295: {  	[tilespmem:$0x2B20] =	vst v2;
	v2 =	vld [tilespmem:$0x1330]  }
0x296: {  	[tilespmem:$0x2B30] =	vst v3;
	v3 =	vld [tilespmem:$0x1340]  }
0x297: {  	[tilespmem:$0x2C10] =	vst v61  }
0x298: {  	[tilespmem:$0x2C20] =	vst v62  }
0x299: {  	[tilespmem:$0x2C30] =	vst v63  }
0x29a: {  	p0 =	sne.s32 s4, $0x1;
	[tilespmem:$0x2BB0] =	vst v2  }
.Ltmp1:
0x29b: {  	[tilespmem:$0x2C00] =	vst v3;
	(pc) =	sbr.rel @p0 .LBB2_2-.Ltmp1, $4  }
0x29c: {  	[hbm4b:s3+s5] =	stream.linear.scatter [tilespmem:s8], [sflag:$0x1], $0x1900, $0x38;
	[tilespmem:$0x2F80] =	vst v63  }
0x29d: {  	_ =	swait.ge [sflag:s6], $0x1900  }
0x29e: {  	[sflag:s6] =	ssyncset.done $0x0  }
0x29f: {  	s4 =	sadd.s32 $0xFFFFFFFF, s4;
	[sflag:s6] =	ssyncadd.s32 $0xFFFFE700  }
.LBB2_3:
0x2a0: {  	_ =	sfence.sel $0x180000  }
0x2a1: {  	[bflag:$0x0] =	sbarrier.arrive $0xFFFF  }
0x2a2: {  	p0 =	sne.s32 s0, $0x0;
	_ =	strace $0x90000047  }
0x2a3: {  	s0 =	sadd.s32 @!p0 $0x100000, s1;
	[bflag:$0x2] =	sbarrier.arrive $0xFFFF  }
0x2a4: {  	[sflag:s0] =	ssyncadd.tile.s32 @!p0 $0x1;
	_ =	shalt  }
.Lfunc_end2:
_tile_overlayer_lowered:
.L_overlay_start_2:
0x2a5: {  	(tag) =	ssettag $0x2  }
0x2a6: {  	s0 =	rddreg [dreg:$0x0];
	s2 =	stileid.u32  }
0x2a7: {  	s1 =	rddreg [dreg:$0x1];
	p0 =	sne.s32 s2, $0x0  }
0x2a8: {  	s3 =	rddreg [dreg:$0x2];
	[bflag:$0x3] =	sbarrier.arrive $0xFFFF;
	s2 =	simm.s32 @!p0 $0x1C01  }
0x2a9: {  	[timem:s3], [sflag:s2] =	dma.local @!p0 [hbm:s0], s1  }
0x2aa: {  	s0 =	simm.s32 @!p0 $0x1  }
0x2ab: {  	_ =	swait.ge @!p0 [sflag:s0], s1  }
0x2ac: {  	s1 =	ssub.s32 @!p0 $0x0, s1;
	[sflag:s0] =	ssyncset.done @!p0 $0x0  }
0x2ad: {  	[sflag:s0] =	ssyncadd.s32 @!p0 s1  }
0x2ae: {  	[bflag:$0x3] =	sbarrier.arrive $0xFFFF  }
0x2af: {  	_ =	shalt  }

</sc_bundles>
